<compile_context>
chip_gen: v7x
topology: tpu7x:2x2x1
jax: 0.10.2.dev20260603
libtpu: 0.0.44.dev20260713+nightly
codegen_flags: <defaults>
</compile_context>

<pallas_src>
import functools

import jax
import jax.numpy as jnp
from jax import lax
from jax.experimental import pallas as pl
from jax.experimental.pallas import tpu as pltpu
from jax.experimental.pallas import tpu_sc as plsc

N = 10000
E = 320000
D = 128
H = 128
G = 64
C = 10

NC = 2
NS = 16
NW = NC * NS
CH = 125
EPW = E // NW
NCH = EPW // CH
WIN = 40
RPW = N // NS
ZR = 25
WBW = 10
WBR = N // WBW

BN = 2000
NB = N // BN


def _segsum_body(src_hbm, dst_hbm, y_hbm, out_hbm, src_v, dst_v, rows_a,
                 rows_b, zbuf, acc, sem_a, sem_b):
    c = lax.axis_index("c")
    s = lax.axis_index("s")
    wid = s * NC + c

    def _zb(t, carry):
        i = t // (D // 16)
        j = t % (D // 16)
        zbuf[i, pl.ds(j * 16, 16)] = jnp.zeros((16,), jnp.float32)
        return carry
    lax.fori_loop(0, ZR * (D // 16), _zb, 0)
    for r in range(RPW // ZR):
        pltpu.sync_copy(zbuf, acc.at[pl.ds(s * RPW + r * ZR, ZR)])
    plsc.subcore_barrier()

    for w in range(NCH // WIN):
        pltpu.sync_copy(src_hbm.at[pl.ds(wid * NCH + w * WIN, WIN)], src_v)
        pltpu.sync_copy(dst_hbm.at[pl.ds(wid * NCH + w * WIN, WIN)], dst_v)
        pltpu.async_copy(y_hbm.at[src_v.at[0]], rows_a, sem_a)

        def _edge(k, carry):
            i = 2 * k
            cpb = pltpu.async_copy(y_hbm.at[src_v.at[i + 1]], rows_b, sem_b)
            pltpu.make_async_copy(y_hbm.at[src_v.at[i]], rows_a, sem_a).wait()
            pltpu.sync_copy(rows_a, acc.at[dst_v.at[i]], add=True)

            @pl.when(i + 2 < WIN)
            def _():
                pltpu.async_copy(y_hbm.at[src_v.at[i + 2]], rows_a, sem_a)

            cpb.wait()
            pltpu.sync_copy(rows_b, acc.at[dst_v.at[i + 1]], add=True)
            return carry
        lax.fori_loop(0, WIN // 2, _edge, 0)
    plsc.subcore_barrier()

    @pl.when(s < WBW)
    def _():
        pltpu.sync_copy(acc.at[pl.ds(s * WBR, WBR)],
                        out_hbm.at[c, pl.ds(s * WBR, WBR)])


_segsum = pl.kernel(
    _segsum_body,
    out_type=jax.ShapeDtypeStruct((NC, N, H), jnp.float32),
    mesh=plsc.VectorSubcoreMesh(core_axis_name="c", subcore_axis_name="s"),
    scratch_types=[
        pltpu.VMEM((WIN, CH), jnp.int32),
        pltpu.VMEM((WIN, CH), jnp.int32),
        pltpu.VMEM((CH, H), jnp.float32),
        pltpu.VMEM((CH, H), jnp.float32),
        pltpu.VMEM((ZR, D), jnp.float32),
        pltpu.VMEM_SHARED((N, H), jnp.float32),
        pltpu.SemaphoreType.DMA,
        pltpu.SemaphoreType.DMA,
    ],
)


def _mm_body(x_ref, w_ref, o_ref):
    o_ref[...] = jnp.dot(x_ref[...], w_ref[...],
                         preferred_element_type=jnp.float32)


_mm = pl.pallas_call(
    _mm_body,
    grid=(NB,),
    in_specs=[
        pl.BlockSpec((BN, D), lambda i: (i, 0)),
        pl.BlockSpec((D, H), lambda i: (0, 0)),
    ],
    out_specs=pl.BlockSpec((BN, H), lambda i: (i, 0)),
    out_shape=jax.ShapeDtypeStruct((N, H), jnp.float32),
)


def _fuse_body(agg_ref, h_ref, wroot_ref, b_ref, wrel_ref, ho_ref, yo_ref):
    a = agg_ref[0] + agg_ref[1]
    t = a + jnp.dot(h_ref[...], wroot_ref[...],
                    preferred_element_type=jnp.float32) + b_ref[...]
    h = jnp.maximum(t, 0.0)
    ho_ref[...] = h
    yo_ref[...] = jnp.dot(h, wrel_ref[...], preferred_element_type=jnp.float32)


_fuse = pl.pallas_call(
    _fuse_body,
    grid=(NB,),
    in_specs=[
        pl.BlockSpec((NC, BN, H), lambda i: (0, i, 0)),
        pl.BlockSpec((BN, H), lambda i: (i, 0)),
        pl.BlockSpec((H, H), lambda i: (0, 0)),
        pl.BlockSpec((1, H), lambda i: (0, 0)),
        pl.BlockSpec((H, H), lambda i: (0, 0)),
    ],
    out_specs=[
        pl.BlockSpec((BN, H), lambda i: (i, 0)),
        pl.BlockSpec((BN, H), lambda i: (i, 0)),
    ],
    out_shape=[
        jax.ShapeDtypeStruct((N, H), jnp.float32),
        jax.ShapeDtypeStruct((N, H), jnp.float32),
    ],
)


def _final_body(agg_ref, h_ref, wroot_ref, b_ref, batch_ref, linw_ref,
                linb_ref, o_ref, sums, cnts):
    i = pl.program_id(0)

    @pl.when(i == 0)
    def _():
        sums[...] = jnp.zeros_like(sums)
        cnts[...] = jnp.zeros_like(cnts)

    a = agg_ref[0] + agg_ref[1]
    h3 = a + jnp.dot(h_ref[...], wroot_ref[...],
                     preferred_element_type=jnp.float32) + b_ref[...]
    bb = batch_ref[0, 0, :]
    onehot = (bb[:, None] == lax.broadcasted_iota(jnp.int32, (1, G), 1)
              ).astype(jnp.float32)
    dn = (((0,), (0,)), ((), ()))
    sums[...] += lax.dot_general(onehot, h3, dn,
                                 preferred_element_type=jnp.float32)
    cnts[...] += lax.dot_general(onehot, jnp.ones_like(h3), dn,
                                 preferred_element_type=jnp.float32)

    @pl.when(i == NB - 1)
    def _():
        pooled = sums[...] / jnp.maximum(cnts[...], 1.0)
        o_ref[...] = jnp.dot(pooled, linw_ref[...],
                             preferred_element_type=jnp.float32) + linb_ref[...]


_final = pl.pallas_call(
    _final_body,
    grid=(NB,),
    in_specs=[
        pl.BlockSpec((NC, BN, H), lambda i: (0, i, 0)),
        pl.BlockSpec((BN, H), lambda i: (i, 0)),
        pl.BlockSpec((H, H), lambda i: (0, 0)),
        pl.BlockSpec((1, H), lambda i: (0, 0)),
        pl.BlockSpec((1, 1, BN), lambda i: (i, 0, 0)),
        pl.BlockSpec((H, C), lambda i: (0, 0)),
        pl.BlockSpec((1, C), lambda i: (0, 0)),
    ],
    out_specs=pl.BlockSpec((G, C), lambda i: (0, 0)),
    out_shape=jax.ShapeDtypeStruct((G, C), jnp.float32),
    scratch_shapes=[
        pltpu.VMEM((G, H), jnp.float32),
        pltpu.VMEM((G, H), jnp.float32),
    ],
)


def kernel(x, edge_index, batch, W1_rel, W1_root, b1, W2_rel, W2_root, b2,
           W3_rel, W3_root, b3, lin_W, lin_b):
    src = edge_index[0].reshape(NW * NCH, CH)
    dst = edge_index[1].reshape(NW * NCH, CH)
    batch_r = batch.reshape(NB, 1, BN)

    y1 = _mm(x, W1_rel)
    agg1 = _segsum(src, dst, y1)
    h1, y2 = _fuse(agg1, x, W1_root, b1.reshape(1, H), W2_rel)
    agg2 = _segsum(src, dst, y2)
    h2, y3 = _fuse(agg2, h1, W2_root, b2.reshape(1, H), W3_rel)
    agg3 = _segsum(src, dst, y3)
    out = _final(agg3, h2, W3_root, b3.reshape(1, H), batch_r, lin_W,
                 lin_b.reshape(1, C))
    return out

# --- scband reference (transcript-rebuilt; emitter-appended) ---
"""Pipeline reference for scband-gnn-1932735283948 (READ-ONLY COPY).

The authoritative reference and input builder live on the scoring server;
editing this copy changes nothing except your own understanding.
"""

import jax, jax.numpy as jnp
import numpy as np

N = 10000
E = 320000
D = 128
H = 128
G = 64
C = 10


def setup_inputs(seed: int = 0) -> dict:
    key = jax.random.key(seed)
    ks = jax.random.split(key, 16)
    x = jax.random.normal(ks[0], (N, D), dtype=jnp.float32)
    edge_index = jax.random.randint(ks[1], (2, E), 0, N, dtype=jnp.int32)
    batch = jnp.sort(jax.random.randint(ks[2], (N,), 0, G, dtype=jnp.int32))
    def lin_w(k, fin, fout):
        return jax.random.normal(k, (fin, fout), dtype=jnp.float32) * (1.0 / np.sqrt(fin))
    return {
        "x": x,
        "edge_index": edge_index,
        "batch": batch,
        "W1_rel": lin_w(ks[3], D, H), "W1_root": lin_w(ks[4], D, H), "b1": jnp.zeros((H,), jnp.float32),
        "W2_rel": lin_w(ks[5], H, H), "W2_root": lin_w(ks[6], H, H), "b2": jnp.zeros((H,), jnp.float32),
        "W3_rel": lin_w(ks[7], H, H), "W3_root": lin_w(ks[8], H, H), "b3": jnp.zeros((H,), jnp.float32),
        "lin_W": lin_w(ks[9], H, C), "lin_b": jnp.zeros((C,), jnp.float32),
    }


def _graph_conv(x, src, dst, W_rel, W_root, b):
    # PyG GraphConv (aggr='add'): out_i = W_root x_i + W_rel sum_{j in N(i)} x_j + b
    agg = jax.ops.segment_sum(x[src], dst, num_segments=x.shape[0])
    return agg @ W_rel + x @ W_root + b


def reference(x, edge_index, batch, W1_rel, W1_root, b1, W2_rel, W2_root, b2, W3_rel, W3_root, b3, lin_W, lin_b):
    src = edge_index[0]
    dst = edge_index[1]
    h = _graph_conv(x, src, dst, W1_rel, W1_root, b1)
    h = jax.nn.relu(h)
    h = _graph_conv(h, src, dst, W2_rel, W2_root, b2)
    h = jax.nn.relu(h)
    h = _graph_conv(h, src, dst, W3_rel, W3_root, b3)
    # global_mean_pool over batch assignment
    sums = jax.ops.segment_sum(h, batch, num_segments=G)
    counts = jax.ops.segment_sum(jnp.ones((h.shape[0], 1), h.dtype), batch, num_segments=G)
    pooled = sums / jnp.maximum(counts, 1.0)
    # dropout is identity in eval mode
    out = pooled @ lin_W + lin_b
    return out

if __name__ == "__main__":
    import jax
    _d = setup_inputs()
    print(jax.jit(kernel)(*tuple(_d.values())))

</pallas_src>

<mosaic_0001>
#map = affine_map<(d0, d1) -> (0, 0)>
#map1 = affine_map<(d0, d1) -> (0, 0, 0)>
module attributes {stable_mosaic.version = 14 : i64} {
  func.func @_segsum_body(%arg0: i32, %arg1: i32, %arg2: memref<2560x125xi32, #tpu.memory_space<hbm>>, %arg3: memref<2560x125xi32, #tpu.memory_space<hbm>>, %arg4: memref<10000x128xf32, #tpu.memory_space<hbm>>, %arg5: memref<2x10000x128xf32, #tpu.memory_space<hbm>>, %arg6: memref<40x125xi32, #tpu.memory_space<vmem>>, %arg7: memref<40x125xi32, #tpu.memory_space<vmem>>, %arg8: memref<125x128xf32, #tpu.memory_space<vmem>>, %arg9: memref<125x128xf32, #tpu.memory_space<vmem>>, %arg10: memref<25x128xf32, #tpu.memory_space<vmem>>, %arg11: memref<10000x128xf32, #tpu.memory_space<vmem_shared>>, %arg12: memref<!tpu.dma_semaphore, #tpu.memory_space<semaphore_mem>>, %arg13: memref<!tpu.dma_semaphore, #tpu.memory_space<semaphore_mem>>) attributes {dimension_semantics = [#tpu.dimension_semantics<core_parallel>, #tpu.dimension_semantics<subcore_parallel>], iteration_bounds = array<i64: 2, 16>, scalar_prefetch = 0 : i64, scratch_operands = 8 : i64, tpu.core_type = #tpu.core_type<sc_vector_subcore>, window_params = [{transform_indices = #map}, {transform_indices = #map}, {transform_indices = #map}, {transform_indices = #map1}]} {
    %mul3A = arith.constant 2 : i32
    %mul3A_0 = arith.muli %arg1, %mul3A : i32
    %add3A = arith.addi %mul3A_0, %arg0 : i32
    %scan3A = arith.constant 0 : i32
    %scan3A_1 = arith.constant 0 : i32
    %scan3A_2 = arith.constant 200 : i32
    %scan3A_3 = arith.addi %scan3A_1, %scan3A_2 : i32
    %scan3A_4 = arith.constant 1 : i32
    scf.for %scan3A_150 = %scan3A_1 to %scan3A_3 step %scan3A_4  : i32 {
      %jit3A = arith.constant 8 : i32
      %div3A = arith.divsi %scan3A_150, %jit3A : i32
      %sign3A = arith.constant 0 : i32
      %sign3A_151 = arith.cmpi sgt, %scan3A_150, %sign3A : i32
      %sign3A_152 = arith.extui %sign3A_151 : i1 to i32
      %sign3A_153 = arith.constant 0 : i32
      %sign3A_154 = arith.cmpi slt, %scan3A_150, %sign3A_153 : i32
      %sign3A_155 = arith.extui %sign3A_154 : i1 to i32
      %sign3A_156 = arith.subi %sign3A_152, %sign3A_155 : i32
      %sign3A_157 = arith.constant 0 : i32
      %sign3A_158 = arith.cmpi sgt, %jit3A, %sign3A_157 : i32
      %sign3A_159 = arith.extui %sign3A_158 : i1 to i32
      %sign3A_160 = arith.constant 0 : i32
      %sign3A_161 = arith.cmpi slt, %jit3A, %sign3A_160 : i32
      %sign3A_162 = arith.extui %sign3A_161 : i1 to i32
      %sign3A_163 = arith.subi %sign3A_159, %sign3A_162 : i32
      %ne3A = arith.cmpi ne, %sign3A_156, %sign3A_163 : i32
      %rem3A = arith.remsi %scan3A_150, %jit3A : i32
      %ne3A_164 = arith.constant 0 : i32
      %ne3A_165 = arith.cmpi ne, %rem3A, %ne3A_164 : i32
      %and3A = arith.andi %ne3A, %ne3A_165 : i1
      %sub3A = arith.constant 1 : i32
      %sub3A_166 = arith.subi %div3A, %sub3A : i32
      %select_n3A = arith.select %and3A, %sub3A_166, %div3A : i32
      %jit3A_167 = arith.constant 8 : i32
      %eq3A = arith.constant 0 : i32
      %eq3A_168 = arith.cmpi eq, %jit3A_167, %eq3A : i32
      %jit3A_169 = arith.constant 1 : i32
      %select_n3A_170 = arith.select %eq3A_168, %jit3A_169, %jit3A_167 : i32
      %rem3A_171 = arith.remsi %scan3A_150, %select_n3A_170 : i32
      %ne3A_172 = arith.constant 0 : i32
      %ne3A_173 = arith.cmpi ne, %rem3A_171, %ne3A_172 : i32
      %lt3A_174 = arith.constant 0 : i32
      %lt3A_175 = arith.cmpi slt, %rem3A_171, %lt3A_174 : i32
      %lt3A_176 = arith.constant 0 : i32
      %lt3A_177 = arith.cmpi slt, %select_n3A_170, %lt3A_176 : i32
      %ne3A_178 = arith.xori %lt3A_175, %lt3A_177 : i1
      %and3A_179 = arith.andi %ne3A_178, %ne3A_173 : i1
      %add3A_180 = arith.addi %rem3A_171, %select_n3A_170 : i32
      %select_n3A_181 = arith.select %and3A_179, %add3A_180, %rem3A_171 : i32
      %broadcast_in_dim3A = arith.constant 0.000000e+00 : f32
      %broadcast_in_dim3A_182 = vector.broadcast %broadcast_in_dim3A : f32 to vector<16xf32>
      %mul3A_183 = arith.constant 16 : i32
      %mul3A_184 = arith.muli %select_n3A_181, %mul3A_183 : i32
      %swap3A = arith.index_cast %select_n3A : i32 to index
      %swap3A_185 = arith.index_cast %mul3A_184 : i32 to index
      %swap3A_186 = tpu.vector_load %arg10[%swap3A, %swap3A_185] {strides = array<i32>} : memref<25x128xf32, #tpu.memory_space<vmem>>, vector<1x16xf32>,
      %swap3A_187 = vector.shape_cast %swap3A_186 : vector<1x16xf32> to vector<16xf32>
      %swap3A_188 = vector.shape_cast %broadcast_in_dim3A_182 : vector<16xf32> to vector<1x16xf32>
      tpu.vector_store %arg10[%swap3A, %swap3A_185], %swap3A_188 {strides = array<i32>} : memref<25x128xf32, #tpu.memory_space<vmem>>, vector<1x16xf32>,
    }
    %scan3A_5 = arith.constant 200 : i32
    %mul3A_6 = arith.constant 625 : i32
    %mul3A_7 = arith.muli %arg1, %mul3A_6 : i32
    %add3A_8 = arith.constant 0 : i32
    %add3A_9 = arith.addi %mul3A_7, %add3A_8 : i32
    "tpu.region"() ({
      %run_scoped3A = tpu.sem_alloc : memref<!tpu.dma_semaphore, #tpu.memory_space<semaphore_mem>>
      %dma_start3A_150 = arith.constant 0 : i32
      %dma_start3A_151 = tpu.memref_slice %arg11[%add3A_9, %dma_start3A_150] : memref<10000x128xf32, #tpu.memory_space<vmem_shared>> -> memref<25x128xf32, #tpu.memory_space<vmem_shared>>
      %dma_start3A_152 = arith.constant 0 : i32
      %dma_start3A_153 = tpu.memref_slice %arg11[%add3A_9, %dma_start3A_152] : memref<10000x128xf32, #tpu.memory_space<vmem_shared>> -> memref<25x128xf32, #tpu.memory_space<vmem_shared>>
      tpu.enqueue_dma source(%arg10 : memref<25x128xf32, #tpu.memory_space<vmem>>) target(%dma_start3A_153 : memref<25x128xf32, #tpu.memory_space<vmem_shared>>) target_semaphore(%run_scoped3A : memref<!tpu.dma_semaphore, #tpu.memory_space<semaphore_mem>>)
      %dma_wait3A = arith.constant 0 : i32
      %dma_wait3A_154 = tpu.memref_slice %arg11[%add3A_9, %dma_wait3A] : memref<10000x128xf32, #tpu.memory_space<vmem_shared>> -> memref<25x128xf32, #tpu.memory_space<vmem_shared>>
      %dma_wait3A_155 = arith.constant 0 : i32
      %dma_wait3A_156 = tpu.memref_slice %arg11[%add3A_9, %dma_wait3A_155] : memref<10000x128xf32, #tpu.memory_space<vmem_shared>> -> memref<25x128xf32, #tpu.memory_space<vmem_shared>>
      tpu.wait_dma2 semaphore(%run_scoped3A : memref<!tpu.dma_semaphore, #tpu.memory_space<semaphore_mem>>) src(%arg10 : memref<25x128xf32, #tpu.memory_space<vmem>>) dst(%dma_wait3A_156 : memref<25x128xf32, #tpu.memory_space<vmem_shared>>)
      tpu.yield
    }) : () -> ()
    %mul3A_10 = arith.constant 625 : i32
    %mul3A_11 = arith.muli %arg1, %mul3A_10 : i32
    %add3A_12 = arith.constant 25 : i32
    %add3A_13 = arith.addi %mul3A_11, %add3A_12 : i32
    "tpu.region"() ({
      %run_scoped3A = tpu.sem_alloc : memref<!tpu.dma_semaphore, #tpu.memory_space<semaphore_mem>>
      %dma_start3A_150 = arith.constant 0 : i32
      %dma_start3A_151 = tpu.memref_slice %arg11[%add3A_13, %dma_start3A_150] : memref<10000x128xf32, #tpu.memory_space<vmem_shared>> -> memref<25x128xf32, #tpu.memory_space<vmem_shared>>
      %dma_start3A_152 = arith.constant 0 : i32
      %dma_start3A_153 = tpu.memref_slice %arg11[%add3A_13, %dma_start3A_152] : memref<10000x128xf32, #tpu.memory_space<vmem_shared>> -> memref<25x128xf32, #tpu.memory_space<vmem_shared>>
      tpu.enqueue_dma source(%arg10 : memref<25x128xf32, #tpu.memory_space<vmem>>) target(%dma_start3A_153 : memref<25x128xf32, #tpu.memory_space<vmem_shared>>) target_semaphore(%run_scoped3A : memref<!tpu.dma_semaphore, #tpu.memory_space<semaphore_mem>>)
      %dma_wait3A = arith.constant 0 : i32
      %dma_wait3A_154 = tpu.memref_slice %arg11[%add3A_13, %dma_wait3A] : memref<10000x128xf32, #tpu.memory_space<vmem_shared>> -> memref<25x128xf32, #tpu.memory_space<vmem_shared>>
      %dma_wait3A_155 = arith.constant 0 : i32
      %dma_wait3A_156 = tpu.memref_slice %arg11[%add3A_13, %dma_wait3A_155] : memref<10000x128xf32, #tpu.memory_space<vmem_shared>> -> memref<25x128xf32, #tpu.memory_space<vmem_shared>>
      tpu.wait_dma2 semaphore(%run_scoped3A : memref<!tpu.dma_semaphore, #tpu.memory_space<semaphore_mem>>) src(%arg10 : memref<25x128xf32, #tpu.memory_space<vmem>>) dst(%dma_wait3A_156 : memref<25x128xf32, #tpu.memory_space<vmem_shared>>)
      tpu.yield
    }) : () -> ()
    %mul3A_14 = arith.constant 625 : i32
    %mul3A_15 = arith.muli %arg1, %mul3A_14 : i32
    %add3A_16 = arith.constant 50 : i32
    %add3A_17 = arith.addi %mul3A_15, %add3A_16 : i32
    "tpu.region"() ({
      %run_scoped3A = tpu.sem_alloc : memref<!tpu.dma_semaphore, #tpu.memory_space<semaphore_mem>>
      %dma_start3A_150 = arith.constant 0 : i32
      %dma_start3A_151 = tpu.memref_slice %arg11[%add3A_17, %dma_start3A_150] : memref<10000x128xf32, #tpu.memory_space<vmem_shared>> -> memref<25x128xf32, #tpu.memory_space<vmem_shared>>
      %dma_start3A_152 = arith.constant 0 : i32
      %dma_start3A_153 = tpu.memref_slice %arg11[%add3A_17, %dma_start3A_152] : memref<10000x128xf32, #tpu.memory_space<vmem_shared>> -> memref<25x128xf32, #tpu.memory_space<vmem_shared>>
      tpu.enqueue_dma source(%arg10 : memref<25x128xf32, #tpu.memory_space<vmem>>) target(%dma_start3A_153 : memref<25x128xf32, #tpu.memory_space<vmem_shared>>) target_semaphore(%run_scoped3A : memref<!tpu.dma_semaphore, #tpu.memory_space<semaphore_mem>>)
      %dma_wait3A = arith.constant 0 : i32
      %dma_wait3A_154 = tpu.memref_slice %arg11[%add3A_17, %dma_wait3A] : memref<10000x128xf32, #tpu.memory_space<vmem_shared>> -> memref<25x128xf32, #tpu.memory_space<vmem_shared>>
      %dma_wait3A_155 = arith.constant 0 : i32
      %dma_wait3A_156 = tpu.memref_slice %arg11[%add3A_17, %dma_wait3A_155] : memref<10000x128xf32, #tpu.memory_space<vmem_shared>> -> memref<25x128xf32, #tpu.memory_space<vmem_shared>>
      tpu.wait_dma2 semaphore(%run_scoped3A : memref<!tpu.dma_semaphore, #tpu.memory_space<semaphore_mem>>) src(%arg10 : memref<25x128xf32, #tpu.memory_space<vmem>>) dst(%dma_wait3A_156 : memref<25x128xf32, #tpu.memory_space<vmem_shared>>)
      tpu.yield
    }) : () -> ()
    %mul3A_18 = arith.constant 625 : i32
    %mul3A_19 = arith.muli %arg1, %mul3A_18 : i32
    %add3A_20 = arith.constant 75 : i32
    %add3A_21 = arith.addi %mul3A_19, %add3A_20 : i32
    "tpu.region"() ({
      %run_scoped3A = tpu.sem_alloc : memref<!tpu.dma_semaphore, #tpu.memory_space<semaphore_mem>>
      %dma_start3A_150 = arith.constant 0 : i32
      %dma_start3A_151 = tpu.memref_slice %arg11[%add3A_21, %dma_start3A_150] : memref<10000x128xf32, #tpu.memory_space<vmem_shared>> -> memref<25x128xf32, #tpu.memory_space<vmem_shared>>
      %dma_start3A_152 = arith.constant 0 : i32
      %dma_start3A_153 = tpu.memref_slice %arg11[%add3A_21, %dma_start3A_152] : memref<10000x128xf32, #tpu.memory_space<vmem_shared>> -> memref<25x128xf32, #tpu.memory_space<vmem_shared>>
      tpu.enqueue_dma source(%arg10 : memref<25x128xf32, #tpu.memory_space<vmem>>) target(%dma_start3A_153 : memref<25x128xf32, #tpu.memory_space<vmem_shared>>) target_semaphore(%run_scoped3A : memref<!tpu.dma_semaphore, #tpu.memory_space<semaphore_mem>>)
      %dma_wait3A = arith.constant 0 : i32
      %dma_wait3A_154 = tpu.memref_slice %arg11[%add3A_21, %dma_wait3A] : memref<10000x128xf32, #tpu.memory_space<vmem_shared>> -> memref<25x128xf32, #tpu.memory_space<vmem_shared>>
      %dma_wait3A_155 = arith.constant 0 : i32
      %dma_wait3A_156 = tpu.memref_slice %arg11[%add3A_21, %dma_wait3A_155] : memref<10000x128xf32, #tpu.memory_space<vmem_shared>> -> memref<25x128xf32, #tpu.memory_space<vmem_shared>>
      tpu.wait_dma2 semaphore(%run_scoped3A : memref<!tpu.dma_semaphore, #tpu.memory_space<semaphore_mem>>) src(%arg10 : memref<25x128xf32, #tpu.memory_space<vmem>>) dst(%dma_wait3A_156 : memref<25x128xf32, #tpu.memory_space<vmem_shared>>)
      tpu.yield
    }) : () -> ()
    %mul3A_22 = arith.constant 625 : i32
    %mul3A_23 = arith.muli %arg1, %mul3A_22 : i32
    %add3A_24 = arith.constant 100 : i32
    %add3A_25 = arith.addi %mul3A_23, %add3A_24 : i32
    "tpu.region"() ({
      %run_scoped3A = tpu.sem_alloc : memref<!tpu.dma_semaphore, #tpu.memory_space<semaphore_mem>>
      %dma_start3A_150 = arith.constant 0 : i32
      %dma_start3A_151 = tpu.memref_slice %arg11[%add3A_25, %dma_start3A_150] : memref<10000x128xf32, #tpu.memory_space<vmem_shared>> -> memref<25x128xf32, #tpu.memory_space<vmem_shared>>
      %dma_start3A_152 = arith.constant 0 : i32
      %dma_start3A_153 = tpu.memref_slice %arg11[%add3A_25, %dma_start3A_152] : memref<10000x128xf32, #tpu.memory_space<vmem_shared>> -> memref<25x128xf32, #tpu.memory_space<vmem_shared>>
      tpu.enqueue_dma source(%arg10 : memref<25x128xf32, #tpu.memory_space<vmem>>) target(%dma_start3A_153 : memref<25x128xf32, #tpu.memory_space<vmem_shared>>) target_semaphore(%run_scoped3A : memref<!tpu.dma_semaphore, #tpu.memory_space<semaphore_mem>>)
      %dma_wait3A = arith.constant 0 : i32
      %dma_wait3A_154 = tpu.memref_slice %arg11[%add3A_25, %dma_wait3A] : memref<10000x128xf32, #tpu.memory_space<vmem_shared>> -> memref<25x128xf32, #tpu.memory_space<vmem_shared>>
      %dma_wait3A_155 = arith.constant 0 : i32
      %dma_wait3A_156 = tpu.memref_slice %arg11[%add3A_25, %dma_wait3A_155] : memref<10000x128xf32, #tpu.memory_space<vmem_shared>> -> memref<25x128xf32, #tpu.memory_space<vmem_shared>>
      tpu.wait_dma2 semaphore(%run_scoped3A : memref<!tpu.dma_semaphore, #tpu.memory_space<semaphore_mem>>) src(%arg10 : memref<25x128xf32, #tpu.memory_space<vmem>>) dst(%dma_wait3A_156 : memref<25x128xf32, #tpu.memory_space<vmem_shared>>)
      tpu.yield
    }) : () -> ()
    %mul3A_26 = arith.constant 625 : i32
    %mul3A_27 = arith.muli %arg1, %mul3A_26 : i32
    %add3A_28 = arith.constant 125 : i32
    %add3A_29 = arith.addi %mul3A_27, %add3A_28 : i32
    "tpu.region"() ({
      %run_scoped3A = tpu.sem_alloc : memref<!tpu.dma_semaphore, #tpu.memory_space<semaphore_mem>>
      %dma_start3A_150 = arith.constant 0 : i32
      %dma_start3A_151 = tpu.memref_slice %arg11[%add3A_29, %dma_start3A_150] : memref<10000x128xf32, #tpu.memory_space<vmem_shared>> -> memref<25x128xf32, #tpu.memory_space<vmem_shared>>
      %dma_start3A_152 = arith.constant 0 : i32
      %dma_start3A_153 = tpu.memref_slice %arg11[%add3A_29, %dma_start3A_152] : memref<10000x128xf32, #tpu.memory_space<vmem_shared>> -> memref<25x128xf32, #tpu.memory_space<vmem_shared>>
      tpu.enqueue_dma source(%arg10 : memref<25x128xf32, #tpu.memory_space<vmem>>) target(%dma_start3A_153 : memref<25x128xf32, #tpu.memory_space<vmem_shared>>) target_semaphore(%run_scoped3A : memref<!tpu.dma_semaphore, #tpu.memory_space<semaphore_mem>>)
      %dma_wait3A = arith.constant 0 : i32
      %dma_wait3A_154 = tpu.memref_slice %arg11[%add3A_29, %dma_wait3A] : memref<10000x128xf32, #tpu.memory_space<vmem_shared>> -> memref<25x128xf32, #tpu.memory_space<vmem_shared>>
      %dma_wait3A_155 = arith.constant 0 : i32
      %dma_wait3A_156 = tpu.memref_slice %arg11[%add3A_29, %dma_wait3A_155] : memref<10000x128xf32, #tpu.memory_space<vmem_shared>> -> memref<25x128xf32, #tpu.memory_space<vmem_shared>>
      tpu.wait_dma2 semaphore(%run_scoped3A : memref<!tpu.dma_semaphore, #tpu.memory_space<semaphore_mem>>) src(%arg10 : memref<25x128xf32, #tpu.memory_space<vmem>>) dst(%dma_wait3A_156 : memref<25x128xf32, #tpu.memory_space<vmem_shared>>)
      tpu.yield
    }) : () -> ()
    %mul3A_30 = arith.constant 625 : i32
    %mul3A_31 = arith.muli %arg1, %mul3A_30 : i32
    %add3A_32 = arith.constant 150 : i32
    %add3A_33 = arith.addi %mul3A_31, %add3A_32 : i32
    "tpu.region"() ({
      %run_scoped3A = tpu.sem_alloc : memref<!tpu.dma_semaphore, #tpu.memory_space<semaphore_mem>>
      %dma_start3A_150 = arith.constant 0 : i32
      %dma_start3A_151 = tpu.memref_slice %arg11[%add3A_33, %dma_start3A_150] : memref<10000x128xf32, #tpu.memory_space<vmem_shared>> -> memref<25x128xf32, #tpu.memory_space<vmem_shared>>
      %dma_start3A_152 = arith.constant 0 : i32
      %dma_start3A_153 = tpu.memref_slice %arg11[%add3A_33, %dma_start3A_152] : memref<10000x128xf32, #tpu.memory_space<vmem_shared>> -> memref<25x128xf32, #tpu.memory_space<vmem_shared>>
      tpu.enqueue_dma source(%arg10 : memref<25x128xf32, #tpu.memory_space<vmem>>) target(%dma_start3A_153 : memref<25x128xf32, #tpu.memory_space<vmem_shared>>) target_semaphore(%run_scoped3A : memref<!tpu.dma_semaphore, #tpu.memory_space<semaphore_mem>>)
      %dma_wait3A = arith.constant 0 : i32
      %dma_wait3A_154 = tpu.memref_slice %arg11[%add3A_33, %dma_wait3A] : memref<10000x128xf32, #tpu.memory_space<vmem_shared>> -> memref<25x128xf32, #tpu.memory_space<vmem_shared>>
      %dma_wait3A_155 = arith.constant 0 : i32
      %dma_wait3A_156 = tpu.memref_slice %arg11[%add3A_33, %dma_wait3A_155] : memref<10000x128xf32, #tpu.memory_space<vmem_shared>> -> memref<25x128xf32, #tpu.memory_space<vmem_shared>>
      tpu.wait_dma2 semaphore(%run_scoped3A : memref<!tpu.dma_semaphore, #tpu.memory_space<semaphore_mem>>) src(%arg10 : memref<25x128xf32, #tpu.memory_space<vmem>>) dst(%dma_wait3A_156 : memref<25x128xf32, #tpu.memory_space<vmem_shared>>)
      tpu.yield
    }) : () -> ()
    %mul3A_34 = arith.constant 625 : i32
    %mul3A_35 = arith.muli %arg1, %mul3A_34 : i32
    %add3A_36 = arith.constant 175 : i32
    %add3A_37 = arith.addi %mul3A_35, %add3A_36 : i32
    "tpu.region"() ({
      %run_scoped3A = tpu.sem_alloc : memref<!tpu.dma_semaphore, #tpu.memory_space<semaphore_mem>>
      %dma_start3A_150 = arith.constant 0 : i32
      %dma_start3A_151 = tpu.memref_slice %arg11[%add3A_37, %dma_start3A_150] : memref<10000x128xf32, #tpu.memory_space<vmem_shared>> -> memref<25x128xf32, #tpu.memory_space<vmem_shared>>
      %dma_start3A_152 = arith.constant 0 : i32
      %dma_start3A_153 = tpu.memref_slice %arg11[%add3A_37, %dma_start3A_152] : memref<10000x128xf32, #tpu.memory_space<vmem_shared>> -> memref<25x128xf32, #tpu.memory_space<vmem_shared>>
      tpu.enqueue_dma source(%arg10 : memref<25x128xf32, #tpu.memory_space<vmem>>) target(%dma_start3A_153 : memref<25x128xf32, #tpu.memory_space<vmem_shared>>) target_semaphore(%run_scoped3A : memref<!tpu.dma_semaphore, #tpu.memory_space<semaphore_mem>>)
      %dma_wait3A = arith.constant 0 : i32
      %dma_wait3A_154 = tpu.memref_slice %arg11[%add3A_37, %dma_wait3A] : memref<10000x128xf32, #tpu.memory_space<vmem_shared>> -> memref<25x128xf32, #tpu.memory_space<vmem_shared>>
      %dma_wait3A_155 = arith.constant 0 : i32
      %dma_wait3A_156 = tpu.memref_slice %arg11[%add3A_37, %dma_wait3A_155] : memref<10000x128xf32, #tpu.memory_space<vmem_shared>> -> memref<25x128xf32, #tpu.memory_space<vmem_shared>>
      tpu.wait_dma2 semaphore(%run_scoped3A : memref<!tpu.dma_semaphore, #tpu.memory_space<semaphore_mem>>) src(%arg10 : memref<25x128xf32, #tpu.memory_space<vmem>>) dst(%dma_wait3A_156 : memref<25x128xf32, #tpu.memory_space<vmem_shared>>)
      tpu.yield
    }) : () -> ()
    %mul3A_38 = arith.constant 625 : i32
    %mul3A_39 = arith.muli %arg1, %mul3A_38 : i32
    %add3A_40 = arith.constant 200 : i32
    %add3A_41 = arith.addi %mul3A_39, %add3A_40 : i32
    "tpu.region"() ({
      %run_scoped3A = tpu.sem_alloc : memref<!tpu.dma_semaphore, #tpu.memory_space<semaphore_mem>>
      %dma_start3A_150 = arith.constant 0 : i32
      %dma_start3A_151 = tpu.memref_slice %arg11[%add3A_41, %dma_start3A_150] : memref<10000x128xf32, #tpu.memory_space<vmem_shared>> -> memref<25x128xf32, #tpu.memory_space<vmem_shared>>
      %dma_start3A_152 = arith.constant 0 : i32
      %dma_start3A_153 = tpu.memref_slice %arg11[%add3A_41, %dma_start3A_152] : memref<10000x128xf32, #tpu.memory_space<vmem_shared>> -> memref<25x128xf32, #tpu.memory_space<vmem_shared>>
      tpu.enqueue_dma source(%arg10 : memref<25x128xf32, #tpu.memory_space<vmem>>) target(%dma_start3A_153 : memref<25x128xf32, #tpu.memory_space<vmem_shared>>) target_semaphore(%run_scoped3A : memref<!tpu.dma_semaphore, #tpu.memory_space<semaphore_mem>>)
      %dma_wait3A = arith.constant 0 : i32
      %dma_wait3A_154 = tpu.memref_slice %arg11[%add3A_41, %dma_wait3A] : memref<10000x128xf32, #tpu.memory_space<vmem_shared>> -> memref<25x128xf32, #tpu.memory_space<vmem_shared>>
      %dma_wait3A_155 = arith.constant 0 : i32
      %dma_wait3A_156 = tpu.memref_slice %arg11[%add3A_41, %dma_wait3A_155] : memref<10000x128xf32, #tpu.memory_space<vmem_shared>> -> memref<25x128xf32, #tpu.memory_space<vmem_shared>>
      tpu.wait_dma2 semaphore(%run_scoped3A : memref<!tpu.dma_semaphore, #tpu.memory_space<semaphore_mem>>) src(%arg10 : memref<25x128xf32, #tpu.memory_space<vmem>>) dst(%dma_wait3A_156 : memref<25x128xf32, #tpu.memory_space<vmem_shared>>)
      tpu.yield
    }) : () -> ()
    %mul3A_42 = arith.constant 625 : i32
    %mul3A_43 = arith.muli %arg1, %mul3A_42 : i32
    %add3A_44 = arith.constant 225 : i32
    %add3A_45 = arith.addi %mul3A_43, %add3A_44 : i32
    "tpu.region"() ({
      %run_scoped3A = tpu.sem_alloc : memref<!tpu.dma_semaphore, #tpu.memory_space<semaphore_mem>>
      %dma_start3A_150 = arith.constant 0 : i32
      %dma_start3A_151 = tpu.memref_slice %arg11[%add3A_45, %dma_start3A_150] : memref<10000x128xf32, #tpu.memory_space<vmem_shared>> -> memref<25x128xf32, #tpu.memory_space<vmem_shared>>
      %dma_start3A_152 = arith.constant 0 : i32
      %dma_start3A_153 = tpu.memref_slice %arg11[%add3A_45, %dma_start3A_152] : memref<10000x128xf32, #tpu.memory_space<vmem_shared>> -> memref<25x128xf32, #tpu.memory_space<vmem_shared>>
      tpu.enqueue_dma source(%arg10 : memref<25x128xf32, #tpu.memory_space<vmem>>) target(%dma_start3A_153 : memref<25x128xf32, #tpu.memory_space<vmem_shared>>) target_semaphore(%run_scoped3A : memref<!tpu.dma_semaphore, #tpu.memory_space<semaphore_mem>>)
      %dma_wait3A = arith.constant 0 : i32
      %dma_wait3A_154 = tpu.memref_slice %arg11[%add3A_45, %dma_wait3A] : memref<10000x128xf32, #tpu.memory_space<vmem_shared>> -> memref<25x128xf32, #tpu.memory_space<vmem_shared>>
      %dma_wait3A_155 = arith.constant 0 : i32
      %dma_wait3A_156 = tpu.memref_slice %arg11[%add3A_45, %dma_wait3A_155] : memref<10000x128xf32, #tpu.memory_space<vmem_shared>> -> memref<25x128xf32, #tpu.memory_space<vmem_shared>>
      tpu.wait_dma2 semaphore(%run_scoped3A : memref<!tpu.dma_semaphore, #tpu.memory_space<semaphore_mem>>) src(%arg10 : memref<25x128xf32, #tpu.memory_space<vmem>>) dst(%dma_wait3A_156 : memref<25x128xf32, #tpu.memory_space<vmem_shared>>)
      tpu.yield
    }) : () -> ()
    %mul3A_46 = arith.constant 625 : i32
    %mul3A_47 = arith.muli %arg1, %mul3A_46 : i32
    %add3A_48 = arith.constant 250 : i32
    %add3A_49 = arith.addi %mul3A_47, %add3A_48 : i32
    "tpu.region"() ({
      %run_scoped3A = tpu.sem_alloc : memref<!tpu.dma_semaphore, #tpu.memory_space<semaphore_mem>>
      %dma_start3A_150 = arith.constant 0 : i32
      %dma_start3A_151 = tpu.memref_slice %arg11[%add3A_49, %dma_start3A_150] : memref<10000x128xf32, #tpu.memory_space<vmem_shared>> -> memref<25x128xf32, #tpu.memory_space<vmem_shared>>
      %dma_start3A_152 = arith.constant 0 : i32
      %dma_start3A_153 = tpu.memref_slice %arg11[%add3A_49, %dma_start3A_152] : memref<10000x128xf32, #tpu.memory_space<vmem_shared>> -> memref<25x128xf32, #tpu.memory_space<vmem_shared>>
      tpu.enqueue_dma source(%arg10 : memref<25x128xf32, #tpu.memory_space<vmem>>) target(%dma_start3A_153 : memref<25x128xf32, #tpu.memory_space<vmem_shared>>) target_semaphore(%run_scoped3A : memref<!tpu.dma_semaphore, #tpu.memory_space<semaphore_mem>>)
      %dma_wait3A = arith.constant 0 : i32
      %dma_wait3A_154 = tpu.memref_slice %arg11[%add3A_49, %dma_wait3A] : memref<10000x128xf32, #tpu.memory_space<vmem_shared>> -> memref<25x128xf32, #tpu.memory_space<vmem_shared>>
      %dma_wait3A_155 = arith.constant 0 : i32
      %dma_wait3A_156 = tpu.memref_slice %arg11[%add3A_49, %dma_wait3A_155] : memref<10000x128xf32, #tpu.memory_space<vmem_shared>> -> memref<25x128xf32, #tpu.memory_space<vmem_shared>>
      tpu.wait_dma2 semaphore(%run_scoped3A : memref<!tpu.dma_semaphore, #tpu.memory_space<semaphore_mem>>) src(%arg10 : memref<25x128xf32, #tpu.memory_space<vmem>>) dst(%dma_wait3A_156 : memref<25x128xf32, #tpu.memory_space<vmem_shared>>)
      tpu.yield
    }) : () -> ()
    %mul3A_50 = arith.constant 625 : i32
    %mul3A_51 = arith.muli %arg1, %mul3A_50 : i32
    %add3A_52 = arith.constant 275 : i32
    %add3A_53 = arith.addi %mul3A_51, %add3A_52 : i32
    "tpu.region"() ({
      %run_scoped3A = tpu.sem_alloc : memref<!tpu.dma_semaphore, #tpu.memory_space<semaphore_mem>>
      %dma_start3A_150 = arith.constant 0 : i32
      %dma_start3A_151 = tpu.memref_slice %arg11[%add3A_53, %dma_start3A_150] : memref<10000x128xf32, #tpu.memory_space<vmem_shared>> -> memref<25x128xf32, #tpu.memory_space<vmem_shared>>
      %dma_start3A_152 = arith.constant 0 : i32
      %dma_start3A_153 = tpu.memref_slice %arg11[%add3A_53, %dma_start3A_152] : memref<10000x128xf32, #tpu.memory_space<vmem_shared>> -> memref<25x128xf32, #tpu.memory_space<vmem_shared>>
      tpu.enqueue_dma source(%arg10 : memref<25x128xf32, #tpu.memory_space<vmem>>) target(%dma_start3A_153 : memref<25x128xf32, #tpu.memory_space<vmem_shared>>) target_semaphore(%run_scoped3A : memref<!tpu.dma_semaphore, #tpu.memory_space<semaphore_mem>>)
      %dma_wait3A = arith.constant 0 : i32
      %dma_wait3A_154 = tpu.memref_slice %arg11[%add3A_53, %dma_wait3A] : memref<10000x128xf32, #tpu.memory_space<vmem_shared>> -> memref<25x128xf32, #tpu.memory_space<vmem_shared>>
      %dma_wait3A_155 = arith.constant 0 : i32
      %dma_wait3A_156 = tpu.memref_slice %arg11[%add3A_53, %dma_wait3A_155] : memref<10000x128xf32, #tpu.memory_space<vmem_shared>> -> memref<25x128xf32, #tpu.memory_space<vmem_shared>>
      tpu.wait_dma2 semaphore(%run_scoped3A : memref<!tpu.dma_semaphore, #tpu.memory_space<semaphore_mem>>) src(%arg10 : memref<25x128xf32, #tpu.memory_space<vmem>>) dst(%dma_wait3A_156 : memref<25x128xf32, #tpu.memory_space<vmem_shared>>)
      tpu.yield
    }) : () -> ()
    %mul3A_54 = arith.constant 625 : i32
    %mul3A_55 = arith.muli %arg1, %mul3A_54 : i32
    %add3A_56 = arith.constant 300 : i32
    %add3A_57 = arith.addi %mul3A_55, %add3A_56 : i32
    "tpu.region"() ({
      %run_scoped3A = tpu.sem_alloc : memref<!tpu.dma_semaphore, #tpu.memory_space<semaphore_mem>>
      %dma_start3A_150 = arith.constant 0 : i32
      %dma_start3A_151 = tpu.memref_slice %arg11[%add3A_57, %dma_start3A_150] : memref<10000x128xf32, #tpu.memory_space<vmem_shared>> -> memref<25x128xf32, #tpu.memory_space<vmem_shared>>
      %dma_start3A_152 = arith.constant 0 : i32
      %dma_start3A_153 = tpu.memref_slice %arg11[%add3A_57, %dma_start3A_152] : memref<10000x128xf32, #tpu.memory_space<vmem_shared>> -> memref<25x128xf32, #tpu.memory_space<vmem_shared>>
      tpu.enqueue_dma source(%arg10 : memref<25x128xf32, #tpu.memory_space<vmem>>) target(%dma_start3A_153 : memref<25x128xf32, #tpu.memory_space<vmem_shared>>) target_semaphore(%run_scoped3A : memref<!tpu.dma_semaphore, #tpu.memory_space<semaphore_mem>>)
      %dma_wait3A = arith.constant 0 : i32
      %dma_wait3A_154 = tpu.memref_slice %arg11[%add3A_57, %dma_wait3A] : memref<10000x128xf32, #tpu.memory_space<vmem_shared>> -> memref<25x128xf32, #tpu.memory_space<vmem_shared>>
      %dma_wait3A_155 = arith.constant 0 : i32
      %dma_wait3A_156 = tpu.memref_slice %arg11[%add3A_57, %dma_wait3A_155] : memref<10000x128xf32, #tpu.memory_space<vmem_shared>> -> memref<25x128xf32, #tpu.memory_space<vmem_shared>>
      tpu.wait_dma2 semaphore(%run_scoped3A : memref<!tpu.dma_semaphore, #tpu.memory_space<semaphore_mem>>) src(%arg10 : memref<25x128xf32, #tpu.memory_space<vmem>>) dst(%dma_wait3A_156 : memref<25x128xf32, #tpu.memory_space<vmem_shared>>)
      tpu.yield
    }) : () -> ()
    %mul3A_58 = arith.constant 625 : i32
    %mul3A_59 = arith.muli %arg1, %mul3A_58 : i32
    %add3A_60 = arith.constant 325 : i32
    %add3A_61 = arith.addi %mul3A_59, %add3A_60 : i32
    "tpu.region"() ({
      %run_scoped3A = tpu.sem_alloc : memref<!tpu.dma_semaphore, #tpu.memory_space<semaphore_mem>>
      %dma_start3A_150 = arith.constant 0 : i32
      %dma_start3A_151 = tpu.memref_slice %arg11[%add3A_61, %dma_start3A_150] : memref<10000x128xf32, #tpu.memory_space<vmem_shared>> -> memref<25x128xf32, #tpu.memory_space<vmem_shared>>
      %dma_start3A_152 = arith.constant 0 : i32
      %dma_start3A_153 = tpu.memref_slice %arg11[%add3A_61, %dma_start3A_152] : memref<10000x128xf32, #tpu.memory_space<vmem_shared>> -> memref<25x128xf32, #tpu.memory_space<vmem_shared>>
      tpu.enqueue_dma source(%arg10 : memref<25x128xf32, #tpu.memory_space<vmem>>) target(%dma_start3A_153 : memref<25x128xf32, #tpu.memory_space<vmem_shared>>) target_semaphore(%run_scoped3A : memref<!tpu.dma_semaphore, #tpu.memory_space<semaphore_mem>>)
      %dma_wait3A = arith.constant 0 : i32
      %dma_wait3A_154 = tpu.memref_slice %arg11[%add3A_61, %dma_wait3A] : memref<10000x128xf32, #tpu.memory_space<vmem_shared>> -> memref<25x128xf32, #tpu.memory_space<vmem_shared>>
      %dma_wait3A_155 = arith.constant 0 : i32
      %dma_wait3A_156 = tpu.memref_slice %arg11[%add3A_61, %dma_wait3A_155] : memref<10000x128xf32, #tpu.memory_space<vmem_shared>> -> memref<25x128xf32, #tpu.memory_space<vmem_shared>>
      tpu.wait_dma2 semaphore(%run_scoped3A : memref<!tpu.dma_semaphore, #tpu.memory_space<semaphore_mem>>) src(%arg10 : memref<25x128xf32, #tpu.memory_space<vmem>>) dst(%dma_wait3A_156 : memref<25x128xf32, #tpu.memory_space<vmem_shared>>)
      tpu.yield
    }) : () -> ()
    %mul3A_62 = arith.constant 625 : i32
    %mul3A_63 = arith.muli %arg1, %mul3A_62 : i32
    %add3A_64 = arith.constant 350 : i32
    %add3A_65 = arith.addi %mul3A_63, %add3A_64 : i32
    "tpu.region"() ({
      %run_scoped3A = tpu.sem_alloc : memref<!tpu.dma_semaphore, #tpu.memory_space<semaphore_mem>>
      %dma_start3A_150 = arith.constant 0 : i32
      %dma_start3A_151 = tpu.memref_slice %arg11[%add3A_65, %dma_start3A_150] : memref<10000x128xf32, #tpu.memory_space<vmem_shared>> -> memref<25x128xf32, #tpu.memory_space<vmem_shared>>
      %dma_start3A_152 = arith.constant 0 : i32
      %dma_start3A_153 = tpu.memref_slice %arg11[%add3A_65, %dma_start3A_152] : memref<10000x128xf32, #tpu.memory_space<vmem_shared>> -> memref<25x128xf32, #tpu.memory_space<vmem_shared>>
      tpu.enqueue_dma source(%arg10 : memref<25x128xf32, #tpu.memory_space<vmem>>) target(%dma_start3A_153 : memref<25x128xf32, #tpu.memory_space<vmem_shared>>) target_semaphore(%run_scoped3A : memref<!tpu.dma_semaphore, #tpu.memory_space<semaphore_mem>>)
      %dma_wait3A = arith.constant 0 : i32
      %dma_wait3A_154 = tpu.memref_slice %arg11[%add3A_65, %dma_wait3A] : memref<10000x128xf32, #tpu.memory_space<vmem_shared>> -> memref<25x128xf32, #tpu.memory_space<vmem_shared>>
      %dma_wait3A_155 = arith.constant 0 : i32
      %dma_wait3A_156 = tpu.memref_slice %arg11[%add3A_65, %dma_wait3A_155] : memref<10000x128xf32, #tpu.memory_space<vmem_shared>> -> memref<25x128xf32, #tpu.memory_space<vmem_shared>>
      tpu.wait_dma2 semaphore(%run_scoped3A : memref<!tpu.dma_semaphore, #tpu.memory_space<semaphore_mem>>) src(%arg10 : memref<25x128xf32, #tpu.memory_space<vmem>>) dst(%dma_wait3A_156 : memref<25x128xf32, #tpu.memory_space<vmem_shared>>)
      tpu.yield
    }) : () -> ()
    %mul3A_66 = arith.constant 625 : i32
    %mul3A_67 = arith.muli %arg1, %mul3A_66 : i32
    %add3A_68 = arith.constant 375 : i32
    %add3A_69 = arith.addi %mul3A_67, %add3A_68 : i32
    "tpu.region"() ({
      %run_scoped3A = tpu.sem_alloc : memref<!tpu.dma_semaphore, #tpu.memory_space<semaphore_mem>>
      %dma_start3A_150 = arith.constant 0 : i32
      %dma_start3A_151 = tpu.memref_slice %arg11[%add3A_69, %dma_start3A_150] : memref<10000x128xf32, #tpu.memory_space<vmem_shared>> -> memref<25x128xf32, #tpu.memory_space<vmem_shared>>
      %dma_start3A_152 = arith.constant 0 : i32
      %dma_start3A_153 = tpu.memref_slice %arg11[%add3A_69, %dma_start3A_152] : memref<10000x128xf32, #tpu.memory_space<vmem_shared>> -> memref<25x128xf32, #tpu.memory_space<vmem_shared>>
      tpu.enqueue_dma source(%arg10 : memref<25x128xf32, #tpu.memory_space<vmem>>) target(%dma_start3A_153 : memref<25x128xf32, #tpu.memory_space<vmem_shared>>) target_semaphore(%run_scoped3A : memref<!tpu.dma_semaphore, #tpu.memory_space<semaphore_mem>>)
      %dma_wait3A = arith.constant 0 : i32
      %dma_wait3A_154 = tpu.memref_slice %arg11[%add3A_69, %dma_wait3A] : memref<10000x128xf32, #tpu.memory_space<vmem_shared>> -> memref<25x128xf32, #tpu.memory_space<vmem_shared>>
      %dma_wait3A_155 = arith.constant 0 : i32
      %dma_wait3A_156 = tpu.memref_slice %arg11[%add3A_69, %dma_wait3A_155] : memref<10000x128xf32, #tpu.memory_space<vmem_shared>> -> memref<25x128xf32, #tpu.memory_space<vmem_shared>>
      tpu.wait_dma2 semaphore(%run_scoped3A : memref<!tpu.dma_semaphore, #tpu.memory_space<semaphore_mem>>) src(%arg10 : memref<25x128xf32, #tpu.memory_space<vmem>>) dst(%dma_wait3A_156 : memref<25x128xf32, #tpu.memory_space<vmem_shared>>)
      tpu.yield
    }) : () -> ()
    %mul3A_70 = arith.constant 625 : i32
    %mul3A_71 = arith.muli %arg1, %mul3A_70 : i32
    %add3A_72 = arith.constant 400 : i32
    %add3A_73 = arith.addi %mul3A_71, %add3A_72 : i32
    "tpu.region"() ({
      %run_scoped3A = tpu.sem_alloc : memref<!tpu.dma_semaphore, #tpu.memory_space<semaphore_mem>>
      %dma_start3A_150 = arith.constant 0 : i32
      %dma_start3A_151 = tpu.memref_slice %arg11[%add3A_73, %dma_start3A_150] : memref<10000x128xf32, #tpu.memory_space<vmem_shared>> -> memref<25x128xf32, #tpu.memory_space<vmem_shared>>
      %dma_start3A_152 = arith.constant 0 : i32
      %dma_start3A_153 = tpu.memref_slice %arg11[%add3A_73, %dma_start3A_152] : memref<10000x128xf32, #tpu.memory_space<vmem_shared>> -> memref<25x128xf32, #tpu.memory_space<vmem_shared>>
      tpu.enqueue_dma source(%arg10 : memref<25x128xf32, #tpu.memory_space<vmem>>) target(%dma_start3A_153 : memref<25x128xf32, #tpu.memory_space<vmem_shared>>) target_semaphore(%run_scoped3A : memref<!tpu.dma_semaphore, #tpu.memory_space<semaphore_mem>>)
      %dma_wait3A = arith.constant 0 : i32
      %dma_wait3A_154 = tpu.memref_slice %arg11[%add3A_73, %dma_wait3A] : memref<10000x128xf32, #tpu.memory_space<vmem_shared>> -> memref<25x128xf32, #tpu.memory_space<vmem_shared>>
      %dma_wait3A_155 = arith.constant 0 : i32
      %dma_wait3A_156 = tpu.memref_slice %arg11[%add3A_73, %dma_wait3A_155] : memref<10000x128xf32, #tpu.memory_space<vmem_shared>> -> memref<25x128xf32, #tpu.memory_space<vmem_shared>>
      tpu.wait_dma2 semaphore(%run_scoped3A : memref<!tpu.dma_semaphore, #tpu.memory_space<semaphore_mem>>) src(%arg10 : memref<25x128xf32, #tpu.memory_space<vmem>>) dst(%dma_wait3A_156 : memref<25x128xf32, #tpu.memory_space<vmem_shared>>)
      tpu.yield
    }) : () -> ()
    %mul3A_74 = arith.constant 625 : i32
    %mul3A_75 = arith.muli %arg1, %mul3A_74 : i32
    %add3A_76 = arith.constant 425 : i32
    %add3A_77 = arith.addi %mul3A_75, %add3A_76 : i32
    "tpu.region"() ({
      %run_scoped3A = tpu.sem_alloc : memref<!tpu.dma_semaphore, #tpu.memory_space<semaphore_mem>>
      %dma_start3A_150 = arith.constant 0 : i32
      %dma_start3A_151 = tpu.memref_slice %arg11[%add3A_77, %dma_start3A_150] : memref<10000x128xf32, #tpu.memory_space<vmem_shared>> -> memref<25x128xf32, #tpu.memory_space<vmem_shared>>
      %dma_start3A_152 = arith.constant 0 : i32
      %dma_start3A_153 = tpu.memref_slice %arg11[%add3A_77, %dma_start3A_152] : memref<10000x128xf32, #tpu.memory_space<vmem_shared>> -> memref<25x128xf32, #tpu.memory_space<vmem_shared>>
      tpu.enqueue_dma source(%arg10 : memref<25x128xf32, #tpu.memory_space<vmem>>) target(%dma_start3A_153 : memref<25x128xf32, #tpu.memory_space<vmem_shared>>) target_semaphore(%run_scoped3A : memref<!tpu.dma_semaphore, #tpu.memory_space<semaphore_mem>>)
      %dma_wait3A = arith.constant 0 : i32
      %dma_wait3A_154 = tpu.memref_slice %arg11[%add3A_77, %dma_wait3A] : memref<10000x128xf32, #tpu.memory_space<vmem_shared>> -> memref<25x128xf32, #tpu.memory_space<vmem_shared>>
      %dma_wait3A_155 = arith.constant 0 : i32
      %dma_wait3A_156 = tpu.memref_slice %arg11[%add3A_77, %dma_wait3A_155] : memref<10000x128xf32, #tpu.memory_space<vmem_shared>> -> memref<25x128xf32, #tpu.memory_space<vmem_shared>>
      tpu.wait_dma2 semaphore(%run_scoped3A : memref<!tpu.dma_semaphore, #tpu.memory_space<semaphore_mem>>) src(%arg10 : memref<25x128xf32, #tpu.memory_space<vmem>>) dst(%dma_wait3A_156 : memref<25x128xf32, #tpu.memory_space<vmem_shared>>)
      tpu.yield
    }) : () -> ()
    %mul3A_78 = arith.constant 625 : i32
    %mul3A_79 = arith.muli %arg1, %mul3A_78 : i32
    %add3A_80 = arith.constant 450 : i32
    %add3A_81 = arith.addi %mul3A_79, %add3A_80 : i32
    "tpu.region"() ({
      %run_scoped3A = tpu.sem_alloc : memref<!tpu.dma_semaphore, #tpu.memory_space<semaphore_mem>>
      %dma_start3A_150 = arith.constant 0 : i32
      %dma_start3A_151 = tpu.memref_slice %arg11[%add3A_81, %dma_start3A_150] : memref<10000x128xf32, #tpu.memory_space<vmem_shared>> -> memref<25x128xf32, #tpu.memory_space<vmem_shared>>
      %dma_start3A_152 = arith.constant 0 : i32
      %dma_start3A_153 = tpu.memref_slice %arg11[%add3A_81, %dma_start3A_152] : memref<10000x128xf32, #tpu.memory_space<vmem_shared>> -> memref<25x128xf32, #tpu.memory_space<vmem_shared>>
      tpu.enqueue_dma source(%arg10 : memref<25x128xf32, #tpu.memory_space<vmem>>) target(%dma_start3A_153 : memref<25x128xf32, #tpu.memory_space<vmem_shared>>) target_semaphore(%run_scoped3A : memref<!tpu.dma_semaphore, #tpu.memory_space<semaphore_mem>>)
      %dma_wait3A = arith.constant 0 : i32
      %dma_wait3A_154 = tpu.memref_slice %arg11[%add3A_81, %dma_wait3A] : memref<10000x128xf32, #tpu.memory_space<vmem_shared>> -> memref<25x128xf32, #tpu.memory_space<vmem_shared>>
      %dma_wait3A_155 = arith.constant 0 : i32
      %dma_wait3A_156 = tpu.memref_slice %arg11[%add3A_81, %dma_wait3A_155] : memref<10000x128xf32, #tpu.memory_space<vmem_shared>> -> memref<25x128xf32, #tpu.memory_space<vmem_shared>>
      tpu.wait_dma2 semaphore(%run_scoped3A : memref<!tpu.dma_semaphore, #tpu.memory_space<semaphore_mem>>) src(%arg10 : memref<25x128xf32, #tpu.memory_space<vmem>>) dst(%dma_wait3A_156 : memref<25x128xf32, #tpu.memory_space<vmem_shared>>)
      tpu.yield
    }) : () -> ()
    %mul3A_82 = arith.constant 625 : i32
    %mul3A_83 = arith.muli %arg1, %mul3A_82 : i32
    %add3A_84 = arith.constant 475 : i32
    %add3A_85 = arith.addi %mul3A_83, %add3A_84 : i32
    "tpu.region"() ({
      %run_scoped3A = tpu.sem_alloc : memref<!tpu.dma_semaphore, #tpu.memory_space<semaphore_mem>>
      %dma_start3A_150 = arith.constant 0 : i32
      %dma_start3A_151 = tpu.memref_slice %arg11[%add3A_85, %dma_start3A_150] : memref<10000x128xf32, #tpu.memory_space<vmem_shared>> -> memref<25x128xf32, #tpu.memory_space<vmem_shared>>
      %dma_start3A_152 = arith.constant 0 : i32
      %dma_start3A_153 = tpu.memref_slice %arg11[%add3A_85, %dma_start3A_152] : memref<10000x128xf32, #tpu.memory_space<vmem_shared>> -> memref<25x128xf32, #tpu.memory_space<vmem_shared>>
      tpu.enqueue_dma source(%arg10 : memref<25x128xf32, #tpu.memory_space<vmem>>) target(%dma_start3A_153 : memref<25x128xf32, #tpu.memory_space<vmem_shared>>) target_semaphore(%run_scoped3A : memref<!tpu.dma_semaphore, #tpu.memory_space<semaphore_mem>>)
      %dma_wait3A = arith.constant 0 : i32
      %dma_wait3A_154 = tpu.memref_slice %arg11[%add3A_85, %dma_wait3A] : memref<10000x128xf32, #tpu.memory_space<vmem_shared>> -> memref<25x128xf32, #tpu.memory_space<vmem_shared>>
      %dma_wait3A_155 = arith.constant 0 : i32
      %dma_wait3A_156 = tpu.memref_slice %arg11[%add3A_85, %dma_wait3A_155] : memref<10000x128xf32, #tpu.memory_space<vmem_shared>> -> memref<25x128xf32, #tpu.memory_space<vmem_shared>>
      tpu.wait_dma2 semaphore(%run_scoped3A : memref<!tpu.dma_semaphore, #tpu.memory_space<semaphore_mem>>) src(%arg10 : memref<25x128xf32, #tpu.memory_space<vmem>>) dst(%dma_wait3A_156 : memref<25x128xf32, #tpu.memory_space<vmem_shared>>)
      tpu.yield
    }) : () -> ()
    %mul3A_86 = arith.constant 625 : i32
    %mul3A_87 = arith.muli %arg1, %mul3A_86 : i32
    %add3A_88 = arith.constant 500 : i32
    %add3A_89 = arith.addi %mul3A_87, %add3A_88 : i32
    "tpu.region"() ({
      %run_scoped3A = tpu.sem_alloc : memref<!tpu.dma_semaphore, #tpu.memory_space<semaphore_mem>>
      %dma_start3A_150 = arith.constant 0 : i32
      %dma_start3A_151 = tpu.memref_slice %arg11[%add3A_89, %dma_start3A_150] : memref<10000x128xf32, #tpu.memory_space<vmem_shared>> -> memref<25x128xf32, #tpu.memory_space<vmem_shared>>
      %dma_start3A_152 = arith.constant 0 : i32
      %dma_start3A_153 = tpu.memref_slice %arg11[%add3A_89, %dma_start3A_152] : memref<10000x128xf32, #tpu.memory_space<vmem_shared>> -> memref<25x128xf32, #tpu.memory_space<vmem_shared>>
      tpu.enqueue_dma source(%arg10 : memref<25x128xf32, #tpu.memory_space<vmem>>) target(%dma_start3A_153 : memref<25x128xf32, #tpu.memory_space<vmem_shared>>) target_semaphore(%run_scoped3A : memref<!tpu.dma_semaphore, #tpu.memory_space<semaphore_mem>>)
      %dma_wait3A = arith.constant 0 : i32
      %dma_wait3A_154 = tpu.memref_slice %arg11[%add3A_89, %dma_wait3A] : memref<10000x128xf32, #tpu.memory_space<vmem_shared>> -> memref<25x128xf32, #tpu.memory_space<vmem_shared>>
      %dma_wait3A_155 = arith.constant 0 : i32
      %dma_wait3A_156 = tpu.memref_slice %arg11[%add3A_89, %dma_wait3A_155] : memref<10000x128xf32, #tpu.memory_space<vmem_shared>> -> memref<25x128xf32, #tpu.memory_space<vmem_shared>>
      tpu.wait_dma2 semaphore(%run_scoped3A : memref<!tpu.dma_semaphore, #tpu.memory_space<semaphore_mem>>) src(%arg10 : memref<25x128xf32, #tpu.memory_space<vmem>>) dst(%dma_wait3A_156 : memref<25x128xf32, #tpu.memory_space<vmem_shared>>)
      tpu.yield
    }) : () -> ()
    %mul3A_90 = arith.constant 625 : i32
    %mul3A_91 = arith.muli %arg1, %mul3A_90 : i32
    %add3A_92 = arith.constant 525 : i32
    %add3A_93 = arith.addi %mul3A_91, %add3A_92 : i32
    "tpu.region"() ({
      %run_scoped3A = tpu.sem_alloc : memref<!tpu.dma_semaphore, #tpu.memory_space<semaphore_mem>>
      %dma_start3A_150 = arith.constant 0 : i32
      %dma_start3A_151 = tpu.memref_slice %arg11[%add3A_93, %dma_start3A_150] : memref<10000x128xf32, #tpu.memory_space<vmem_shared>> -> memref<25x128xf32, #tpu.memory_space<vmem_shared>>
      %dma_start3A_152 = arith.constant 0 : i32
      %dma_start3A_153 = tpu.memref_slice %arg11[%add3A_93, %dma_start3A_152] : memref<10000x128xf32, #tpu.memory_space<vmem_shared>> -> memref<25x128xf32, #tpu.memory_space<vmem_shared>>
      tpu.enqueue_dma source(%arg10 : memref<25x128xf32, #tpu.memory_space<vmem>>) target(%dma_start3A_153 : memref<25x128xf32, #tpu.memory_space<vmem_shared>>) target_semaphore(%run_scoped3A : memref<!tpu.dma_semaphore, #tpu.memory_space<semaphore_mem>>)
      %dma_wait3A = arith.constant 0 : i32
      %dma_wait3A_154 = tpu.memref_slice %arg11[%add3A_93, %dma_wait3A] : memref<10000x128xf32, #tpu.memory_space<vmem_shared>> -> memref<25x128xf32, #tpu.memory_space<vmem_shared>>
      %dma_wait3A_155 = arith.constant 0 : i32
      %dma_wait3A_156 = tpu.memref_slice %arg11[%add3A_93, %dma_wait3A_155] : memref<10000x128xf32, #tpu.memory_space<vmem_shared>> -> memref<25x128xf32, #tpu.memory_space<vmem_shared>>
      tpu.wait_dma2 semaphore(%run_scoped3A : memref<!tpu.dma_semaphore, #tpu.memory_space<semaphore_mem>>) src(%arg10 : memref<25x128xf32, #tpu.memory_space<vmem>>) dst(%dma_wait3A_156 : memref<25x128xf32, #tpu.memory_space<vmem_shared>>)
      tpu.yield
    }) : () -> ()
    %mul3A_94 = arith.constant 625 : i32
    %mul3A_95 = arith.muli %arg1, %mul3A_94 : i32
    %add3A_96 = arith.constant 550 : i32
    %add3A_97 = arith.addi %mul3A_95, %add3A_96 : i32
    "tpu.region"() ({
      %run_scoped3A = tpu.sem_alloc : memref<!tpu.dma_semaphore, #tpu.memory_space<semaphore_mem>>
      %dma_start3A_150 = arith.constant 0 : i32
      %dma_start3A_151 = tpu.memref_slice %arg11[%add3A_97, %dma_start3A_150] : memref<10000x128xf32, #tpu.memory_space<vmem_shared>> -> memref<25x128xf32, #tpu.memory_space<vmem_shared>>
      %dma_start3A_152 = arith.constant 0 : i32
      %dma_start3A_153 = tpu.memref_slice %arg11[%add3A_97, %dma_start3A_152] : memref<10000x128xf32, #tpu.memory_space<vmem_shared>> -> memref<25x128xf32, #tpu.memory_space<vmem_shared>>
      tpu.enqueue_dma source(%arg10 : memref<25x128xf32, #tpu.memory_space<vmem>>) target(%dma_start3A_153 : memref<25x128xf32, #tpu.memory_space<vmem_shared>>) target_semaphore(%run_scoped3A : memref<!tpu.dma_semaphore, #tpu.memory_space<semaphore_mem>>)
      %dma_wait3A = arith.constant 0 : i32
      %dma_wait3A_154 = tpu.memref_slice %arg11[%add3A_97, %dma_wait3A] : memref<10000x128xf32, #tpu.memory_space<vmem_shared>> -> memref<25x128xf32, #tpu.memory_space<vmem_shared>>
      %dma_wait3A_155 = arith.constant 0 : i32
      %dma_wait3A_156 = tpu.memref_slice %arg11[%add3A_97, %dma_wait3A_155] : memref<10000x128xf32, #tpu.memory_space<vmem_shared>> -> memref<25x128xf32, #tpu.memory_space<vmem_shared>>
      tpu.wait_dma2 semaphore(%run_scoped3A : memref<!tpu.dma_semaphore, #tpu.memory_space<semaphore_mem>>) src(%arg10 : memref<25x128xf32, #tpu.memory_space<vmem>>) dst(%dma_wait3A_156 : memref<25x128xf32, #tpu.memory_space<vmem_shared>>)
      tpu.yield
    }) : () -> ()
    %mul3A_98 = arith.constant 625 : i32
    %mul3A_99 = arith.muli %arg1, %mul3A_98 : i32
    %add3A_100 = arith.constant 575 : i32
    %add3A_101 = arith.addi %mul3A_99, %add3A_100 : i32
    "tpu.region"() ({
      %run_scoped3A = tpu.sem_alloc : memref<!tpu.dma_semaphore, #tpu.memory_space<semaphore_mem>>
      %dma_start3A_150 = arith.constant 0 : i32
      %dma_start3A_151 = tpu.memref_slice %arg11[%add3A_101, %dma_start3A_150] : memref<10000x128xf32, #tpu.memory_space<vmem_shared>> -> memref<25x128xf32, #tpu.memory_space<vmem_shared>>
      %dma_start3A_152 = arith.constant 0 : i32
      %dma_start3A_153 = tpu.memref_slice %arg11[%add3A_101, %dma_start3A_152] : memref<10000x128xf32, #tpu.memory_space<vmem_shared>> -> memref<25x128xf32, #tpu.memory_space<vmem_shared>>
      tpu.enqueue_dma source(%arg10 : memref<25x128xf32, #tpu.memory_space<vmem>>) target(%dma_start3A_153 : memref<25x128xf32, #tpu.memory_space<vmem_shared>>) target_semaphore(%run_scoped3A : memref<!tpu.dma_semaphore, #tpu.memory_space<semaphore_mem>>)
      %dma_wait3A = arith.constant 0 : i32
      %dma_wait3A_154 = tpu.memref_slice %arg11[%add3A_101, %dma_wait3A] : memref<10000x128xf32, #tpu.memory_space<vmem_shared>> -> memref<25x128xf32, #tpu.memory_space<vmem_shared>>
      %dma_wait3A_155 = arith.constant 0 : i32
      %dma_wait3A_156 = tpu.memref_slice %arg11[%add3A_101, %dma_wait3A_155] : memref<10000x128xf32, #tpu.memory_space<vmem_shared>> -> memref<25x128xf32, #tpu.memory_space<vmem_shared>>
      tpu.wait_dma2 semaphore(%run_scoped3A : memref<!tpu.dma_semaphore, #tpu.memory_space<semaphore_mem>>) src(%arg10 : memref<25x128xf32, #tpu.memory_space<vmem>>) dst(%dma_wait3A_156 : memref<25x128xf32, #tpu.memory_space<vmem_shared>>)
      tpu.yield
    }) : () -> ()
    %mul3A_102 = arith.constant 625 : i32
    %mul3A_103 = arith.muli %arg1, %mul3A_102 : i32
    %add3A_104 = arith.constant 600 : i32
    %add3A_105 = arith.addi %mul3A_103, %add3A_104 : i32
    "tpu.region"() ({
      %run_scoped3A = tpu.sem_alloc : memref<!tpu.dma_semaphore, #tpu.memory_space<semaphore_mem>>
      %dma_start3A_150 = arith.constant 0 : i32
      %dma_start3A_151 = tpu.memref_slice %arg11[%add3A_105, %dma_start3A_150] : memref<10000x128xf32, #tpu.memory_space<vmem_shared>> -> memref<25x128xf32, #tpu.memory_space<vmem_shared>>
      %dma_start3A_152 = arith.constant 0 : i32
      %dma_start3A_153 = tpu.memref_slice %arg11[%add3A_105, %dma_start3A_152] : memref<10000x128xf32, #tpu.memory_space<vmem_shared>> -> memref<25x128xf32, #tpu.memory_space<vmem_shared>>
      tpu.enqueue_dma source(%arg10 : memref<25x128xf32, #tpu.memory_space<vmem>>) target(%dma_start3A_153 : memref<25x128xf32, #tpu.memory_space<vmem_shared>>) target_semaphore(%run_scoped3A : memref<!tpu.dma_semaphore, #tpu.memory_space<semaphore_mem>>)
      %dma_wait3A = arith.constant 0 : i32
      %dma_wait3A_154 = tpu.memref_slice %arg11[%add3A_105, %dma_wait3A] : memref<10000x128xf32, #tpu.memory_space<vmem_shared>> -> memref<25x128xf32, #tpu.memory_space<vmem_shared>>
      %dma_wait3A_155 = arith.constant 0 : i32
      %dma_wait3A_156 = tpu.memref_slice %arg11[%add3A_105, %dma_wait3A_155] : memref<10000x128xf32, #tpu.memory_space<vmem_shared>> -> memref<25x128xf32, #tpu.memory_space<vmem_shared>>
      tpu.wait_dma2 semaphore(%run_scoped3A : memref<!tpu.dma_semaphore, #tpu.memory_space<semaphore_mem>>) src(%arg10 : memref<25x128xf32, #tpu.memory_space<vmem>>) dst(%dma_wait3A_156 : memref<25x128xf32, #tpu.memory_space<vmem_shared>>)
      tpu.yield
    }) : () -> ()
    %barrier3A = arith.constant 0 : index
    tpu.barrier barrier_id(%barrier3A)
    %mul3A_106 = arith.constant 80 : i32
    %mul3A_107 = arith.muli %add3A, %mul3A_106 : i32
    %add3A_108 = arith.constant 0 : i32
    %add3A_109 = arith.addi %mul3A_107, %add3A_108 : i32
    "tpu.region"() ({
      %run_scoped3A = tpu.sem_alloc : memref<!tpu.dma_semaphore, #tpu.memory_space<semaphore_mem>>
      %dma_start3A_150 = arith.constant 0 : i32
      %dma_start3A_151 = tpu.memref_slice %arg2[%add3A_109, %dma_start3A_150] : memref<2560x125xi32, #tpu.memory_space<hbm>> -> memref<40x125xi32, #tpu.memory_space<hbm>>
      %dma_start3A_152 = arith.constant 0 : i32
      %dma_start3A_153 = tpu.memref_slice %arg2[%add3A_109, %dma_start3A_152] : memref<2560x125xi32, #tpu.memory_space<hbm>> -> memref<40x125xi32, #tpu.memory_space<hbm>>
      tpu.enqueue_dma source(%dma_start3A_153 : memref<40x125xi32, #tpu.memory_space<hbm>>) target(%arg6 : memref<40x125xi32, #tpu.memory_space<vmem>>) target_semaphore(%run_scoped3A : memref<!tpu.dma_semaphore, #tpu.memory_space<semaphore_mem>>)
      %dma_wait3A = arith.constant 0 : i32
      %dma_wait3A_154 = tpu.memref_slice %arg2[%add3A_109, %dma_wait3A] : memref<2560x125xi32, #tpu.memory_space<hbm>> -> memref<40x125xi32, #tpu.memory_space<hbm>>
      %dma_wait3A_155 = arith.constant 0 : i32
      %dma_wait3A_156 = tpu.memref_slice %arg2[%add3A_109, %dma_wait3A_155] : memref<2560x125xi32, #tpu.memory_space<hbm>> -> memref<40x125xi32, #tpu.memory_space<hbm>>
      tpu.wait_dma2 semaphore(%run_scoped3A : memref<!tpu.dma_semaphore, #tpu.memory_space<semaphore_mem>>) src(%dma_wait3A_156 : memref<40x125xi32, #tpu.memory_space<hbm>>) dst(%arg6 : memref<40x125xi32, #tpu.memory_space<vmem>>)
      tpu.yield
    }) : () -> ()
    %mul3A_110 = arith.constant 80 : i32
    %mul3A_111 = arith.muli %add3A, %mul3A_110 : i32
    %add3A_112 = arith.constant 0 : i32
    %add3A_113 = arith.addi %mul3A_111, %add3A_112 : i32
    "tpu.region"() ({
      %run_scoped3A = tpu.sem_alloc : memref<!tpu.dma_semaphore, #tpu.memory_space<semaphore_mem>>
      %dma_start3A_150 = arith.constant 0 : i32
      %dma_start3A_151 = tpu.memref_slice %arg3[%add3A_113, %dma_start3A_150] : memref<2560x125xi32, #tpu.memory_space<hbm>> -> memref<40x125xi32, #tpu.memory_space<hbm>>
      %dma_start3A_152 = arith.constant 0 : i32
      %dma_start3A_153 = tpu.memref_slice %arg3[%add3A_113, %dma_start3A_152] : memref<2560x125xi32, #tpu.memory_space<hbm>> -> memref<40x125xi32, #tpu.memory_space<hbm>>
      tpu.enqueue_dma source(%dma_start3A_153 : memref<40x125xi32, #tpu.memory_space<hbm>>) target(%arg7 : memref<40x125xi32, #tpu.memory_space<vmem>>) target_semaphore(%run_scoped3A : memref<!tpu.dma_semaphore, #tpu.memory_space<semaphore_mem>>)
      %dma_wait3A = arith.constant 0 : i32
      %dma_wait3A_154 = tpu.memref_slice %arg3[%add3A_113, %dma_wait3A] : memref<2560x125xi32, #tpu.memory_space<hbm>> -> memref<40x125xi32, #tpu.memory_space<hbm>>
      %dma_wait3A_155 = arith.constant 0 : i32
      %dma_wait3A_156 = tpu.memref_slice %arg3[%add3A_113, %dma_wait3A_155] : memref<2560x125xi32, #tpu.memory_space<hbm>> -> memref<40x125xi32, #tpu.memory_space<hbm>>
      tpu.wait_dma2 semaphore(%run_scoped3A : memref<!tpu.dma_semaphore, #tpu.memory_space<semaphore_mem>>) src(%dma_wait3A_156 : memref<40x125xi32, #tpu.memory_space<hbm>>) dst(%arg7 : memref<40x125xi32, #tpu.memory_space<vmem>>)
      tpu.yield
    }) : () -> ()
    %dma_start3A = arith.constant 0 : i32
    %dma_start3A_114 = arith.constant 0 : i32
    %dma_start3A_115 = tpu.memref_slice %arg6[%dma_start3A, %dma_start3A_114] : memref<40x125xi32, #tpu.memory_space<vmem>> -> memref<1x125xi32, #tpu.memory_space<vmem>>
    %dma_start3A_116 = tpu.memref_squeeze %dma_start3A_115 : memref<1x125xi32, #tpu.memory_space<vmem>> -> memref<125xi32, #tpu.memory_space<vmem>>
    %dma_start3A_117 = arith.constant 0 : i32
    %dma_start3A_118 = arith.constant 0 : i32
    %dma_start3A_119 = tpu.memref_slice %arg4[%dma_start3A_117, %dma_start3A_118] : memref<10000x128xf32, #tpu.memory_space<hbm>> -> memref<10000x128xf32, #tpu.memory_space<hbm>>
    tpu.enqueue_indirect_dma source(%dma_start3A_119 : memref<10000x128xf32, #tpu.memory_space<hbm>>) target(%arg8 : memref<125x128xf32, #tpu.memory_space<vmem>>) offsets(%dma_start3A_116 : memref<125xi32, #tpu.memory_space<vmem>>) semaphore(%arg12 : memref<!tpu.dma_semaphore, #tpu.memory_space<semaphore_mem>>)
    %scan3A_120 = arith.constant 0 : i32
    %scan3A_121 = arith.constant 0 : i32
    %scan3A_122 = arith.constant 20 : i32
    %scan3A_123 = arith.addi %scan3A_121, %scan3A_122 : i32
    %scan3A_124 = arith.constant 1 : i32
    scf.for %scan3A_150 = %scan3A_121 to %scan3A_123 step %scan3A_124  : i32 {
      %mul3A_151 = arith.constant 2 : i32
      %mul3A_152 = arith.muli %mul3A_151, %scan3A_150 : i32
      %add3A_153 = arith.constant 1 : i32
      %add3A_154 = arith.addi %mul3A_152, %add3A_153 : i32
      %dma_start3A_155 = arith.constant 0 : i32
      %dma_start3A_156 = tpu.memref_slice %arg6[%add3A_154, %dma_start3A_155] : memref<40x125xi32, #tpu.memory_space<vmem>> -> memref<1x125xi32, #tpu.memory_space<vmem>>
      %dma_start3A_157 = tpu.memref_squeeze %dma_start3A_156 : memref<1x125xi32, #tpu.memory_space<vmem>> -> memref<125xi32, #tpu.memory_space<vmem>>
      %dma_start3A_158 = arith.constant 0 : i32
      %dma_start3A_159 = arith.constant 0 : i32
      %dma_start3A_160 = tpu.memref_slice %arg4[%dma_start3A_158, %dma_start3A_159] : memref<10000x128xf32, #tpu.memory_space<hbm>> -> memref<10000x128xf32, #tpu.memory_space<hbm>>
      tpu.enqueue_indirect_dma source(%dma_start3A_160 : memref<10000x128xf32, #tpu.memory_space<hbm>>) target(%arg9 : memref<125x128xf32, #tpu.memory_space<vmem>>) offsets(%dma_start3A_157 : memref<125xi32, #tpu.memory_space<vmem>>) semaphore(%arg13 : memref<!tpu.dma_semaphore, #tpu.memory_space<semaphore_mem>>)
      %dma_wait3A = arith.constant 0 : i32
      %dma_wait3A_161 = tpu.memref_slice %arg6[%mul3A_152, %dma_wait3A] : memref<40x125xi32, #tpu.memory_space<vmem>> -> memref<1x125xi32, #tpu.memory_space<vmem>>
      %dma_wait3A_162 = tpu.memref_squeeze %dma_wait3A_161 : memref<1x125xi32, #tpu.memory_space<vmem>> -> memref<125xi32, #tpu.memory_space<vmem>>
      %dma_wait3A_163 = arith.constant 0 : i32
      %dma_wait3A_164 = arith.constant 0 : i32
      %dma_wait3A_165 = tpu.memref_slice %arg4[%dma_wait3A_163, %dma_wait3A_164] : memref<10000x128xf32, #tpu.memory_space<hbm>> -> memref<10000x128xf32, #tpu.memory_space<hbm>>
      tpu.wait_indirect_dma semaphore(%arg12 : memref<!tpu.dma_semaphore, #tpu.memory_space<semaphore_mem>>) src(%dma_wait3A_165 : memref<10000x128xf32, #tpu.memory_space<hbm>>) dst(%arg8 : memref<125x128xf32, #tpu.memory_space<vmem>>)
      "tpu.region"() ({
        %run_scoped3A = tpu.sem_alloc : memref<!tpu.dma_semaphore, #tpu.memory_space<semaphore_mem>>
        %dma_start3A_181 = arith.constant 0 : i32
        %dma_start3A_182 = tpu.memref_slice %arg7[%mul3A_152, %dma_start3A_181] : memref<40x125xi32, #tpu.memory_space<vmem>> -> memref<1x125xi32, #tpu.memory_space<vmem>>
        %dma_start3A_183 = tpu.memref_squeeze %dma_start3A_182 : memref<1x125xi32, #tpu.memory_space<vmem>> -> memref<125xi32, #tpu.memory_space<vmem>>
        %dma_start3A_184 = arith.constant 0 : i32
        %dma_start3A_185 = arith.constant 0 : i32
        %dma_start3A_186 = tpu.memref_slice %arg11[%dma_start3A_184, %dma_start3A_185] : memref<10000x128xf32, #tpu.memory_space<vmem_shared>> -> memref<10000x128xf32, #tpu.memory_space<vmem_shared>>
        tpu.enqueue_indirect_dma source(%arg8 : memref<125x128xf32, #tpu.memory_space<vmem>>) target(%dma_start3A_186 : memref<10000x128xf32, #tpu.memory_space<vmem_shared>>) offsets(%dma_start3A_183 : memref<125xi32, #tpu.memory_space<vmem>>) semaphore(%run_scoped3A : memref<!tpu.dma_semaphore, #tpu.memory_space<semaphore_mem>>) {add = true}
        %dma_wait3A_187 = arith.constant 0 : i32
        %dma_wait3A_188 = tpu.memref_slice %arg7[%mul3A_152, %dma_wait3A_187] : memref<40x125xi32, #tpu.memory_space<vmem>> -> memref<1x125xi32, #tpu.memory_space<vmem>>
        %dma_wait3A_189 = tpu.memref_squeeze %dma_wait3A_188 : memref<1x125xi32, #tpu.memory_space<vmem>> -> memref<125xi32, #tpu.memory_space<vmem>>
        %dma_wait3A_190 = arith.constant 0 : i32
        %dma_wait3A_191 = arith.constant 0 : i32
        %dma_wait3A_192 = tpu.memref_slice %arg11[%dma_wait3A_190, %dma_wait3A_191] : memref<10000x128xf32, #tpu.memory_space<vmem_shared>> -> memref<10000x128xf32, #tpu.memory_space<vmem_shared>>
        tpu.wait_indirect_dma semaphore(%run_scoped3A : memref<!tpu.dma_semaphore, #tpu.memory_space<semaphore_mem>>) src(%arg8 : memref<125x128xf32, #tpu.memory_space<vmem>>) dst(%dma_wait3A_192 : memref<10000x128xf32, #tpu.memory_space<vmem_shared>>)
        tpu.yield
      }) : () -> ()
      %add3A_166 = arith.constant 2 : i32
      %add3A_167 = arith.addi %mul3A_152, %add3A_166 : i32
      %lt3A_168 = arith.constant 40 : i32
      %lt3A_169 = arith.cmpi slt, %add3A_167, %lt3A_168 : i32
      %convert_element_type3A_170 = arith.extui %lt3A_169 : i1 to i32
      %cond3A_171 = arith.constant 0 : i32
      %cond3A_172 = arith.cmpi ne, %convert_element_type3A_170, %cond3A_171 : i32
      scf.if %cond3A_172 {
        %add3A_181 = arith.constant 2 : i32
        %add3A_182 = arith.addi %mul3A_152, %add3A_181 : i32
        %dma_start3A_183 = arith.constant 0 : i32
        %dma_start3A_184 = tpu.memref_slice %arg6[%add3A_182, %dma_start3A_183] : memref<40x125xi32, #tpu.memory_space<vmem>> -> memref<1x125xi32, #tpu.memory_space<vmem>>
        %dma_start3A_185 = tpu.memref_squeeze %dma_start3A_184 : memref<1x125xi32, #tpu.memory_space<vmem>> -> memref<125xi32, #tpu.memory_space<vmem>>
        %dma_start3A_186 = arith.constant 0 : i32
        %dma_start3A_187 = arith.constant 0 : i32
        %dma_start3A_188 = tpu.memref_slice %arg4[%dma_start3A_186, %dma_start3A_187] : memref<10000x128xf32, #tpu.memory_space<hbm>> -> memref<10000x128xf32, #tpu.memory_space<hbm>>
        tpu.enqueue_indirect_dma source(%dma_start3A_188 : memref<10000x128xf32, #tpu.memory_space<hbm>>) target(%arg8 : memref<125x128xf32, #tpu.memory_space<vmem>>) offsets(%dma_start3A_185 : memref<125xi32, #tpu.memory_space<vmem>>) semaphore(%arg12 : memref<!tpu.dma_semaphore, #tpu.memory_space<semaphore_mem>>)
      } else {
      }
      %dma_wait3A_173 = arith.constant 0 : i32
      %dma_wait3A_174 = tpu.memref_slice %arg6[%add3A_154, %dma_wait3A_173] : memref<40x125xi32, #tpu.memory_space<vmem>> -> memref<1x125xi32, #tpu.memory_space<vmem>>
      %dma_wait3A_175 = tpu.memref_squeeze %dma_wait3A_174 : memref<1x125xi32, #tpu.memory_space<vmem>> -> memref<125xi32, #tpu.memory_space<vmem>>
      %dma_wait3A_176 = arith.constant 0 : i32
      %dma_wait3A_177 = arith.constant 0 : i32
      %dma_wait3A_178 = tpu.memref_slice %arg4[%dma_wait3A_176, %dma_wait3A_177] : memref<10000x128xf32, #tpu.memory_space<hbm>> -> memref<10000x128xf32, #tpu.memory_space<hbm>>
      tpu.wait_indirect_dma semaphore(%arg13 : memref<!tpu.dma_semaphore, #tpu.memory_space<semaphore_mem>>) src(%dma_wait3A_178 : memref<10000x128xf32, #tpu.memory_space<hbm>>) dst(%arg9 : memref<125x128xf32, #tpu.memory_space<vmem>>)
      %add3A_179 = arith.constant 1 : i32
      %add3A_180 = arith.addi %mul3A_152, %add3A_179 : i32
      "tpu.region"() ({
        %run_scoped3A = tpu.sem_alloc : memref<!tpu.dma_semaphore, #tpu.memory_space<semaphore_mem>>
        %dma_start3A_181 = arith.constant 0 : i32
        %dma_start3A_182 = tpu.memref_slice %arg7[%add3A_180, %dma_start3A_181] : memref<40x125xi32, #tpu.memory_space<vmem>> -> memref<1x125xi32, #tpu.memory_space<vmem>>
        %dma_start3A_183 = tpu.memref_squeeze %dma_start3A_182 : memref<1x125xi32, #tpu.memory_space<vmem>> -> memref<125xi32, #tpu.memory_space<vmem>>
        %dma_start3A_184 = arith.constant 0 : i32
        %dma_start3A_185 = arith.constant 0 : i32
        %dma_start3A_186 = tpu.memref_slice %arg11[%dma_start3A_184, %dma_start3A_185] : memref<10000x128xf32, #tpu.memory_space<vmem_shared>> -> memref<10000x128xf32, #tpu.memory_space<vmem_shared>>
        tpu.enqueue_indirect_dma source(%arg9 : memref<125x128xf32, #tpu.memory_space<vmem>>) target(%dma_start3A_186 : memref<10000x128xf32, #tpu.memory_space<vmem_shared>>) offsets(%dma_start3A_183 : memref<125xi32, #tpu.memory_space<vmem>>) semaphore(%run_scoped3A : memref<!tpu.dma_semaphore, #tpu.memory_space<semaphore_mem>>) {add = true}
        %dma_wait3A_187 = arith.constant 0 : i32
        %dma_wait3A_188 = tpu.memref_slice %arg7[%add3A_180, %dma_wait3A_187] : memref<40x125xi32, #tpu.memory_space<vmem>> -> memref<1x125xi32, #tpu.memory_space<vmem>>
        %dma_wait3A_189 = tpu.memref_squeeze %dma_wait3A_188 : memref<1x125xi32, #tpu.memory_space<vmem>> -> memref<125xi32, #tpu.memory_space<vmem>>
        %dma_wait3A_190 = arith.constant 0 : i32
        %dma_wait3A_191 = arith.constant 0 : i32
        %dma_wait3A_192 = tpu.memref_slice %arg11[%dma_wait3A_190, %dma_wait3A_191] : memref<10000x128xf32, #tpu.memory_space<vmem_shared>> -> memref<10000x128xf32, #tpu.memory_space<vmem_shared>>
        tpu.wait_indirect_dma semaphore(%run_scoped3A : memref<!tpu.dma_semaphore, #tpu.memory_space<semaphore_mem>>) src(%arg9 : memref<125x128xf32, #tpu.memory_space<vmem>>) dst(%dma_wait3A_192 : memref<10000x128xf32, #tpu.memory_space<vmem_shared>>)
        tpu.yield
      }) : () -> ()
    }
    %scan3A_125 = arith.constant 20 : i32
    %mul3A_126 = arith.constant 80 : i32
    %mul3A_127 = arith.muli %add3A, %mul3A_126 : i32
    %add3A_128 = arith.constant 40 : i32
    %add3A_129 = arith.addi %mul3A_127, %add3A_128 : i32
    "tpu.region"() ({
      %run_scoped3A = tpu.sem_alloc : memref<!tpu.dma_semaphore, #tpu.memory_space<semaphore_mem>>
      %dma_start3A_150 = arith.constant 0 : i32
      %dma_start3A_151 = tpu.memref_slice %arg2[%add3A_129, %dma_start3A_150] : memref<2560x125xi32, #tpu.memory_space<hbm>> -> memref<40x125xi32, #tpu.memory_space<hbm>>
      %dma_start3A_152 = arith.constant 0 : i32
      %dma_start3A_153 = tpu.memref_slice %arg2[%add3A_129, %dma_start3A_152] : memref<2560x125xi32, #tpu.memory_space<hbm>> -> memref<40x125xi32, #tpu.memory_space<hbm>>
      tpu.enqueue_dma source(%dma_start3A_153 : memref<40x125xi32, #tpu.memory_space<hbm>>) target(%arg6 : memref<40x125xi32, #tpu.memory_space<vmem>>) target_semaphore(%run_scoped3A : memref<!tpu.dma_semaphore, #tpu.memory_space<semaphore_mem>>)
      %dma_wait3A = arith.constant 0 : i32
      %dma_wait3A_154 = tpu.memref_slice %arg2[%add3A_129, %dma_wait3A] : memref<2560x125xi32, #tpu.memory_space<hbm>> -> memref<40x125xi32, #tpu.memory_space<hbm>>
      %dma_wait3A_155 = arith.constant 0 : i32
      %dma_wait3A_156 = tpu.memref_slice %arg2[%add3A_129, %dma_wait3A_155] : memref<2560x125xi32, #tpu.memory_space<hbm>> -> memref<40x125xi32, #tpu.memory_space<hbm>>
      tpu.wait_dma2 semaphore(%run_scoped3A : memref<!tpu.dma_semaphore, #tpu.memory_space<semaphore_mem>>) src(%dma_wait3A_156 : memref<40x125xi32, #tpu.memory_space<hbm>>) dst(%arg6 : memref<40x125xi32, #tpu.memory_space<vmem>>)
      tpu.yield
    }) : () -> ()
    %mul3A_130 = arith.constant 80 : i32
    %mul3A_131 = arith.muli %add3A, %mul3A_130 : i32
    %add3A_132 = arith.constant 40 : i32
    %add3A_133 = arith.addi %mul3A_131, %add3A_132 : i32
    "tpu.region"() ({
      %run_scoped3A = tpu.sem_alloc : memref<!tpu.dma_semaphore, #tpu.memory_space<semaphore_mem>>
      %dma_start3A_150 = arith.constant 0 : i32
      %dma_start3A_151 = tpu.memref_slice %arg3[%add3A_133, %dma_start3A_150] : memref<2560x125xi32, #tpu.memory_space<hbm>> -> memref<40x125xi32, #tpu.memory_space<hbm>>
      %dma_start3A_152 = arith.constant 0 : i32
      %dma_start3A_153 = tpu.memref_slice %arg3[%add3A_133, %dma_start3A_152] : memref<2560x125xi32, #tpu.memory_space<hbm>> -> memref<40x125xi32, #tpu.memory_space<hbm>>
      tpu.enqueue_dma source(%dma_start3A_153 : memref<40x125xi32, #tpu.memory_space<hbm>>) target(%arg7 : memref<40x125xi32, #tpu.memory_space<vmem>>) target_semaphore(%run_scoped3A : memref<!tpu.dma_semaphore, #tpu.memory_space<semaphore_mem>>)
      %dma_wait3A = arith.constant 0 : i32
      %dma_wait3A_154 = tpu.memref_slice %arg3[%add3A_133, %dma_wait3A] : memref<2560x125xi32, #tpu.memory_space<hbm>> -> memref<40x125xi32, #tpu.memory_space<hbm>>
      %dma_wait3A_155 = arith.constant 0 : i32
      %dma_wait3A_156 = tpu.memref_slice %arg3[%add3A_133, %dma_wait3A_155] : memref<2560x125xi32, #tpu.memory_space<hbm>> -> memref<40x125xi32, #tpu.memory_space<hbm>>
      tpu.wait_dma2 semaphore(%run_scoped3A : memref<!tpu.dma_semaphore, #tpu.memory_space<semaphore_mem>>) src(%dma_wait3A_156 : memref<40x125xi32, #tpu.memory_space<hbm>>) dst(%arg7 : memref<40x125xi32, #tpu.memory_space<vmem>>)
      tpu.yield
    }) : () -> ()
    %dma_start3A_134 = arith.constant 0 : i32
    %dma_start3A_135 = arith.constant 0 : i32
    %dma_start3A_136 = tpu.memref_slice %arg6[%dma_start3A_134, %dma_start3A_135] : memref<40x125xi32, #tpu.memory_space<vmem>> -> memref<1x125xi32, #tpu.memory_space<vmem>>
    %dma_start3A_137 = tpu.memref_squeeze %dma_start3A_136 : memref<1x125xi32, #tpu.memory_space<vmem>> -> memref<125xi32, #tpu.memory_space<vmem>>
    %dma_start3A_138 = arith.constant 0 : i32
    %dma_start3A_139 = arith.constant 0 : i32
    %dma_start3A_140 = tpu.memref_slice %arg4[%dma_start3A_138, %dma_start3A_139] : memref<10000x128xf32, #tpu.memory_space<hbm>> -> memref<10000x128xf32, #tpu.memory_space<hbm>>
    tpu.enqueue_indirect_dma source(%dma_start3A_140 : memref<10000x128xf32, #tpu.memory_space<hbm>>) target(%arg8 : memref<125x128xf32, #tpu.memory_space<vmem>>) offsets(%dma_start3A_137 : memref<125xi32, #tpu.memory_space<vmem>>) semaphore(%arg12 : memref<!tpu.dma_semaphore, #tpu.memory_space<semaphore_mem>>)
    %scan3A_141 = arith.constant 0 : i32
    %scan3A_142 = arith.constant 0 : i32
    %scan3A_143 = arith.constant 20 : i32
    %scan3A_144 = arith.addi %scan3A_142, %scan3A_143 : i32
    %scan3A_145 = arith.constant 1 : i32
    scf.for %scan3A_150 = %scan3A_142 to %scan3A_144 step %scan3A_145  : i32 {
      %mul3A_151 = arith.constant 2 : i32
      %mul3A_152 = arith.muli %mul3A_151, %scan3A_150 : i32
      %add3A_153 = arith.constant 1 : i32
      %add3A_154 = arith.addi %mul3A_152, %add3A_153 : i32
      %dma_start3A_155 = arith.constant 0 : i32
      %dma_start3A_156 = tpu.memref_slice %arg6[%add3A_154, %dma_start3A_155] : memref<40x125xi32, #tpu.memory_space<vmem>> -> memref<1x125xi32, #tpu.memory_space<vmem>>
      %dma_start3A_157 = tpu.memref_squeeze %dma_start3A_156 : memref<1x125xi32, #tpu.memory_space<vmem>> -> memref<125xi32, #tpu.memory_space<vmem>>
      %dma_start3A_158 = arith.constant 0 : i32
      %dma_start3A_159 = arith.constant 0 : i32
      %dma_start3A_160 = tpu.memref_slice %arg4[%dma_start3A_158, %dma_start3A_159] : memref<10000x128xf32, #tpu.memory_space<hbm>> -> memref<10000x128xf32, #tpu.memory_space<hbm>>
      tpu.enqueue_indirect_dma source(%dma_start3A_160 : memref<10000x128xf32, #tpu.memory_space<hbm>>) target(%arg9 : memref<125x128xf32, #tpu.memory_space<vmem>>) offsets(%dma_start3A_157 : memref<125xi32, #tpu.memory_space<vmem>>) semaphore(%arg13 : memref<!tpu.dma_semaphore, #tpu.memory_space<semaphore_mem>>)
      %dma_wait3A = arith.constant 0 : i32
      %dma_wait3A_161 = tpu.memref_slice %arg6[%mul3A_152, %dma_wait3A] : memref<40x125xi32, #tpu.memory_space<vmem>> -> memref<1x125xi32, #tpu.memory_space<vmem>>
      %dma_wait3A_162 = tpu.memref_squeeze %dma_wait3A_161 : memref<1x125xi32, #tpu.memory_space<vmem>> -> memref<125xi32, #tpu.memory_space<vmem>>
      %dma_wait3A_163 = arith.constant 0 : i32
      %dma_wait3A_164 = arith.constant 0 : i32
      %dma_wait3A_165 = tpu.memref_slice %arg4[%dma_wait3A_163, %dma_wait3A_164] : memref<10000x128xf32, #tpu.memory_space<hbm>> -> memref<10000x128xf32, #tpu.memory_space<hbm>>
      tpu.wait_indirect_dma semaphore(%arg12 : memref<!tpu.dma_semaphore, #tpu.memory_space<semaphore_mem>>) src(%dma_wait3A_165 : memref<10000x128xf32, #tpu.memory_space<hbm>>) dst(%arg8 : memref<125x128xf32, #tpu.memory_space<vmem>>)
      "tpu.region"() ({
        %run_scoped3A = tpu.sem_alloc : memref<!tpu.dma_semaphore, #tpu.memory_space<semaphore_mem>>
        %dma_start3A_181 = arith.constant 0 : i32
        %dma_start3A_182 = tpu.memref_slice %arg7[%mul3A_152, %dma_start3A_181] : memref<40x125xi32, #tpu.memory_space<vmem>> -> memref<1x125xi32, #tpu.memory_space<vmem>>
        %dma_start3A_183 = tpu.memref_squeeze %dma_start3A_182 : memref<1x125xi32, #tpu.memory_space<vmem>> -> memref<125xi32, #tpu.memory_space<vmem>>
        %dma_start3A_184 = arith.constant 0 : i32
        %dma_start3A_185 = arith.constant 0 : i32
        %dma_start3A_186 = tpu.memref_slice %arg11[%dma_start3A_184, %dma_start3A_185] : memref<10000x128xf32, #tpu.memory_space<vmem_shared>> -> memref<10000x128xf32, #tpu.memory_space<vmem_shared>>
        tpu.enqueue_indirect_dma source(%arg8 : memref<125x128xf32, #tpu.memory_space<vmem>>) target(%dma_start3A_186 : memref<10000x128xf32, #tpu.memory_space<vmem_shared>>) offsets(%dma_start3A_183 : memref<125xi32, #tpu.memory_space<vmem>>) semaphore(%run_scoped3A : memref<!tpu.dma_semaphore, #tpu.memory_space<semaphore_mem>>) {add = true}
        %dma_wait3A_187 = arith.constant 0 : i32
        %dma_wait3A_188 = tpu.memref_slice %arg7[%mul3A_152, %dma_wait3A_187] : memref<40x125xi32, #tpu.memory_space<vmem>> -> memref<1x125xi32, #tpu.memory_space<vmem>>
        %dma_wait3A_189 = tpu.memref_squeeze %dma_wait3A_188 : memref<1x125xi32, #tpu.memory_space<vmem>> -> memref<125xi32, #tpu.memory_space<vmem>>
        %dma_wait3A_190 = arith.constant 0 : i32
        %dma_wait3A_191 = arith.constant 0 : i32
        %dma_wait3A_192 = tpu.memref_slice %arg11[%dma_wait3A_190, %dma_wait3A_191] : memref<10000x128xf32, #tpu.memory_space<vmem_shared>> -> memref<10000x128xf32, #tpu.memory_space<vmem_shared>>
        tpu.wait_indirect_dma semaphore(%run_scoped3A : memref<!tpu.dma_semaphore, #tpu.memory_space<semaphore_mem>>) src(%arg8 : memref<125x128xf32, #tpu.memory_space<vmem>>) dst(%dma_wait3A_192 : memref<10000x128xf32, #tpu.memory_space<vmem_shared>>)
        tpu.yield
      }) : () -> ()
      %add3A_166 = arith.constant 2 : i32
      %add3A_167 = arith.addi %mul3A_152, %add3A_166 : i32
      %lt3A_168 = arith.constant 40 : i32
      %lt3A_169 = arith.cmpi slt, %add3A_167, %lt3A_168 : i32
      %convert_element_type3A_170 = arith.extui %lt3A_169 : i1 to i32
      %cond3A_171 = arith.constant 0 : i32
      %cond3A_172 = arith.cmpi ne, %convert_element_type3A_170, %cond3A_171 : i32
      scf.if %cond3A_172 {
        %add3A_181 = arith.constant 2 : i32
        %add3A_182 = arith.addi %mul3A_152, %add3A_181 : i32
        %dma_start3A_183 = arith.constant 0 : i32
        %dma_start3A_184 = tpu.memref_slice %arg6[%add3A_182, %dma_start3A_183] : memref<40x125xi32, #tpu.memory_space<vmem>> -> memref<1x125xi32, #tpu.memory_space<vmem>>
        %dma_start3A_185 = tpu.memref_squeeze %dma_start3A_184 : memref<1x125xi32, #tpu.memory_space<vmem>> -> memref<125xi32, #tpu.memory_space<vmem>>
        %dma_start3A_186 = arith.constant 0 : i32
        %dma_start3A_187 = arith.constant 0 : i32
        %dma_start3A_188 = tpu.memref_slice %arg4[%dma_start3A_186, %dma_start3A_187] : memref<10000x128xf32, #tpu.memory_space<hbm>> -> memref<10000x128xf32, #tpu.memory_space<hbm>>
        tpu.enqueue_indirect_dma source(%dma_start3A_188 : memref<10000x128xf32, #tpu.memory_space<hbm>>) target(%arg8 : memref<125x128xf32, #tpu.memory_space<vmem>>) offsets(%dma_start3A_185 : memref<125xi32, #tpu.memory_space<vmem>>) semaphore(%arg12 : memref<!tpu.dma_semaphore, #tpu.memory_space<semaphore_mem>>)
      } else {
      }
      %dma_wait3A_173 = arith.constant 0 : i32
      %dma_wait3A_174 = tpu.memref_slice %arg6[%add3A_154, %dma_wait3A_173] : memref<40x125xi32, #tpu.memory_space<vmem>> -> memref<1x125xi32, #tpu.memory_space<vmem>>
      %dma_wait3A_175 = tpu.memref_squeeze %dma_wait3A_174 : memref<1x125xi32, #tpu.memory_space<vmem>> -> memref<125xi32, #tpu.memory_space<vmem>>
      %dma_wait3A_176 = arith.constant 0 : i32
      %dma_wait3A_177 = arith.constant 0 : i32
      %dma_wait3A_178 = tpu.memref_slice %arg4[%dma_wait3A_176, %dma_wait3A_177] : memref<10000x128xf32, #tpu.memory_space<hbm>> -> memref<10000x128xf32, #tpu.memory_space<hbm>>
      tpu.wait_indirect_dma semaphore(%arg13 : memref<!tpu.dma_semaphore, #tpu.memory_space<semaphore_mem>>) src(%dma_wait3A_178 : memref<10000x128xf32, #tpu.memory_space<hbm>>) dst(%arg9 : memref<125x128xf32, #tpu.memory_space<vmem>>)
      %add3A_179 = arith.constant 1 : i32
      %add3A_180 = arith.addi %mul3A_152, %add3A_179 : i32
      "tpu.region"() ({
        %run_scoped3A = tpu.sem_alloc : memref<!tpu.dma_semaphore, #tpu.memory_space<semaphore_mem>>
        %dma_start3A_181 = arith.constant 0 : i32
        %dma_start3A_182 = tpu.memref_slice %arg7[%add3A_180, %dma_start3A_181] : memref<40x125xi32, #tpu.memory_space<vmem>> -> memref<1x125xi32, #tpu.memory_space<vmem>>
        %dma_start3A_183 = tpu.memref_squeeze %dma_start3A_182 : memref<1x125xi32, #tpu.memory_space<vmem>> -> memref<125xi32, #tpu.memory_space<vmem>>
        %dma_start3A_184 = arith.constant 0 : i32
        %dma_start3A_185 = arith.constant 0 : i32
        %dma_start3A_186 = tpu.memref_slice %arg11[%dma_start3A_184, %dma_start3A_185] : memref<10000x128xf32, #tpu.memory_space<vmem_shared>> -> memref<10000x128xf32, #tpu.memory_space<vmem_shared>>
        tpu.enqueue_indirect_dma source(%arg9 : memref<125x128xf32, #tpu.memory_space<vmem>>) target(%dma_start3A_186 : memref<10000x128xf32, #tpu.memory_space<vmem_shared>>) offsets(%dma_start3A_183 : memref<125xi32, #tpu.memory_space<vmem>>) semaphore(%run_scoped3A : memref<!tpu.dma_semaphore, #tpu.memory_space<semaphore_mem>>) {add = true}
        %dma_wait3A_187 = arith.constant 0 : i32
        %dma_wait3A_188 = tpu.memref_slice %arg7[%add3A_180, %dma_wait3A_187] : memref<40x125xi32, #tpu.memory_space<vmem>> -> memref<1x125xi32, #tpu.memory_space<vmem>>
        %dma_wait3A_189 = tpu.memref_squeeze %dma_wait3A_188 : memref<1x125xi32, #tpu.memory_space<vmem>> -> memref<125xi32, #tpu.memory_space<vmem>>
        %dma_wait3A_190 = arith.constant 0 : i32
        %dma_wait3A_191 = arith.constant 0 : i32
        %dma_wait3A_192 = tpu.memref_slice %arg11[%dma_wait3A_190, %dma_wait3A_191] : memref<10000x128xf32, #tpu.memory_space<vmem_shared>> -> memref<10000x128xf32, #tpu.memory_space<vmem_shared>>
        tpu.wait_indirect_dma semaphore(%run_scoped3A : memref<!tpu.dma_semaphore, #tpu.memory_space<semaphore_mem>>) src(%arg9 : memref<125x128xf32, #tpu.memory_space<vmem>>) dst(%dma_wait3A_192 : memref<10000x128xf32, #tpu.memory_space<vmem_shared>>)
        tpu.yield
      }) : () -> ()
    }
    %scan3A_146 = arith.constant 20 : i32
    %barrier3A_147 = arith.constant 0 : index
    tpu.barrier barrier_id(%barrier3A_147)
    %lt3A = arith.constant 10 : i32
    %lt3A_148 = arith.cmpi slt, %arg1, %lt3A : i32
    %convert_element_type3A = arith.extui %lt3A_148 : i1 to i32
    %cond3A = arith.constant 0 : i32
    %cond3A_149 = arith.cmpi ne, %convert_element_type3A, %cond3A : i32
    scf.if %cond3A_149 {
      %mul3A_150 = arith.constant 1000 : i32
      %mul3A_151 = arith.muli %arg1, %mul3A_150 : i32
      %mul3A_152 = arith.constant 1000 : i32
      %mul3A_153 = arith.muli %arg1, %mul3A_152 : i32
      "tpu.region"() ({
        %run_scoped3A = tpu.sem_alloc : memref<!tpu.dma_semaphore, #tpu.memory_space<semaphore_mem>>
        %dma_start3A_154 = arith.constant 0 : i32
        %dma_start3A_155 = tpu.memref_slice %arg5[%arg0, %mul3A_153, %dma_start3A_154] : memref<2x10000x128xf32, #tpu.memory_space<hbm>> -> memref<1x1000x128xf32, #tpu.memory_space<hbm>>
        %dma_start3A_156 = tpu.memref_squeeze %dma_start3A_155 : memref<1x1000x128xf32, #tpu.memory_space<hbm>> -> memref<1000x128xf32, #tpu.memory_space<hbm>>
        %dma_start3A_157 = arith.constant 0 : i32
        %dma_start3A_158 = tpu.memref_slice %arg11[%mul3A_151, %dma_start3A_157] : memref<10000x128xf32, #tpu.memory_space<vmem_shared>> -> memref<1000x128xf32, #tpu.memory_space<vmem_shared>>
        tpu.enqueue_dma source(%dma_start3A_158 : memref<1000x128xf32, #tpu.memory_space<vmem_shared>>) target(%dma_start3A_156 : memref<1000x128xf32, #tpu.memory_space<hbm>>) target_semaphore(%run_scoped3A : memref<!tpu.dma_semaphore, #tpu.memory_space<semaphore_mem>>)
        %dma_wait3A = arith.constant 0 : i32
        %dma_wait3A_159 = tpu.memref_slice %arg5[%arg0, %mul3A_153, %dma_wait3A] : memref<2x10000x128xf32, #tpu.memory_space<hbm>> -> memref<1x1000x128xf32, #tpu.memory_space<hbm>>
        %dma_wait3A_160 = tpu.memref_squeeze %dma_wait3A_159 : memref<1x1000x128xf32, #tpu.memory_space<hbm>> -> memref<1000x128xf32, #tpu.memory_space<hbm>>
        %dma_wait3A_161 = arith.constant 0 : i32
        %dma_wait3A_162 = tpu.memref_slice %arg11[%mul3A_151, %dma_wait3A_161] : memref<10000x128xf32, #tpu.memory_space<vmem_shared>> -> memref<1000x128xf32, #tpu.memory_space<vmem_shared>>
        tpu.wait_dma2 semaphore(%run_scoped3A : memref<!tpu.dma_semaphore, #tpu.memory_space<semaphore_mem>>) src(%dma_wait3A_162 : memref<1000x128xf32, #tpu.memory_space<vmem_shared>>) dst(%dma_wait3A_160 : memref<1000x128xf32, #tpu.memory_space<hbm>>)
        tpu.yield
      }) : () -> ()
    } else {
    }
    return
  }
}

#map = affine_map<(d0, d1) -> (0, 0)>
#map1 = affine_map<(d0, d1) -> (0, 0, 0)>
module attributes {stable_mosaic.version = 14 : i64} {
  func.func @_segsum_body(%arg0: i32, %arg1: i32, %arg2: memref<2560x125xi32, #tpu.memory_space<hbm>>, %arg3: memref<2560x125xi32, #tpu.memory_space<hbm>>, %arg4: memref<10000x128xf32, #tpu.memory_space<hbm>>, %arg5: memref<2x10000x128xf32, #tpu.memory_space<hbm>>, %arg6: memref<40x125xi32, #tpu.memory_space<vmem>>, %arg7: memref<40x125xi32, #tpu.memory_space<vmem>>, %arg8: memref<125x128xf32, #tpu.memory_space<vmem>>, %arg9: memref<125x128xf32, #tpu.memory_space<vmem>>, %arg10: memref<25x128xf32, #tpu.memory_space<vmem>>, %arg11: memref<10000x128xf32, #tpu.memory_space<vmem_shared>>, %arg12: memref<!tpu.dma_semaphore, #tpu.memory_space<semaphore_mem>>, %arg13: memref<!tpu.dma_semaphore, #tpu.memory_space<semaphore_mem>>) attributes {dimension_semantics = [#tpu.dimension_semantics<core_parallel>, #tpu.dimension_semantics<subcore_parallel>], iteration_bounds = array<i64: 2, 16>, scalar_prefetch = 0 : i64, scratch_operands = 8 : i64, tpu.core_type = #tpu.core_type<sc_vector_subcore>, window_params = [{transform_indices = #map}, {transform_indices = #map}, {transform_indices = #map}, {transform_indices = #map1}]} {
    %mul3A = arith.constant 2 : i32
    %mul3A_0 = arith.muli %arg1, %mul3A : i32
    %add3A = arith.addi %mul3A_0, %arg0 : i32
    %scan3A = arith.constant 0 : i32
    %scan3A_1 = arith.constant 0 : i32
    %scan3A_2 = arith.constant 200 : i32
    %scan3A_3 = arith.addi %scan3A_1, %scan3A_2 : i32
    %scan3A_4 = arith.constant 1 : i32
    scf.for %scan3A_150 = %scan3A_1 to %scan3A_3 step %scan3A_4  : i32 {
      %jit3A = arith.constant 8 : i32
      %div3A = arith.divsi %scan3A_150, %jit3A : i32
      %sign3A = arith.constant 0 : i32
      %sign3A_151 = arith.cmpi sgt, %scan3A_150, %sign3A : i32
      %sign3A_152 = arith.extui %sign3A_151 : i1 to i32
      %sign3A_153 = arith.constant 0 : i32
      %sign3A_154 = arith.cmpi slt, %scan3A_150, %sign3A_153 : i32
      %sign3A_155 = arith.extui %sign3A_154 : i1 to i32
      %sign3A_156 = arith.subi %sign3A_152, %sign3A_155 : i32
      %sign3A_157 = arith.constant 0 : i32
      %sign3A_158 = arith.cmpi sgt, %jit3A, %sign3A_157 : i32
      %sign3A_159 = arith.extui %sign3A_158 : i1 to i32
      %sign3A_160 = arith.constant 0 : i32
      %sign3A_161 = arith.cmpi slt, %jit3A, %sign3A_160 : i32
      %sign3A_162 = arith.extui %sign3A_161 : i1 to i32
      %sign3A_163 = arith.subi %sign3A_159, %sign3A_162 : i32
      %ne3A = arith.cmpi ne, %sign3A_156, %sign3A_163 : i32
      %rem3A = arith.remsi %scan3A_150, %jit3A : i32
      %ne3A_164 = arith.constant 0 : i32
      %ne3A_165 = arith.cmpi ne, %rem3A, %ne3A_164 : i32
      %and3A = arith.andi %ne3A, %ne3A_165 : i1
      %sub3A = arith.constant 1 : i32
      %sub3A_166 = arith.subi %div3A, %sub3A : i32
      %select_n3A = arith.select %and3A, %sub3A_166, %div3A : i32
      %jit3A_167 = arith.constant 8 : i32
      %eq3A = arith.constant 0 : i32
      %eq3A_168 = arith.cmpi eq, %jit3A_167, %eq3A : i32
      %jit3A_169 = arith.constant 1 : i32
      %select_n3A_170 = arith.select %eq3A_168, %jit3A_169, %jit3A_167 : i32
      %rem3A_171 = arith.remsi %scan3A_150, %select_n3A_170 : i32
      %ne3A_172 = arith.constant 0 : i32
      %ne3A_173 = arith.cmpi ne, %rem3A_171, %ne3A_172 : i32
      %lt3A_174 = arith.constant 0 : i32
      %lt3A_175 = arith.cmpi slt, %rem3A_171, %lt3A_174 : i32
      %lt3A_176 = arith.constant 0 : i32
      %lt3A_177 = arith.cmpi slt, %select_n3A_170, %lt3A_176 : i32
      %ne3A_178 = arith.xori %lt3A_175, %lt3A_177 : i1
      %and3A_179 = arith.andi %ne3A_178, %ne3A_173 : i1
      %add3A_180 = arith.addi %rem3A_171, %select_n3A_170 : i32
      %select_n3A_181 = arith.select %and3A_179, %add3A_180, %rem3A_171 : i32
      %broadcast_in_dim3A = arith.constant 0.000000e+00 : f32
      %broadcast_in_dim3A_182 = vector.broadcast %broadcast_in_dim3A : f32 to vector<16xf32>
      %mul3A_183 = arith.constant 16 : i32
      %mul3A_184 = arith.muli %select_n3A_181, %mul3A_183 : i32
      %swap3A = arith.index_cast %select_n3A : i32 to index
      %swap3A_185 = arith.index_cast %mul3A_184 : i32 to index
      %swap3A_186 = tpu.vector_load %arg10[%swap3A, %swap3A_185] {strides = array<i32>} : memref<25x128xf32, #tpu.memory_space<vmem>>, vector<1x16xf32>,
      %swap3A_187 = vector.shape_cast %swap3A_186 : vector<1x16xf32> to vector<16xf32>
      %swap3A_188 = vector.shape_cast %broadcast_in_dim3A_182 : vector<16xf32> to vector<1x16xf32>
      tpu.vector_store %arg10[%swap3A, %swap3A_185], %swap3A_188 {strides = array<i32>} : memref<25x128xf32, #tpu.memory_space<vmem>>, vector<1x16xf32>,
    }
    %scan3A_5 = arith.constant 200 : i32
    %mul3A_6 = arith.constant 625 : i32
    %mul3A_7 = arith.muli %arg1, %mul3A_6 : i32
    %add3A_8 = arith.constant 0 : i32
    %add3A_9 = arith.addi %mul3A_7, %add3A_8 : i32
    "tpu.region"() ({
      %run_scoped3A = tpu.sem_alloc : memref<!tpu.dma_semaphore, #tpu.memory_space<semaphore_mem>>
      %dma_start3A_150 = arith.constant 0 : i32
      %dma_start3A_151 = tpu.memref_slice %arg11[%add3A_9, %dma_start3A_150] : memref<10000x128xf32, #tpu.memory_space<vmem_shared>> -> memref<25x128xf32, #tpu.memory_space<vmem_shared>>
      %dma_start3A_152 = arith.constant 0 : i32
      %dma_start3A_153 = tpu.memref_slice %arg11[%add3A_9, %dma_start3A_152] : memref<10000x128xf32, #tpu.memory_space<vmem_shared>> -> memref<25x128xf32, #tpu.memory_space<vmem_shared>>
      tpu.enqueue_dma source(%arg10 : memref<25x128xf32, #tpu.memory_space<vmem>>) target(%dma_start3A_153 : memref<25x128xf32, #tpu.memory_space<vmem_shared>>) target_semaphore(%run_scoped3A : memref<!tpu.dma_semaphore, #tpu.memory_space<semaphore_mem>>)
      %dma_wait3A = arith.constant 0 : i32
      %dma_wait3A_154 = tpu.memref_slice %arg11[%add3A_9, %dma_wait3A] : memref<10000x128xf32, #tpu.memory_space<vmem_shared>> -> memref<25x128xf32, #tpu.memory_space<vmem_shared>>
      %dma_wait3A_155 = arith.constant 0 : i32
      %dma_wait3A_156 = tpu.memref_slice %arg11[%add3A_9, %dma_wait3A_155] : memref<10000x128xf32, #tpu.memory_space<vmem_shared>> -> memref<25x128xf32, #tpu.memory_space<vmem_shared>>
      tpu.wait_dma2 semaphore(%run_scoped3A : memref<!tpu.dma_semaphore, #tpu.memory_space<semaphore_mem>>) src(%arg10 : memref<25x128xf32, #tpu.memory_space<vmem>>) dst(%dma_wait3A_156 : memref<25x128xf32, #tpu.memory_space<vmem_shared>>)
      tpu.yield
    }) : () -> ()
    %mul3A_10 = arith.constant 625 : i32
    %mul3A_11 = arith.muli %arg1, %mul3A_10 : i32
    %add3A_12 = arith.constant 25 : i32
    %add3A_13 = arith.addi %mul3A_11, %add3A_12 : i32
    "tpu.region"() ({
      %run_scoped3A = tpu.sem_alloc : memref<!tpu.dma_semaphore, #tpu.memory_space<semaphore_mem>>
      %dma_start3A_150 = arith.constant 0 : i32
      %dma_start3A_151 = tpu.memref_slice %arg11[%add3A_13, %dma_start3A_150] : memref<10000x128xf32, #tpu.memory_space<vmem_shared>> -> memref<25x128xf32, #tpu.memory_space<vmem_shared>>
      %dma_start3A_152 = arith.constant 0 : i32
      %dma_start3A_153 = tpu.memref_slice %arg11[%add3A_13, %dma_start3A_152] : memref<10000x128xf32, #tpu.memory_space<vmem_shared>> -> memref<25x128xf32, #tpu.memory_space<vmem_shared>>
      tpu.enqueue_dma source(%arg10 : memref<25x128xf32, #tpu.memory_space<vmem>>) target(%dma_start3A_153 : memref<25x128xf32, #tpu.memory_space<vmem_shared>>) target_semaphore(%run_scoped3A : memref<!tpu.dma_semaphore, #tpu.memory_space<semaphore_mem>>)
      %dma_wait3A = arith.constant 0 : i32
      %dma_wait3A_154 = tpu.memref_slice %arg11[%add3A_13, %dma_wait3A] : memref<10000x128xf32, #tpu.memory_space<vmem_shared>> -> memref<25x128xf32, #tpu.memory_space<vmem_shared>>
      %dma_wait3A_155 = arith.constant 0 : i32
      %dma_wait3A_156 = tpu.memref_slice %arg11[%add3A_13, %dma_wait3A_155] : memref<10000x128xf32, #tpu.memory_space<vmem_shared>> -> memref<25x128xf32, #tpu.memory_space<vmem_shared>>
      tpu.wait_dma2 semaphore(%run_scoped3A : memref<!tpu.dma_semaphore, #tpu.memory_space<semaphore_mem>>) src(%arg10 : memref<25x128xf32, #tpu.memory_space<vmem>>) dst(%dma_wait3A_156 : memref<25x128xf32, #tpu.memory_space<vmem_shared>>)
      tpu.yield
    }) : () -> ()
    %mul3A_14 = arith.constant 625 : i32
    %mul3A_15 = arith.muli %arg1, %mul3A_14 : i32
    %add3A_16 = arith.constant 50 : i32
    %add3A_17 = arith.addi %mul3A_15, %add3A_16 : i32
    "tpu.region"() ({
      %run_scoped3A = tpu.sem_alloc : memref<!tpu.dma_semaphore, #tpu.memory_space<semaphore_mem>>
      %dma_start3A_150 = arith.constant 0 : i32
      %dma_start3A_151 = tpu.memref_slice %arg11[%add3A_17, %dma_start3A_150] : memref<10000x128xf32, #tpu.memory_space<vmem_shared>> -> memref<25x128xf32, #tpu.memory_space<vmem_shared>>
      %dma_start3A_152 = arith.constant 0 : i32
      %dma_start3A_153 = tpu.memref_slice %arg11[%add3A_17, %dma_start3A_152] : memref<10000x128xf32, #tpu.memory_space<vmem_shared>> -> memref<25x128xf32, #tpu.memory_space<vmem_shared>>
      tpu.enqueue_dma source(%arg10 : memref<25x128xf32, #tpu.memory_space<vmem>>) target(%dma_start3A_153 : memref<25x128xf32, #tpu.memory_space<vmem_shared>>) target_semaphore(%run_scoped3A : memref<!tpu.dma_semaphore, #tpu.memory_space<semaphore_mem>>)
      %dma_wait3A = arith.constant 0 : i32
      %dma_wait3A_154 = tpu.memref_slice %arg11[%add3A_17, %dma_wait3A] : memref<10000x128xf32, #tpu.memory_space<vmem_shared>> -> memref<25x128xf32, #tpu.memory_space<vmem_shared>>
      %dma_wait3A_155 = arith.constant 0 : i32
      %dma_wait3A_156 = tpu.memref_slice %arg11[%add3A_17, %dma_wait3A_155] : memref<10000x128xf32, #tpu.memory_space<vmem_shared>> -> memref<25x128xf32, #tpu.memory_space<vmem_shared>>
      tpu.wait_dma2 semaphore(%run_scoped3A : memref<!tpu.dma_semaphore, #tpu.memory_space<semaphore_mem>>) src(%arg10 : memref<25x128xf32, #tpu.memory_space<vmem>>) dst(%dma_wait3A_156 : memref<25x128xf32, #tpu.memory_space<vmem_shared>>)
      tpu.yield
    }) : () -> ()
    %mul3A_18 = arith.constant 625 : i32
    %mul3A_19 = arith.muli %arg1, %mul3A_18 : i32
    %add3A_20 = arith.constant 75 : i32
    %add3A_21 = arith.addi %mul3A_19, %add3A_20 : i32
    "tpu.region"() ({
      %run_scoped3A = tpu.sem_alloc : memref<!tpu.dma_semaphore, #tpu.memory_space<semaphore_mem>>
      %dma_start3A_150 = arith.constant 0 : i32
      %dma_start3A_151 = tpu.memref_slice %arg11[%add3A_21, %dma_start3A_150] : memref<10000x128xf32, #tpu.memory_space<vmem_shared>> -> memref<25x128xf32, #tpu.memory_space<vmem_shared>>
      %dma_start3A_152 = arith.constant 0 : i32
      %dma_start3A_153 = tpu.memref_slice %arg11[%add3A_21, %dma_start3A_152] : memref<10000x128xf32, #tpu.memory_space<vmem_shared>> -> memref<25x128xf32, #tpu.memory_space<vmem_shared>>
      tpu.enqueue_dma source(%arg10 : memref<25x128xf32, #tpu.memory_space<vmem>>) target(%dma_start3A_153 : memref<25x128xf32, #tpu.memory_space<vmem_shared>>) target_semaphore(%run_scoped3A : memref<!tpu.dma_semaphore, #tpu.memory_space<semaphore_mem>>)
      %dma_wait3A = arith.constant 0 : i32
      %dma_wait3A_154 = tpu.memref_slice %arg11[%add3A_21, %dma_wait3A] : memref<10000x128xf32, #tpu.memory_space<vmem_shared>> -> memref<25x128xf32, #tpu.memory_space<vmem_shared>>
      %dma_wait3A_155 = arith.constant 0 : i32
      %dma_wait3A_156 = tpu.memref_slice %arg11[%add3A_21, %dma_wait3A_155] : memref<10000x128xf32, #tpu.memory_space<vmem_shared>> -> memref<25x128xf32, #tpu.memory_space<vmem_shared>>
      tpu.wait_dma2 semaphore(%run_scoped3A : memref<!tpu.dma_semaphore, #tpu.memory_space<semaphore_mem>>) src(%arg10 : memref<25x128xf32, #tpu.memory_space<vmem>>) dst(%dma_wait3A_156 : memref<25x128xf32, #tpu.memory_space<vmem_shared>>)
      tpu.yield
    }) : () -> ()
    %mul3A_22 = arith.constant 625 : i32
    %mul3A_23 = arith.muli %arg1, %mul3A_22 : i32
    %add3A_24 = arith.constant 100 : i32
    %add3A_25 = arith.addi %mul3A_23, %add3A_24 : i32
    "tpu.region"() ({
      %run_scoped3A = tpu.sem_alloc : memref<!tpu.dma_semaphore, #tpu.memory_space<semaphore_mem>>
      %dma_start3A_150 = arith.constant 0 : i32
      %dma_start3A_151 = tpu.memref_slice %arg11[%add3A_25, %dma_start3A_150] : memref<10000x128xf32, #tpu.memory_space<vmem_shared>> -> memref<25x128xf32, #tpu.memory_space<vmem_shared>>
      %dma_start3A_152 = arith.constant 0 : i32
      %dma_start3A_153 = tpu.memref_slice %arg11[%add3A_25, %dma_start3A_152] : memref<10000x128xf32, #tpu.memory_space<vmem_shared>> -> memref<25x128xf32, #tpu.memory_space<vmem_shared>>
      tpu.enqueue_dma source(%arg10 : memref<25x128xf32, #tpu.memory_space<vmem>>) target(%dma_start3A_153 : memref<25x128xf32, #tpu.memory_space<vmem_shared>>) target_semaphore(%run_scoped3A : memref<!tpu.dma_semaphore, #tpu.memory_space<semaphore_mem>>)
      %dma_wait3A = arith.constant 0 : i32
      %dma_wait3A_154 = tpu.memref_slice %arg11[%add3A_25, %dma_wait3A] : memref<10000x128xf32, #tpu.memory_space<vmem_shared>> -> memref<25x128xf32, #tpu.memory_space<vmem_shared>>
      %dma_wait3A_155 = arith.constant 0 : i32
      %dma_wait3A_156 = tpu.memref_slice %arg11[%add3A_25, %dma_wait3A_155] : memref<10000x128xf32, #tpu.memory_space<vmem_shared>> -> memref<25x128xf32, #tpu.memory_space<vmem_shared>>
      tpu.wait_dma2 semaphore(%run_scoped3A : memref<!tpu.dma_semaphore, #tpu.memory_space<semaphore_mem>>) src(%arg10 : memref<25x128xf32, #tpu.memory_space<vmem>>) dst(%dma_wait3A_156 : memref<25x128xf32, #tpu.memory_space<vmem_shared>>)
      tpu.yield
    }) : () -> ()
    %mul3A_26 = arith.constant 625 : i32
    %mul3A_27 = arith.muli %arg1, %mul3A_26 : i32
    %add3A_28 = arith.constant 125 : i32
    %add3A_29 = arith.addi %mul3A_27, %add3A_28 : i32
    "tpu.region"() ({
      %run_scoped3A = tpu.sem_alloc : memref<!tpu.dma_semaphore, #tpu.memory_space<semaphore_mem>>
      %dma_start3A_150 = arith.constant 0 : i32
      %dma_start3A_151 = tpu.memref_slice %arg11[%add3A_29, %dma_start3A_150] : memref<10000x128xf32, #tpu.memory_space<vmem_shared>> -> memref<25x128xf32, #tpu.memory_space<vmem_shared>>
      %dma_start3A_152 = arith.constant 0 : i32
      %dma_start3A_153 = tpu.memref_slice %arg11[%add3A_29, %dma_start3A_152] : memref<10000x128xf32, #tpu.memory_space<vmem_shared>> -> memref<25x128xf32, #tpu.memory_space<vmem_shared>>
      tpu.enqueue_dma source(%arg10 : memref<25x128xf32, #tpu.memory_space<vmem>>) target(%dma_start3A_153 : memref<25x128xf32, #tpu.memory_space<vmem_shared>>) target_semaphore(%run_scoped3A : memref<!tpu.dma_semaphore, #tpu.memory_space<semaphore_mem>>)
      %dma_wait3A = arith.constant 0 : i32
      %dma_wait3A_154 = tpu.memref_slice %arg11[%add3A_29, %dma_wait3A] : memref<10000x128xf32, #tpu.memory_space<vmem_shared>> -> memref<25x128xf32, #tpu.memory_space<vmem_shared>>
      %dma_wait3A_155 = arith.constant 0 : i32
      %dma_wait3A_156 = tpu.memref_slice %arg11[%add3A_29, %dma_wait3A_155] : memref<10000x128xf32, #tpu.memory_space<vmem_shared>> -> memref<25x128xf32, #tpu.memory_space<vmem_shared>>
      tpu.wait_dma2 semaphore(%run_scoped3A : memref<!tpu.dma_semaphore, #tpu.memory_space<semaphore_mem>>) src(%arg10 : memref<25x128xf32, #tpu.memory_space<vmem>>) dst(%dma_wait3A_156 : memref<25x128xf32, #tpu.memory_space<vmem_shared>>)
      tpu.yield
    }) : () -> ()
    %mul3A_30 = arith.constant 625 : i32
    %mul3A_31 = arith.muli %arg1, %mul3A_30 : i32
    %add3A_32 = arith.constant 150 : i32
    %add3A_33 = arith.addi %mul3A_31, %add3A_32 : i32
    "tpu.region"() ({
      %run_scoped3A = tpu.sem_alloc : memref<!tpu.dma_semaphore, #tpu.memory_space<semaphore_mem>>
      %dma_start3A_150 = arith.constant 0 : i32
      %dma_start3A_151 = tpu.memref_slice %arg11[%add3A_33, %dma_start3A_150] : memref<10000x128xf32, #tpu.memory_space<vmem_shared>> -> memref<25x128xf32, #tpu.memory_space<vmem_shared>>
      %dma_start3A_152 = arith.constant 0 : i32
      %dma_start3A_153 = tpu.memref_slice %arg11[%add3A_33, %dma_start3A_152] : memref<10000x128xf32, #tpu.memory_space<vmem_shared>> -> memref<25x128xf32, #tpu.memory_space<vmem_shared>>
      tpu.enqueue_dma source(%arg10 : memref<25x128xf32, #tpu.memory_space<vmem>>) target(%dma_start3A_153 : memref<25x128xf32, #tpu.memory_space<vmem_shared>>) target_semaphore(%run_scoped3A : memref<!tpu.dma_semaphore, #tpu.memory_space<semaphore_mem>>)
      %dma_wait3A = arith.constant 0 : i32
      %dma_wait3A_154 = tpu.memref_slice %arg11[%add3A_33, %dma_wait3A] : memref<10000x128xf32, #tpu.memory_space<vmem_shared>> -> memref<25x128xf32, #tpu.memory_space<vmem_shared>>
      %dma_wait3A_155 = arith.constant 0 : i32
      %dma_wait3A_156 = tpu.memref_slice %arg11[%add3A_33, %dma_wait3A_155] : memref<10000x128xf32, #tpu.memory_space<vmem_shared>> -> memref<25x128xf32, #tpu.memory_space<vmem_shared>>
      tpu.wait_dma2 semaphore(%run_scoped3A : memref<!tpu.dma_semaphore, #tpu.memory_space<semaphore_mem>>) src(%arg10 : memref<25x128xf32, #tpu.memory_space<vmem>>) dst(%dma_wait3A_156 : memref<25x128xf32, #tpu.memory_space<vmem_shared>>)
      tpu.yield
    }) : () -> ()
    %mul3A_34 = arith.constant 625 : i32
    %mul3A_35 = arith.muli %arg1, %mul3A_34 : i32
    %add3A_36 = arith.constant 175 : i32
    %add3A_37 = arith.addi %mul3A_35, %add3A_36 : i32
    "tpu.region"() ({
      %run_scoped3A = tpu.sem_alloc : memref<!tpu.dma_semaphore, #tpu.memory_space<semaphore_mem>>
      %dma_start3A_150 = arith.constant 0 : i32
      %dma_start3A_151 = tpu.memref_slice %arg11[%add3A_37, %dma_start3A_150] : memref<10000x128xf32, #tpu.memory_space<vmem_shared>> -> memref<25x128xf32, #tpu.memory_space<vmem_shared>>
      %dma_start3A_152 = arith.constant 0 : i32
      %dma_start3A_153 = tpu.memref_slice %arg11[%add3A_37, %dma_start3A_152] : memref<10000x128xf32, #tpu.memory_space<vmem_shared>> -> memref<25x128xf32, #tpu.memory_space<vmem_shared>>
      tpu.enqueue_dma source(%arg10 : memref<25x128xf32, #tpu.memory_space<vmem>>) target(%dma_start3A_153 : memref<25x128xf32, #tpu.memory_space<vmem_shared>>) target_semaphore(%run_scoped3A : memref<!tpu.dma_semaphore, #tpu.memory_space<semaphore_mem>>)
      %dma_wait3A = arith.constant 0 : i32
      %dma_wait3A_154 = tpu.memref_slice %arg11[%add3A_37, %dma_wait3A] : memref<10000x128xf32, #tpu.memory_space<vmem_shared>> -> memref<25x128xf32, #tpu.memory_space<vmem_shared>>
      %dma_wait3A_155 = arith.constant 0 : i32
      %dma_wait3A_156 = tpu.memref_slice %arg11[%add3A_37, %dma_wait3A_155] : memref<10000x128xf32, #tpu.memory_space<vmem_shared>> -> memref<25x128xf32, #tpu.memory_space<vmem_shared>>
      tpu.wait_dma2 semaphore(%run_scoped3A : memref<!tpu.dma_semaphore, #tpu.memory_space<semaphore_mem>>) src(%arg10 : memref<25x128xf32, #tpu.memory_space<vmem>>) dst(%dma_wait3A_156 : memref<25x128xf32, #tpu.memory_space<vmem_shared>>)
      tpu.yield
    }) : () -> ()
    %mul3A_38 = arith.constant 625 : i32
    %mul3A_39 = arith.muli %arg1, %mul3A_38 : i32
    %add3A_40 = arith.constant 200 : i32
    %add3A_41 = arith.addi %mul3A_39, %add3A_40 : i32
    "tpu.region"() ({
      %run_scoped3A = tpu.sem_alloc : memref<!tpu.dma_semaphore, #tpu.memory_space<semaphore_mem>>
      %dma_start3A_150 = arith.constant 0 : i32
      %dma_start3A_151 = tpu.memref_slice %arg11[%add3A_41, %dma_start3A_150] : memref<10000x128xf32, #tpu.memory_space<vmem_shared>> -> memref<25x128xf32, #tpu.memory_space<vmem_shared>>
      %dma_start3A_152 = arith.constant 0 : i32
      %dma_start3A_153 = tpu.memref_slice %arg11[%add3A_41, %dma_start3A_152] : memref<10000x128xf32, #tpu.memory_space<vmem_shared>> -> memref<25x128xf32, #tpu.memory_space<vmem_shared>>
      tpu.enqueue_dma source(%arg10 : memref<25x128xf32, #tpu.memory_space<vmem>>) target(%dma_start3A_153 : memref<25x128xf32, #tpu.memory_space<vmem_shared>>) target_semaphore(%run_scoped3A : memref<!tpu.dma_semaphore, #tpu.memory_space<semaphore_mem>>)
      %dma_wait3A = arith.constant 0 : i32
      %dma_wait3A_154 = tpu.memref_slice %arg11[%add3A_41, %dma_wait3A] : memref<10000x128xf32, #tpu.memory_space<vmem_shared>> -> memref<25x128xf32, #tpu.memory_space<vmem_shared>>
      %dma_wait3A_155 = arith.constant 0 : i32
      %dma_wait3A_156 = tpu.memref_slice %arg11[%add3A_41, %dma_wait3A_155] : memref<10000x128xf32, #tpu.memory_space<vmem_shared>> -> memref<25x128xf32, #tpu.memory_space<vmem_shared>>
      tpu.wait_dma2 semaphore(%run_scoped3A : memref<!tpu.dma_semaphore, #tpu.memory_space<semaphore_mem>>) src(%arg10 : memref<25x128xf32, #tpu.memory_space<vmem>>) dst(%dma_wait3A_156 : memref<25x128xf32, #tpu.memory_space<vmem_shared>>)
      tpu.yield
    }) : () -> ()
    %mul3A_42 = arith.constant 625 : i32
    %mul3A_43 = arith.muli %arg1, %mul3A_42 : i32
    %add3A_44 = arith.constant 225 : i32
    %add3A_45 = arith.addi %mul3A_43, %add3A_44 : i32
    "tpu.region"() ({
      %run_scoped3A = tpu.sem_alloc : memref<!tpu.dma_semaphore, #tpu.memory_space<semaphore_mem>>
      %dma_start3A_150 = arith.constant 0 : i32
      %dma_start3A_151 = tpu.memref_slice %arg11[%add3A_45, %dma_start3A_150] : memref<10000x128xf32, #tpu.memory_space<vmem_shared>> -> memref<25x128xf32, #tpu.memory_space<vmem_shared>>
      %dma_start3A_152 = arith.constant 0 : i32
      %dma_start3A_153 = tpu.memref_slice %arg11[%add3A_45, %dma_start3A_152] : memref<10000x128xf32, #tpu.memory_space<vmem_shared>> -> memref<25x128xf32, #tpu.memory_space<vmem_shared>>
      tpu.enqueue_dma source(%arg10 : memref<25x128xf32, #tpu.memory_space<vmem>>) target(%dma_start3A_153 : memref<25x128xf32, #tpu.memory_space<vmem_shared>>) target_semaphore(%run_scoped3A : memref<!tpu.dma_semaphore, #tpu.memory_space<semaphore_mem>>)
      %dma_wait3A = arith.constant 0 : i32
      %dma_wait3A_154 = tpu.memref_slice %arg11[%add3A_45, %dma_wait3A] : memref<10000x128xf32, #tpu.memory_space<vmem_shared>> -> memref<25x128xf32, #tpu.memory_space<vmem_shared>>
      %dma_wait3A_155 = arith.constant 0 : i32
      %dma_wait3A_156 = tpu.memref_slice %arg11[%add3A_45, %dma_wait3A_155] : memref<10000x128xf32, #tpu.memory_space<vmem_shared>> -> memref<25x128xf32, #tpu.memory_space<vmem_shared>>
      tpu.wait_dma2 semaphore(%run_scoped3A : memref<!tpu.dma_semaphore, #tpu.memory_space<semaphore_mem>>) src(%arg10 : memref<25x128xf32, #tpu.memory_space<vmem>>) dst(%dma_wait3A_156 : memref<25x128xf32, #tpu.memory_space<vmem_shared>>)
      tpu.yield
    }) : () -> ()
    %mul3A_46 = arith.constant 625 : i32
    %mul3A_47 = arith.muli %arg1, %mul3A_46 : i32
    %add3A_48 = arith.constant 250 : i32
    %add3A_49 = arith.addi %mul3A_47, %add3A_48 : i32
    "tpu.region"() ({
      %run_scoped3A = tpu.sem_alloc : memref<!tpu.dma_semaphore, #tpu.memory_space<semaphore_mem>>
      %dma_start3A_150 = arith.constant 0 : i32
      %dma_start3A_151 = tpu.memref_slice %arg11[%add3A_49, %dma_start3A_150] : memref<10000x128xf32, #tpu.memory_space<vmem_shared>> -> memref<25x128xf32, #tpu.memory_space<vmem_shared>>
      %dma_start3A_152 = arith.constant 0 : i32
      %dma_start3A_153 = tpu.memref_slice %arg11[%add3A_49, %dma_start3A_152] : memref<10000x128xf32, #tpu.memory_space<vmem_shared>> -> memref<25x128xf32, #tpu.memory_space<vmem_shared>>
      tpu.enqueue_dma source(%arg10 : memref<25x128xf32, #tpu.memory_space<vmem>>) target(%dma_start3A_153 : memref<25x128xf32, #tpu.memory_space<vmem_shared>>) target_semaphore(%run_scoped3A : memref<!tpu.dma_semaphore, #tpu.memory_space<semaphore_mem>>)
      %dma_wait3A = arith.constant 0 : i32
      %dma_wait3A_154 = tpu.memref_slice %arg11[%add3A_49, %dma_wait3A] : memref<10000x128xf32, #tpu.memory_space<vmem_shared>> -> memref<25x128xf32, #tpu.memory_space<vmem_shared>>
      %dma_wait3A_155 = arith.constant 0 : i32
      %dma_wait3A_156 = tpu.memref_slice %arg11[%add3A_49, %dma_wait3A_155] : memref<10000x128xf32, #tpu.memory_space<vmem_shared>> -> memref<25x128xf32, #tpu.memory_space<vmem_shared>>
      tpu.wait_dma2 semaphore(%run_scoped3A : memref<!tpu.dma_semaphore, #tpu.memory_space<semaphore_mem>>) src(%arg10 : memref<25x128xf32, #tpu.memory_space<vmem>>) dst(%dma_wait3A_156 : memref<25x128xf32, #tpu.memory_space<vmem_shared>>)
      tpu.yield
    }) : () -> ()
    %mul3A_50 = arith.constant 625 : i32
    %mul3A_51 = arith.muli %arg1, %mul3A_50 : i32
    %add3A_52 = arith.constant 275 : i32
    %add3A_53 = arith.addi %mul3A_51, %add3A_52 : i32
    "tpu.region"() ({
      %run_scoped3A = tpu.sem_alloc : memref<!tpu.dma_semaphore, #tpu.memory_space<semaphore_mem>>
      %dma_start3A_150 = arith.constant 0 : i32
      %dma_start3A_151 = tpu.memref_slice %arg11[%add3A_53, %dma_start3A_150] : memref<10000x128xf32, #tpu.memory_space<vmem_shared>> -> memref<25x128xf32, #tpu.memory_space<vmem_shared>>
      %dma_start3A_152 = arith.constant 0 : i32
      %dma_start3A_153 = tpu.memref_slice %arg11[%add3A_53, %dma_start3A_152] : memref<10000x128xf32, #tpu.memory_space<vmem_shared>> -> memref<25x128xf32, #tpu.memory_space<vmem_shared>>
      tpu.enqueue_dma source(%arg10 : memref<25x128xf32, #tpu.memory_space<vmem>>) target(%dma_start3A_153 : memref<25x128xf32, #tpu.memory_space<vmem_shared>>) target_semaphore(%run_scoped3A : memref<!tpu.dma_semaphore, #tpu.memory_space<semaphore_mem>>)
      %dma_wait3A = arith.constant 0 : i32
      %dma_wait3A_154 = tpu.memref_slice %arg11[%add3A_53, %dma_wait3A] : memref<10000x128xf32, #tpu.memory_space<vmem_shared>> -> memref<25x128xf32, #tpu.memory_space<vmem_shared>>
      %dma_wait3A_155 = arith.constant 0 : i32
      %dma_wait3A_156 = tpu.memref_slice %arg11[%add3A_53, %dma_wait3A_155] : memref<10000x128xf32, #tpu.memory_space<vmem_shared>> -> memref<25x128xf32, #tpu.memory_space<vmem_shared>>
      tpu.wait_dma2 semaphore(%run_scoped3A : memref<!tpu.dma_semaphore, #tpu.memory_space<semaphore_mem>>) src(%arg10 : memref<25x128xf32, #tpu.memory_space<vmem>>) dst(%dma_wait3A_156 : memref<25x128xf32, #tpu.memory_space<vmem_shared>>)
      tpu.yield
    }) : () -> ()
    %mul3A_54 = arith.constant 625 : i32
    %mul3A_55 = arith.muli %arg1, %mul3A_54 : i32
    %add3A_56 = arith.constant 300 : i32
    %add3A_57 = arith.addi %mul3A_55, %add3A_56 : i32
    "tpu.region"() ({
      %run_scoped3A = tpu.sem_alloc : memref<!tpu.dma_semaphore, #tpu.memory_space<semaphore_mem>>
      %dma_start3A_150 = arith.constant 0 : i32
      %dma_start3A_151 = tpu.memref_slice %arg11[%add3A_57, %dma_start3A_150] : memref<10000x128xf32, #tpu.memory_space<vmem_shared>> -> memref<25x128xf32, #tpu.memory_space<vmem_shared>>
      %dma_start3A_152 = arith.constant 0 : i32
      %dma_start3A_153 = tpu.memref_slice %arg11[%add3A_57, %dma_start3A_152] : memref<10000x128xf32, #tpu.memory_space<vmem_shared>> -> memref<25x128xf32, #tpu.memory_space<vmem_shared>>
      tpu.enqueue_dma source(%arg10 : memref<25x128xf32, #tpu.memory_space<vmem>>) target(%dma_start3A_153 : memref<25x128xf32, #tpu.memory_space<vmem_shared>>) target_semaphore(%run_scoped3A : memref<!tpu.dma_semaphore, #tpu.memory_space<semaphore_mem>>)
      %dma_wait3A = arith.constant 0 : i32
      %dma_wait3A_154 = tpu.memref_slice %arg11[%add3A_57, %dma_wait3A] : memref<10000x128xf32, #tpu.memory_space<vmem_shared>> -> memref<25x128xf32, #tpu.memory_space<vmem_shared>>
      %dma_wait3A_155 = arith.constant 0 : i32
      %dma_wait3A_156 = tpu.memref_slice %arg11[%add3A_57, %dma_wait3A_155] : memref<10000x128xf32, #tpu.memory_space<vmem_shared>> -> memref<25x128xf32, #tpu.memory_space<vmem_shared>>
      tpu.wait_dma2 semaphore(%run_scoped3A : memref<!tpu.dma_semaphore, #tpu.memory_space<semaphore_mem>>) src(%arg10 : memref<25x128xf32, #tpu.memory_space<vmem>>) dst(%dma_wait3A_156 : memref<25x128xf32, #tpu.memory_space<vmem_shared>>)
      tpu.yield
    }) : () -> ()
    %mul3A_58 = arith.constant 625 : i32
    %mul3A_59 = arith.muli %arg1, %mul3A_58 : i32
    %add3A_60 = arith.constant 325 : i32
    %add3A_61 = arith.addi %mul3A_59, %add3A_60 : i32
    "tpu.region"() ({
      %run_scoped3A = tpu.sem_alloc : memref<!tpu.dma_semaphore, #tpu.memory_space<semaphore_mem>>
      %dma_start3A_150 = arith.constant 0 : i32
      %dma_start3A_151 = tpu.memref_slice %arg11[%add3A_61, %dma_start3A_150] : memref<10000x128xf32, #tpu.memory_space<vmem_shared>> -> memref<25x128xf32, #tpu.memory_space<vmem_shared>>
      %dma_start3A_152 = arith.constant 0 : i32
      %dma_start3A_153 = tpu.memref_slice %arg11[%add3A_61, %dma_start3A_152] : memref<10000x128xf32, #tpu.memory_space<vmem_shared>> -> memref<25x128xf32, #tpu.memory_space<vmem_shared>>
      tpu.enqueue_dma source(%arg10 : memref<25x128xf32, #tpu.memory_space<vmem>>) target(%dma_start3A_153 : memref<25x128xf32, #tpu.memory_space<vmem_shared>>) target_semaphore(%run_scoped3A : memref<!tpu.dma_semaphore, #tpu.memory_space<semaphore_mem>>)
      %dma_wait3A = arith.constant 0 : i32
      %dma_wait3A_154 = tpu.memref_slice %arg11[%add3A_61, %dma_wait3A] : memref<10000x128xf32, #tpu.memory_space<vmem_shared>> -> memref<25x128xf32, #tpu.memory_space<vmem_shared>>
      %dma_wait3A_155 = arith.constant 0 : i32
      %dma_wait3A_156 = tpu.memref_slice %arg11[%add3A_61, %dma_wait3A_155] : memref<10000x128xf32, #tpu.memory_space<vmem_shared>> -> memref<25x128xf32, #tpu.memory_space<vmem_shared>>
      tpu.wait_dma2 semaphore(%run_scoped3A : memref<!tpu.dma_semaphore, #tpu.memory_space<semaphore_mem>>) src(%arg10 : memref<25x128xf32, #tpu.memory_space<vmem>>) dst(%dma_wait3A_156 : memref<25x128xf32, #tpu.memory_space<vmem_shared>>)
      tpu.yield
    }) : () -> ()
    %mul3A_62 = arith.constant 625 : i32
    %mul3A_63 = arith.muli %arg1, %mul3A_62 : i32
    %add3A_64 = arith.constant 350 : i32
    %add3A_65 = arith.addi %mul3A_63, %add3A_64 : i32
    "tpu.region"() ({
      %run_scoped3A = tpu.sem_alloc : memref<!tpu.dma_semaphore, #tpu.memory_space<semaphore_mem>>
      %dma_start3A_150 = arith.constant 0 : i32
      %dma_start3A_151 = tpu.memref_slice %arg11[%add3A_65, %dma_start3A_150] : memref<10000x128xf32, #tpu.memory_space<vmem_shared>> -> memref<25x128xf32, #tpu.memory_space<vmem_shared>>
      %dma_start3A_152 = arith.constant 0 : i32
      %dma_start3A_153 = tpu.memref_slice %arg11[%add3A_65, %dma_start3A_152] : memref<10000x128xf32, #tpu.memory_space<vmem_shared>> -> memref<25x128xf32, #tpu.memory_space<vmem_shared>>
      tpu.enqueue_dma source(%arg10 : memref<25x128xf32, #tpu.memory_space<vmem>>) target(%dma_start3A_153 : memref<25x128xf32, #tpu.memory_space<vmem_shared>>) target_semaphore(%run_scoped3A : memref<!tpu.dma_semaphore, #tpu.memory_space<semaphore_mem>>)
      %dma_wait3A = arith.constant 0 : i32
      %dma_wait3A_154 = tpu.memref_slice %arg11[%add3A_65, %dma_wait3A] : memref<10000x128xf32, #tpu.memory_space<vmem_shared>> -> memref<25x128xf32, #tpu.memory_space<vmem_shared>>
      %dma_wait3A_155 = arith.constant 0 : i32
      %dma_wait3A_156 = tpu.memref_slice %arg11[%add3A_65, %dma_wait3A_155] : memref<10000x128xf32, #tpu.memory_space<vmem_shared>> -> memref<25x128xf32, #tpu.memory_space<vmem_shared>>
      tpu.wait_dma2 semaphore(%run_scoped3A : memref<!tpu.dma_semaphore, #tpu.memory_space<semaphore_mem>>) src(%arg10 : memref<25x128xf32, #tpu.memory_space<vmem>>) dst(%dma_wait3A_156 : memref<25x128xf32, #tpu.memory_space<vmem_shared>>)
      tpu.yield
    }) : () -> ()
    %mul3A_66 = arith.constant 625 : i32
    %mul3A_67 = arith.muli %arg1, %mul3A_66 : i32
    %add3A_68 = arith.constant 375 : i32
    %add3A_69 = arith.addi %mul3A_67, %add3A_68 : i32
    "tpu.region"() ({
      %run_scoped3A = tpu.sem_alloc : memref<!tpu.dma_semaphore, #tpu.memory_space<semaphore_mem>>
      %dma_start3A_150 = arith.constant 0 : i32
      %dma_start3A_151 = tpu.memref_slice %arg11[%add3A_69, %dma_start3A_150] : memref<10000x128xf32, #tpu.memory_space<vmem_shared>> -> memref<25x128xf32, #tpu.memory_space<vmem_shared>>
      %dma_start3A_152 = arith.constant 0 : i32
      %dma_start3A_153 = tpu.memref_slice %arg11[%add3A_69, %dma_start3A_152] : memref<10000x128xf32, #tpu.memory_space<vmem_shared>> -> memref<25x128xf32, #tpu.memory_space<vmem_shared>>
      tpu.enqueue_dma source(%arg10 : memref<25x128xf32, #tpu.memory_space<vmem>>) target(%dma_start3A_153 : memref<25x128xf32, #tpu.memory_space<vmem_shared>>) target_semaphore(%run_scoped3A : memref<!tpu.dma_semaphore, #tpu.memory_space<semaphore_mem>>)
      %dma_wait3A = arith.constant 0 : i32
      %dma_wait3A_154 = tpu.memref_slice %arg11[%add3A_69, %dma_wait3A] : memref<10000x128xf32, #tpu.memory_space<vmem_shared>> -> memref<25x128xf32, #tpu.memory_space<vmem_shared>>
      %dma_wait3A_155 = arith.constant 0 : i32
      %dma_wait3A_156 = tpu.memref_slice %arg11[%add3A_69, %dma_wait3A_155] : memref<10000x128xf32, #tpu.memory_space<vmem_shared>> -> memref<25x128xf32, #tpu.memory_space<vmem_shared>>
      tpu.wait_dma2 semaphore(%run_scoped3A : memref<!tpu.dma_semaphore, #tpu.memory_space<semaphore_mem>>) src(%arg10 : memref<25x128xf32, #tpu.memory_space<vmem>>) dst(%dma_wait3A_156 : memref<25x128xf32, #tpu.memory_space<vmem_shared>>)
      tpu.yield
    }) : () -> ()
    %mul3A_70 = arith.constant 625 : i32
    %mul3A_71 = arith.muli %arg1, %mul3A_70 : i32
    %add3A_72 = arith.constant 400 : i32
    %add3A_73 = arith.addi %mul3A_71, %add3A_72 : i32
    "tpu.region"() ({
      %run_scoped3A = tpu.sem_alloc : memref<!tpu.dma_semaphore, #tpu.memory_space<semaphore_mem>>
      %dma_start3A_150 = arith.constant 0 : i32
      %dma_start3A_151 = tpu.memref_slice %arg11[%add3A_73, %dma_start3A_150] : memref<10000x128xf32, #tpu.memory_space<vmem_shared>> -> memref<25x128xf32, #tpu.memory_space<vmem_shared>>
      %dma_start3A_152 = arith.constant 0 : i32
      %dma_start3A_153 = tpu.memref_slice %arg11[%add3A_73, %dma_start3A_152] : memref<10000x128xf32, #tpu.memory_space<vmem_shared>> -> memref<25x128xf32, #tpu.memory_space<vmem_shared>>
      tpu.enqueue_dma source(%arg10 : memref<25x128xf32, #tpu.memory_space<vmem>>) target(%dma_start3A_153 : memref<25x128xf32, #tpu.memory_space<vmem_shared>>) target_semaphore(%run_scoped3A : memref<!tpu.dma_semaphore, #tpu.memory_space<semaphore_mem>>)
      %dma_wait3A = arith.constant 0 : i32
      %dma_wait3A_154 = tpu.memref_slice %arg11[%add3A_73, %dma_wait3A] : memref<10000x128xf32, #tpu.memory_space<vmem_shared>> -> memref<25x128xf32, #tpu.memory_space<vmem_shared>>
      %dma_wait3A_155 = arith.constant 0 : i32
      %dma_wait3A_156 = tpu.memref_slice %arg11[%add3A_73, %dma_wait3A_155] : memref<10000x128xf32, #tpu.memory_space<vmem_shared>> -> memref<25x128xf32, #tpu.memory_space<vmem_shared>>
      tpu.wait_dma2 semaphore(%run_scoped3A : memref<!tpu.dma_semaphore, #tpu.memory_space<semaphore_mem>>) src(%arg10 : memref<25x128xf32, #tpu.memory_space<vmem>>) dst(%dma_wait3A_156 : memref<25x128xf32, #tpu.memory_space<vmem_shared>>)
      tpu.yield
    }) : () -> ()
    %mul3A_74 = arith.constant 625 : i32
    %mul3A_75 = arith.muli %arg1, %mul3A_74 : i32
    %add3A_76 = arith.constant 425 : i32
    %add3A_77 = arith.addi %mul3A_75, %add3A_76 : i32
    "tpu.region"() ({
      %run_scoped3A = tpu.sem_alloc : memref<!tpu.dma_semaphore, #tpu.memory_space<semaphore_mem>>
      %dma_start3A_150 = arith.constant 0 : i32
      %dma_start3A_151 = tpu.memref_slice %arg11[%add3A_77, %dma_start3A_150] : memref<10000x128xf32, #tpu.memory_space<vmem_shared>> -> memref<25x128xf32, #tpu.memory_space<vmem_shared>>
      %dma_start3A_152 = arith.constant 0 : i32
      %dma_start3A_153 = tpu.memref_slice %arg11[%add3A_77, %dma_start3A_152] : memref<10000x128xf32, #tpu.memory_space<vmem_shared>> -> memref<25x128xf32, #tpu.memory_space<vmem_shared>>
      tpu.enqueue_dma source(%arg10 : memref<25x128xf32, #tpu.memory_space<vmem>>) target(%dma_start3A_153 : memref<25x128xf32, #tpu.memory_space<vmem_shared>>) target_semaphore(%run_scoped3A : memref<!tpu.dma_semaphore, #tpu.memory_space<semaphore_mem>>)
      %dma_wait3A = arith.constant 0 : i32
      %dma_wait3A_154 = tpu.memref_slice %arg11[%add3A_77, %dma_wait3A] : memref<10000x128xf32, #tpu.memory_space<vmem_shared>> -> memref<25x128xf32, #tpu.memory_space<vmem_shared>>
      %dma_wait3A_155 = arith.constant 0 : i32
      %dma_wait3A_156 = tpu.memref_slice %arg11[%add3A_77, %dma_wait3A_155] : memref<10000x128xf32, #tpu.memory_space<vmem_shared>> -> memref<25x128xf32, #tpu.memory_space<vmem_shared>>
      tpu.wait_dma2 semaphore(%run_scoped3A : memref<!tpu.dma_semaphore, #tpu.memory_space<semaphore_mem>>) src(%arg10 : memref<25x128xf32, #tpu.memory_space<vmem>>) dst(%dma_wait3A_156 : memref<25x128xf32, #tpu.memory_space<vmem_shared>>)
      tpu.yield
    }) : () -> ()
    %mul3A_78 = arith.constant 625 : i32
    %mul3A_79 = arith.muli %arg1, %mul3A_78 : i32
    %add3A_80 = arith.constant 450 : i32
    %add3A_81 = arith.addi %mul3A_79, %add3A_80 : i32
    "tpu.region"() ({
      %run_scoped3A = tpu.sem_alloc : memref<!tpu.dma_semaphore, #tpu.memory_space<semaphore_mem>>
      %dma_start3A_150 = arith.constant 0 : i32
      %dma_start3A_151 = tpu.memref_slice %arg11[%add3A_81, %dma_start3A_150] : memref<10000x128xf32, #tpu.memory_space<vmem_shared>> -> memref<25x128xf32, #tpu.memory_space<vmem_shared>>
      %dma_start3A_152 = arith.constant 0 : i32
      %dma_start3A_153 = tpu.memref_slice %arg11[%add3A_81, %dma_start3A_152] : memref<10000x128xf32, #tpu.memory_space<vmem_shared>> -> memref<25x128xf32, #tpu.memory_space<vmem_shared>>
      tpu.enqueue_dma source(%arg10 : memref<25x128xf32, #tpu.memory_space<vmem>>) target(%dma_start3A_153 : memref<25x128xf32, #tpu.memory_space<vmem_shared>>) target_semaphore(%run_scoped3A : memref<!tpu.dma_semaphore, #tpu.memory_space<semaphore_mem>>)
      %dma_wait3A = arith.constant 0 : i32
      %dma_wait3A_154 = tpu.memref_slice %arg11[%add3A_81, %dma_wait3A] : memref<10000x128xf32, #tpu.memory_space<vmem_shared>> -> memref<25x128xf32, #tpu.memory_space<vmem_shared>>
      %dma_wait3A_155 = arith.constant 0 : i32
      %dma_wait3A_156 = tpu.memref_slice %arg11[%add3A_81, %dma_wait3A_155] : memref<10000x128xf32, #tpu.memory_space<vmem_shared>> -> memref<25x128xf32, #tpu.memory_space<vmem_shared>>
      tpu.wait_dma2 semaphore(%run_scoped3A : memref<!tpu.dma_semaphore, #tpu.memory_space<semaphore_mem>>) src(%arg10 : memref<25x128xf32, #tpu.memory_space<vmem>>) dst(%dma_wait3A_156 : memref<25x128xf32, #tpu.memory_space<vmem_shared>>)
      tpu.yield
    }) : () -> ()
    %mul3A_82 = arith.constant 625 : i32
    %mul3A_83 = arith.muli %arg1, %mul3A_82 : i32
    %add3A_84 = arith.constant 475 : i32
    %add3A_85 = arith.addi %mul3A_83, %add3A_84 : i32
    "tpu.region"() ({
      %run_scoped3A = tpu.sem_alloc : memref<!tpu.dma_semaphore, #tpu.memory_space<semaphore_mem>>
      %dma_start3A_150 = arith.constant 0 : i32
      %dma_start3A_151 = tpu.memref_slice %arg11[%add3A_85, %dma_start3A_150] : memref<10000x128xf32, #tpu.memory_space<vmem_shared>> -> memref<25x128xf32, #tpu.memory_space<vmem_shared>>
      %dma_start3A_152 = arith.constant 0 : i32
      %dma_start3A_153 = tpu.memref_slice %arg11[%add3A_85, %dma_start3A_152] : memref<10000x128xf32, #tpu.memory_space<vmem_shared>> -> memref<25x128xf32, #tpu.memory_space<vmem_shared>>
      tpu.enqueue_dma source(%arg10 : memref<25x128xf32, #tpu.memory_space<vmem>>) target(%dma_start3A_153 : memref<25x128xf32, #tpu.memory_space<vmem_shared>>) target_semaphore(%run_scoped3A : memref<!tpu.dma_semaphore, #tpu.memory_space<semaphore_mem>>)
      %dma_wait3A = arith.constant 0 : i32
      %dma_wait3A_154 = tpu.memref_slice %arg11[%add3A_85, %dma_wait3A] : memref<10000x128xf32, #tpu.memory_space<vmem_shared>> -> memref<25x128xf32, #tpu.memory_space<vmem_shared>>
      %dma_wait3A_155 = arith.constant 0 : i32
      %dma_wait3A_156 = tpu.memref_slice %arg11[%add3A_85, %dma_wait3A_155] : memref<10000x128xf32, #tpu.memory_space<vmem_shared>> -> memref<25x128xf32, #tpu.memory_space<vmem_shared>>
      tpu.wait_dma2 semaphore(%run_scoped3A : memref<!tpu.dma_semaphore, #tpu.memory_space<semaphore_mem>>) src(%arg10 : memref<25x128xf32, #tpu.memory_space<vmem>>) dst(%dma_wait3A_156 : memref<25x128xf32, #tpu.memory_space<vmem_shared>>)
      tpu.yield
    }) : () -> ()
    %mul3A_86 = arith.constant 625 : i32
    %mul3A_87 = arith.muli %arg1, %mul3A_86 : i32
    %add3A_88 = arith.constant 500 : i32
    %add3A_89 = arith.addi %mul3A_87, %add3A_88 : i32
    "tpu.region"() ({
      %run_scoped3A = tpu.sem_alloc : memref<!tpu.dma_semaphore, #tpu.memory_space<semaphore_mem>>
      %dma_start3A_150 = arith.constant 0 : i32
      %dma_start3A_151 = tpu.memref_slice %arg11[%add3A_89, %dma_start3A_150] : memref<10000x128xf32, #tpu.memory_space<vmem_shared>> -> memref<25x128xf32, #tpu.memory_space<vmem_shared>>
      %dma_start3A_152 = arith.constant 0 : i32
      %dma_start3A_153 = tpu.memref_slice %arg11[%add3A_89, %dma_start3A_152] : memref<10000x128xf32, #tpu.memory_space<vmem_shared>> -> memref<25x128xf32, #tpu.memory_space<vmem_shared>>
      tpu.enqueue_dma source(%arg10 : memref<25x128xf32, #tpu.memory_space<vmem>>) target(%dma_start3A_153 : memref<25x128xf32, #tpu.memory_space<vmem_shared>>) target_semaphore(%run_scoped3A : memref<!tpu.dma_semaphore, #tpu.memory_space<semaphore_mem>>)
      %dma_wait3A = arith.constant 0 : i32
      %dma_wait3A_154 = tpu.memref_slice %arg11[%add3A_89, %dma_wait3A] : memref<10000x128xf32, #tpu.memory_space<vmem_shared>> -> memref<25x128xf32, #tpu.memory_space<vmem_shared>>
      %dma_wait3A_155 = arith.constant 0 : i32
      %dma_wait3A_156 = tpu.memref_slice %arg11[%add3A_89, %dma_wait3A_155] : memref<10000x128xf32, #tpu.memory_space<vmem_shared>> -> memref<25x128xf32, #tpu.memory_space<vmem_shared>>
      tpu.wait_dma2 semaphore(%run_scoped3A : memref<!tpu.dma_semaphore, #tpu.memory_space<semaphore_mem>>) src(%arg10 : memref<25x128xf32, #tpu.memory_space<vmem>>) dst(%dma_wait3A_156 : memref<25x128xf32, #tpu.memory_space<vmem_shared>>)
      tpu.yield
    }) : () -> ()
    %mul3A_90 = arith.constant 625 : i32
    %mul3A_91 = arith.muli %arg1, %mul3A_90 : i32
    %add3A_92 = arith.constant 525 : i32
    %add3A_93 = arith.addi %mul3A_91, %add3A_92 : i32
    "tpu.region"() ({
      %run_scoped3A = tpu.sem_alloc : memref<!tpu.dma_semaphore, #tpu.memory_space<semaphore_mem>>
      %dma_start3A_150 = arith.constant 0 : i32
      %dma_start3A_151 = tpu.memref_slice %arg11[%add3A_93, %dma_start3A_150] : memref<10000x128xf32, #tpu.memory_space<vmem_shared>> -> memref<25x128xf32, #tpu.memory_space<vmem_shared>>
      %dma_start3A_152 = arith.constant 0 : i32
      %dma_start3A_153 = tpu.memref_slice %arg11[%add3A_93, %dma_start3A_152] : memref<10000x128xf32, #tpu.memory_space<vmem_shared>> -> memref<25x128xf32, #tpu.memory_space<vmem_shared>>
      tpu.enqueue_dma source(%arg10 : memref<25x128xf32, #tpu.memory_space<vmem>>) target(%dma_start3A_153 : memref<25x128xf32, #tpu.memory_space<vmem_shared>>) target_semaphore(%run_scoped3A : memref<!tpu.dma_semaphore, #tpu.memory_space<semaphore_mem>>)
      %dma_wait3A = arith.constant 0 : i32
      %dma_wait3A_154 = tpu.memref_slice %arg11[%add3A_93, %dma_wait3A] : memref<10000x128xf32, #tpu.memory_space<vmem_shared>> -> memref<25x128xf32, #tpu.memory_space<vmem_shared>>
      %dma_wait3A_155 = arith.constant 0 : i32
      %dma_wait3A_156 = tpu.memref_slice %arg11[%add3A_93, %dma_wait3A_155] : memref<10000x128xf32, #tpu.memory_space<vmem_shared>> -> memref<25x128xf32, #tpu.memory_space<vmem_shared>>
      tpu.wait_dma2 semaphore(%run_scoped3A : memref<!tpu.dma_semaphore, #tpu.memory_space<semaphore_mem>>) src(%arg10 : memref<25x128xf32, #tpu.memory_space<vmem>>) dst(%dma_wait3A_156 : memref<25x128xf32, #tpu.memory_space<vmem_shared>>)
      tpu.yield
    }) : () -> ()
    %mul3A_94 = arith.constant 625 : i32
    %mul3A_95 = arith.muli %arg1, %mul3A_94 : i32
    %add3A_96 = arith.constant 550 : i32
    %add3A_97 = arith.addi %mul3A_95, %add3A_96 : i32
    "tpu.region"() ({
      %run_scoped3A = tpu.sem_alloc : memref<!tpu.dma_semaphore, #tpu.memory_space<semaphore_mem>>
      %dma_start3A_150 = arith.constant 0 : i32
      %dma_start3A_151 = tpu.memref_slice %arg11[%add3A_97, %dma_start3A_150] : memref<10000x128xf32, #tpu.memory_space<vmem_shared>> -> memref<25x128xf32, #tpu.memory_space<vmem_shared>>
      %dma_start3A_152 = arith.constant 0 : i32
      %dma_start3A_153 = tpu.memref_slice %arg11[%add3A_97, %dma_start3A_152] : memref<10000x128xf32, #tpu.memory_space<vmem_shared>> -> memref<25x128xf32, #tpu.memory_space<vmem_shared>>
      tpu.enqueue_dma source(%arg10 : memref<25x128xf32, #tpu.memory_space<vmem>>) target(%dma_start3A_153 : memref<25x128xf32, #tpu.memory_space<vmem_shared>>) target_semaphore(%run_scoped3A : memref<!tpu.dma_semaphore, #tpu.memory_space<semaphore_mem>>)
      %dma_wait3A = arith.constant 0 : i32
      %dma_wait3A_154 = tpu.memref_slice %arg11[%add3A_97, %dma_wait3A] : memref<10000x128xf32, #tpu.memory_space<vmem_shared>> -> memref<25x128xf32, #tpu.memory_space<vmem_shared>>
      %dma_wait3A_155 = arith.constant 0 : i32
      %dma_wait3A_156 = tpu.memref_slice %arg11[%add3A_97, %dma_wait3A_155] : memref<10000x128xf32, #tpu.memory_space<vmem_shared>> -> memref<25x128xf32, #tpu.memory_space<vmem_shared>>
      tpu.wait_dma2 semaphore(%run_scoped3A : memref<!tpu.dma_semaphore, #tpu.memory_space<semaphore_mem>>) src(%arg10 : memref<25x128xf32, #tpu.memory_space<vmem>>) dst(%dma_wait3A_156 : memref<25x128xf32, #tpu.memory_space<vmem_shared>>)
      tpu.yield
    }) : () -> ()
    %mul3A_98 = arith.constant 625 : i32
    %mul3A_99 = arith.muli %arg1, %mul3A_98 : i32
    %add3A_100 = arith.constant 575 : i32
    %add3A_101 = arith.addi %mul3A_99, %add3A_100 : i32
    "tpu.region"() ({
      %run_scoped3A = tpu.sem_alloc : memref<!tpu.dma_semaphore, #tpu.memory_space<semaphore_mem>>
      %dma_start3A_150 = arith.constant 0 : i32
      %dma_start3A_151 = tpu.memref_slice %arg11[%add3A_101, %dma_start3A_150] : memref<10000x128xf32, #tpu.memory_space<vmem_shared>> -> memref<25x128xf32, #tpu.memory_space<vmem_shared>>
      %dma_start3A_152 = arith.constant 0 : i32
      %dma_start3A_153 = tpu.memref_slice %arg11[%add3A_101, %dma_start3A_152] : memref<10000x128xf32, #tpu.memory_space<vmem_shared>> -> memref<25x128xf32, #tpu.memory_space<vmem_shared>>
      tpu.enqueue_dma source(%arg10 : memref<25x128xf32, #tpu.memory_space<vmem>>) target(%dma_start3A_153 : memref<25x128xf32, #tpu.memory_space<vmem_shared>>) target_semaphore(%run_scoped3A : memref<!tpu.dma_semaphore, #tpu.memory_space<semaphore_mem>>)
      %dma_wait3A = arith.constant 0 : i32
      %dma_wait3A_154 = tpu.memref_slice %arg11[%add3A_101, %dma_wait3A] : memref<10000x128xf32, #tpu.memory_space<vmem_shared>> -> memref<25x128xf32, #tpu.memory_space<vmem_shared>>
      %dma_wait3A_155 = arith.constant 0 : i32
      %dma_wait3A_156 = tpu.memref_slice %arg11[%add3A_101, %dma_wait3A_155] : memref<10000x128xf32, #tpu.memory_space<vmem_shared>> -> memref<25x128xf32, #tpu.memory_space<vmem_shared>>
      tpu.wait_dma2 semaphore(%run_scoped3A : memref<!tpu.dma_semaphore, #tpu.memory_space<semaphore_mem>>) src(%arg10 : memref<25x128xf32, #tpu.memory_space<vmem>>) dst(%dma_wait3A_156 : memref<25x128xf32, #tpu.memory_space<vmem_shared>>)
      tpu.yield
    }) : () -> ()
    %mul3A_102 = arith.constant 625 : i32
    %mul3A_103 = arith.muli %arg1, %mul3A_102 : i32
    %add3A_104 = arith.constant 600 : i32
    %add3A_105 = arith.addi %mul3A_103, %add3A_104 : i32
    "tpu.region"() ({
      %run_scoped3A = tpu.sem_alloc : memref<!tpu.dma_semaphore, #tpu.memory_space<semaphore_mem>>
      %dma_start3A_150 = arith.constant 0 : i32
      %dma_start3A_151 = tpu.memref_slice %arg11[%add3A_105, %dma_start3A_150] : memref<10000x128xf32, #tpu.memory_space<vmem_shared>> -> memref<25x128xf32, #tpu.memory_space<vmem_shared>>
      %dma_start3A_152 = arith.constant 0 : i32
      %dma_start3A_153 = tpu.memref_slice %arg11[%add3A_105, %dma_start3A_152] : memref<10000x128xf32, #tpu.memory_space<vmem_shared>> -> memref<25x128xf32, #tpu.memory_space<vmem_shared>>
      tpu.enqueue_dma source(%arg10 : memref<25x128xf32, #tpu.memory_space<vmem>>) target(%dma_start3A_153 : memref<25x128xf32, #tpu.memory_space<vmem_shared>>) target_semaphore(%run_scoped3A : memref<!tpu.dma_semaphore, #tpu.memory_space<semaphore_mem>>)
      %dma_wait3A = arith.constant 0 : i32
      %dma_wait3A_154 = tpu.memref_slice %arg11[%add3A_105, %dma_wait3A] : memref<10000x128xf32, #tpu.memory_space<vmem_shared>> -> memref<25x128xf32, #tpu.memory_space<vmem_shared>>
      %dma_wait3A_155 = arith.constant 0 : i32
      %dma_wait3A_156 = tpu.memref_slice %arg11[%add3A_105, %dma_wait3A_155] : memref<10000x128xf32, #tpu.memory_space<vmem_shared>> -> memref<25x128xf32, #tpu.memory_space<vmem_shared>>
      tpu.wait_dma2 semaphore(%run_scoped3A : memref<!tpu.dma_semaphore, #tpu.memory_space<semaphore_mem>>) src(%arg10 : memref<25x128xf32, #tpu.memory_space<vmem>>) dst(%dma_wait3A_156 : memref<25x128xf32, #tpu.memory_space<vmem_shared>>)
      tpu.yield
    }) : () -> ()
    %barrier3A = arith.constant 0 : index
    tpu.barrier barrier_id(%barrier3A)
    %mul3A_106 = arith.constant 80 : i32
    %mul3A_107 = arith.muli %add3A, %mul3A_106 : i32
    %add3A_108 = arith.constant 0 : i32
    %add3A_109 = arith.addi %mul3A_107, %add3A_108 : i32
    "tpu.region"() ({
      %run_scoped3A = tpu.sem_alloc : memref<!tpu.dma_semaphore, #tpu.memory_space<semaphore_mem>>
      %dma_start3A_150 = arith.constant 0 : i32
      %dma_start3A_151 = tpu.memref_slice %arg2[%add3A_109, %dma_start3A_150] : memref<2560x125xi32, #tpu.memory_space<hbm>> -> memref<40x125xi32, #tpu.memory_space<hbm>>
      %dma_start3A_152 = arith.constant 0 : i32
      %dma_start3A_153 = tpu.memref_slice %arg2[%add3A_109, %dma_start3A_152] : memref<2560x125xi32, #tpu.memory_space<hbm>> -> memref<40x125xi32, #tpu.memory_space<hbm>>
      tpu.enqueue_dma source(%dma_start3A_153 : memref<40x125xi32, #tpu.memory_space<hbm>>) target(%arg6 : memref<40x125xi32, #tpu.memory_space<vmem>>) target_semaphore(%run_scoped3A : memref<!tpu.dma_semaphore, #tpu.memory_space<semaphore_mem>>)
      %dma_wait3A = arith.constant 0 : i32
      %dma_wait3A_154 = tpu.memref_slice %arg2[%add3A_109, %dma_wait3A] : memref<2560x125xi32, #tpu.memory_space<hbm>> -> memref<40x125xi32, #tpu.memory_space<hbm>>
      %dma_wait3A_155 = arith.constant 0 : i32
      %dma_wait3A_156 = tpu.memref_slice %arg2[%add3A_109, %dma_wait3A_155] : memref<2560x125xi32, #tpu.memory_space<hbm>> -> memref<40x125xi32, #tpu.memory_space<hbm>>
      tpu.wait_dma2 semaphore(%run_scoped3A : memref<!tpu.dma_semaphore, #tpu.memory_space<semaphore_mem>>) src(%dma_wait3A_156 : memref<40x125xi32, #tpu.memory_space<hbm>>) dst(%arg6 : memref<40x125xi32, #tpu.memory_space<vmem>>)
      tpu.yield
    }) : () -> ()
    %mul3A_110 = arith.constant 80 : i32
    %mul3A_111 = arith.muli %add3A, %mul3A_110 : i32
    %add3A_112 = arith.constant 0 : i32
    %add3A_113 = arith.addi %mul3A_111, %add3A_112 : i32
    "tpu.region"() ({
      %run_scoped3A = tpu.sem_alloc : memref<!tpu.dma_semaphore, #tpu.memory_space<semaphore_mem>>
      %dma_start3A_150 = arith.constant 0 : i32
      %dma_start3A_151 = tpu.memref_slice %arg3[%add3A_113, %dma_start3A_150] : memref<2560x125xi32, #tpu.memory_space<hbm>> -> memref<40x125xi32, #tpu.memory_space<hbm>>
      %dma_start3A_152 = arith.constant 0 : i32
      %dma_start3A_153 = tpu.memref_slice %arg3[%add3A_113, %dma_start3A_152] : memref<2560x125xi32, #tpu.memory_space<hbm>> -> memref<40x125xi32, #tpu.memory_space<hbm>>
      tpu.enqueue_dma source(%dma_start3A_153 : memref<40x125xi32, #tpu.memory_space<hbm>>) target(%arg7 : memref<40x125xi32, #tpu.memory_space<vmem>>) target_semaphore(%run_scoped3A : memref<!tpu.dma_semaphore, #tpu.memory_space<semaphore_mem>>)
      %dma_wait3A = arith.constant 0 : i32
      %dma_wait3A_154 = tpu.memref_slice %arg3[%add3A_113, %dma_wait3A] : memref<2560x125xi32, #tpu.memory_space<hbm>> -> memref<40x125xi32, #tpu.memory_space<hbm>>
      %dma_wait3A_155 = arith.constant 0 : i32
      %dma_wait3A_156 = tpu.memref_slice %arg3[%add3A_113, %dma_wait3A_155] : memref<2560x125xi32, #tpu.memory_space<hbm>> -> memref<40x125xi32, #tpu.memory_space<hbm>>
      tpu.wait_dma2 semaphore(%run_scoped3A : memref<!tpu.dma_semaphore, #tpu.memory_space<semaphore_mem>>) src(%dma_wait3A_156 : memref<40x125xi32, #tpu.memory_space<hbm>>) dst(%arg7 : memref<40x125xi32, #tpu.memory_space<vmem>>)
      tpu.yield
    }) : () -> ()
    %dma_start3A = arith.constant 0 : i32
    %dma_start3A_114 = arith.constant 0 : i32
    %dma_start3A_115 = tpu.memref_slice %arg6[%dma_start3A, %dma_start3A_114] : memref<40x125xi32, #tpu.memory_space<vmem>> -> memref<1x125xi32, #tpu.memory_space<vmem>>
    %dma_start3A_116 = tpu.memref_squeeze %dma_start3A_115 : memref<1x125xi32, #tpu.memory_space<vmem>> -> memref<125xi32, #tpu.memory_space<vmem>>
    %dma_start3A_117 = arith.constant 0 : i32
    %dma_start3A_118 = arith.constant 0 : i32
    %dma_start3A_119 = tpu.memref_slice %arg4[%dma_start3A_117, %dma_start3A_118] : memref<10000x128xf32, #tpu.memory_space<hbm>> -> memref<10000x128xf32, #tpu.memory_space<hbm>>
    tpu.enqueue_indirect_dma source(%dma_start3A_119 : memref<10000x128xf32, #tpu.memory_space<hbm>>) target(%arg8 : memref<125x128xf32, #tpu.memory_space<vmem>>) offsets(%dma_start3A_116 : memref<125xi32, #tpu.memory_space<vmem>>) semaphore(%arg12 : memref<!tpu.dma_semaphore, #tpu.memory_space<semaphore_mem>>)
    %scan3A_120 = arith.constant 0 : i32
    %scan3A_121 = arith.constant 0 : i32
    %scan3A_122 = arith.constant 20 : i32
    %scan3A_123 = arith.addi %scan3A_121, %scan3A_122 : i32
    %scan3A_124 = arith.constant 1 : i32
    scf.for %scan3A_150 = %scan3A_121 to %scan3A_123 step %scan3A_124  : i32 {
      %mul3A_151 = arith.constant 2 : i32
      %mul3A_152 = arith.muli %mul3A_151, %scan3A_150 : i32
      %add3A_153 = arith.constant 1 : i32
      %add3A_154 = arith.addi %mul3A_152, %add3A_153 : i32
      %dma_start3A_155 = arith.constant 0 : i32
      %dma_start3A_156 = tpu.memref_slice %arg6[%add3A_154, %dma_start3A_155] : memref<40x125xi32, #tpu.memory_space<vmem>> -> memref<1x125xi32, #tpu.memory_space<vmem>>
      %dma_start3A_157 = tpu.memref_squeeze %dma_start3A_156 : memref<1x125xi32, #tpu.memory_space<vmem>> -> memref<125xi32, #tpu.memory_space<vmem>>
      %dma_start3A_158 = arith.constant 0 : i32
      %dma_start3A_159 = arith.constant 0 : i32
      %dma_start3A_160 = tpu.memref_slice %arg4[%dma_start3A_158, %dma_start3A_159] : memref<10000x128xf32, #tpu.memory_space<hbm>> -> memref<10000x128xf32, #tpu.memory_space<hbm>>
      tpu.enqueue_indirect_dma source(%dma_start3A_160 : memref<10000x128xf32, #tpu.memory_space<hbm>>) target(%arg9 : memref<125x128xf32, #tpu.memory_space<vmem>>) offsets(%dma_start3A_157 : memref<125xi32, #tpu.memory_space<vmem>>) semaphore(%arg13 : memref<!tpu.dma_semaphore, #tpu.memory_space<semaphore_mem>>)
      %dma_wait3A = arith.constant 0 : i32
      %dma_wait3A_161 = tpu.memref_slice %arg6[%mul3A_152, %dma_wait3A] : memref<40x125xi32, #tpu.memory_space<vmem>> -> memref<1x125xi32, #tpu.memory_space<vmem>>
      %dma_wait3A_162 = tpu.memref_squeeze %dma_wait3A_161 : memref<1x125xi32, #tpu.memory_space<vmem>> -> memref<125xi32, #tpu.memory_space<vmem>>
      %dma_wait3A_163 = arith.constant 0 : i32
      %dma_wait3A_164 = arith.constant 0 : i32
      %dma_wait3A_165 = tpu.memref_slice %arg4[%dma_wait3A_163, %dma_wait3A_164] : memref<10000x128xf32, #tpu.memory_space<hbm>> -> memref<10000x128xf32, #tpu.memory_space<hbm>>
      tpu.wait_indirect_dma semaphore(%arg12 : memref<!tpu.dma_semaphore, #tpu.memory_space<semaphore_mem>>) src(%dma_wait3A_165 : memref<10000x128xf32, #tpu.memory_space<hbm>>) dst(%arg8 : memref<125x128xf32, #tpu.memory_space<vmem>>)
      "tpu.region"() ({
        %run_scoped3A = tpu.sem_alloc : memref<!tpu.dma_semaphore, #tpu.memory_space<semaphore_mem>>
        %dma_start3A_181 = arith.constant 0 : i32
        %dma_start3A_182 = tpu.memref_slice %arg7[%mul3A_152, %dma_start3A_181] : memref<40x125xi32, #tpu.memory_space<vmem>> -> memref<1x125xi32, #tpu.memory_space<vmem>>
        %dma_start3A_183 = tpu.memref_squeeze %dma_start3A_182 : memref<1x125xi32, #tpu.memory_space<vmem>> -> memref<125xi32, #tpu.memory_space<vmem>>
        %dma_start3A_184 = arith.constant 0 : i32
        %dma_start3A_185 = arith.constant 0 : i32
        %dma_start3A_186 = tpu.memref_slice %arg11[%dma_start3A_184, %dma_start3A_185] : memref<10000x128xf32, #tpu.memory_space<vmem_shared>> -> memref<10000x128xf32, #tpu.memory_space<vmem_shared>>
        tpu.enqueue_indirect_dma source(%arg8 : memref<125x128xf32, #tpu.memory_space<vmem>>) target(%dma_start3A_186 : memref<10000x128xf32, #tpu.memory_space<vmem_shared>>) offsets(%dma_start3A_183 : memref<125xi32, #tpu.memory_space<vmem>>) semaphore(%run_scoped3A : memref<!tpu.dma_semaphore, #tpu.memory_space<semaphore_mem>>) {add = true}
        %dma_wait3A_187 = arith.constant 0 : i32
        %dma_wait3A_188 = tpu.memref_slice %arg7[%mul3A_152, %dma_wait3A_187] : memref<40x125xi32, #tpu.memory_space<vmem>> -> memref<1x125xi32, #tpu.memory_space<vmem>>
        %dma_wait3A_189 = tpu.memref_squeeze %dma_wait3A_188 : memref<1x125xi32, #tpu.memory_space<vmem>> -> memref<125xi32, #tpu.memory_space<vmem>>
        %dma_wait3A_190 = arith.constant 0 : i32
        %dma_wait3A_191 = arith.constant 0 : i32
        %dma_wait3A_192 = tpu.memref_slice %arg11[%dma_wait3A_190, %dma_wait3A_191] : memref<10000x128xf32, #tpu.memory_space<vmem_shared>> -> memref<10000x128xf32, #tpu.memory_space<vmem_shared>>
        tpu.wait_indirect_dma semaphore(%run_scoped3A : memref<!tpu.dma_semaphore, #tpu.memory_space<semaphore_mem>>) src(%arg8 : memref<125x128xf32, #tpu.memory_space<vmem>>) dst(%dma_wait3A_192 : memref<10000x128xf32, #tpu.memory_space<vmem_shared>>)
        tpu.yield
      }) : () -> ()
      %add3A_166 = arith.constant 2 : i32
      %add3A_167 = arith.addi %mul3A_152, %add3A_166 : i32
      %lt3A_168 = arith.constant 40 : i32
      %lt3A_169 = arith.cmpi slt, %add3A_167, %lt3A_168 : i32
      %convert_element_type3A_170 = arith.extui %lt3A_169 : i1 to i32
      %cond3A_171 = arith.constant 0 : i32
      %cond3A_172 = arith.cmpi ne, %convert_element_type3A_170, %cond3A_171 : i32
      scf.if %cond3A_172 {
        %add3A_181 = arith.constant 2 : i32
        %add3A_182 = arith.addi %mul3A_152, %add3A_181 : i32
        %dma_start3A_183 = arith.constant 0 : i32
        %dma_start3A_184 = tpu.memref_slice %arg6[%add3A_182, %dma_start3A_183] : memref<40x125xi32, #tpu.memory_space<vmem>> -> memref<1x125xi32, #tpu.memory_space<vmem>>
        %dma_start3A_185 = tpu.memref_squeeze %dma_start3A_184 : memref<1x125xi32, #tpu.memory_space<vmem>> -> memref<125xi32, #tpu.memory_space<vmem>>
        %dma_start3A_186 = arith.constant 0 : i32
        %dma_start3A_187 = arith.constant 0 : i32
        %dma_start3A_188 = tpu.memref_slice %arg4[%dma_start3A_186, %dma_start3A_187] : memref<10000x128xf32, #tpu.memory_space<hbm>> -> memref<10000x128xf32, #tpu.memory_space<hbm>>
        tpu.enqueue_indirect_dma source(%dma_start3A_188 : memref<10000x128xf32, #tpu.memory_space<hbm>>) target(%arg8 : memref<125x128xf32, #tpu.memory_space<vmem>>) offsets(%dma_start3A_185 : memref<125xi32, #tpu.memory_space<vmem>>) semaphore(%arg12 : memref<!tpu.dma_semaphore, #tpu.memory_space<semaphore_mem>>)
      } else {
      }
      %dma_wait3A_173 = arith.constant 0 : i32
      %dma_wait3A_174 = tpu.memref_slice %arg6[%add3A_154, %dma_wait3A_173] : memref<40x125xi32, #tpu.memory_space<vmem>> -> memref<1x125xi32, #tpu.memory_space<vmem>>
      %dma_wait3A_175 = tpu.memref_squeeze %dma_wait3A_174 : memref<1x125xi32, #tpu.memory_space<vmem>> -> memref<125xi32, #tpu.memory_space<vmem>>
      %dma_wait3A_176 = arith.constant 0 : i32
      %dma_wait3A_177 = arith.constant 0 : i32
      %dma_wait3A_178 = tpu.memref_slice %arg4[%dma_wait3A_176, %dma_wait3A_177] : memref<10000x128xf32, #tpu.memory_space<hbm>> -> memref<10000x128xf32, #tpu.memory_space<hbm>>
      tpu.wait_indirect_dma semaphore(%arg13 : memref<!tpu.dma_semaphore, #tpu.memory_space<semaphore_mem>>) src(%dma_wait3A_178 : memref<10000x128xf32, #tpu.memory_space<hbm>>) dst(%arg9 : memref<125x128xf32, #tpu.memory_space<vmem>>)
      %add3A_179 = arith.constant 1 : i32
      %add3A_180 = arith.addi %mul3A_152, %add3A_179 : i32
      "tpu.region"() ({
        %run_scoped3A = tpu.sem_alloc : memref<!tpu.dma_semaphore, #tpu.memory_space<semaphore_mem>>
        %dma_start3A_181 = arith.constant 0 : i32
        %dma_start3A_182 = tpu.memref_slice %arg7[%add3A_180, %dma_start3A_181] : memref<40x125xi32, #tpu.memory_space<vmem>> -> memref<1x125xi32, #tpu.memory_space<vmem>>
        %dma_start3A_183 = tpu.memref_squeeze %dma_start3A_182 : memref<1x125xi32, #tpu.memory_space<vmem>> -> memref<125xi32, #tpu.memory_space<vmem>>
        %dma_start3A_184 = arith.constant 0 : i32
        %dma_start3A_185 = arith.constant 0 : i32
        %dma_start3A_186 = tpu.memref_slice %arg11[%dma_start3A_184, %dma_start3A_185] : memref<10000x128xf32, #tpu.memory_space<vmem_shared>> -> memref<10000x128xf32, #tpu.memory_space<vmem_shared>>
        tpu.enqueue_indirect_dma source(%arg9 : memref<125x128xf32, #tpu.memory_space<vmem>>) target(%dma_start3A_186 : memref<10000x128xf32, #tpu.memory_space<vmem_shared>>) offsets(%dma_start3A_183 : memref<125xi32, #tpu.memory_space<vmem>>) semaphore(%run_scoped3A : memref<!tpu.dma_semaphore, #tpu.memory_space<semaphore_mem>>) {add = true}
        %dma_wait3A_187 = arith.constant 0 : i32
        %dma_wait3A_188 = tpu.memref_slice %arg7[%add3A_180, %dma_wait3A_187] : memref<40x125xi32, #tpu.memory_space<vmem>> -> memref<1x125xi32, #tpu.memory_space<vmem>>
        %dma_wait3A_189 = tpu.memref_squeeze %dma_wait3A_188 : memref<1x125xi32, #tpu.memory_space<vmem>> -> memref<125xi32, #tpu.memory_space<vmem>>
        %dma_wait3A_190 = arith.constant 0 : i32
        %dma_wait3A_191 = arith.constant 0 : i32
        %dma_wait3A_192 = tpu.memref_slice %arg11[%dma_wait3A_190, %dma_wait3A_191] : memref<10000x128xf32, #tpu.memory_space<vmem_shared>> -> memref<10000x128xf32, #tpu.memory_space<vmem_shared>>
        tpu.wait_indirect_dma semaphore(%run_scoped3A : memref<!tpu.dma_semaphore, #tpu.memory_space<semaphore_mem>>) src(%arg9 : memref<125x128xf32, #tpu.memory_space<vmem>>) dst(%dma_wait3A_192 : memref<10000x128xf32, #tpu.memory_space<vmem_shared>>)
        tpu.yield
      }) : () -> ()
    }
    %scan3A_125 = arith.constant 20 : i32
    %mul3A_126 = arith.constant 80 : i32
    %mul3A_127 = arith.muli %add3A, %mul3A_126 : i32
    %add3A_128 = arith.constant 40 : i32
    %add3A_129 = arith.addi %mul3A_127, %add3A_128 : i32
    "tpu.region"() ({
      %run_scoped3A = tpu.sem_alloc : memref<!tpu.dma_semaphore, #tpu.memory_space<semaphore_mem>>
      %dma_start3A_150 = arith.constant 0 : i32
      %dma_start3A_151 = tpu.memref_slice %arg2[%add3A_129, %dma_start3A_150] : memref<2560x125xi32, #tpu.memory_space<hbm>> -> memref<40x125xi32, #tpu.memory_space<hbm>>
      %dma_start3A_152 = arith.constant 0 : i32
      %dma_start3A_153 = tpu.memref_slice %arg2[%add3A_129, %dma_start3A_152] : memref<2560x125xi32, #tpu.memory_space<hbm>> -> memref<40x125xi32, #tpu.memory_space<hbm>>
      tpu.enqueue_dma source(%dma_start3A_153 : memref<40x125xi32, #tpu.memory_space<hbm>>) target(%arg6 : memref<40x125xi32, #tpu.memory_space<vmem>>) target_semaphore(%run_scoped3A : memref<!tpu.dma_semaphore, #tpu.memory_space<semaphore_mem>>)
      %dma_wait3A = arith.constant 0 : i32
      %dma_wait3A_154 = tpu.memref_slice %arg2[%add3A_129, %dma_wait3A] : memref<2560x125xi32, #tpu.memory_space<hbm>> -> memref<40x125xi32, #tpu.memory_space<hbm>>
      %dma_wait3A_155 = arith.constant 0 : i32
      %dma_wait3A_156 = tpu.memref_slice %arg2[%add3A_129, %dma_wait3A_155] : memref<2560x125xi32, #tpu.memory_space<hbm>> -> memref<40x125xi32, #tpu.memory_space<hbm>>
      tpu.wait_dma2 semaphore(%run_scoped3A : memref<!tpu.dma_semaphore, #tpu.memory_space<semaphore_mem>>) src(%dma_wait3A_156 : memref<40x125xi32, #tpu.memory_space<hbm>>) dst(%arg6 : memref<40x125xi32, #tpu.memory_space<vmem>>)
      tpu.yield
    }) : () -> ()
    %mul3A_130 = arith.constant 80 : i32
    %mul3A_131 = arith.muli %add3A, %mul3A_130 : i32
    %add3A_132 = arith.constant 40 : i32
    %add3A_133 = arith.addi %mul3A_131, %add3A_132 : i32
    "tpu.region"() ({
      %run_scoped3A = tpu.sem_alloc : memref<!tpu.dma_semaphore, #tpu.memory_space<semaphore_mem>>
      %dma_start3A_150 = arith.constant 0 : i32
      %dma_start3A_151 = tpu.memref_slice %arg3[%add3A_133, %dma_start3A_150] : memref<2560x125xi32, #tpu.memory_space<hbm>> -> memref<40x125xi32, #tpu.memory_space<hbm>>
      %dma_start3A_152 = arith.constant 0 : i32
      %dma_start3A_153 = tpu.memref_slice %arg3[%add3A_133, %dma_start3A_152] : memref<2560x125xi32, #tpu.memory_space<hbm>> -> memref<40x125xi32, #tpu.memory_space<hbm>>
      tpu.enqueue_dma source(%dma_start3A_153 : memref<40x125xi32, #tpu.memory_space<hbm>>) target(%arg7 : memref<40x125xi32, #tpu.memory_space<vmem>>) target_semaphore(%run_scoped3A : memref<!tpu.dma_semaphore, #tpu.memory_space<semaphore_mem>>)
      %dma_wait3A = arith.constant 0 : i32
      %dma_wait3A_154 = tpu.memref_slice %arg3[%add3A_133, %dma_wait3A] : memref<2560x125xi32, #tpu.memory_space<hbm>> -> memref<40x125xi32, #tpu.memory_space<hbm>>
      %dma_wait3A_155 = arith.constant 0 : i32
      %dma_wait3A_156 = tpu.memref_slice %arg3[%add3A_133, %dma_wait3A_155] : memref<2560x125xi32, #tpu.memory_space<hbm>> -> memref<40x125xi32, #tpu.memory_space<hbm>>
      tpu.wait_dma2 semaphore(%run_scoped3A : memref<!tpu.dma_semaphore, #tpu.memory_space<semaphore_mem>>) src(%dma_wait3A_156 : memref<40x125xi32, #tpu.memory_space<hbm>>) dst(%arg7 : memref<40x125xi32, #tpu.memory_space<vmem>>)
      tpu.yield
    }) : () -> ()
    %dma_start3A_134 = arith.constant 0 : i32
    %dma_start3A_135 = arith.constant 0 : i32
    %dma_start3A_136 = tpu.memref_slice %arg6[%dma_start3A_134, %dma_start3A_135] : memref<40x125xi32, #tpu.memory_space<vmem>> -> memref<1x125xi32, #tpu.memory_space<vmem>>
    %dma_start3A_137 = tpu.memref_squeeze %dma_start3A_136 : memref<1x125xi32, #tpu.memory_space<vmem>> -> memref<125xi32, #tpu.memory_space<vmem>>
    %dma_start3A_138 = arith.constant 0 : i32
    %dma_start3A_139 = arith.constant 0 : i32
    %dma_start3A_140 = tpu.memref_slice %arg4[%dma_start3A_138, %dma_start3A_139] : memref<10000x128xf32, #tpu.memory_space<hbm>> -> memref<10000x128xf32, #tpu.memory_space<hbm>>
    tpu.enqueue_indirect_dma source(%dma_start3A_140 : memref<10000x128xf32, #tpu.memory_space<hbm>>) target(%arg8 : memref<125x128xf32, #tpu.memory_space<vmem>>) offsets(%dma_start3A_137 : memref<125xi32, #tpu.memory_space<vmem>>) semaphore(%arg12 : memref<!tpu.dma_semaphore, #tpu.memory_space<semaphore_mem>>)
    %scan3A_141 = arith.constant 0 : i32
    %scan3A_142 = arith.constant 0 : i32
    %scan3A_143 = arith.constant 20 : i32
    %scan3A_144 = arith.addi %scan3A_142, %scan3A_143 : i32
    %scan3A_145 = arith.constant 1 : i32
    scf.for %scan3A_150 = %scan3A_142 to %scan3A_144 step %scan3A_145  : i32 {
      %mul3A_151 = arith.constant 2 : i32
      %mul3A_152 = arith.muli %mul3A_151, %scan3A_150 : i32
      %add3A_153 = arith.constant 1 : i32
      %add3A_154 = arith.addi %mul3A_152, %add3A_153 : i32
      %dma_start3A_155 = arith.constant 0 : i32
      %dma_start3A_156 = tpu.memref_slice %arg6[%add3A_154, %dma_start3A_155] : memref<40x125xi32, #tpu.memory_space<vmem>> -> memref<1x125xi32, #tpu.memory_space<vmem>>
      %dma_start3A_157 = tpu.memref_squeeze %dma_start3A_156 : memref<1x125xi32, #tpu.memory_space<vmem>> -> memref<125xi32, #tpu.memory_space<vmem>>
      %dma_start3A_158 = arith.constant 0 : i32
      %dma_start3A_159 = arith.constant 0 : i32
      %dma_start3A_160 = tpu.memref_slice %arg4[%dma_start3A_158, %dma_start3A_159] : memref<10000x128xf32, #tpu.memory_space<hbm>> -> memref<10000x128xf32, #tpu.memory_space<hbm>>
      tpu.enqueue_indirect_dma source(%dma_start3A_160 : memref<10000x128xf32, #tpu.memory_space<hbm>>) target(%arg9 : memref<125x128xf32, #tpu.memory_space<vmem>>) offsets(%dma_start3A_157 : memref<125xi32, #tpu.memory_space<vmem>>) semaphore(%arg13 : memref<!tpu.dma_semaphore, #tpu.memory_space<semaphore_mem>>)
      %dma_wait3A = arith.constant 0 : i32
      %dma_wait3A_161 = tpu.memref_slice %arg6[%mul3A_152, %dma_wait3A] : memref<40x125xi32, #tpu.memory_space<vmem>> -> memref<1x125xi32, #tpu.memory_space<vmem>>
      %dma_wait3A_162 = tpu.memref_squeeze %dma_wait3A_161 : memref<1x125xi32, #tpu.memory_space<vmem>> -> memref<125xi32, #tpu.memory_space<vmem>>
      %dma_wait3A_163 = arith.constant 0 : i32
      %dma_wait3A_164 = arith.constant 0 : i32
      %dma_wait3A_165 = tpu.memref_slice %arg4[%dma_wait3A_163, %dma_wait3A_164] : memref<10000x128xf32, #tpu.memory_space<hbm>> -> memref<10000x128xf32, #tpu.memory_space<hbm>>
      tpu.wait_indirect_dma semaphore(%arg12 : memref<!tpu.dma_semaphore, #tpu.memory_space<semaphore_mem>>) src(%dma_wait3A_165 : memref<10000x128xf32, #tpu.memory_space<hbm>>) dst(%arg8 : memref<125x128xf32, #tpu.memory_space<vmem>>)
      "tpu.region"() ({
        %run_scoped3A = tpu.sem_alloc : memref<!tpu.dma_semaphore, #tpu.memory_space<semaphore_mem>>
        %dma_start3A_181 = arith.constant 0 : i32
        %dma_start3A_182 = tpu.memref_slice %arg7[%mul3A_152, %dma_start3A_181] : memref<40x125xi32, #tpu.memory_space<vmem>> -> memref<1x125xi32, #tpu.memory_space<vmem>>
        %dma_start3A_183 = tpu.memref_squeeze %dma_start3A_182 : memref<1x125xi32, #tpu.memory_space<vmem>> -> memref<125xi32, #tpu.memory_space<vmem>>
        %dma_start3A_184 = arith.constant 0 : i32
        %dma_start3A_185 = arith.constant 0 : i32
        %dma_start3A_186 = tpu.memref_slice %arg11[%dma_start3A_184, %dma_start3A_185] : memref<10000x128xf32, #tpu.memory_space<vmem_shared>> -> memref<10000x128xf32, #tpu.memory_space<vmem_shared>>
        tpu.enqueue_indirect_dma source(%arg8 : memref<125x128xf32, #tpu.memory_space<vmem>>) target(%dma_start3A_186 : memref<10000x128xf32, #tpu.memory_space<vmem_shared>>) offsets(%dma_start3A_183 : memref<125xi32, #tpu.memory_space<vmem>>) semaphore(%run_scoped3A : memref<!tpu.dma_semaphore, #tpu.memory_space<semaphore_mem>>) {add = true}
        %dma_wait3A_187 = arith.constant 0 : i32
        %dma_wait3A_188 = tpu.memref_slice %arg7[%mul3A_152, %dma_wait3A_187] : memref<40x125xi32, #tpu.memory_space<vmem>> -> memref<1x125xi32, #tpu.memory_space<vmem>>
        %dma_wait3A_189 = tpu.memref_squeeze %dma_wait3A_188 : memref<1x125xi32, #tpu.memory_space<vmem>> -> memref<125xi32, #tpu.memory_space<vmem>>
        %dma_wait3A_190 = arith.constant 0 : i32
        %dma_wait3A_191 = arith.constant 0 : i32
        %dma_wait3A_192 = tpu.memref_slice %arg11[%dma_wait3A_190, %dma_wait3A_191] : memref<10000x128xf32, #tpu.memory_space<vmem_shared>> -> memref<10000x128xf32, #tpu.memory_space<vmem_shared>>
        tpu.wait_indirect_dma semaphore(%run_scoped3A : memref<!tpu.dma_semaphore, #tpu.memory_space<semaphore_mem>>) src(%arg8 : memref<125x128xf32, #tpu.memory_space<vmem>>) dst(%dma_wait3A_192 : memref<10000x128xf32, #tpu.memory_space<vmem_shared>>)
        tpu.yield
      }) : () -> ()
      %add3A_166 = arith.constant 2 : i32
      %add3A_167 = arith.addi %mul3A_152, %add3A_166 : i32
      %lt3A_168 = arith.constant 40 : i32
      %lt3A_169 = arith.cmpi slt, %add3A_167, %lt3A_168 : i32
      %convert_element_type3A_170 = arith.extui %lt3A_169 : i1 to i32
      %cond3A_171 = arith.constant 0 : i32
      %cond3A_172 = arith.cmpi ne, %convert_element_type3A_170, %cond3A_171 : i32
      scf.if %cond3A_172 {
        %add3A_181 = arith.constant 2 : i32
        %add3A_182 = arith.addi %mul3A_152, %add3A_181 : i32
        %dma_start3A_183 = arith.constant 0 : i32
        %dma_start3A_184 = tpu.memref_slice %arg6[%add3A_182, %dma_start3A_183] : memref<40x125xi32, #tpu.memory_space<vmem>> -> memref<1x125xi32, #tpu.memory_space<vmem>>
        %dma_start3A_185 = tpu.memref_squeeze %dma_start3A_184 : memref<1x125xi32, #tpu.memory_space<vmem>> -> memref<125xi32, #tpu.memory_space<vmem>>
        %dma_start3A_186 = arith.constant 0 : i32
        %dma_start3A_187 = arith.constant 0 : i32
        %dma_start3A_188 = tpu.memref_slice %arg4[%dma_start3A_186, %dma_start3A_187] : memref<10000x128xf32, #tpu.memory_space<hbm>> -> memref<10000x128xf32, #tpu.memory_space<hbm>>
        tpu.enqueue_indirect_dma source(%dma_start3A_188 : memref<10000x128xf32, #tpu.memory_space<hbm>>) target(%arg8 : memref<125x128xf32, #tpu.memory_space<vmem>>) offsets(%dma_start3A_185 : memref<125xi32, #tpu.memory_space<vmem>>) semaphore(%arg12 : memref<!tpu.dma_semaphore, #tpu.memory_space<semaphore_mem>>)
      } else {
      }
      %dma_wait3A_173 = arith.constant 0 : i32
      %dma_wait3A_174 = tpu.memref_slice %arg6[%add3A_154, %dma_wait3A_173] : memref<40x125xi32, #tpu.memory_space<vmem>> -> memref<1x125xi32, #tpu.memory_space<vmem>>
      %dma_wait3A_175 = tpu.memref_squeeze %dma_wait3A_174 : memref<1x125xi32, #tpu.memory_space<vmem>> -> memref<125xi32, #tpu.memory_space<vmem>>
      %dma_wait3A_176 = arith.constant 0 : i32
      %dma_wait3A_177 = arith.constant 0 : i32
      %dma_wait3A_178 = tpu.memref_slice %arg4[%dma_wait3A_176, %dma_wait3A_177] : memref<10000x128xf32, #tpu.memory_space<hbm>> -> memref<10000x128xf32, #tpu.memory_space<hbm>>
      tpu.wait_indirect_dma semaphore(%arg13 : memref<!tpu.dma_semaphore, #tpu.memory_space<semaphore_mem>>) src(%dma_wait3A_178 : memref<10000x128xf32, #tpu.memory_space<hbm>>) dst(%arg9 : memref<125x128xf32, #tpu.memory_space<vmem>>)
      %add3A_179 = arith.constant 1 : i32
      %add3A_180 = arith.addi %mul3A_152, %add3A_179 : i32
      "tpu.region"() ({
        %run_scoped3A = tpu.sem_alloc : memref<!tpu.dma_semaphore, #tpu.memory_space<semaphore_mem>>
        %dma_start3A_181 = arith.constant 0 : i32
        %dma_start3A_182 = tpu.memref_slice %arg7[%add3A_180, %dma_start3A_181] : memref<40x125xi32, #tpu.memory_space<vmem>> -> memref<1x125xi32, #tpu.memory_space<vmem>>
        %dma_start3A_183 = tpu.memref_squeeze %dma_start3A_182 : memref<1x125xi32, #tpu.memory_space<vmem>> -> memref<125xi32, #tpu.memory_space<vmem>>
        %dma_start3A_184 = arith.constant 0 : i32
        %dma_start3A_185 = arith.constant 0 : i32
        %dma_start3A_186 = tpu.memref_slice %arg11[%dma_start3A_184, %dma_start3A_185] : memref<10000x128xf32, #tpu.memory_space<vmem_shared>> -> memref<10000x128xf32, #tpu.memory_space<vmem_shared>>
        tpu.enqueue_indirect_dma source(%arg9 : memref<125x128xf32, #tpu.memory_space<vmem>>) target(%dma_start3A_186 : memref<10000x128xf32, #tpu.memory_space<vmem_shared>>) offsets(%dma_start3A_183 : memref<125xi32, #tpu.memory_space<vmem>>) semaphore(%run_scoped3A : memref<!tpu.dma_semaphore, #tpu.memory_space<semaphore_mem>>) {add = true}
        %dma_wait3A_187 = arith.constant 0 : i32
        %dma_wait3A_188 = tpu.memref_slice %arg7[%add3A_180, %dma_wait3A_187] : memref<40x125xi32, #tpu.memory_space<vmem>> -> memref<1x125xi32, #tpu.memory_space<vmem>>
        %dma_wait3A_189 = tpu.memref_squeeze %dma_wait3A_188 : memref<1x125xi32, #tpu.memory_space<vmem>> -> memref<125xi32, #tpu.memory_space<vmem>>
        %dma_wait3A_190 = arith.constant 0 : i32
        %dma_wait3A_191 = arith.constant 0 : i32
        %dma_wait3A_192 = tpu.memref_slice %arg11[%dma_wait3A_190, %dma_wait3A_191] : memref<10000x128xf32, #tpu.memory_space<vmem_shared>> -> memref<10000x128xf32, #tpu.memory_space<vmem_shared>>
        tpu.wait_indirect_dma semaphore(%run_scoped3A : memref<!tpu.dma_semaphore, #tpu.memory_space<semaphore_mem>>) src(%arg9 : memref<125x128xf32, #tpu.memory_space<vmem>>) dst(%dma_wait3A_192 : memref<10000x128xf32, #tpu.memory_space<vmem_shared>>)
        tpu.yield
      }) : () -> ()
    }
    %scan3A_146 = arith.constant 20 : i32
    %barrier3A_147 = arith.constant 0 : index
    tpu.barrier barrier_id(%barrier3A_147)
    %lt3A = arith.constant 10 : i32
    %lt3A_148 = arith.cmpi slt, %arg1, %lt3A : i32
    %convert_element_type3A = arith.extui %lt3A_148 : i1 to i32
    %cond3A = arith.constant 0 : i32
    %cond3A_149 = arith.cmpi ne, %convert_element_type3A, %cond3A : i32
    scf.if %cond3A_149 {
      %mul3A_150 = arith.constant 1000 : i32
      %mul3A_151 = arith.muli %arg1, %mul3A_150 : i32
      %mul3A_152 = arith.constant 1000 : i32
      %mul3A_153 = arith.muli %arg1, %mul3A_152 : i32
      "tpu.region"() ({
        %run_scoped3A = tpu.sem_alloc : memref<!tpu.dma_semaphore, #tpu.memory_space<semaphore_mem>>
        %dma_start3A_154 = arith.constant 0 : i32
        %dma_start3A_155 = tpu.memref_slice %arg5[%arg0, %mul3A_153, %dma_start3A_154] : memref<2x10000x128xf32, #tpu.memory_space<hbm>> -> memref<1x1000x128xf32, #tpu.memory_space<hbm>>
        %dma_start3A_156 = tpu.memref_squeeze %dma_start3A_155 : memref<1x1000x128xf32, #tpu.memory_space<hbm>> -> memref<1000x128xf32, #tpu.memory_space<hbm>>
        %dma_start3A_157 = arith.constant 0 : i32
        %dma_start3A_158 = tpu.memref_slice %arg11[%mul3A_151, %dma_start3A_157] : memref<10000x128xf32, #tpu.memory_space<vmem_shared>> -> memref<1000x128xf32, #tpu.memory_space<vmem_shared>>
        tpu.enqueue_dma source(%dma_start3A_158 : memref<1000x128xf32, #tpu.memory_space<vmem_shared>>) target(%dma_start3A_156 : memref<1000x128xf32, #tpu.memory_space<hbm>>) target_semaphore(%run_scoped3A : memref<!tpu.dma_semaphore, #tpu.memory_space<semaphore_mem>>)
        %dma_wait3A = arith.constant 0 : i32
        %dma_wait3A_159 = tpu.memref_slice %arg5[%arg0, %mul3A_153, %dma_wait3A] : memref<2x10000x128xf32, #tpu.memory_space<hbm>> -> memref<1x1000x128xf32, #tpu.memory_space<hbm>>
        %dma_wait3A_160 = tpu.memref_squeeze %dma_wait3A_159 : memref<1x1000x128xf32, #tpu.memory_space<hbm>> -> memref<1000x128xf32, #tpu.memory_space<hbm>>
        %dma_wait3A_161 = arith.constant 0 : i32
        %dma_wait3A_162 = tpu.memref_slice %arg11[%mul3A_151, %dma_wait3A_161] : memref<10000x128xf32, #tpu.memory_space<vmem_shared>> -> memref<1000x128xf32, #tpu.memory_space<vmem_shared>>
        tpu.wait_dma2 semaphore(%run_scoped3A : memref<!tpu.dma_semaphore, #tpu.memory_space<semaphore_mem>>) src(%dma_wait3A_162 : memref<1000x128xf32, #tpu.memory_space<vmem_shared>>) dst(%dma_wait3A_160 : memref<1000x128xf32, #tpu.memory_space<hbm>>)
        tpu.yield
      }) : () -> ()
    } else {
    }
    return
  }
}

#map = affine_map<(d0, d1) -> (0, 0)>
#map1 = affine_map<(d0, d1) -> (0, 0, 0)>
module attributes {stable_mosaic.version = 14 : i64} {
  func.func @_segsum_body(%arg0: i32, %arg1: i32, %arg2: memref<2560x125xi32, #tpu.memory_space<hbm>>, %arg3: memref<2560x125xi32, #tpu.memory_space<hbm>>, %arg4: memref<10000x128xf32, #tpu.memory_space<hbm>>, %arg5: memref<2x10000x128xf32, #tpu.memory_space<hbm>>, %arg6: memref<40x125xi32, #tpu.memory_space<vmem>>, %arg7: memref<40x125xi32, #tpu.memory_space<vmem>>, %arg8: memref<125x128xf32, #tpu.memory_space<vmem>>, %arg9: memref<125x128xf32, #tpu.memory_space<vmem>>, %arg10: memref<25x128xf32, #tpu.memory_space<vmem>>, %arg11: memref<10000x128xf32, #tpu.memory_space<vmem_shared>>, %arg12: memref<!tpu.dma_semaphore, #tpu.memory_space<semaphore_mem>>, %arg13: memref<!tpu.dma_semaphore, #tpu.memory_space<semaphore_mem>>) attributes {dimension_semantics = [#tpu.dimension_semantics<core_parallel>, #tpu.dimension_semantics<subcore_parallel>], iteration_bounds = array<i64: 2, 16>, scalar_prefetch = 0 : i64, scratch_operands = 8 : i64, tpu.core_type = #tpu.core_type<sc_vector_subcore>, window_params = [{transform_indices = #map}, {transform_indices = #map}, {transform_indices = #map}, {transform_indices = #map1}]} {
    %mul3A = arith.constant 2 : i32
    %mul3A_0 = arith.muli %arg1, %mul3A : i32
    %add3A = arith.addi %mul3A_0, %arg0 : i32
    %scan3A = arith.constant 0 : i32
    %scan3A_1 = arith.constant 0 : i32
    %scan3A_2 = arith.constant 200 : i32
    %scan3A_3 = arith.addi %scan3A_1, %scan3A_2 : i32
    %scan3A_4 = arith.constant 1 : i32
    scf.for %scan3A_150 = %scan3A_1 to %scan3A_3 step %scan3A_4  : i32 {
      %jit3A = arith.constant 8 : i32
      %div3A = arith.divsi %scan3A_150, %jit3A : i32
      %sign3A = arith.constant 0 : i32
      %sign3A_151 = arith.cmpi sgt, %scan3A_150, %sign3A : i32
      %sign3A_152 = arith.extui %sign3A_151 : i1 to i32
      %sign3A_153 = arith.constant 0 : i32
      %sign3A_154 = arith.cmpi slt, %scan3A_150, %sign3A_153 : i32
      %sign3A_155 = arith.extui %sign3A_154 : i1 to i32
      %sign3A_156 = arith.subi %sign3A_152, %sign3A_155 : i32
      %sign3A_157 = arith.constant 0 : i32
      %sign3A_158 = arith.cmpi sgt, %jit3A, %sign3A_157 : i32
      %sign3A_159 = arith.extui %sign3A_158 : i1 to i32
      %sign3A_160 = arith.constant 0 : i32
      %sign3A_161 = arith.cmpi slt, %jit3A, %sign3A_160 : i32
      %sign3A_162 = arith.extui %sign3A_161 : i1 to i32
      %sign3A_163 = arith.subi %sign3A_159, %sign3A_162 : i32
      %ne3A = arith.cmpi ne, %sign3A_156, %sign3A_163 : i32
      %rem3A = arith.remsi %scan3A_150, %jit3A : i32
      %ne3A_164 = arith.constant 0 : i32
      %ne3A_165 = arith.cmpi ne, %rem3A, %ne3A_164 : i32
      %and3A = arith.andi %ne3A, %ne3A_165 : i1
      %sub3A = arith.constant 1 : i32
      %sub3A_166 = arith.subi %div3A, %sub3A : i32
      %select_n3A = arith.select %and3A, %sub3A_166, %div3A : i32
      %jit3A_167 = arith.constant 8 : i32
      %eq3A = arith.constant 0 : i32
      %eq3A_168 = arith.cmpi eq, %jit3A_167, %eq3A : i32
      %jit3A_169 = arith.constant 1 : i32
      %select_n3A_170 = arith.select %eq3A_168, %jit3A_169, %jit3A_167 : i32
      %rem3A_171 = arith.remsi %scan3A_150, %select_n3A_170 : i32
      %ne3A_172 = arith.constant 0 : i32
      %ne3A_173 = arith.cmpi ne, %rem3A_171, %ne3A_172 : i32
      %lt3A_174 = arith.constant 0 : i32
      %lt3A_175 = arith.cmpi slt, %rem3A_171, %lt3A_174 : i32
      %lt3A_176 = arith.constant 0 : i32
      %lt3A_177 = arith.cmpi slt, %select_n3A_170, %lt3A_176 : i32
      %ne3A_178 = arith.xori %lt3A_175, %lt3A_177 : i1
      %and3A_179 = arith.andi %ne3A_178, %ne3A_173 : i1
      %add3A_180 = arith.addi %rem3A_171, %select_n3A_170 : i32
      %select_n3A_181 = arith.select %and3A_179, %add3A_180, %rem3A_171 : i32
      %broadcast_in_dim3A = arith.constant 0.000000e+00 : f32
      %broadcast_in_dim3A_182 = vector.broadcast %broadcast_in_dim3A : f32 to vector<16xf32>
      %mul3A_183 = arith.constant 16 : i32
      %mul3A_184 = arith.muli %select_n3A_181, %mul3A_183 : i32
      %swap3A = arith.index_cast %select_n3A : i32 to index
      %swap3A_185 = arith.index_cast %mul3A_184 : i32 to index
      %swap3A_186 = tpu.vector_load %arg10[%swap3A, %swap3A_185] {strides = array<i32>} : memref<25x128xf32, #tpu.memory_space<vmem>>, vector<1x16xf32>,
      %swap3A_187 = vector.shape_cast %swap3A_186 : vector<1x16xf32> to vector<16xf32>
      %swap3A_188 = vector.shape_cast %broadcast_in_dim3A_182 : vector<16xf32> to vector<1x16xf32>
      tpu.vector_store %arg10[%swap3A, %swap3A_185], %swap3A_188 {strides = array<i32>} : memref<25x128xf32, #tpu.memory_space<vmem>>, vector<1x16xf32>,
    }
    %scan3A_5 = arith.constant 200 : i32
    %mul3A_6 = arith.constant 625 : i32
    %mul3A_7 = arith.muli %arg1, %mul3A_6 : i32
    %add3A_8 = arith.constant 0 : i32
    %add3A_9 = arith.addi %mul3A_7, %add3A_8 : i32
    "tpu.region"() ({
      %run_scoped3A = tpu.sem_alloc : memref<!tpu.dma_semaphore, #tpu.memory_space<semaphore_mem>>
      %dma_start3A_150 = arith.constant 0 : i32
      %dma_start3A_151 = tpu.memref_slice %arg11[%add3A_9, %dma_start3A_150] : memref<10000x128xf32, #tpu.memory_space<vmem_shared>> -> memref<25x128xf32, #tpu.memory_space<vmem_shared>>
      %dma_start3A_152 = arith.constant 0 : i32
      %dma_start3A_153 = tpu.memref_slice %arg11[%add3A_9, %dma_start3A_152] : memref<10000x128xf32, #tpu.memory_space<vmem_shared>> -> memref<25x128xf32, #tpu.memory_space<vmem_shared>>
      tpu.enqueue_dma source(%arg10 : memref<25x128xf32, #tpu.memory_space<vmem>>) target(%dma_start3A_153 : memref<25x128xf32, #tpu.memory_space<vmem_shared>>) target_semaphore(%run_scoped3A : memref<!tpu.dma_semaphore, #tpu.memory_space<semaphore_mem>>)
      %dma_wait3A = arith.constant 0 : i32
      %dma_wait3A_154 = tpu.memref_slice %arg11[%add3A_9, %dma_wait3A] : memref<10000x128xf32, #tpu.memory_space<vmem_shared>> -> memref<25x128xf32, #tpu.memory_space<vmem_shared>>
      %dma_wait3A_155 = arith.constant 0 : i32
      %dma_wait3A_156 = tpu.memref_slice %arg11[%add3A_9, %dma_wait3A_155] : memref<10000x128xf32, #tpu.memory_space<vmem_shared>> -> memref<25x128xf32, #tpu.memory_space<vmem_shared>>
      tpu.wait_dma2 semaphore(%run_scoped3A : memref<!tpu.dma_semaphore, #tpu.memory_space<semaphore_mem>>) src(%arg10 : memref<25x128xf32, #tpu.memory_space<vmem>>) dst(%dma_wait3A_156 : memref<25x128xf32, #tpu.memory_space<vmem_shared>>)
      tpu.yield
    }) : () -> ()
    %mul3A_10 = arith.constant 625 : i32
    %mul3A_11 = arith.muli %arg1, %mul3A_10 : i32
    %add3A_12 = arith.constant 25 : i32
    %add3A_13 = arith.addi %mul3A_11, %add3A_12 : i32
    "tpu.region"() ({
      %run_scoped3A = tpu.sem_alloc : memref<!tpu.dma_semaphore, #tpu.memory_space<semaphore_mem>>
      %dma_start3A_150 = arith.constant 0 : i32
      %dma_start3A_151 = tpu.memref_slice %arg11[%add3A_13, %dma_start3A_150] : memref<10000x128xf32, #tpu.memory_space<vmem_shared>> -> memref<25x128xf32, #tpu.memory_space<vmem_shared>>
      %dma_start3A_152 = arith.constant 0 : i32
      %dma_start3A_153 = tpu.memref_slice %arg11[%add3A_13, %dma_start3A_152] : memref<10000x128xf32, #tpu.memory_space<vmem_shared>> -> memref<25x128xf32, #tpu.memory_space<vmem_shared>>
      tpu.enqueue_dma source(%arg10 : memref<25x128xf32, #tpu.memory_space<vmem>>) target(%dma_start3A_153 : memref<25x128xf32, #tpu.memory_space<vmem_shared>>) target_semaphore(%run_scoped3A : memref<!tpu.dma_semaphore, #tpu.memory_space<semaphore_mem>>)
      %dma_wait3A = arith.constant 0 : i32
      %dma_wait3A_154 = tpu.memref_slice %arg11[%add3A_13, %dma_wait3A] : memref<10000x128xf32, #tpu.memory_space<vmem_shared>> -> memref<25x128xf32, #tpu.memory_space<vmem_shared>>
      %dma_wait3A_155 = arith.constant 0 : i32
      %dma_wait3A_156 = tpu.memref_slice %arg11[%add3A_13, %dma_wait3A_155] : memref<10000x128xf32, #tpu.memory_space<vmem_shared>> -> memref<25x128xf32, #tpu.memory_space<vmem_shared>>
      tpu.wait_dma2 semaphore(%run_scoped3A : memref<!tpu.dma_semaphore, #tpu.memory_space<semaphore_mem>>) src(%arg10 : memref<25x128xf32, #tpu.memory_space<vmem>>) dst(%dma_wait3A_156 : memref<25x128xf32, #tpu.memory_space<vmem_shared>>)
      tpu.yield
    }) : () -> ()
    %mul3A_14 = arith.constant 625 : i32
    %mul3A_15 = arith.muli %arg1, %mul3A_14 : i32
    %add3A_16 = arith.constant 50 : i32
    %add3A_17 = arith.addi %mul3A_15, %add3A_16 : i32
    "tpu.region"() ({
      %run_scoped3A = tpu.sem_alloc : memref<!tpu.dma_semaphore, #tpu.memory_space<semaphore_mem>>
      %dma_start3A_150 = arith.constant 0 : i32
      %dma_start3A_151 = tpu.memref_slice %arg11[%add3A_17, %dma_start3A_150] : memref<10000x128xf32, #tpu.memory_space<vmem_shared>> -> memref<25x128xf32, #tpu.memory_space<vmem_shared>>
      %dma_start3A_152 = arith.constant 0 : i32
      %dma_start3A_153 = tpu.memref_slice %arg11[%add3A_17, %dma_start3A_152] : memref<10000x128xf32, #tpu.memory_space<vmem_shared>> -> memref<25x128xf32, #tpu.memory_space<vmem_shared>>
      tpu.enqueue_dma source(%arg10 : memref<25x128xf32, #tpu.memory_space<vmem>>) target(%dma_start3A_153 : memref<25x128xf32, #tpu.memory_space<vmem_shared>>) target_semaphore(%run_scoped3A : memref<!tpu.dma_semaphore, #tpu.memory_space<semaphore_mem>>)
      %dma_wait3A = arith.constant 0 : i32
      %dma_wait3A_154 = tpu.memref_slice %arg11[%add3A_17, %dma_wait3A] : memref<10000x128xf32, #tpu.memory_space<vmem_shared>> -> memref<25x128xf32, #tpu.memory_space<vmem_shared>>
      %dma_wait3A_155 = arith.constant 0 : i32
      %dma_wait3A_156 = tpu.memref_slice %arg11[%add3A_17, %dma_wait3A_155] : memref<10000x128xf32, #tpu.memory_space<vmem_shared>> -> memref<25x128xf32, #tpu.memory_space<vmem_shared>>
      tpu.wait_dma2 semaphore(%run_scoped3A : memref<!tpu.dma_semaphore, #tpu.memory_space<semaphore_mem>>) src(%arg10 : memref<25x128xf32, #tpu.memory_space<vmem>>) dst(%dma_wait3A_156 : memref<25x128xf32, #tpu.memory_space<vmem_shared>>)
      tpu.yield
    }) : () -> ()
    %mul3A_18 = arith.constant 625 : i32
    %mul3A_19 = arith.muli %arg1, %mul3A_18 : i32
    %add3A_20 = arith.constant 75 : i32
    %add3A_21 = arith.addi %mul3A_19, %add3A_20 : i32
    "tpu.region"() ({
      %run_scoped3A = tpu.sem_alloc : memref<!tpu.dma_semaphore, #tpu.memory_space<semaphore_mem>>
      %dma_start3A_150 = arith.constant 0 : i32
      %dma_start3A_151 = tpu.memref_slice %arg11[%add3A_21, %dma_start3A_150] : memref<10000x128xf32, #tpu.memory_space<vmem_shared>> -> memref<25x128xf32, #tpu.memory_space<vmem_shared>>
      %dma_start3A_152 = arith.constant 0 : i32
      %dma_start3A_153 = tpu.memref_slice %arg11[%add3A_21, %dma_start3A_152] : memref<10000x128xf32, #tpu.memory_space<vmem_shared>> -> memref<25x128xf32, #tpu.memory_space<vmem_shared>>
      tpu.enqueue_dma source(%arg10 : memref<25x128xf32, #tpu.memory_space<vmem>>) target(%dma_start3A_153 : memref<25x128xf32, #tpu.memory_space<vmem_shared>>) target_semaphore(%run_scoped3A : memref<!tpu.dma_semaphore, #tpu.memory_space<semaphore_mem>>)
      %dma_wait3A = arith.constant 0 : i32
      %dma_wait3A_154 = tpu.memref_slice %arg11[%add3A_21, %dma_wait3A] : memref<10000x128xf32, #tpu.memory_space<vmem_shared>> -> memref<25x128xf32, #tpu.memory_space<vmem_shared>>
      %dma_wait3A_155 = arith.constant 0 : i32
      %dma_wait3A_156 = tpu.memref_slice %arg11[%add3A_21, %dma_wait3A_155] : memref<10000x128xf32, #tpu.memory_space<vmem_shared>> -> memref<25x128xf32, #tpu.memory_space<vmem_shared>>
      tpu.wait_dma2 semaphore(%run_scoped3A : memref<!tpu.dma_semaphore, #tpu.memory_space<semaphore_mem>>) src(%arg10 : memref<25x128xf32, #tpu.memory_space<vmem>>) dst(%dma_wait3A_156 : memref<25x128xf32, #tpu.memory_space<vmem_shared>>)
      tpu.yield
    }) : () -> ()
    %mul3A_22 = arith.constant 625 : i32
    %mul3A_23 = arith.muli %arg1, %mul3A_22 : i32
    %add3A_24 = arith.constant 100 : i32
    %add3A_25 = arith.addi %mul3A_23, %add3A_24 : i32
    "tpu.region"() ({
      %run_scoped3A = tpu.sem_alloc : memref<!tpu.dma_semaphore, #tpu.memory_space<semaphore_mem>>
      %dma_start3A_150 = arith.constant 0 : i32
      %dma_start3A_151 = tpu.memref_slice %arg11[%add3A_25, %dma_start3A_150] : memref<10000x128xf32, #tpu.memory_space<vmem_shared>> -> memref<25x128xf32, #tpu.memory_space<vmem_shared>>
      %dma_start3A_152 = arith.constant 0 : i32
      %dma_start3A_153 = tpu.memref_slice %arg11[%add3A_25, %dma_start3A_152] : memref<10000x128xf32, #tpu.memory_space<vmem_shared>> -> memref<25x128xf32, #tpu.memory_space<vmem_shared>>
      tpu.enqueue_dma source(%arg10 : memref<25x128xf32, #tpu.memory_space<vmem>>) target(%dma_start3A_153 : memref<25x128xf32, #tpu.memory_space<vmem_shared>>) target_semaphore(%run_scoped3A : memref<!tpu.dma_semaphore, #tpu.memory_space<semaphore_mem>>)
      %dma_wait3A = arith.constant 0 : i32
      %dma_wait3A_154 = tpu.memref_slice %arg11[%add3A_25, %dma_wait3A] : memref<10000x128xf32, #tpu.memory_space<vmem_shared>> -> memref<25x128xf32, #tpu.memory_space<vmem_shared>>
      %dma_wait3A_155 = arith.constant 0 : i32
      %dma_wait3A_156 = tpu.memref_slice %arg11[%add3A_25, %dma_wait3A_155] : memref<10000x128xf32, #tpu.memory_space<vmem_shared>> -> memref<25x128xf32, #tpu.memory_space<vmem_shared>>
      tpu.wait_dma2 semaphore(%run_scoped3A : memref<!tpu.dma_semaphore, #tpu.memory_space<semaphore_mem>>) src(%arg10 : memref<25x128xf32, #tpu.memory_space<vmem>>) dst(%dma_wait3A_156 : memref<25x128xf32, #tpu.memory_space<vmem_shared>>)
      tpu.yield
    }) : () -> ()
    %mul3A_26 = arith.constant 625 : i32
    %mul3A_27 = arith.muli %arg1, %mul3A_26 : i32
    %add3A_28 = arith.constant 125 : i32
    %add3A_29 = arith.addi %mul3A_27, %add3A_28 : i32
    "tpu.region"() ({
      %run_scoped3A = tpu.sem_alloc : memref<!tpu.dma_semaphore, #tpu.memory_space<semaphore_mem>>
      %dma_start3A_150 = arith.constant 0 : i32
      %dma_start3A_151 = tpu.memref_slice %arg11[%add3A_29, %dma_start3A_150] : memref<10000x128xf32, #tpu.memory_space<vmem_shared>> -> memref<25x128xf32, #tpu.memory_space<vmem_shared>>
      %dma_start3A_152 = arith.constant 0 : i32
      %dma_start3A_153 = tpu.memref_slice %arg11[%add3A_29, %dma_start3A_152] : memref<10000x128xf32, #tpu.memory_space<vmem_shared>> -> memref<25x128xf32, #tpu.memory_space<vmem_shared>>
      tpu.enqueue_dma source(%arg10 : memref<25x128xf32, #tpu.memory_space<vmem>>) target(%dma_start3A_153 : memref<25x128xf32, #tpu.memory_space<vmem_shared>>) target_semaphore(%run_scoped3A : memref<!tpu.dma_semaphore, #tpu.memory_space<semaphore_mem>>)
      %dma_wait3A = arith.constant 0 : i32
      %dma_wait3A_154 = tpu.memref_slice %arg11[%add3A_29, %dma_wait3A] : memref<10000x128xf32, #tpu.memory_space<vmem_shared>> -> memref<25x128xf32, #tpu.memory_space<vmem_shared>>
      %dma_wait3A_155 = arith.constant 0 : i32
      %dma_wait3A_156 = tpu.memref_slice %arg11[%add3A_29, %dma_wait3A_155] : memref<10000x128xf32, #tpu.memory_space<vmem_shared>> -> memref<25x128xf32, #tpu.memory_space<vmem_shared>>
      tpu.wait_dma2 semaphore(%run_scoped3A : memref<!tpu.dma_semaphore, #tpu.memory_space<semaphore_mem>>) src(%arg10 : memref<25x128xf32, #tpu.memory_space<vmem>>) dst(%dma_wait3A_156 : memref<25x128xf32, #tpu.memory_space<vmem_shared>>)
      tpu.yield
    }) : () -> ()
    %mul3A_30 = arith.constant 625 : i32
    %mul3A_31 = arith.muli %arg1, %mul3A_30 : i32
    %add3A_32 = arith.constant 150 : i32
    %add3A_33 = arith.addi %mul3A_31, %add3A_32 : i32
    "tpu.region"() ({
      %run_scoped3A = tpu.sem_alloc : memref<!tpu.dma_semaphore, #tpu.memory_space<semaphore_mem>>
      %dma_start3A_150 = arith.constant 0 : i32
      %dma_start3A_151 = tpu.memref_slice %arg11[%add3A_33, %dma_start3A_150] : memref<10000x128xf32, #tpu.memory_space<vmem_shared>> -> memref<25x128xf32, #tpu.memory_space<vmem_shared>>
      %dma_start3A_152 = arith.constant 0 : i32
      %dma_start3A_153 = tpu.memref_slice %arg11[%add3A_33, %dma_start3A_152] : memref<10000x128xf32, #tpu.memory_space<vmem_shared>> -> memref<25x128xf32, #tpu.memory_space<vmem_shared>>
      tpu.enqueue_dma source(%arg10 : memref<25x128xf32, #tpu.memory_space<vmem>>) target(%dma_start3A_153 : memref<25x128xf32, #tpu.memory_space<vmem_shared>>) target_semaphore(%run_scoped3A : memref<!tpu.dma_semaphore, #tpu.memory_space<semaphore_mem>>)
      %dma_wait3A = arith.constant 0 : i32
      %dma_wait3A_154 = tpu.memref_slice %arg11[%add3A_33, %dma_wait3A] : memref<10000x128xf32, #tpu.memory_space<vmem_shared>> -> memref<25x128xf32, #tpu.memory_space<vmem_shared>>
      %dma_wait3A_155 = arith.constant 0 : i32
      %dma_wait3A_156 = tpu.memref_slice %arg11[%add3A_33, %dma_wait3A_155] : memref<10000x128xf32, #tpu.memory_space<vmem_shared>> -> memref<25x128xf32, #tpu.memory_space<vmem_shared>>
      tpu.wait_dma2 semaphore(%run_scoped3A : memref<!tpu.dma_semaphore, #tpu.memory_space<semaphore_mem>>) src(%arg10 : memref<25x128xf32, #tpu.memory_space<vmem>>) dst(%dma_wait3A_156 : memref<25x128xf32, #tpu.memory_space<vmem_shared>>)
      tpu.yield
    }) : () -> ()
    %mul3A_34 = arith.constant 625 : i32
    %mul3A_35 = arith.muli %arg1, %mul3A_34 : i32
    %add3A_36 = arith.constant 175 : i32
    %add3A_37 = arith.addi %mul3A_35, %add3A_36 : i32
    "tpu.region"() ({
      %run_scoped3A = tpu.sem_alloc : memref<!tpu.dma_semaphore, #tpu.memory_space<semaphore_mem>>
      %dma_start3A_150 = arith.constant 0 : i32
      %dma_start3A_151 = tpu.memref_slice %arg11[%add3A_37, %dma_start3A_150] : memref<10000x128xf32, #tpu.memory_space<vmem_shared>> -> memref<25x128xf32, #tpu.memory_space<vmem_shared>>
      %dma_start3A_152 = arith.constant 0 : i32
      %dma_start3A_153 = tpu.memref_slice %arg11[%add3A_37, %dma_start3A_152] : memref<10000x128xf32, #tpu.memory_space<vmem_shared>> -> memref<25x128xf32, #tpu.memory_space<vmem_shared>>
      tpu.enqueue_dma source(%arg10 : memref<25x128xf32, #tpu.memory_space<vmem>>) target(%dma_start3A_153 : memref<25x128xf32, #tpu.memory_space<vmem_shared>>) target_semaphore(%run_scoped3A : memref<!tpu.dma_semaphore, #tpu.memory_space<semaphore_mem>>)
      %dma_wait3A = arith.constant 0 : i32
      %dma_wait3A_154 = tpu.memref_slice %arg11[%add3A_37, %dma_wait3A] : memref<10000x128xf32, #tpu.memory_space<vmem_shared>> -> memref<25x128xf32, #tpu.memory_space<vmem_shared>>
      %dma_wait3A_155 = arith.constant 0 : i32
      %dma_wait3A_156 = tpu.memref_slice %arg11[%add3A_37, %dma_wait3A_155] : memref<10000x128xf32, #tpu.memory_space<vmem_shared>> -> memref<25x128xf32, #tpu.memory_space<vmem_shared>>
      tpu.wait_dma2 semaphore(%run_scoped3A : memref<!tpu.dma_semaphore, #tpu.memory_space<semaphore_mem>>) src(%arg10 : memref<25x128xf32, #tpu.memory_space<vmem>>) dst(%dma_wait3A_156 : memref<25x128xf32, #tpu.memory_space<vmem_shared>>)
      tpu.yield
    }) : () -> ()
    %mul3A_38 = arith.constant 625 : i32
    %mul3A_39 = arith.muli %arg1, %mul3A_38 : i32
    %add3A_40 = arith.constant 200 : i32
    %add3A_41 = arith.addi %mul3A_39, %add3A_40 : i32
    "tpu.region"() ({
      %run_scoped3A = tpu.sem_alloc : memref<!tpu.dma_semaphore, #tpu.memory_space<semaphore_mem>>
      %dma_start3A_150 = arith.constant 0 : i32
      %dma_start3A_151 = tpu.memref_slice %arg11[%add3A_41, %dma_start3A_150] : memref<10000x128xf32, #tpu.memory_space<vmem_shared>> -> memref<25x128xf32, #tpu.memory_space<vmem_shared>>
      %dma_start3A_152 = arith.constant 0 : i32
      %dma_start3A_153 = tpu.memref_slice %arg11[%add3A_41, %dma_start3A_152] : memref<10000x128xf32, #tpu.memory_space<vmem_shared>> -> memref<25x128xf32, #tpu.memory_space<vmem_shared>>
      tpu.enqueue_dma source(%arg10 : memref<25x128xf32, #tpu.memory_space<vmem>>) target(%dma_start3A_153 : memref<25x128xf32, #tpu.memory_space<vmem_shared>>) target_semaphore(%run_scoped3A : memref<!tpu.dma_semaphore, #tpu.memory_space<semaphore_mem>>)
      %dma_wait3A = arith.constant 0 : i32
      %dma_wait3A_154 = tpu.memref_slice %arg11[%add3A_41, %dma_wait3A] : memref<10000x128xf32, #tpu.memory_space<vmem_shared>> -> memref<25x128xf32, #tpu.memory_space<vmem_shared>>
      %dma_wait3A_155 = arith.constant 0 : i32
      %dma_wait3A_156 = tpu.memref_slice %arg11[%add3A_41, %dma_wait3A_155] : memref<10000x128xf32, #tpu.memory_space<vmem_shared>> -> memref<25x128xf32, #tpu.memory_space<vmem_shared>>
      tpu.wait_dma2 semaphore(%run_scoped3A : memref<!tpu.dma_semaphore, #tpu.memory_space<semaphore_mem>>) src(%arg10 : memref<25x128xf32, #tpu.memory_space<vmem>>) dst(%dma_wait3A_156 : memref<25x128xf32, #tpu.memory_space<vmem_shared>>)
      tpu.yield
    }) : () -> ()
    %mul3A_42 = arith.constant 625 : i32
    %mul3A_43 = arith.muli %arg1, %mul3A_42 : i32
    %add3A_44 = arith.constant 225 : i32
    %add3A_45 = arith.addi %mul3A_43, %add3A_44 : i32
    "tpu.region"() ({
      %run_scoped3A = tpu.sem_alloc : memref<!tpu.dma_semaphore, #tpu.memory_space<semaphore_mem>>
      %dma_start3A_150 = arith.constant 0 : i32
      %dma_start3A_151 = tpu.memref_slice %arg11[%add3A_45, %dma_start3A_150] : memref<10000x128xf32, #tpu.memory_space<vmem_shared>> -> memref<25x128xf32, #tpu.memory_space<vmem_shared>>
      %dma_start3A_152 = arith.constant 0 : i32
      %dma_start3A_153 = tpu.memref_slice %arg11[%add3A_45, %dma_start3A_152] : memref<10000x128xf32, #tpu.memory_space<vmem_shared>> -> memref<25x128xf32, #tpu.memory_space<vmem_shared>>
      tpu.enqueue_dma source(%arg10 : memref<25x128xf32, #tpu.memory_space<vmem>>) target(%dma_start3A_153 : memref<25x128xf32, #tpu.memory_space<vmem_shared>>) target_semaphore(%run_scoped3A : memref<!tpu.dma_semaphore, #tpu.memory_space<semaphore_mem>>)
      %dma_wait3A = arith.constant 0 : i32
      %dma_wait3A_154 = tpu.memref_slice %arg11[%add3A_45, %dma_wait3A] : memref<10000x128xf32, #tpu.memory_space<vmem_shared>> -> memref<25x128xf32, #tpu.memory_space<vmem_shared>>
      %dma_wait3A_155 = arith.constant 0 : i32
      %dma_wait3A_156 = tpu.memref_slice %arg11[%add3A_45, %dma_wait3A_155] : memref<10000x128xf32, #tpu.memory_space<vmem_shared>> -> memref<25x128xf32, #tpu.memory_space<vmem_shared>>
      tpu.wait_dma2 semaphore(%run_scoped3A : memref<!tpu.dma_semaphore, #tpu.memory_space<semaphore_mem>>) src(%arg10 : memref<25x128xf32, #tpu.memory_space<vmem>>) dst(%dma_wait3A_156 : memref<25x128xf32, #tpu.memory_space<vmem_shared>>)
      tpu.yield
    }) : () -> ()
    %mul3A_46 = arith.constant 625 : i32
    %mul3A_47 = arith.muli %arg1, %mul3A_46 : i32
    %add3A_48 = arith.constant 250 : i32
    %add3A_49 = arith.addi %mul3A_47, %add3A_48 : i32
    "tpu.region"() ({
      %run_scoped3A = tpu.sem_alloc : memref<!tpu.dma_semaphore, #tpu.memory_space<semaphore_mem>>
      %dma_start3A_150 = arith.constant 0 : i32
      %dma_start3A_151 = tpu.memref_slice %arg11[%add3A_49, %dma_start3A_150] : memref<10000x128xf32, #tpu.memory_space<vmem_shared>> -> memref<25x128xf32, #tpu.memory_space<vmem_shared>>
      %dma_start3A_152 = arith.constant 0 : i32
      %dma_start3A_153 = tpu.memref_slice %arg11[%add3A_49, %dma_start3A_152] : memref<10000x128xf32, #tpu.memory_space<vmem_shared>> -> memref<25x128xf32, #tpu.memory_space<vmem_shared>>
      tpu.enqueue_dma source(%arg10 : memref<25x128xf32, #tpu.memory_space<vmem>>) target(%dma_start3A_153 : memref<25x128xf32, #tpu.memory_space<vmem_shared>>) target_semaphore(%run_scoped3A : memref<!tpu.dma_semaphore, #tpu.memory_space<semaphore_mem>>)
      %dma_wait3A = arith.constant 0 : i32
      %dma_wait3A_154 = tpu.memref_slice %arg11[%add3A_49, %dma_wait3A] : memref<10000x128xf32, #tpu.memory_space<vmem_shared>> -> memref<25x128xf32, #tpu.memory_space<vmem_shared>>
      %dma_wait3A_155 = arith.constant 0 : i32
      %dma_wait3A_156 = tpu.memref_slice %arg11[%add3A_49, %dma_wait3A_155] : memref<10000x128xf32, #tpu.memory_space<vmem_shared>> -> memref<25x128xf32, #tpu.memory_space<vmem_shared>>
      tpu.wait_dma2 semaphore(%run_scoped3A : memref<!tpu.dma_semaphore, #tpu.memory_space<semaphore_mem>>) src(%arg10 : memref<25x128xf32, #tpu.memory_space<vmem>>) dst(%dma_wait3A_156 : memref<25x128xf32, #tpu.memory_space<vmem_shared>>)
      tpu.yield
    }) : () -> ()
    %mul3A_50 = arith.constant 625 : i32
    %mul3A_51 = arith.muli %arg1, %mul3A_50 : i32
    %add3A_52 = arith.constant 275 : i32
    %add3A_53 = arith.addi %mul3A_51, %add3A_52 : i32
    "tpu.region"() ({
      %run_scoped3A = tpu.sem_alloc : memref<!tpu.dma_semaphore, #tpu.memory_space<semaphore_mem>>
      %dma_start3A_150 = arith.constant 0 : i32
      %dma_start3A_151 = tpu.memref_slice %arg11[%add3A_53, %dma_start3A_150] : memref<10000x128xf32, #tpu.memory_space<vmem_shared>> -> memref<25x128xf32, #tpu.memory_space<vmem_shared>>
      %dma_start3A_152 = arith.constant 0 : i32
      %dma_start3A_153 = tpu.memref_slice %arg11[%add3A_53, %dma_start3A_152] : memref<10000x128xf32, #tpu.memory_space<vmem_shared>> -> memref<25x128xf32, #tpu.memory_space<vmem_shared>>
      tpu.enqueue_dma source(%arg10 : memref<25x128xf32, #tpu.memory_space<vmem>>) target(%dma_start3A_153 : memref<25x128xf32, #tpu.memory_space<vmem_shared>>) target_semaphore(%run_scoped3A : memref<!tpu.dma_semaphore, #tpu.memory_space<semaphore_mem>>)
      %dma_wait3A = arith.constant 0 : i32
      %dma_wait3A_154 = tpu.memref_slice %arg11[%add3A_53, %dma_wait3A] : memref<10000x128xf32, #tpu.memory_space<vmem_shared>> -> memref<25x128xf32, #tpu.memory_space<vmem_shared>>
      %dma_wait3A_155 = arith.constant 0 : i32
      %dma_wait3A_156 = tpu.memref_slice %arg11[%add3A_53, %dma_wait3A_155] : memref<10000x128xf32, #tpu.memory_space<vmem_shared>> -> memref<25x128xf32, #tpu.memory_space<vmem_shared>>
      tpu.wait_dma2 semaphore(%run_scoped3A : memref<!tpu.dma_semaphore, #tpu.memory_space<semaphore_mem>>) src(%arg10 : memref<25x128xf32, #tpu.memory_space<vmem>>) dst(%dma_wait3A_156 : memref<25x128xf32, #tpu.memory_space<vmem_shared>>)
      tpu.yield
    }) : () -> ()
    %mul3A_54 = arith.constant 625 : i32
    %mul3A_55 = arith.muli %arg1, %mul3A_54 : i32
    %add3A_56 = arith.constant 300 : i32
    %add3A_57 = arith.addi %mul3A_55, %add3A_56 : i32
    "tpu.region"() ({
      %run_scoped3A = tpu.sem_alloc : memref<!tpu.dma_semaphore, #tpu.memory_space<semaphore_mem>>
      %dma_start3A_150 = arith.constant 0 : i32
      %dma_start3A_151 = tpu.memref_slice %arg11[%add3A_57, %dma_start3A_150] : memref<10000x128xf32, #tpu.memory_space<vmem_shared>> -> memref<25x128xf32, #tpu.memory_space<vmem_shared>>
      %dma_start3A_152 = arith.constant 0 : i32
      %dma_start3A_153 = tpu.memref_slice %arg11[%add3A_57, %dma_start3A_152] : memref<10000x128xf32, #tpu.memory_space<vmem_shared>> -> memref<25x128xf32, #tpu.memory_space<vmem_shared>>
      tpu.enqueue_dma source(%arg10 : memref<25x128xf32, #tpu.memory_space<vmem>>) target(%dma_start3A_153 : memref<25x128xf32, #tpu.memory_space<vmem_shared>>) target_semaphore(%run_scoped3A : memref<!tpu.dma_semaphore, #tpu.memory_space<semaphore_mem>>)
      %dma_wait3A = arith.constant 0 : i32
      %dma_wait3A_154 = tpu.memref_slice %arg11[%add3A_57, %dma_wait3A] : memref<10000x128xf32, #tpu.memory_space<vmem_shared>> -> memref<25x128xf32, #tpu.memory_space<vmem_shared>>
      %dma_wait3A_155 = arith.constant 0 : i32
      %dma_wait3A_156 = tpu.memref_slice %arg11[%add3A_57, %dma_wait3A_155] : memref<10000x128xf32, #tpu.memory_space<vmem_shared>> -> memref<25x128xf32, #tpu.memory_space<vmem_shared>>
      tpu.wait_dma2 semaphore(%run_scoped3A : memref<!tpu.dma_semaphore, #tpu.memory_space<semaphore_mem>>) src(%arg10 : memref<25x128xf32, #tpu.memory_space<vmem>>) dst(%dma_wait3A_156 : memref<25x128xf32, #tpu.memory_space<vmem_shared>>)
      tpu.yield
    }) : () -> ()
    %mul3A_58 = arith.constant 625 : i32
    %mul3A_59 = arith.muli %arg1, %mul3A_58 : i32
    %add3A_60 = arith.constant 325 : i32
    %add3A_61 = arith.addi %mul3A_59, %add3A_60 : i32
    "tpu.region"() ({
      %run_scoped3A = tpu.sem_alloc : memref<!tpu.dma_semaphore, #tpu.memory_space<semaphore_mem>>
      %dma_start3A_150 = arith.constant 0 : i32
      %dma_start3A_151 = tpu.memref_slice %arg11[%add3A_61, %dma_start3A_150] : memref<10000x128xf32, #tpu.memory_space<vmem_shared>> -> memref<25x128xf32, #tpu.memory_space<vmem_shared>>
      %dma_start3A_152 = arith.constant 0 : i32
      %dma_start3A_153 = tpu.memref_slice %arg11[%add3A_61, %dma_start3A_152] : memref<10000x128xf32, #tpu.memory_space<vmem_shared>> -> memref<25x128xf32, #tpu.memory_space<vmem_shared>>
      tpu.enqueue_dma source(%arg10 : memref<25x128xf32, #tpu.memory_space<vmem>>) target(%dma_start3A_153 : memref<25x128xf32, #tpu.memory_space<vmem_shared>>) target_semaphore(%run_scoped3A : memref<!tpu.dma_semaphore, #tpu.memory_space<semaphore_mem>>)
      %dma_wait3A = arith.constant 0 : i32
      %dma_wait3A_154 = tpu.memref_slice %arg11[%add3A_61, %dma_wait3A] : memref<10000x128xf32, #tpu.memory_space<vmem_shared>> -> memref<25x128xf32, #tpu.memory_space<vmem_shared>>
      %dma_wait3A_155 = arith.constant 0 : i32
      %dma_wait3A_156 = tpu.memref_slice %arg11[%add3A_61, %dma_wait3A_155] : memref<10000x128xf32, #tpu.memory_space<vmem_shared>> -> memref<25x128xf32, #tpu.memory_space<vmem_shared>>
      tpu.wait_dma2 semaphore(%run_scoped3A : memref<!tpu.dma_semaphore, #tpu.memory_space<semaphore_mem>>) src(%arg10 : memref<25x128xf32, #tpu.memory_space<vmem>>) dst(%dma_wait3A_156 : memref<25x128xf32, #tpu.memory_space<vmem_shared>>)
      tpu.yield
    }) : () -> ()
    %mul3A_62 = arith.constant 625 : i32
    %mul3A_63 = arith.muli %arg1, %mul3A_62 : i32
    %add3A_64 = arith.constant 350 : i32
    %add3A_65 = arith.addi %mul3A_63, %add3A_64 : i32
    "tpu.region"() ({
      %run_scoped3A = tpu.sem_alloc : memref<!tpu.dma_semaphore, #tpu.memory_space<semaphore_mem>>
      %dma_start3A_150 = arith.constant 0 : i32
      %dma_start3A_151 = tpu.memref_slice %arg11[%add3A_65, %dma_start3A_150] : memref<10000x128xf32, #tpu.memory_space<vmem_shared>> -> memref<25x128xf32, #tpu.memory_space<vmem_shared>>
      %dma_start3A_152 = arith.constant 0 : i32
      %dma_start3A_153 = tpu.memref_slice %arg11[%add3A_65, %dma_start3A_152] : memref<10000x128xf32, #tpu.memory_space<vmem_shared>> -> memref<25x128xf32, #tpu.memory_space<vmem_shared>>
      tpu.enqueue_dma source(%arg10 : memref<25x128xf32, #tpu.memory_space<vmem>>) target(%dma_start3A_153 : memref<25x128xf32, #tpu.memory_space<vmem_shared>>) target_semaphore(%run_scoped3A : memref<!tpu.dma_semaphore, #tpu.memory_space<semaphore_mem>>)
      %dma_wait3A = arith.constant 0 : i32
      %dma_wait3A_154 = tpu.memref_slice %arg11[%add3A_65, %dma_wait3A] : memref<10000x128xf32, #tpu.memory_space<vmem_shared>> -> memref<25x128xf32, #tpu.memory_space<vmem_shared>>
      %dma_wait3A_155 = arith.constant 0 : i32
      %dma_wait3A_156 = tpu.memref_slice %arg11[%add3A_65, %dma_wait3A_155] : memref<10000x128xf32, #tpu.memory_space<vmem_shared>> -> memref<25x128xf32, #tpu.memory_space<vmem_shared>>
      tpu.wait_dma2 semaphore(%run_scoped3A : memref<!tpu.dma_semaphore, #tpu.memory_space<semaphore_mem>>) src(%arg10 : memref<25x128xf32, #tpu.memory_space<vmem>>) dst(%dma_wait3A_156 : memref<25x128xf32, #tpu.memory_space<vmem_shared>>)
      tpu.yield
    }) : () -> ()
    %mul3A_66 = arith.constant 625 : i32
    %mul3A_67 = arith.muli %arg1, %mul3A_66 : i32
    %add3A_68 = arith.constant 375 : i32
    %add3A_69 = arith.addi %mul3A_67, %add3A_68 : i32
    "tpu.region"() ({
      %run_scoped3A = tpu.sem_alloc : memref<!tpu.dma_semaphore, #tpu.memory_space<semaphore_mem>>
      %dma_start3A_150 = arith.constant 0 : i32
      %dma_start3A_151 = tpu.memref_slice %arg11[%add3A_69, %dma_start3A_150] : memref<10000x128xf32, #tpu.memory_space<vmem_shared>> -> memref<25x128xf32, #tpu.memory_space<vmem_shared>>
      %dma_start3A_152 = arith.constant 0 : i32
      %dma_start3A_153 = tpu.memref_slice %arg11[%add3A_69, %dma_start3A_152] : memref<10000x128xf32, #tpu.memory_space<vmem_shared>> -> memref<25x128xf32, #tpu.memory_space<vmem_shared>>
      tpu.enqueue_dma source(%arg10 : memref<25x128xf32, #tpu.memory_space<vmem>>) target(%dma_start3A_153 : memref<25x128xf32, #tpu.memory_space<vmem_shared>>) target_semaphore(%run_scoped3A : memref<!tpu.dma_semaphore, #tpu.memory_space<semaphore_mem>>)
      %dma_wait3A = arith.constant 0 : i32
      %dma_wait3A_154 = tpu.memref_slice %arg11[%add3A_69, %dma_wait3A] : memref<10000x128xf32, #tpu.memory_space<vmem_shared>> -> memref<25x128xf32, #tpu.memory_space<vmem_shared>>
      %dma_wait3A_155 = arith.constant 0 : i32
      %dma_wait3A_156 = tpu.memref_slice %arg11[%add3A_69, %dma_wait3A_155] : memref<10000x128xf32, #tpu.memory_space<vmem_shared>> -> memref<25x128xf32, #tpu.memory_space<vmem_shared>>
      tpu.wait_dma2 semaphore(%run_scoped3A : memref<!tpu.dma_semaphore, #tpu.memory_space<semaphore_mem>>) src(%arg10 : memref<25x128xf32, #tpu.memory_space<vmem>>) dst(%dma_wait3A_156 : memref<25x128xf32, #tpu.memory_space<vmem_shared>>)
      tpu.yield
    }) : () -> ()
    %mul3A_70 = arith.constant 625 : i32
    %mul3A_71 = arith.muli %arg1, %mul3A_70 : i32
    %add3A_72 = arith.constant 400 : i32
    %add3A_73 = arith.addi %mul3A_71, %add3A_72 : i32
    "tpu.region"() ({
      %run_scoped3A = tpu.sem_alloc : memref<!tpu.dma_semaphore, #tpu.memory_space<semaphore_mem>>
      %dma_start3A_150 = arith.constant 0 : i32
      %dma_start3A_151 = tpu.memref_slice %arg11[%add3A_73, %dma_start3A_150] : memref<10000x128xf32, #tpu.memory_space<vmem_shared>> -> memref<25x128xf32, #tpu.memory_space<vmem_shared>>
      %dma_start3A_152 = arith.constant 0 : i32
      %dma_start3A_153 = tpu.memref_slice %arg11[%add3A_73, %dma_start3A_152] : memref<10000x128xf32, #tpu.memory_space<vmem_shared>> -> memref<25x128xf32, #tpu.memory_space<vmem_shared>>
      tpu.enqueue_dma source(%arg10 : memref<25x128xf32, #tpu.memory_space<vmem>>) target(%dma_start3A_153 : memref<25x128xf32, #tpu.memory_space<vmem_shared>>) target_semaphore(%run_scoped3A : memref<!tpu.dma_semaphore, #tpu.memory_space<semaphore_mem>>)
      %dma_wait3A = arith.constant 0 : i32
      %dma_wait3A_154 = tpu.memref_slice %arg11[%add3A_73, %dma_wait3A] : memref<10000x128xf32, #tpu.memory_space<vmem_shared>> -> memref<25x128xf32, #tpu.memory_space<vmem_shared>>
      %dma_wait3A_155 = arith.constant 0 : i32
      %dma_wait3A_156 = tpu.memref_slice %arg11[%add3A_73, %dma_wait3A_155] : memref<10000x128xf32, #tpu.memory_space<vmem_shared>> -> memref<25x128xf32, #tpu.memory_space<vmem_shared>>
      tpu.wait_dma2 semaphore(%run_scoped3A : memref<!tpu.dma_semaphore, #tpu.memory_space<semaphore_mem>>) src(%arg10 : memref<25x128xf32, #tpu.memory_space<vmem>>) dst(%dma_wait3A_156 : memref<25x128xf32, #tpu.memory_space<vmem_shared>>)
      tpu.yield
    }) : () -> ()
    %mul3A_74 = arith.constant 625 : i32
    %mul3A_75 = arith.muli %arg1, %mul3A_74 : i32
    %add3A_76 = arith.constant 425 : i32
    %add3A_77 = arith.addi %mul3A_75, %add3A_76 : i32
    "tpu.region"() ({
      %run_scoped3A = tpu.sem_alloc : memref<!tpu.dma_semaphore, #tpu.memory_space<semaphore_mem>>
      %dma_start3A_150 = arith.constant 0 : i32
      %dma_start3A_151 = tpu.memref_slice %arg11[%add3A_77, %dma_start3A_150] : memref<10000x128xf32, #tpu.memory_space<vmem_shared>> -> memref<25x128xf32, #tpu.memory_space<vmem_shared>>
      %dma_start3A_152 = arith.constant 0 : i32
      %dma_start3A_153 = tpu.memref_slice %arg11[%add3A_77, %dma_start3A_152] : memref<10000x128xf32, #tpu.memory_space<vmem_shared>> -> memref<25x128xf32, #tpu.memory_space<vmem_shared>>
      tpu.enqueue_dma source(%arg10 : memref<25x128xf32, #tpu.memory_space<vmem>>) target(%dma_start3A_153 : memref<25x128xf32, #tpu.memory_space<vmem_shared>>) target_semaphore(%run_scoped3A : memref<!tpu.dma_semaphore, #tpu.memory_space<semaphore_mem>>)
      %dma_wait3A = arith.constant 0 : i32
      %dma_wait3A_154 = tpu.memref_slice %arg11[%add3A_77, %dma_wait3A] : memref<10000x128xf32, #tpu.memory_space<vmem_shared>> -> memref<25x128xf32, #tpu.memory_space<vmem_shared>>
      %dma_wait3A_155 = arith.constant 0 : i32
      %dma_wait3A_156 = tpu.memref_slice %arg11[%add3A_77, %dma_wait3A_155] : memref<10000x128xf32, #tpu.memory_space<vmem_shared>> -> memref<25x128xf32, #tpu.memory_space<vmem_shared>>
      tpu.wait_dma2 semaphore(%run_scoped3A : memref<!tpu.dma_semaphore, #tpu.memory_space<semaphore_mem>>) src(%arg10 : memref<25x128xf32, #tpu.memory_space<vmem>>) dst(%dma_wait3A_156 : memref<25x128xf32, #tpu.memory_space<vmem_shared>>)
      tpu.yield
    }) : () -> ()
    %mul3A_78 = arith.constant 625 : i32
    %mul3A_79 = arith.muli %arg1, %mul3A_78 : i32
    %add3A_80 = arith.constant 450 : i32
    %add3A_81 = arith.addi %mul3A_79, %add3A_80 : i32
    "tpu.region"() ({
      %run_scoped3A = tpu.sem_alloc : memref<!tpu.dma_semaphore, #tpu.memory_space<semaphore_mem>>
      %dma_start3A_150 = arith.constant 0 : i32
      %dma_start3A_151 = tpu.memref_slice %arg11[%add3A_81, %dma_start3A_150] : memref<10000x128xf32, #tpu.memory_space<vmem_shared>> -> memref<25x128xf32, #tpu.memory_space<vmem_shared>>
      %dma_start3A_152 = arith.constant 0 : i32
      %dma_start3A_153 = tpu.memref_slice %arg11[%add3A_81, %dma_start3A_152] : memref<10000x128xf32, #tpu.memory_space<vmem_shared>> -> memref<25x128xf32, #tpu.memory_space<vmem_shared>>
      tpu.enqueue_dma source(%arg10 : memref<25x128xf32, #tpu.memory_space<vmem>>) target(%dma_start3A_153 : memref<25x128xf32, #tpu.memory_space<vmem_shared>>) target_semaphore(%run_scoped3A : memref<!tpu.dma_semaphore, #tpu.memory_space<semaphore_mem>>)
      %dma_wait3A = arith.constant 0 : i32
      %dma_wait3A_154 = tpu.memref_slice %arg11[%add3A_81, %dma_wait3A] : memref<10000x128xf32, #tpu.memory_space<vmem_shared>> -> memref<25x128xf32, #tpu.memory_space<vmem_shared>>
      %dma_wait3A_155 = arith.constant 0 : i32
      %dma_wait3A_156 = tpu.memref_slice %arg11[%add3A_81, %dma_wait3A_155] : memref<10000x128xf32, #tpu.memory_space<vmem_shared>> -> memref<25x128xf32, #tpu.memory_space<vmem_shared>>
      tpu.wait_dma2 semaphore(%run_scoped3A : memref<!tpu.dma_semaphore, #tpu.memory_space<semaphore_mem>>) src(%arg10 : memref<25x128xf32, #tpu.memory_space<vmem>>) dst(%dma_wait3A_156 : memref<25x128xf32, #tpu.memory_space<vmem_shared>>)
      tpu.yield
    }) : () -> ()
    %mul3A_82 = arith.constant 625 : i32
    %mul3A_83 = arith.muli %arg1, %mul3A_82 : i32
    %add3A_84 = arith.constant 475 : i32
    %add3A_85 = arith.addi %mul3A_83, %add3A_84 : i32
    "tpu.region"() ({
      %run_scoped3A = tpu.sem_alloc : memref<!tpu.dma_semaphore, #tpu.memory_space<semaphore_mem>>
      %dma_start3A_150 = arith.constant 0 : i32
      %dma_start3A_151 = tpu.memref_slice %arg11[%add3A_85, %dma_start3A_150] : memref<10000x128xf32, #tpu.memory_space<vmem_shared>> -> memref<25x128xf32, #tpu.memory_space<vmem_shared>>
      %dma_start3A_152 = arith.constant 0 : i32
      %dma_start3A_153 = tpu.memref_slice %arg11[%add3A_85, %dma_start3A_152] : memref<10000x128xf32, #tpu.memory_space<vmem_shared>> -> memref<25x128xf32, #tpu.memory_space<vmem_shared>>
      tpu.enqueue_dma source(%arg10 : memref<25x128xf32, #tpu.memory_space<vmem>>) target(%dma_start3A_153 : memref<25x128xf32, #tpu.memory_space<vmem_shared>>) target_semaphore(%run_scoped3A : memref<!tpu.dma_semaphore, #tpu.memory_space<semaphore_mem>>)
      %dma_wait3A = arith.constant 0 : i32
      %dma_wait3A_154 = tpu.memref_slice %arg11[%add3A_85, %dma_wait3A] : memref<10000x128xf32, #tpu.memory_space<vmem_shared>> -> memref<25x128xf32, #tpu.memory_space<vmem_shared>>
      %dma_wait3A_155 = arith.constant 0 : i32
      %dma_wait3A_156 = tpu.memref_slice %arg11[%add3A_85, %dma_wait3A_155] : memref<10000x128xf32, #tpu.memory_space<vmem_shared>> -> memref<25x128xf32, #tpu.memory_space<vmem_shared>>
      tpu.wait_dma2 semaphore(%run_scoped3A : memref<!tpu.dma_semaphore, #tpu.memory_space<semaphore_mem>>) src(%arg10 : memref<25x128xf32, #tpu.memory_space<vmem>>) dst(%dma_wait3A_156 : memref<25x128xf32, #tpu.memory_space<vmem_shared>>)
      tpu.yield
    }) : () -> ()
    %mul3A_86 = arith.constant 625 : i32
    %mul3A_87 = arith.muli %arg1, %mul3A_86 : i32
    %add3A_88 = arith.constant 500 : i32
    %add3A_89 = arith.addi %mul3A_87, %add3A_88 : i32
    "tpu.region"() ({
      %run_scoped3A = tpu.sem_alloc : memref<!tpu.dma_semaphore, #tpu.memory_space<semaphore_mem>>
      %dma_start3A_150 = arith.constant 0 : i32
      %dma_start3A_151 = tpu.memref_slice %arg11[%add3A_89, %dma_start3A_150] : memref<10000x128xf32, #tpu.memory_space<vmem_shared>> -> memref<25x128xf32, #tpu.memory_space<vmem_shared>>
      %dma_start3A_152 = arith.constant 0 : i32
      %dma_start3A_153 = tpu.memref_slice %arg11[%add3A_89, %dma_start3A_152] : memref<10000x128xf32, #tpu.memory_space<vmem_shared>> -> memref<25x128xf32, #tpu.memory_space<vmem_shared>>
      tpu.enqueue_dma source(%arg10 : memref<25x128xf32, #tpu.memory_space<vmem>>) target(%dma_start3A_153 : memref<25x128xf32, #tpu.memory_space<vmem_shared>>) target_semaphore(%run_scoped3A : memref<!tpu.dma_semaphore, #tpu.memory_space<semaphore_mem>>)
      %dma_wait3A = arith.constant 0 : i32
      %dma_wait3A_154 = tpu.memref_slice %arg11[%add3A_89, %dma_wait3A] : memref<10000x128xf32, #tpu.memory_space<vmem_shared>> -> memref<25x128xf32, #tpu.memory_space<vmem_shared>>
      %dma_wait3A_155 = arith.constant 0 : i32
      %dma_wait3A_156 = tpu.memref_slice %arg11[%add3A_89, %dma_wait3A_155] : memref<10000x128xf32, #tpu.memory_space<vmem_shared>> -> memref<25x128xf32, #tpu.memory_space<vmem_shared>>
      tpu.wait_dma2 semaphore(%run_scoped3A : memref<!tpu.dma_semaphore, #tpu.memory_space<semaphore_mem>>) src(%arg10 : memref<25x128xf32, #tpu.memory_space<vmem>>) dst(%dma_wait3A_156 : memref<25x128xf32, #tpu.memory_space<vmem_shared>>)
      tpu.yield
    }) : () -> ()
    %mul3A_90 = arith.constant 625 : i32
    %mul3A_91 = arith.muli %arg1, %mul3A_90 : i32
    %add3A_92 = arith.constant 525 : i32
    %add3A_93 = arith.addi %mul3A_91, %add3A_92 : i32
    "tpu.region"() ({
      %run_scoped3A = tpu.sem_alloc : memref<!tpu.dma_semaphore, #tpu.memory_space<semaphore_mem>>
      %dma_start3A_150 = arith.constant 0 : i32
      %dma_start3A_151 = tpu.memref_slice %arg11[%add3A_93, %dma_start3A_150] : memref<10000x128xf32, #tpu.memory_space<vmem_shared>> -> memref<25x128xf32, #tpu.memory_space<vmem_shared>>
      %dma_start3A_152 = arith.constant 0 : i32
      %dma_start3A_153 = tpu.memref_slice %arg11[%add3A_93, %dma_start3A_152] : memref<10000x128xf32, #tpu.memory_space<vmem_shared>> -> memref<25x128xf32, #tpu.memory_space<vmem_shared>>
      tpu.enqueue_dma source(%arg10 : memref<25x128xf32, #tpu.memory_space<vmem>>) target(%dma_start3A_153 : memref<25x128xf32, #tpu.memory_space<vmem_shared>>) target_semaphore(%run_scoped3A : memref<!tpu.dma_semaphore, #tpu.memory_space<semaphore_mem>>)
      %dma_wait3A = arith.constant 0 : i32
      %dma_wait3A_154 = tpu.memref_slice %arg11[%add3A_93, %dma_wait3A] : memref<10000x128xf32, #tpu.memory_space<vmem_shared>> -> memref<25x128xf32, #tpu.memory_space<vmem_shared>>
      %dma_wait3A_155 = arith.constant 0 : i32
      %dma_wait3A_156 = tpu.memref_slice %arg11[%add3A_93, %dma_wait3A_155] : memref<10000x128xf32, #tpu.memory_space<vmem_shared>> -> memref<25x128xf32, #tpu.memory_space<vmem_shared>>
      tpu.wait_dma2 semaphore(%run_scoped3A : memref<!tpu.dma_semaphore, #tpu.memory_space<semaphore_mem>>) src(%arg10 : memref<25x128xf32, #tpu.memory_space<vmem>>) dst(%dma_wait3A_156 : memref<25x128xf32, #tpu.memory_space<vmem_shared>>)
      tpu.yield
    }) : () -> ()
    %mul3A_94 = arith.constant 625 : i32
    %mul3A_95 = arith.muli %arg1, %mul3A_94 : i32
    %add3A_96 = arith.constant 550 : i32
    %add3A_97 = arith.addi %mul3A_95, %add3A_96 : i32
    "tpu.region"() ({
      %run_scoped3A = tpu.sem_alloc : memref<!tpu.dma_semaphore, #tpu.memory_space<semaphore_mem>>
      %dma_start3A_150 = arith.constant 0 : i32
      %dma_start3A_151 = tpu.memref_slice %arg11[%add3A_97, %dma_start3A_150] : memref<10000x128xf32, #tpu.memory_space<vmem_shared>> -> memref<25x128xf32, #tpu.memory_space<vmem_shared>>
      %dma_start3A_152 = arith.constant 0 : i32
      %dma_start3A_153 = tpu.memref_slice %arg11[%add3A_97, %dma_start3A_152] : memref<10000x128xf32, #tpu.memory_space<vmem_shared>> -> memref<25x128xf32, #tpu.memory_space<vmem_shared>>
      tpu.enqueue_dma source(%arg10 : memref<25x128xf32, #tpu.memory_space<vmem>>) target(%dma_start3A_153 : memref<25x128xf32, #tpu.memory_space<vmem_shared>>) target_semaphore(%run_scoped3A : memref<!tpu.dma_semaphore, #tpu.memory_space<semaphore_mem>>)
      %dma_wait3A = arith.constant 0 : i32
      %dma_wait3A_154 = tpu.memref_slice %arg11[%add3A_97, %dma_wait3A] : memref<10000x128xf32, #tpu.memory_space<vmem_shared>> -> memref<25x128xf32, #tpu.memory_space<vmem_shared>>
      %dma_wait3A_155 = arith.constant 0 : i32
      %dma_wait3A_156 = tpu.memref_slice %arg11[%add3A_97, %dma_wait3A_155] : memref<10000x128xf32, #tpu.memory_space<vmem_shared>> -> memref<25x128xf32, #tpu.memory_space<vmem_shared>>
      tpu.wait_dma2 semaphore(%run_scoped3A : memref<!tpu.dma_semaphore, #tpu.memory_space<semaphore_mem>>) src(%arg10 : memref<25x128xf32, #tpu.memory_space<vmem>>) dst(%dma_wait3A_156 : memref<25x128xf32, #tpu.memory_space<vmem_shared>>)
      tpu.yield
    }) : () -> ()
    %mul3A_98 = arith.constant 625 : i32
    %mul3A_99 = arith.muli %arg1, %mul3A_98 : i32
    %add3A_100 = arith.constant 575 : i32
    %add3A_101 = arith.addi %mul3A_99, %add3A_100 : i32
    "tpu.region"() ({
      %run_scoped3A = tpu.sem_alloc : memref<!tpu.dma_semaphore, #tpu.memory_space<semaphore_mem>>
      %dma_start3A_150 = arith.constant 0 : i32
      %dma_start3A_151 = tpu.memref_slice %arg11[%add3A_101, %dma_start3A_150] : memref<10000x128xf32, #tpu.memory_space<vmem_shared>> -> memref<25x128xf32, #tpu.memory_space<vmem_shared>>
      %dma_start3A_152 = arith.constant 0 : i32
      %dma_start3A_153 = tpu.memref_slice %arg11[%add3A_101, %dma_start3A_152] : memref<10000x128xf32, #tpu.memory_space<vmem_shared>> -> memref<25x128xf32, #tpu.memory_space<vmem_shared>>
      tpu.enqueue_dma source(%arg10 : memref<25x128xf32, #tpu.memory_space<vmem>>) target(%dma_start3A_153 : memref<25x128xf32, #tpu.memory_space<vmem_shared>>) target_semaphore(%run_scoped3A : memref<!tpu.dma_semaphore, #tpu.memory_space<semaphore_mem>>)
      %dma_wait3A = arith.constant 0 : i32
      %dma_wait3A_154 = tpu.memref_slice %arg11[%add3A_101, %dma_wait3A] : memref<10000x128xf32, #tpu.memory_space<vmem_shared>> -> memref<25x128xf32, #tpu.memory_space<vmem_shared>>
      %dma_wait3A_155 = arith.constant 0 : i32
      %dma_wait3A_156 = tpu.memref_slice %arg11[%add3A_101, %dma_wait3A_155] : memref<10000x128xf32, #tpu.memory_space<vmem_shared>> -> memref<25x128xf32, #tpu.memory_space<vmem_shared>>
      tpu.wait_dma2 semaphore(%run_scoped3A : memref<!tpu.dma_semaphore, #tpu.memory_space<semaphore_mem>>) src(%arg10 : memref<25x128xf32, #tpu.memory_space<vmem>>) dst(%dma_wait3A_156 : memref<25x128xf32, #tpu.memory_space<vmem_shared>>)
      tpu.yield
    }) : () -> ()
    %mul3A_102 = arith.constant 625 : i32
    %mul3A_103 = arith.muli %arg1, %mul3A_102 : i32
    %add3A_104 = arith.constant 600 : i32
    %add3A_105 = arith.addi %mul3A_103, %add3A_104 : i32
    "tpu.region"() ({
      %run_scoped3A = tpu.sem_alloc : memref<!tpu.dma_semaphore, #tpu.memory_space<semaphore_mem>>
      %dma_start3A_150 = arith.constant 0 : i32
      %dma_start3A_151 = tpu.memref_slice %arg11[%add3A_105, %dma_start3A_150] : memref<10000x128xf32, #tpu.memory_space<vmem_shared>> -> memref<25x128xf32, #tpu.memory_space<vmem_shared>>
      %dma_start3A_152 = arith.constant 0 : i32
      %dma_start3A_153 = tpu.memref_slice %arg11[%add3A_105, %dma_start3A_152] : memref<10000x128xf32, #tpu.memory_space<vmem_shared>> -> memref<25x128xf32, #tpu.memory_space<vmem_shared>>
      tpu.enqueue_dma source(%arg10 : memref<25x128xf32, #tpu.memory_space<vmem>>) target(%dma_start3A_153 : memref<25x128xf32, #tpu.memory_space<vmem_shared>>) target_semaphore(%run_scoped3A : memref<!tpu.dma_semaphore, #tpu.memory_space<semaphore_mem>>)
      %dma_wait3A = arith.constant 0 : i32
      %dma_wait3A_154 = tpu.memref_slice %arg11[%add3A_105, %dma_wait3A] : memref<10000x128xf32, #tpu.memory_space<vmem_shared>> -> memref<25x128xf32, #tpu.memory_space<vmem_shared>>
      %dma_wait3A_155 = arith.constant 0 : i32
      %dma_wait3A_156 = tpu.memref_slice %arg11[%add3A_105, %dma_wait3A_155] : memref<10000x128xf32, #tpu.memory_space<vmem_shared>> -> memref<25x128xf32, #tpu.memory_space<vmem_shared>>
      tpu.wait_dma2 semaphore(%run_scoped3A : memref<!tpu.dma_semaphore, #tpu.memory_space<semaphore_mem>>) src(%arg10 : memref<25x128xf32, #tpu.memory_space<vmem>>) dst(%dma_wait3A_156 : memref<25x128xf32, #tpu.memory_space<vmem_shared>>)
      tpu.yield
    }) : () -> ()
    %barrier3A = arith.constant 0 : index
    tpu.barrier barrier_id(%barrier3A)
    %mul3A_106 = arith.constant 80 : i32
    %mul3A_107 = arith.muli %add3A, %mul3A_106 : i32
    %add3A_108 = arith.constant 0 : i32
    %add3A_109 = arith.addi %mul3A_107, %add3A_108 : i32
    "tpu.region"() ({
      %run_scoped3A = tpu.sem_alloc : memref<!tpu.dma_semaphore, #tpu.memory_space<semaphore_mem>>
      %dma_start3A_150 = arith.constant 0 : i32
      %dma_start3A_151 = tpu.memref_slice %arg2[%add3A_109, %dma_start3A_150] : memref<2560x125xi32, #tpu.memory_space<hbm>> -> memref<40x125xi32, #tpu.memory_space<hbm>>
      %dma_start3A_152 = arith.constant 0 : i32
      %dma_start3A_153 = tpu.memref_slice %arg2[%add3A_109, %dma_start3A_152] : memref<2560x125xi32, #tpu.memory_space<hbm>> -> memref<40x125xi32, #tpu.memory_space<hbm>>
      tpu.enqueue_dma source(%dma_start3A_153 : memref<40x125xi32, #tpu.memory_space<hbm>>) target(%arg6 : memref<40x125xi32, #tpu.memory_space<vmem>>) target_semaphore(%run_scoped3A : memref<!tpu.dma_semaphore, #tpu.memory_space<semaphore_mem>>)
      %dma_wait3A = arith.constant 0 : i32
      %dma_wait3A_154 = tpu.memref_slice %arg2[%add3A_109, %dma_wait3A] : memref<2560x125xi32, #tpu.memory_space<hbm>> -> memref<40x125xi32, #tpu.memory_space<hbm>>
      %dma_wait3A_155 = arith.constant 0 : i32
      %dma_wait3A_156 = tpu.memref_slice %arg2[%add3A_109, %dma_wait3A_155] : memref<2560x125xi32, #tpu.memory_space<hbm>> -> memref<40x125xi32, #tpu.memory_space<hbm>>
      tpu.wait_dma2 semaphore(%run_scoped3A : memref<!tpu.dma_semaphore, #tpu.memory_space<semaphore_mem>>) src(%dma_wait3A_156 : memref<40x125xi32, #tpu.memory_space<hbm>>) dst(%arg6 : memref<40x125xi32, #tpu.memory_space<vmem>>)
      tpu.yield
    }) : () -> ()
    %mul3A_110 = arith.constant 80 : i32
    %mul3A_111 = arith.muli %add3A, %mul3A_110 : i32
    %add3A_112 = arith.constant 0 : i32
    %add3A_113 = arith.addi %mul3A_111, %add3A_112 : i32
    "tpu.region"() ({
      %run_scoped3A = tpu.sem_alloc : memref<!tpu.dma_semaphore, #tpu.memory_space<semaphore_mem>>
      %dma_start3A_150 = arith.constant 0 : i32
      %dma_start3A_151 = tpu.memref_slice %arg3[%add3A_113, %dma_start3A_150] : memref<2560x125xi32, #tpu.memory_space<hbm>> -> memref<40x125xi32, #tpu.memory_space<hbm>>
      %dma_start3A_152 = arith.constant 0 : i32
      %dma_start3A_153 = tpu.memref_slice %arg3[%add3A_113, %dma_start3A_152] : memref<2560x125xi32, #tpu.memory_space<hbm>> -> memref<40x125xi32, #tpu.memory_space<hbm>>
      tpu.enqueue_dma source(%dma_start3A_153 : memref<40x125xi32, #tpu.memory_space<hbm>>) target(%arg7 : memref<40x125xi32, #tpu.memory_space<vmem>>) target_semaphore(%run_scoped3A : memref<!tpu.dma_semaphore, #tpu.memory_space<semaphore_mem>>)
      %dma_wait3A = arith.constant 0 : i32
      %dma_wait3A_154 = tpu.memref_slice %arg3[%add3A_113, %dma_wait3A] : memref<2560x125xi32, #tpu.memory_space<hbm>> -> memref<40x125xi32, #tpu.memory_space<hbm>>
      %dma_wait3A_155 = arith.constant 0 : i32
      %dma_wait3A_156 = tpu.memref_slice %arg3[%add3A_113, %dma_wait3A_155] : memref<2560x125xi32, #tpu.memory_space<hbm>> -> memref<40x125xi32, #tpu.memory_space<hbm>>
      tpu.wait_dma2 semaphore(%run_scoped3A : memref<!tpu.dma_semaphore, #tpu.memory_space<semaphore_mem>>) src(%dma_wait3A_156 : memref<40x125xi32, #tpu.memory_space<hbm>>) dst(%arg7 : memref<40x125xi32, #tpu.memory_space<vmem>>)
      tpu.yield
    }) : () -> ()
    %dma_start3A = arith.constant 0 : i32
    %dma_start3A_114 = arith.constant 0 : i32
    %dma_start3A_115 = tpu.memref_slice %arg6[%dma_start3A, %dma_start3A_114] : memref<40x125xi32, #tpu.memory_space<vmem>> -> memref<1x125xi32, #tpu.memory_space<vmem>>
    %dma_start3A_116 = tpu.memref_squeeze %dma_start3A_115 : memref<1x125xi32, #tpu.memory_space<vmem>> -> memref<125xi32, #tpu.memory_space<vmem>>
    %dma_start3A_117 = arith.constant 0 : i32
    %dma_start3A_118 = arith.constant 0 : i32
    %dma_start3A_119 = tpu.memref_slice %arg4[%dma_start3A_117, %dma_start3A_118] : memref<10000x128xf32, #tpu.memory_space<hbm>> -> memref<10000x128xf32, #tpu.memory_space<hbm>>
    tpu.enqueue_indirect_dma source(%dma_start3A_119 : memref<10000x128xf32, #tpu.memory_space<hbm>>) target(%arg8 : memref<125x128xf32, #tpu.memory_space<vmem>>) offsets(%dma_start3A_116 : memref<125xi32, #tpu.memory_space<vmem>>) semaphore(%arg12 : memref<!tpu.dma_semaphore, #tpu.memory_space<semaphore_mem>>)
    %scan3A_120 = arith.constant 0 : i32
    %scan3A_121 = arith.constant 0 : i32
    %scan3A_122 = arith.constant 20 : i32
    %scan3A_123 = arith.addi %scan3A_121, %scan3A_122 : i32
    %scan3A_124 = arith.constant 1 : i32
    scf.for %scan3A_150 = %scan3A_121 to %scan3A_123 step %scan3A_124  : i32 {
      %mul3A_151 = arith.constant 2 : i32
      %mul3A_152 = arith.muli %mul3A_151, %scan3A_150 : i32
      %add3A_153 = arith.constant 1 : i32
      %add3A_154 = arith.addi %mul3A_152, %add3A_153 : i32
      %dma_start3A_155 = arith.constant 0 : i32
      %dma_start3A_156 = tpu.memref_slice %arg6[%add3A_154, %dma_start3A_155] : memref<40x125xi32, #tpu.memory_space<vmem>> -> memref<1x125xi32, #tpu.memory_space<vmem>>
      %dma_start3A_157 = tpu.memref_squeeze %dma_start3A_156 : memref<1x125xi32, #tpu.memory_space<vmem>> -> memref<125xi32, #tpu.memory_space<vmem>>
      %dma_start3A_158 = arith.constant 0 : i32
      %dma_start3A_159 = arith.constant 0 : i32
      %dma_start3A_160 = tpu.memref_slice %arg4[%dma_start3A_158, %dma_start3A_159] : memref<10000x128xf32, #tpu.memory_space<hbm>> -> memref<10000x128xf32, #tpu.memory_space<hbm>>
      tpu.enqueue_indirect_dma source(%dma_start3A_160 : memref<10000x128xf32, #tpu.memory_space<hbm>>) target(%arg9 : memref<125x128xf32, #tpu.memory_space<vmem>>) offsets(%dma_start3A_157 : memref<125xi32, #tpu.memory_space<vmem>>) semaphore(%arg13 : memref<!tpu.dma_semaphore, #tpu.memory_space<semaphore_mem>>)
      %dma_wait3A = arith.constant 0 : i32
      %dma_wait3A_161 = tpu.memref_slice %arg6[%mul3A_152, %dma_wait3A] : memref<40x125xi32, #tpu.memory_space<vmem>> -> memref<1x125xi32, #tpu.memory_space<vmem>>
      %dma_wait3A_162 = tpu.memref_squeeze %dma_wait3A_161 : memref<1x125xi32, #tpu.memory_space<vmem>> -> memref<125xi32, #tpu.memory_space<vmem>>
      %dma_wait3A_163 = arith.constant 0 : i32
      %dma_wait3A_164 = arith.constant 0 : i32
      %dma_wait3A_165 = tpu.memref_slice %arg4[%dma_wait3A_163, %dma_wait3A_164] : memref<10000x128xf32, #tpu.memory_space<hbm>> -> memref<10000x128xf32, #tpu.memory_space<hbm>>
      tpu.wait_indirect_dma semaphore(%arg12 : memref<!tpu.dma_semaphore, #tpu.memory_space<semaphore_mem>>) src(%dma_wait3A_165 : memref<10000x128xf32, #tpu.memory_space<hbm>>) dst(%arg8 : memref<125x128xf32, #tpu.memory_space<vmem>>)
      "tpu.region"() ({
        %run_scoped3A = tpu.sem_alloc : memref<!tpu.dma_semaphore, #tpu.memory_space<semaphore_mem>>
        %dma_start3A_181 = arith.constant 0 : i32
        %dma_start3A_182 = tpu.memref_slice %arg7[%mul3A_152, %dma_start3A_181] : memref<40x125xi32, #tpu.memory_space<vmem>> -> memref<1x125xi32, #tpu.memory_space<vmem>>
        %dma_start3A_183 = tpu.memref_squeeze %dma_start3A_182 : memref<1x125xi32, #tpu.memory_space<vmem>> -> memref<125xi32, #tpu.memory_space<vmem>>
        %dma_start3A_184 = arith.constant 0 : i32
        %dma_start3A_185 = arith.constant 0 : i32
        %dma_start3A_186 = tpu.memref_slice %arg11[%dma_start3A_184, %dma_start3A_185] : memref<10000x128xf32, #tpu.memory_space<vmem_shared>> -> memref<10000x128xf32, #tpu.memory_space<vmem_shared>>
        tpu.enqueue_indirect_dma source(%arg8 : memref<125x128xf32, #tpu.memory_space<vmem>>) target(%dma_start3A_186 : memref<10000x128xf32, #tpu.memory_space<vmem_shared>>) offsets(%dma_start3A_183 : memref<125xi32, #tpu.memory_space<vmem>>) semaphore(%run_scoped3A : memref<!tpu.dma_semaphore, #tpu.memory_space<semaphore_mem>>) {add = true}
        %dma_wait3A_187 = arith.constant 0 : i32
        %dma_wait3A_188 = tpu.memref_slice %arg7[%mul3A_152, %dma_wait3A_187] : memref<40x125xi32, #tpu.memory_space<vmem>> -> memref<1x125xi32, #tpu.memory_space<vmem>>
        %dma_wait3A_189 = tpu.memref_squeeze %dma_wait3A_188 : memref<1x125xi32, #tpu.memory_space<vmem>> -> memref<125xi32, #tpu.memory_space<vmem>>
        %dma_wait3A_190 = arith.constant 0 : i32
        %dma_wait3A_191 = arith.constant 0 : i32
        %dma_wait3A_192 = tpu.memref_slice %arg11[%dma_wait3A_190, %dma_wait3A_191] : memref<10000x128xf32, #tpu.memory_space<vmem_shared>> -> memref<10000x128xf32, #tpu.memory_space<vmem_shared>>
        tpu.wait_indirect_dma semaphore(%run_scoped3A : memref<!tpu.dma_semaphore, #tpu.memory_space<semaphore_mem>>) src(%arg8 : memref<125x128xf32, #tpu.memory_space<vmem>>) dst(%dma_wait3A_192 : memref<10000x128xf32, #tpu.memory_space<vmem_shared>>)
        tpu.yield
      }) : () -> ()
      %add3A_166 = arith.constant 2 : i32
      %add3A_167 = arith.addi %mul3A_152, %add3A_166 : i32
      %lt3A_168 = arith.constant 40 : i32
      %lt3A_169 = arith.cmpi slt, %add3A_167, %lt3A_168 : i32
      %convert_element_type3A_170 = arith.extui %lt3A_169 : i1 to i32
      %cond3A_171 = arith.constant 0 : i32
      %cond3A_172 = arith.cmpi ne, %convert_element_type3A_170, %cond3A_171 : i32
      scf.if %cond3A_172 {
        %add3A_181 = arith.constant 2 : i32
        %add3A_182 = arith.addi %mul3A_152, %add3A_181 : i32
        %dma_start3A_183 = arith.constant 0 : i32
        %dma_start3A_184 = tpu.memref_slice %arg6[%add3A_182, %dma_start3A_183] : memref<40x125xi32, #tpu.memory_space<vmem>> -> memref<1x125xi32, #tpu.memory_space<vmem>>
        %dma_start3A_185 = tpu.memref_squeeze %dma_start3A_184 : memref<1x125xi32, #tpu.memory_space<vmem>> -> memref<125xi32, #tpu.memory_space<vmem>>
        %dma_start3A_186 = arith.constant 0 : i32
        %dma_start3A_187 = arith.constant 0 : i32
        %dma_start3A_188 = tpu.memref_slice %arg4[%dma_start3A_186, %dma_start3A_187] : memref<10000x128xf32, #tpu.memory_space<hbm>> -> memref<10000x128xf32, #tpu.memory_space<hbm>>
        tpu.enqueue_indirect_dma source(%dma_start3A_188 : memref<10000x128xf32, #tpu.memory_space<hbm>>) target(%arg8 : memref<125x128xf32, #tpu.memory_space<vmem>>) offsets(%dma_start3A_185 : memref<125xi32, #tpu.memory_space<vmem>>) semaphore(%arg12 : memref<!tpu.dma_semaphore, #tpu.memory_space<semaphore_mem>>)
      } else {
      }
      %dma_wait3A_173 = arith.constant 0 : i32
      %dma_wait3A_174 = tpu.memref_slice %arg6[%add3A_154, %dma_wait3A_173] : memref<40x125xi32, #tpu.memory_space<vmem>> -> memref<1x125xi32, #tpu.memory_space<vmem>>
      %dma_wait3A_175 = tpu.memref_squeeze %dma_wait3A_174 : memref<1x125xi32, #tpu.memory_space<vmem>> -> memref<125xi32, #tpu.memory_space<vmem>>
      %dma_wait3A_176 = arith.constant 0 : i32
      %dma_wait3A_177 = arith.constant 0 : i32
      %dma_wait3A_178 = tpu.memref_slice %arg4[%dma_wait3A_176, %dma_wait3A_177] : memref<10000x128xf32, #tpu.memory_space<hbm>> -> memref<10000x128xf32, #tpu.memory_space<hbm>>
      tpu.wait_indirect_dma semaphore(%arg13 : memref<!tpu.dma_semaphore, #tpu.memory_space<semaphore_mem>>) src(%dma_wait3A_178 : memref<10000x128xf32, #tpu.memory_space<hbm>>) dst(%arg9 : memref<125x128xf32, #tpu.memory_space<vmem>>)
      %add3A_179 = arith.constant 1 : i32
      %add3A_180 = arith.addi %mul3A_152, %add3A_179 : i32
      "tpu.region"() ({
        %run_scoped3A = tpu.sem_alloc : memref<!tpu.dma_semaphore, #tpu.memory_space<semaphore_mem>>
        %dma_start3A_181 = arith.constant 0 : i32
        %dma_start3A_182 = tpu.memref_slice %arg7[%add3A_180, %dma_start3A_181] : memref<40x125xi32, #tpu.memory_space<vmem>> -> memref<1x125xi32, #tpu.memory_space<vmem>>
        %dma_start3A_183 = tpu.memref_squeeze %dma_start3A_182 : memref<1x125xi32, #tpu.memory_space<vmem>> -> memref<125xi32, #tpu.memory_space<vmem>>
        %dma_start3A_184 = arith.constant 0 : i32
        %dma_start3A_185 = arith.constant 0 : i32
        %dma_start3A_186 = tpu.memref_slice %arg11[%dma_start3A_184, %dma_start3A_185] : memref<10000x128xf32, #tpu.memory_space<vmem_shared>> -> memref<10000x128xf32, #tpu.memory_space<vmem_shared>>
        tpu.enqueue_indirect_dma source(%arg9 : memref<125x128xf32, #tpu.memory_space<vmem>>) target(%dma_start3A_186 : memref<10000x128xf32, #tpu.memory_space<vmem_shared>>) offsets(%dma_start3A_183 : memref<125xi32, #tpu.memory_space<vmem>>) semaphore(%run_scoped3A : memref<!tpu.dma_semaphore, #tpu.memory_space<semaphore_mem>>) {add = true}
        %dma_wait3A_187 = arith.constant 0 : i32
        %dma_wait3A_188 = tpu.memref_slice %arg7[%add3A_180, %dma_wait3A_187] : memref<40x125xi32, #tpu.memory_space<vmem>> -> memref<1x125xi32, #tpu.memory_space<vmem>>
        %dma_wait3A_189 = tpu.memref_squeeze %dma_wait3A_188 : memref<1x125xi32, #tpu.memory_space<vmem>> -> memref<125xi32, #tpu.memory_space<vmem>>
        %dma_wait3A_190 = arith.constant 0 : i32
        %dma_wait3A_191 = arith.constant 0 : i32
        %dma_wait3A_192 = tpu.memref_slice %arg11[%dma_wait3A_190, %dma_wait3A_191] : memref<10000x128xf32, #tpu.memory_space<vmem_shared>> -> memref<10000x128xf32, #tpu.memory_space<vmem_shared>>
        tpu.wait_indirect_dma semaphore(%run_scoped3A : memref<!tpu.dma_semaphore, #tpu.memory_space<semaphore_mem>>) src(%arg9 : memref<125x128xf32, #tpu.memory_space<vmem>>) dst(%dma_wait3A_192 : memref<10000x128xf32, #tpu.memory_space<vmem_shared>>)
        tpu.yield
      }) : () -> ()
    }
    %scan3A_125 = arith.constant 20 : i32
    %mul3A_126 = arith.constant 80 : i32
    %mul3A_127 = arith.muli %add3A, %mul3A_126 : i32
    %add3A_128 = arith.constant 40 : i32
    %add3A_129 = arith.addi %mul3A_127, %add3A_128 : i32
    "tpu.region"() ({
      %run_scoped3A = tpu.sem_alloc : memref<!tpu.dma_semaphore, #tpu.memory_space<semaphore_mem>>
      %dma_start3A_150 = arith.constant 0 : i32
      %dma_start3A_151 = tpu.memref_slice %arg2[%add3A_129, %dma_start3A_150] : memref<2560x125xi32, #tpu.memory_space<hbm>> -> memref<40x125xi32, #tpu.memory_space<hbm>>
      %dma_start3A_152 = arith.constant 0 : i32
      %dma_start3A_153 = tpu.memref_slice %arg2[%add3A_129, %dma_start3A_152] : memref<2560x125xi32, #tpu.memory_space<hbm>> -> memref<40x125xi32, #tpu.memory_space<hbm>>
      tpu.enqueue_dma source(%dma_start3A_153 : memref<40x125xi32, #tpu.memory_space<hbm>>) target(%arg6 : memref<40x125xi32, #tpu.memory_space<vmem>>) target_semaphore(%run_scoped3A : memref<!tpu.dma_semaphore, #tpu.memory_space<semaphore_mem>>)
      %dma_wait3A = arith.constant 0 : i32
      %dma_wait3A_154 = tpu.memref_slice %arg2[%add3A_129, %dma_wait3A] : memref<2560x125xi32, #tpu.memory_space<hbm>> -> memref<40x125xi32, #tpu.memory_space<hbm>>
      %dma_wait3A_155 = arith.constant 0 : i32
      %dma_wait3A_156 = tpu.memref_slice %arg2[%add3A_129, %dma_wait3A_155] : memref<2560x125xi32, #tpu.memory_space<hbm>> -> memref<40x125xi32, #tpu.memory_space<hbm>>
      tpu.wait_dma2 semaphore(%run_scoped3A : memref<!tpu.dma_semaphore, #tpu.memory_space<semaphore_mem>>) src(%dma_wait3A_156 : memref<40x125xi32, #tpu.memory_space<hbm>>) dst(%arg6 : memref<40x125xi32, #tpu.memory_space<vmem>>)
      tpu.yield
    }) : () -> ()
    %mul3A_130 = arith.constant 80 : i32
    %mul3A_131 = arith.muli %add3A, %mul3A_130 : i32
    %add3A_132 = arith.constant 40 : i32
    %add3A_133 = arith.addi %mul3A_131, %add3A_132 : i32
    "tpu.region"() ({
      %run_scoped3A = tpu.sem_alloc : memref<!tpu.dma_semaphore, #tpu.memory_space<semaphore_mem>>
      %dma_start3A_150 = arith.constant 0 : i32
      %dma_start3A_151 = tpu.memref_slice %arg3[%add3A_133, %dma_start3A_150] : memref<2560x125xi32, #tpu.memory_space<hbm>> -> memref<40x125xi32, #tpu.memory_space<hbm>>
      %dma_start3A_152 = arith.constant 0 : i32
      %dma_start3A_153 = tpu.memref_slice %arg3[%add3A_133, %dma_start3A_152] : memref<2560x125xi32, #tpu.memory_space<hbm>> -> memref<40x125xi32, #tpu.memory_space<hbm>>
      tpu.enqueue_dma source(%dma_start3A_153 : memref<40x125xi32, #tpu.memory_space<hbm>>) target(%arg7 : memref<40x125xi32, #tpu.memory_space<vmem>>) target_semaphore(%run_scoped3A : memref<!tpu.dma_semaphore, #tpu.memory_space<semaphore_mem>>)
      %dma_wait3A = arith.constant 0 : i32
      %dma_wait3A_154 = tpu.memref_slice %arg3[%add3A_133, %dma_wait3A] : memref<2560x125xi32, #tpu.memory_space<hbm>> -> memref<40x125xi32, #tpu.memory_space<hbm>>
      %dma_wait3A_155 = arith.constant 0 : i32
      %dma_wait3A_156 = tpu.memref_slice %arg3[%add3A_133, %dma_wait3A_155] : memref<2560x125xi32, #tpu.memory_space<hbm>> -> memref<40x125xi32, #tpu.memory_space<hbm>>
      tpu.wait_dma2 semaphore(%run_scoped3A : memref<!tpu.dma_semaphore, #tpu.memory_space<semaphore_mem>>) src(%dma_wait3A_156 : memref<40x125xi32, #tpu.memory_space<hbm>>) dst(%arg7 : memref<40x125xi32, #tpu.memory_space<vmem>>)
      tpu.yield
    }) : () -> ()
    %dma_start3A_134 = arith.constant 0 : i32
    %dma_start3A_135 = arith.constant 0 : i32
    %dma_start3A_136 = tpu.memref_slice %arg6[%dma_start3A_134, %dma_start3A_135] : memref<40x125xi32, #tpu.memory_space<vmem>> -> memref<1x125xi32, #tpu.memory_space<vmem>>
    %dma_start3A_137 = tpu.memref_squeeze %dma_start3A_136 : memref<1x125xi32, #tpu.memory_space<vmem>> -> memref<125xi32, #tpu.memory_space<vmem>>
    %dma_start3A_138 = arith.constant 0 : i32
    %dma_start3A_139 = arith.constant 0 : i32
    %dma_start3A_140 = tpu.memref_slice %arg4[%dma_start3A_138, %dma_start3A_139] : memref<10000x128xf32, #tpu.memory_space<hbm>> -> memref<10000x128xf32, #tpu.memory_space<hbm>>
    tpu.enqueue_indirect_dma source(%dma_start3A_140 : memref<10000x128xf32, #tpu.memory_space<hbm>>) target(%arg8 : memref<125x128xf32, #tpu.memory_space<vmem>>) offsets(%dma_start3A_137 : memref<125xi32, #tpu.memory_space<vmem>>) semaphore(%arg12 : memref<!tpu.dma_semaphore, #tpu.memory_space<semaphore_mem>>)
    %scan3A_141 = arith.constant 0 : i32
    %scan3A_142 = arith.constant 0 : i32
    %scan3A_143 = arith.constant 20 : i32
    %scan3A_144 = arith.addi %scan3A_142, %scan3A_143 : i32
    %scan3A_145 = arith.constant 1 : i32
    scf.for %scan3A_150 = %scan3A_142 to %scan3A_144 step %scan3A_145  : i32 {
      %mul3A_151 = arith.constant 2 : i32
      %mul3A_152 = arith.muli %mul3A_151, %scan3A_150 : i32
      %add3A_153 = arith.constant 1 : i32
      %add3A_154 = arith.addi %mul3A_152, %add3A_153 : i32
      %dma_start3A_155 = arith.constant 0 : i32
      %dma_start3A_156 = tpu.memref_slice %arg6[%add3A_154, %dma_start3A_155] : memref<40x125xi32, #tpu.memory_space<vmem>> -> memref<1x125xi32, #tpu.memory_space<vmem>>
      %dma_start3A_157 = tpu.memref_squeeze %dma_start3A_156 : memref<1x125xi32, #tpu.memory_space<vmem>> -> memref<125xi32, #tpu.memory_space<vmem>>
      %dma_start3A_158 = arith.constant 0 : i32
      %dma_start3A_159 = arith.constant 0 : i32
      %dma_start3A_160 = tpu.memref_slice %arg4[%dma_start3A_158, %dma_start3A_159] : memref<10000x128xf32, #tpu.memory_space<hbm>> -> memref<10000x128xf32, #tpu.memory_space<hbm>>
      tpu.enqueue_indirect_dma source(%dma_start3A_160 : memref<10000x128xf32, #tpu.memory_space<hbm>>) target(%arg9 : memref<125x128xf32, #tpu.memory_space<vmem>>) offsets(%dma_start3A_157 : memref<125xi32, #tpu.memory_space<vmem>>) semaphore(%arg13 : memref<!tpu.dma_semaphore, #tpu.memory_space<semaphore_mem>>)
      %dma_wait3A = arith.constant 0 : i32
      %dma_wait3A_161 = tpu.memref_slice %arg6[%mul3A_152, %dma_wait3A] : memref<40x125xi32, #tpu.memory_space<vmem>> -> memref<1x125xi32, #tpu.memory_space<vmem>>
      %dma_wait3A_162 = tpu.memref_squeeze %dma_wait3A_161 : memref<1x125xi32, #tpu.memory_space<vmem>> -> memref<125xi32, #tpu.memory_space<vmem>>
      %dma_wait3A_163 = arith.constant 0 : i32
      %dma_wait3A_164 = arith.constant 0 : i32
      %dma_wait3A_165 = tpu.memref_slice %arg4[%dma_wait3A_163, %dma_wait3A_164] : memref<10000x128xf32, #tpu.memory_space<hbm>> -> memref<10000x128xf32, #tpu.memory_space<hbm>>
      tpu.wait_indirect_dma semaphore(%arg12 : memref<!tpu.dma_semaphore, #tpu.memory_space<semaphore_mem>>) src(%dma_wait3A_165 : memref<10000x128xf32, #tpu.memory_space<hbm>>) dst(%arg8 : memref<125x128xf32, #tpu.memory_space<vmem>>)
      "tpu.region"() ({
        %run_scoped3A = tpu.sem_alloc : memref<!tpu.dma_semaphore, #tpu.memory_space<semaphore_mem>>
        %dma_start3A_181 = arith.constant 0 : i32
        %dma_start3A_182 = tpu.memref_slice %arg7[%mul3A_152, %dma_start3A_181] : memref<40x125xi32, #tpu.memory_space<vmem>> -> memref<1x125xi32, #tpu.memory_space<vmem>>
        %dma_start3A_183 = tpu.memref_squeeze %dma_start3A_182 : memref<1x125xi32, #tpu.memory_space<vmem>> -> memref<125xi32, #tpu.memory_space<vmem>>
        %dma_start3A_184 = arith.constant 0 : i32
        %dma_start3A_185 = arith.constant 0 : i32
        %dma_start3A_186 = tpu.memref_slice %arg11[%dma_start3A_184, %dma_start3A_185] : memref<10000x128xf32, #tpu.memory_space<vmem_shared>> -> memref<10000x128xf32, #tpu.memory_space<vmem_shared>>
        tpu.enqueue_indirect_dma source(%arg8 : memref<125x128xf32, #tpu.memory_space<vmem>>) target(%dma_start3A_186 : memref<10000x128xf32, #tpu.memory_space<vmem_shared>>) offsets(%dma_start3A_183 : memref<125xi32, #tpu.memory_space<vmem>>) semaphore(%run_scoped3A : memref<!tpu.dma_semaphore, #tpu.memory_space<semaphore_mem>>) {add = true}
        %dma_wait3A_187 = arith.constant 0 : i32
        %dma_wait3A_188 = tpu.memref_slice %arg7[%mul3A_152, %dma_wait3A_187] : memref<40x125xi32, #tpu.memory_space<vmem>> -> memref<1x125xi32, #tpu.memory_space<vmem>>
        %dma_wait3A_189 = tpu.memref_squeeze %dma_wait3A_188 : memref<1x125xi32, #tpu.memory_space<vmem>> -> memref<125xi32, #tpu.memory_space<vmem>>
        %dma_wait3A_190 = arith.constant 0 : i32
        %dma_wait3A_191 = arith.constant 0 : i32
        %dma_wait3A_192 = tpu.memref_slice %arg11[%dma_wait3A_190, %dma_wait3A_191] : memref<10000x128xf32, #tpu.memory_space<vmem_shared>> -> memref<10000x128xf32, #tpu.memory_space<vmem_shared>>
        tpu.wait_indirect_dma semaphore(%run_scoped3A : memref<!tpu.dma_semaphore, #tpu.memory_space<semaphore_mem>>) src(%arg8 : memref<125x128xf32, #tpu.memory_space<vmem>>) dst(%dma_wait3A_192 : memref<10000x128xf32, #tpu.memory_space<vmem_shared>>)
        tpu.yield
      }) : () -> ()
      %add3A_166 = arith.constant 2 : i32
      %add3A_167 = arith.addi %mul3A_152, %add3A_166 : i32
      %lt3A_168 = arith.constant 40 : i32
      %lt3A_169 = arith.cmpi slt, %add3A_167, %lt3A_168 : i32
      %convert_element_type3A_170 = arith.extui %lt3A_169 : i1 to i32
      %cond3A_171 = arith.constant 0 : i32
      %cond3A_172 = arith.cmpi ne, %convert_element_type3A_170, %cond3A_171 : i32
      scf.if %cond3A_172 {
        %add3A_181 = arith.constant 2 : i32
        %add3A_182 = arith.addi %mul3A_152, %add3A_181 : i32
        %dma_start3A_183 = arith.constant 0 : i32
        %dma_start3A_184 = tpu.memref_slice %arg6[%add3A_182, %dma_start3A_183] : memref<40x125xi32, #tpu.memory_space<vmem>> -> memref<1x125xi32, #tpu.memory_space<vmem>>
        %dma_start3A_185 = tpu.memref_squeeze %dma_start3A_184 : memref<1x125xi32, #tpu.memory_space<vmem>> -> memref<125xi32, #tpu.memory_space<vmem>>
        %dma_start3A_186 = arith.constant 0 : i32
        %dma_start3A_187 = arith.constant 0 : i32
        %dma_start3A_188 = tpu.memref_slice %arg4[%dma_start3A_186, %dma_start3A_187] : memref<10000x128xf32, #tpu.memory_space<hbm>> -> memref<10000x128xf32, #tpu.memory_space<hbm>>
        tpu.enqueue_indirect_dma source(%dma_start3A_188 : memref<10000x128xf32, #tpu.memory_space<hbm>>) target(%arg8 : memref<125x128xf32, #tpu.memory_space<vmem>>) offsets(%dma_start3A_185 : memref<125xi32, #tpu.memory_space<vmem>>) semaphore(%arg12 : memref<!tpu.dma_semaphore, #tpu.memory_space<semaphore_mem>>)
      } else {
      }
      %dma_wait3A_173 = arith.constant 0 : i32
      %dma_wait3A_174 = tpu.memref_slice %arg6[%add3A_154, %dma_wait3A_173] : memref<40x125xi32, #tpu.memory_space<vmem>> -> memref<1x125xi32, #tpu.memory_space<vmem>>
      %dma_wait3A_175 = tpu.memref_squeeze %dma_wait3A_174 : memref<1x125xi32, #tpu.memory_space<vmem>> -> memref<125xi32, #tpu.memory_space<vmem>>
      %dma_wait3A_176 = arith.constant 0 : i32
      %dma_wait3A_177 = arith.constant 0 : i32
      %dma_wait3A_178 = tpu.memref_slice %arg4[%dma_wait3A_176, %dma_wait3A_177] : memref<10000x128xf32, #tpu.memory_space<hbm>> -> memref<10000x128xf32, #tpu.memory_space<hbm>>
      tpu.wait_indirect_dma semaphore(%arg13 : memref<!tpu.dma_semaphore, #tpu.memory_space<semaphore_mem>>) src(%dma_wait3A_178 : memref<10000x128xf32, #tpu.memory_space<hbm>>) dst(%arg9 : memref<125x128xf32, #tpu.memory_space<vmem>>)
      %add3A_179 = arith.constant 1 : i32
      %add3A_180 = arith.addi %mul3A_152, %add3A_179 : i32
      "tpu.region"() ({
        %run_scoped3A = tpu.sem_alloc : memref<!tpu.dma_semaphore, #tpu.memory_space<semaphore_mem>>
        %dma_start3A_181 = arith.constant 0 : i32
        %dma_start3A_182 = tpu.memref_slice %arg7[%add3A_180, %dma_start3A_181] : memref<40x125xi32, #tpu.memory_space<vmem>> -> memref<1x125xi32, #tpu.memory_space<vmem>>
        %dma_start3A_183 = tpu.memref_squeeze %dma_start3A_182 : memref<1x125xi32, #tpu.memory_space<vmem>> -> memref<125xi32, #tpu.memory_space<vmem>>
        %dma_start3A_184 = arith.constant 0 : i32
        %dma_start3A_185 = arith.constant 0 : i32
        %dma_start3A_186 = tpu.memref_slice %arg11[%dma_start3A_184, %dma_start3A_185] : memref<10000x128xf32, #tpu.memory_space<vmem_shared>> -> memref<10000x128xf32, #tpu.memory_space<vmem_shared>>
        tpu.enqueue_indirect_dma source(%arg9 : memref<125x128xf32, #tpu.memory_space<vmem>>) target(%dma_start3A_186 : memref<10000x128xf32, #tpu.memory_space<vmem_shared>>) offsets(%dma_start3A_183 : memref<125xi32, #tpu.memory_space<vmem>>) semaphore(%run_scoped3A : memref<!tpu.dma_semaphore, #tpu.memory_space<semaphore_mem>>) {add = true}
        %dma_wait3A_187 = arith.constant 0 : i32
        %dma_wait3A_188 = tpu.memref_slice %arg7[%add3A_180, %dma_wait3A_187] : memref<40x125xi32, #tpu.memory_space<vmem>> -> memref<1x125xi32, #tpu.memory_space<vmem>>
        %dma_wait3A_189 = tpu.memref_squeeze %dma_wait3A_188 : memref<1x125xi32, #tpu.memory_space<vmem>> -> memref<125xi32, #tpu.memory_space<vmem>>
        %dma_wait3A_190 = arith.constant 0 : i32
        %dma_wait3A_191 = arith.constant 0 : i32
        %dma_wait3A_192 = tpu.memref_slice %arg11[%dma_wait3A_190, %dma_wait3A_191] : memref<10000x128xf32, #tpu.memory_space<vmem_shared>> -> memref<10000x128xf32, #tpu.memory_space<vmem_shared>>
        tpu.wait_indirect_dma semaphore(%run_scoped3A : memref<!tpu.dma_semaphore, #tpu.memory_space<semaphore_mem>>) src(%arg9 : memref<125x128xf32, #tpu.memory_space<vmem>>) dst(%dma_wait3A_192 : memref<10000x128xf32, #tpu.memory_space<vmem_shared>>)
        tpu.yield
      }) : () -> ()
    }
    %scan3A_146 = arith.constant 20 : i32
    %barrier3A_147 = arith.constant 0 : index
    tpu.barrier barrier_id(%barrier3A_147)
    %lt3A = arith.constant 10 : i32
    %lt3A_148 = arith.cmpi slt, %arg1, %lt3A : i32
    %convert_element_type3A = arith.extui %lt3A_148 : i1 to i32
    %cond3A = arith.constant 0 : i32
    %cond3A_149 = arith.cmpi ne, %convert_element_type3A, %cond3A : i32
    scf.if %cond3A_149 {
      %mul3A_150 = arith.constant 1000 : i32
      %mul3A_151 = arith.muli %arg1, %mul3A_150 : i32
      %mul3A_152 = arith.constant 1000 : i32
      %mul3A_153 = arith.muli %arg1, %mul3A_152 : i32
      "tpu.region"() ({
        %run_scoped3A = tpu.sem_alloc : memref<!tpu.dma_semaphore, #tpu.memory_space<semaphore_mem>>
        %dma_start3A_154 = arith.constant 0 : i32
        %dma_start3A_155 = tpu.memref_slice %arg5[%arg0, %mul3A_153, %dma_start3A_154] : memref<2x10000x128xf32, #tpu.memory_space<hbm>> -> memref<1x1000x128xf32, #tpu.memory_space<hbm>>
        %dma_start3A_156 = tpu.memref_squeeze %dma_start3A_155 : memref<1x1000x128xf32, #tpu.memory_space<hbm>> -> memref<1000x128xf32, #tpu.memory_space<hbm>>
        %dma_start3A_157 = arith.constant 0 : i32
        %dma_start3A_158 = tpu.memref_slice %arg11[%mul3A_151, %dma_start3A_157] : memref<10000x128xf32, #tpu.memory_space<vmem_shared>> -> memref<1000x128xf32, #tpu.memory_space<vmem_shared>>
        tpu.enqueue_dma source(%dma_start3A_158 : memref<1000x128xf32, #tpu.memory_space<vmem_shared>>) target(%dma_start3A_156 : memref<1000x128xf32, #tpu.memory_space<hbm>>) target_semaphore(%run_scoped3A : memref<!tpu.dma_semaphore, #tpu.memory_space<semaphore_mem>>)
        %dma_wait3A = arith.constant 0 : i32
        %dma_wait3A_159 = tpu.memref_slice %arg5[%arg0, %mul3A_153, %dma_wait3A] : memref<2x10000x128xf32, #tpu.memory_space<hbm>> -> memref<1x1000x128xf32, #tpu.memory_space<hbm>>
        %dma_wait3A_160 = tpu.memref_squeeze %dma_wait3A_159 : memref<1x1000x128xf32, #tpu.memory_space<hbm>> -> memref<1000x128xf32, #tpu.memory_space<hbm>>
        %dma_wait3A_161 = arith.constant 0 : i32
        %dma_wait3A_162 = tpu.memref_slice %arg11[%mul3A_151, %dma_wait3A_161] : memref<10000x128xf32, #tpu.memory_space<vmem_shared>> -> memref<1000x128xf32, #tpu.memory_space<vmem_shared>>
        tpu.wait_dma2 semaphore(%run_scoped3A : memref<!tpu.dma_semaphore, #tpu.memory_space<semaphore_mem>>) src(%dma_wait3A_162 : memref<1000x128xf32, #tpu.memory_space<vmem_shared>>) dst(%dma_wait3A_160 : memref<1000x128xf32, #tpu.memory_space<hbm>>)
        tpu.yield
      }) : () -> ()
    } else {
    }
    return
  }
}

module attributes {stable_mosaic.version = 14 : i64} {
  func.func @_fuse_body(%arg0: i32, %arg1: memref<2x2000x128xf32, #tpu.memory_space<vmem>>, %arg2: memref<2000x128xf32, #tpu.memory_space<vmem>>, %arg3: memref<128x128xf32, #tpu.memory_space<vmem>>, %arg4: memref<1x128xf32, #tpu.memory_space<vmem>>, %arg5: memref<128x128xf32, #tpu.memory_space<vmem>>, %arg6: memref<2000x128xf32, #tpu.memory_space<vmem>>, %arg7: memref<2000x128xf32, #tpu.memory_space<vmem>>) attributes {dimension_semantics = [#tpu.dimension_semantics<arbitrary>], iteration_bounds = array<i64: 5>, scalar_prefetch = 0 : i64, scratch_operands = 0 : i64, tpu.core_type = #tpu.core_type<tc>, window_params = [{transform_indices = @transform_0, window_bounds = array<i64: 2, 2000, 128>}, {transform_indices = @transform_1, window_bounds = array<i64: 2000, 128>}, {pipeline_mode = #tpu.pipeline_mode<synchronous>, transform_indices = @transform_2, window_bounds = array<i64: 128, 128>}, {pipeline_mode = #tpu.pipeline_mode<synchronous>, transform_indices = @transform_3, window_bounds = array<i64: 1, 128>}, {pipeline_mode = #tpu.pipeline_mode<synchronous>, transform_indices = @transform_4, window_bounds = array<i64: 128, 128>}, {transform_indices = @transform_5, window_bounds = array<i64: 2000, 128>}, {transform_indices = @transform_6, window_bounds = array<i64: 2000, 128>}]} {
    %get3A = arith.constant 0 : index
    %get3A_0 = arith.constant 0 : index
    %get3A_1 = arith.constant 0 : index
    %get3A_2 = vector.load %arg1[%get3A, %get3A_0, %get3A_1] : memref<2x2000x128xf32, #tpu.memory_space<vmem>>, vector<1x2000x128xf32>
    %get3A_3 = vector.shape_cast %get3A_2 : vector<1x2000x128xf32> to vector<2000x128xf32>
    %get3A_4 = arith.constant 1 : index
    %get3A_5 = arith.constant 0 : index
    %get3A_6 = arith.constant 0 : index
    %get3A_7 = vector.load %arg1[%get3A_4, %get3A_5, %get3A_6] : memref<2x2000x128xf32, #tpu.memory_space<vmem>>, vector<1x2000x128xf32>
    %get3A_8 = vector.shape_cast %get3A_7 : vector<1x2000x128xf32> to vector<2000x128xf32>
    %add3A = arith.addf %get3A_3, %get3A_8 : vector<2000x128xf32>
    %get3A_9 = arith.constant 0 : index
    %get3A_10 = arith.constant 0 : index
    %get3A_11 = vector.load %arg2[%get3A_9, %get3A_10] : memref<2000x128xf32, #tpu.memory_space<vmem>>, vector<2000x128xf32>
    %get3A_12 = arith.constant 0 : index
    %get3A_13 = arith.constant 0 : index
    %get3A_14 = vector.load %arg3[%get3A_12, %get3A_13] : memref<128x128xf32, #tpu.memory_space<vmem>>, vector<128x128xf32>
    %dot_general3A = arith.constant dense<0.000000e+00> : vector<2000x128xf32>
    %dot_general3A_15 = tpu.matmul %get3A_11, %get3A_14, %dot_general3A {dimension_numbers = #tpu.dot_dimension_numbers<[1], [0], [0], [1], [0, 0, 1, 1], [], []>, transpose_lhs_hint = false} : vector<2000x128xf32>, vector<128x128xf32>, vector<2000x128xf32> -> vector<2000x128xf32>
    %add3A_16 = arith.addf %add3A, %dot_general3A_15 : vector<2000x128xf32>
    %get3A_17 = arith.constant 0 : index
    %get3A_18 = arith.constant 0 : index
    %get3A_19 = vector.load %arg4[%get3A_17, %get3A_18] : memref<1x128xf32, #tpu.memory_space<vmem>>, vector<1x128xf32>
    %add3A_20 = vector.broadcast %get3A_19 : vector<1x128xf32> to vector<2000x128xf32>
    %add3A_21 = arith.addf %add3A_16, %add3A_20 : vector<2000x128xf32>
    %max3A = arith.constant 0.000000e+00 : f32
    %max3A_22 = vector.broadcast %max3A : f32 to vector<2000x128xf32>
    %max3A_23 = arith.maximumf %add3A_21, %max3A_22 : vector<2000x128xf32>
    %swap3A = arith.constant 0 : index
    %swap3A_24 = arith.constant 0 : index
    %swap3A_25 = vector.load %arg6[%swap3A, %swap3A_24] : memref<2000x128xf32, #tpu.memory_space<vmem>>, vector<2000x128xf32>
    tpu.vector_store %arg6[%swap3A, %swap3A_24], %max3A_23 {strides = array<i32>} : memref<2000x128xf32, #tpu.memory_space<vmem>>, vector<2000x128xf32>,
    %get3A_26 = arith.constant 0 : index
    %get3A_27 = arith.constant 0 : index
    %get3A_28 = vector.load %arg5[%get3A_26, %get3A_27] : memref<128x128xf32, #tpu.memory_space<vmem>>, vector<128x128xf32>
    %dot_general3A_29 = arith.constant dense<0.000000e+00> : vector<2000x128xf32>
    %dot_general3A_30 = tpu.matmul %max3A_23, %get3A_28, %dot_general3A_29 {dimension_numbers = #tpu.dot_dimension_numbers<[1], [0], [0], [1], [0, 0, 1, 1], [], []>, transpose_lhs_hint = false} : vector<2000x128xf32>, vector<128x128xf32>, vector<2000x128xf32> -> vector<2000x128xf32>
    %swap3A_31 = arith.constant 0 : index
    %swap3A_32 = arith.constant 0 : index
    %swap3A_33 = vector.load %arg7[%swap3A_31, %swap3A_32] : memref<2000x128xf32, #tpu.memory_space<vmem>>, vector<2000x128xf32>
    tpu.vector_store %arg7[%swap3A_31, %swap3A_32], %dot_general3A_30 {strides = array<i32>} : memref<2000x128xf32, #tpu.memory_space<vmem>>, vector<2000x128xf32>,
    return
  }
  func.func @transform_0(%arg0: i32) -> (i32, i32, i32) {
    %c0_i32 = arith.constant 0 : i32
    %c0_i32_0 = arith.constant 0 : i32
    %c0_i32_1 = arith.constant 0 : i32
    return %c0_i32, %arg0, %c0_i32_0 : i32, i32, i32
  }
  func.func @transform_1(%arg0: i32) -> (i32, i32) {
    %c0_i32 = arith.constant 0 : i32
    %c0_i32_0 = arith.constant 0 : i32
    return %arg0, %c0_i32 : i32, i32
  }
  func.func @transform_2(%arg0: i32) -> (i32, i32) {
    %c0_i32 = arith.constant 0 : i32
    %c0_i32_0 = arith.constant 0 : i32
    %c0_i32_1 = arith.constant 0 : i32
    return %c0_i32, %c0_i32_0 : i32, i32
  }
  func.func @transform_3(%arg0: i32) -> (i32, i32) {
    %c0_i32 = arith.constant 0 : i32
    %c0_i32_0 = arith.constant 0 : i32
    %c0_i32_1 = arith.constant 0 : i32
    return %c0_i32, %c0_i32_0 : i32, i32
  }
  func.func @transform_4(%arg0: i32) -> (i32, i32) {
    %c0_i32 = arith.constant 0 : i32
    %c0_i32_0 = arith.constant 0 : i32
    %c0_i32_1 = arith.constant 0 : i32
    return %c0_i32, %c0_i32_0 : i32, i32
  }
  func.func @transform_5(%arg0: i32) -> (i32, i32) {
    %c0_i32 = arith.constant 0 : i32
    %c0_i32_0 = arith.constant 0 : i32
    return %arg0, %c0_i32 : i32, i32
  }
  func.func @transform_6(%arg0: i32) -> (i32, i32) {
    %c0_i32 = arith.constant 0 : i32
    %c0_i32_0 = arith.constant 0 : i32
    return %arg0, %c0_i32 : i32, i32
  }
}

module attributes {stable_mosaic.version = 14 : i64} {
  func.func @_mm_body(%arg0: i32, %arg1: memref<2000x128xf32, #tpu.memory_space<vmem>>, %arg2: memref<128x128xf32, #tpu.memory_space<vmem>>, %arg3: memref<2000x128xf32, #tpu.memory_space<vmem>>) attributes {dimension_semantics = [#tpu.dimension_semantics<arbitrary>], iteration_bounds = array<i64: 5>, scalar_prefetch = 0 : i64, scratch_operands = 0 : i64, tpu.core_type = #tpu.core_type<tc>, window_params = [{transform_indices = @transform_0, window_bounds = array<i64: 2000, 128>}, {pipeline_mode = #tpu.pipeline_mode<synchronous>, transform_indices = @transform_1, window_bounds = array<i64: 128, 128>}, {transform_indices = @transform_2, window_bounds = array<i64: 2000, 128>}]} {
    %get3A = arith.constant 0 : index
    %get3A_0 = arith.constant 0 : index
    %get3A_1 = vector.load %arg1[%get3A, %get3A_0] : memref<2000x128xf32, #tpu.memory_space<vmem>>, vector<2000x128xf32>
    %get3A_2 = arith.constant 0 : index
    %get3A_3 = arith.constant 0 : index
    %get3A_4 = vector.load %arg2[%get3A_2, %get3A_3] : memref<128x128xf32, #tpu.memory_space<vmem>>, vector<128x128xf32>
    %dot_general3A = arith.constant dense<0.000000e+00> : vector<2000x128xf32>
    %dot_general3A_5 = tpu.matmul %get3A_1, %get3A_4, %dot_general3A {dimension_numbers = #tpu.dot_dimension_numbers<[1], [0], [0], [1], [0, 0, 1, 1], [], []>, transpose_lhs_hint = false} : vector<2000x128xf32>, vector<128x128xf32>, vector<2000x128xf32> -> vector<2000x128xf32>
    %swap3A = arith.constant 0 : index
    %swap3A_6 = arith.constant 0 : index
    %swap3A_7 = vector.load %arg3[%swap3A, %swap3A_6] : memref<2000x128xf32, #tpu.memory_space<vmem>>, vector<2000x128xf32>
    tpu.vector_store %arg3[%swap3A, %swap3A_6], %dot_general3A_5 {strides = array<i32>} : memref<2000x128xf32, #tpu.memory_space<vmem>>, vector<2000x128xf32>,
    return
  }
  func.func @transform_0(%arg0: i32) -> (i32, i32) {
    %c0_i32 = arith.constant 0 : i32
    %c0_i32_0 = arith.constant 0 : i32
    return %arg0, %c0_i32 : i32, i32
  }
  func.func @transform_1(%arg0: i32) -> (i32, i32) {
    %c0_i32 = arith.constant 0 : i32
    %c0_i32_0 = arith.constant 0 : i32
    %c0_i32_1 = arith.constant 0 : i32
    return %c0_i32, %c0_i32_0 : i32, i32
  }
  func.func @transform_2(%arg0: i32) -> (i32, i32) {
    %c0_i32 = arith.constant 0 : i32
    %c0_i32_0 = arith.constant 0 : i32
    return %arg0, %c0_i32 : i32, i32
  }
}

module attributes {stable_mosaic.version = 14 : i64} {
  func.func @_final_body(%arg0: i32, %arg1: memref<2x2000x128xf32, #tpu.memory_space<vmem>>, %arg2: memref<2000x128xf32, #tpu.memory_space<vmem>>, %arg3: memref<128x128xf32, #tpu.memory_space<vmem>>, %arg4: memref<1x128xf32, #tpu.memory_space<vmem>>, %arg5: memref<1x1x2000xi32, #tpu.memory_space<vmem>>, %arg6: memref<128x10xf32, #tpu.memory_space<vmem>>, %arg7: memref<1x10xf32, #tpu.memory_space<vmem>>, %arg8: memref<64x10xf32, #tpu.memory_space<vmem>>, %arg9: memref<64x128xf32, #tpu.memory_space<vmem>>, %arg10: memref<64x128xf32, #tpu.memory_space<vmem>>) attributes {dimension_semantics = [#tpu.dimension_semantics<arbitrary>], iteration_bounds = array<i64: 5>, scalar_prefetch = 0 : i64, scratch_operands = 2 : i64, tpu.core_type = #tpu.core_type<tc>, window_params = [{transform_indices = @transform_0, window_bounds = array<i64: 2, 2000, 128>}, {transform_indices = @transform_1, window_bounds = array<i64: 2000, 128>}, {pipeline_mode = #tpu.pipeline_mode<synchronous>, transform_indices = @transform_2, window_bounds = array<i64: 128, 128>}, {pipeline_mode = #tpu.pipeline_mode<synchronous>, transform_indices = @transform_3, window_bounds = array<i64: 1, 128>}, {transform_indices = @transform_4, window_bounds = array<i64: 1, 1, 2000>}, {pipeline_mode = #tpu.pipeline_mode<synchronous>, transform_indices = @transform_5, window_bounds = array<i64: 128, 10>}, {pipeline_mode = #tpu.pipeline_mode<synchronous>, transform_indices = @transform_6, window_bounds = array<i64: 1, 10>}, {pipeline_mode = #tpu.pipeline_mode<synchronous>, transform_indices = @transform_7, window_bounds = array<i64: 64, 10>}]} {
    %eq3A = arith.constant 0 : i32
    %eq3A_0 = arith.cmpi eq, %arg0, %eq3A : i32
    %convert_element_type3A = arith.extui %eq3A_0 : i1 to i32
    %cond3A = arith.constant 0 : i32
    %cond3A_1 = arith.cmpi ne, %convert_element_type3A, %cond3A : i32
    scf.if %cond3A_1 {
      %broadcast_in_dim3A_58 = arith.constant 0.000000e+00 : f32
      %broadcast_in_dim3A_59 = vector.broadcast %broadcast_in_dim3A_58 : f32 to vector<64x128xf32>
      %swap3A_60 = arith.constant 0 : index
      %swap3A_61 = arith.constant 0 : index
      %swap3A_62 = vector.load %arg9[%swap3A_60, %swap3A_61] : memref<64x128xf32, #tpu.memory_space<vmem>>, vector<64x128xf32>
      tpu.vector_store %arg9[%swap3A_60, %swap3A_61], %broadcast_in_dim3A_59 {strides = array<i32>} : memref<64x128xf32, #tpu.memory_space<vmem>>, vector<64x128xf32>,
      %broadcast_in_dim3A_63 = arith.constant 0.000000e+00 : f32
      %broadcast_in_dim3A_64 = vector.broadcast %broadcast_in_dim3A_63 : f32 to vector<64x128xf32>
      %swap3A_65 = arith.constant 0 : index
      %swap3A_66 = arith.constant 0 : index
      %swap3A_67 = vector.load %arg10[%swap3A_65, %swap3A_66] : memref<64x128xf32, #tpu.memory_space<vmem>>, vector<64x128xf32>
      tpu.vector_store %arg10[%swap3A_65, %swap3A_66], %broadcast_in_dim3A_64 {strides = array<i32>} : memref<64x128xf32, #tpu.memory_space<vmem>>, vector<64x128xf32>,
    } else {
    }
    %get3A = arith.constant 0 : index
    %get3A_2 = arith.constant 0 : index
    %get3A_3 = arith.constant 0 : index
    %get3A_4 = vector.load %arg1[%get3A, %get3A_2, %get3A_3] : memref<2x2000x128xf32, #tpu.memory_space<vmem>>, vector<1x2000x128xf32>
    %get3A_5 = vector.shape_cast %get3A_4 : vector<1x2000x128xf32> to vector<2000x128xf32>
    %get3A_6 = arith.constant 1 : index
    %get3A_7 = arith.constant 0 : index
    %get3A_8 = arith.constant 0 : index
    %get3A_9 = vector.load %arg1[%get3A_6, %get3A_7, %get3A_8] : memref<2x2000x128xf32, #tpu.memory_space<vmem>>, vector<1x2000x128xf32>
    %get3A_10 = vector.shape_cast %get3A_9 : vector<1x2000x128xf32> to vector<2000x128xf32>
    %add3A = arith.addf %get3A_5, %get3A_10 : vector<2000x128xf32>
    %get3A_11 = arith.constant 0 : index
    %get3A_12 = arith.constant 0 : index
    %get3A_13 = vector.load %arg2[%get3A_11, %get3A_12] : memref<2000x128xf32, #tpu.memory_space<vmem>>, vector<2000x128xf32>
    %get3A_14 = arith.constant 0 : index
    %get3A_15 = arith.constant 0 : index
    %get3A_16 = vector.load %arg3[%get3A_14, %get3A_15] : memref<128x128xf32, #tpu.memory_space<vmem>>, vector<128x128xf32>
    %dot_general3A = arith.constant dense<0.000000e+00> : vector<2000x128xf32>
    %dot_general3A_17 = tpu.matmul %get3A_13, %get3A_16, %dot_general3A {dimension_numbers = #tpu.dot_dimension_numbers<[1], [0], [0], [1], [0, 0, 1, 1], [], []>, transpose_lhs_hint = false} : vector<2000x128xf32>, vector<128x128xf32>, vector<2000x128xf32> -> vector<2000x128xf32>
    %add3A_18 = arith.addf %add3A, %dot_general3A_17 : vector<2000x128xf32>
    %get3A_19 = arith.constant 0 : index
    %get3A_20 = arith.constant 0 : index
    %get3A_21 = vector.load %arg4[%get3A_19, %get3A_20] : memref<1x128xf32, #tpu.memory_space<vmem>>, vector<1x128xf32>
    %add3A_22 = vector.broadcast %get3A_21 : vector<1x128xf32> to vector<2000x128xf32>
    %add3A_23 = arith.addf %add3A_18, %add3A_22 : vector<2000x128xf32>
    %get3A_24 = arith.constant 0 : index
    %get3A_25 = arith.constant 0 : index
    %get3A_26 = arith.constant 0 : index
    %get3A_27 = vector.load %arg5[%get3A_24, %get3A_25, %get3A_26] : memref<1x1x2000xi32, #tpu.memory_space<vmem>>, vector<1x1x2000xi32>
    %get3A_28 = vector.shape_cast %get3A_27 : vector<1x1x2000xi32> to vector<2000xi32>
    %broadcast_in_dim3A = vector.shape_cast %get3A_28 : vector<2000xi32> to vector<2000x1xi32>
    %iota3A = tpu.iota {dimensions = array<i32: 1>} : vector<1x64xi32>
    %eq3A_29 = vector.broadcast %broadcast_in_dim3A : vector<2000x1xi32> to vector<2000x64xi32>
    %eq3A_30 = vector.broadcast %iota3A : vector<1x64xi32> to vector<2000x64xi32>
    %eq3A_31 = arith.cmpi eq, %eq3A_29, %eq3A_30 : vector<2000x64xi32>
    %convert_element_type3A_32 = arith.extui %eq3A_31 : vector<2000x64xi1> to vector<2000x64xi32>
    %convert_element_type3A_33 = arith.sitofp %convert_element_type3A_32 : vector<2000x64xi32> to vector<2000x64xf32>
    %get3A_34 = arith.constant 0 : index
    %get3A_35 = arith.constant 0 : index
    %get3A_36 = vector.load %arg9[%get3A_34, %get3A_35] : memref<64x128xf32, #tpu.memory_space<vmem>>, vector<64x128xf32>
    %dot_general3A_37 = arith.constant dense<0.000000e+00> : vector<64x128xf32>
    %dot_general3A_38 = tpu.matmul %convert_element_type3A_33, %add3A_23, %dot_general3A_37 {dimension_numbers = #tpu.dot_dimension_numbers<[0], [0], [1], [1], [0, 1, 1, 1], [], []>, transpose_lhs_hint = false} : vector<2000x64xf32>, vector<2000x128xf32>, vector<64x128xf32> -> vector<64x128xf32>
    %add3A_39 = arith.addf %get3A_36, %dot_general3A_38 : vector<64x128xf32>
    %swap3A = arith.constant 0 : index
    %swap3A_40 = arith.constant 0 : index
    %swap3A_41 = vector.load %arg9[%swap3A, %swap3A_40] : memref<64x128xf32, #tpu.memory_space<vmem>>, vector<64x128xf32>
    tpu.vector_store %arg9[%swap3A, %swap3A_40], %add3A_39 {strides = array<i32>} : memref<64x128xf32, #tpu.memory_space<vmem>>, vector<64x128xf32>,
    %get3A_42 = arith.constant 0 : index
    %get3A_43 = arith.constant 0 : index
    %get3A_44 = vector.load %arg10[%get3A_42, %get3A_43] : memref<64x128xf32, #tpu.memory_space<vmem>>, vector<64x128xf32>
    %broadcast_in_dim3A_45 = arith.constant 1.000000e+00 : f32
    %broadcast_in_dim3A_46 = vector.broadcast %broadcast_in_dim3A_45 : f32 to vector<2000x128xf32>
    %dot_general3A_47 = arith.constant dense<0.000000e+00> : vector<64x128xf32>
    %dot_general3A_48 = tpu.matmul %convert_element_type3A_33, %broadcast_in_dim3A_46, %dot_general3A_47 {dimension_numbers = #tpu.dot_dimension_numbers<[0], [0], [1], [1], [0, 1, 1, 1], [], []>, transpose_lhs_hint = false} : vector<2000x64xf32>, vector<2000x128xf32>, vector<64x128xf32> -> vector<64x128xf32>
    %add3A_49 = arith.addf %get3A_44, %dot_general3A_48 : vector<64x128xf32>
    %swap3A_50 = arith.constant 0 : index
    %swap3A_51 = arith.constant 0 : index
    %swap3A_52 = vector.load %arg10[%swap3A_50, %swap3A_51] : memref<64x128xf32, #tpu.memory_space<vmem>>, vector<64x128xf32>
    tpu.vector_store %arg10[%swap3A_50, %swap3A_51], %add3A_49 {strides = array<i32>} : memref<64x128xf32, #tpu.memory_space<vmem>>, vector<64x128xf32>,
    %eq3A_53 = arith.constant 4 : i32
    %eq3A_54 = arith.cmpi eq, %arg0, %eq3A_53 : i32
    %convert_element_type3A_55 = arith.extui %eq3A_54 : i1 to i32
    %cond3A_56 = arith.constant 0 : i32
    %cond3A_57 = arith.cmpi ne, %convert_element_type3A_55, %cond3A_56 : i32
    scf.if %cond3A_57 {
      %get3A_58 = arith.constant 0 : index
      %get3A_59 = arith.constant 0 : index
      %get3A_60 = vector.load %arg9[%get3A_58, %get3A_59] : memref<64x128xf32, #tpu.memory_space<vmem>>, vector<64x128xf32>
      %get3A_61 = arith.constant 0 : index
      %get3A_62 = arith.constant 0 : index
      %get3A_63 = vector.load %arg10[%get3A_61, %get3A_62] : memref<64x128xf32, #tpu.memory_space<vmem>>, vector<64x128xf32>
      %max3A = arith.constant 1.000000e+00 : f32
      %max3A_64 = vector.broadcast %max3A : f32 to vector<64x128xf32>
      %max3A_65 = arith.maximumf %get3A_63, %max3A_64 : vector<64x128xf32>
      %div3A = arith.divf %get3A_60, %max3A_65 : vector<64x128xf32>
      %get3A_66 = arith.constant 0 : index
      %get3A_67 = arith.constant 0 : index
      %get3A_68 = vector.load %arg6[%get3A_66, %get3A_67] : memref<128x10xf32, #tpu.memory_space<vmem>>, vector<128x10xf32>
      %dot_general3A_69 = arith.constant dense<0.000000e+00> : vector<64x10xf32>
      %dot_general3A_70 = tpu.matmul %div3A, %get3A_68, %dot_general3A_69 {dimension_numbers = #tpu.dot_dimension_numbers<[1], [0], [0], [1], [0, 0, 1, 1], [], []>, transpose_lhs_hint = false} : vector<64x128xf32>, vector<128x10xf32>, vector<64x10xf32> -> vector<64x10xf32>
      %get3A_71 = arith.constant 0 : index
      %get3A_72 = arith.constant 0 : index
      %get3A_73 = vector.load %arg7[%get3A_71, %get3A_72] : memref<1x10xf32, #tpu.memory_space<vmem>>, vector<1x10xf32>
      %add3A_74 = vector.broadcast %get3A_73 : vector<1x10xf32> to vector<64x10xf32>
      %add3A_75 = arith.addf %dot_general3A_70, %add3A_74 : vector<64x10xf32>
      %swap3A_76 = arith.constant 0 : index
      %swap3A_77 = arith.constant 0 : index
      %swap3A_78 = vector.load %arg8[%swap3A_76, %swap3A_77] : memref<64x10xf32, #tpu.memory_space<vmem>>, vector<64x10xf32>
      tpu.vector_store %arg8[%swap3A_76, %swap3A_77], %add3A_75 {strides = array<i32>} : memref<64x10xf32, #tpu.memory_space<vmem>>, vector<64x10xf32>,
    } else {
    }
    return
  }
  func.func @transform_0(%arg0: i32) -> (i32, i32, i32) {
    %c0_i32 = arith.constant 0 : i32
    %c0_i32_0 = arith.constant 0 : i32
    %c0_i32_1 = arith.constant 0 : i32
    return %c0_i32, %arg0, %c0_i32_0 : i32, i32, i32
  }
  func.func @transform_1(%arg0: i32) -> (i32, i32) {
    %c0_i32 = arith.constant 0 : i32
    %c0_i32_0 = arith.constant 0 : i32
    return %arg0, %c0_i32 : i32, i32
  }
  func.func @transform_2(%arg0: i32) -> (i32, i32) {
    %c0_i32 = arith.constant 0 : i32
    %c0_i32_0 = arith.constant 0 : i32
    %c0_i32_1 = arith.constant 0 : i32
    return %c0_i32, %c0_i32_0 : i32, i32
  }
  func.func @transform_3(%arg0: i32) -> (i32, i32) {
    %c0_i32 = arith.constant 0 : i32
    %c0_i32_0 = arith.constant 0 : i32
    %c0_i32_1 = arith.constant 0 : i32
    return %c0_i32, %c0_i32_0 : i32, i32
  }
  func.func @transform_4(%arg0: i32) -> (i32, i32, i32) {
    %c0_i32 = arith.constant 0 : i32
    %c0_i32_0 = arith.constant 0 : i32
    %c0_i32_1 = arith.constant 0 : i32
    return %arg0, %c0_i32, %c0_i32_0 : i32, i32, i32
  }
  func.func @transform_5(%arg0: i32) -> (i32, i32) {
    %c0_i32 = arith.constant 0 : i32
    %c0_i32_0 = arith.constant 0 : i32
    %c0_i32_1 = arith.constant 0 : i32
    return %c0_i32, %c0_i32_0 : i32, i32
  }
  func.func @transform_6(%arg0: i32) -> (i32, i32) {
    %c0_i32 = arith.constant 0 : i32
    %c0_i32_0 = arith.constant 0 : i32
    %c0_i32_1 = arith.constant 0 : i32
    return %c0_i32, %c0_i32_0 : i32, i32
  }
  func.func @transform_7(%arg0: i32) -> (i32, i32) {
    %c0_i32 = arith.constant 0 : i32
    %c0_i32_0 = arith.constant 0 : i32
    %c0_i32_1 = arith.constant 0 : i32
    return %c0_i32, %c0_i32_0 : i32, i32
  }
}

</mosaic_0001>

<sc_bundles>
// kernel: kernel.12.cloned.1.call-start
scs
__scs_entry_jumppad:
0x0: {  	(pc) =	sbr.rel $0x88, $3  }
0x1: {  	(tag) =	ssettag $0x0;
	lr =	simm.s32 $0x1  }
0x2: {  	[smem:$0x3F93] =	sst lr;
	_ =	strace $0xD0000000  }
0x3: {  	_ = 	snop  }
0x4: {  	_ = 	snop  }
0x5: {  	_ = 	snop  }
0x6: {  	_ = 	snop  }
0x7: {  	_ = 	snop  }
__scs_overlays_trampoline_lowered:
0x8: {  	[smem:$0x3FA2] =	sst s0  }
0x9: {  	[smem:$0x3FA3] =	sst s1  }
0xa: {  	[smem:$0x3FA4] =	sst s2  }
0xb: {  	[smem:$0x3FA5] =	sst s3  }
0xc: {  	[smem:$0x3FA6] =	sst s4  }
0xd: {  	[smem:$0x3FA7] =	sst s5  }
0xe: {  	[smem:$0x3FA8] =	sst s6  }
0xf: {  	[smem:$0x3FA9] =	sst s7  }
0x10: {  	[smem:$0x3FAA] =	sst s8  }
0x11: {  	[smem:$0x3FAB] =	sst s9;
	s0 =	simm.s32 @!p0 $0x0  }
0x12: {  	s1 =	sld [smem:$0x3F91];
	s0 =	simm.s32 @p0 $0x1  }
0x13: {  	[smem:$0x3FAC] =	sst s0;
	s0 =	simm.s32 @!p1 $0x0  }
0x14: {  	s2 =	sld [smem:$0x3F90];
	s0 =	simm.s32 @p1 $0x1  }
0x15: {  	[smem:$0x3FAD] =	sst s0;
	s0 =	simm.s32 @!p2 $0x0  }
0x16: {  	s3 =	sld [smem:$0x3FDB];
	s0 =	simm.s32 @p2 $0x1  }
0x17: {  	s4 =	simm.s32 $0x1BF5;
	[smem:$0x3FAF] =	sst s0  }
0x18: {  	s0 =	sld [smem:$0x3F92];
	_ =	swait.ge [sflag:s4], $0x0  }
0x19: {  	s7 =	sld [smem:$0x3F93]  }
0x1a: {  	s8 =	sadd.s32 $0xFFFFE003, lr  }
0x1b: {  	s9 =	sadd.s32 $0xFFFFFEF7, lr;
	s5 =	simm.s32 $0xFFFFFFFF;
	p2 =	slt.u32 s8, $0xFFFFF086  }
0x1c: {  	p1 =	slt.u32 s9, $0xF7A;
	s5 =	simm.s32 @!p2 $0x0  }
0x1d: {  	s5 =	simm.s32 @p1 $0x1;
	p0 =	seq.s32 s7, s2  }
0x1e: {  	s7 =	smul.u32 @!p0 $0xF7A, s2;
	p2 =	seq.s32 @!p0 s5, $0x0  }
0x1f: {  	s9 =	smul.u32 $0xF7A, s1;
	s8 =	simm.s32 @!p0 $0x1BF5;
	p2 =	por !p2, p0  }
0x20: {  	[sflag:s8] =	ssyncset.s32 @!p0 $0xFFFFF086;
	s6 =	sadd.s32 @!p0 s3, s7;
	s7 =	simm.s32 @!p0 $0x108  }
0x21: {  	s3 =	sadd.s32 s3, s9;
	s6 =	sadd.s32 @!p0 $0x88, s6;
	s7 =	simm.s32 @p2 $0x1082  }
0x22: {  	[simem:s7], [sflag:s8] =	dma.local @!p0 [hbm:s6], $0xF7A  }
0x23: {  	s9 =	sor.u32 $0xD0000000, s2;
	s6 =	simm.s32 $0x108;
	_ =	swait.ge @!p0 [sflag:s8], $0x0  }
0x24: {  	s3 =	sadd.s32 $0x88, s3;
	s6 =	simm.s32 @!p1 $0x1082;
	[sflag:s4] =	ssyncset.s32 $0xFFFFF086  }
0x25: {  	[simem:s6], [sflag:s4] =	dma.local [hbm:s3], $0xF7A  }
0x26: {  	[smem:$0x3F93] =	sst s1;
	(tag) =	ssettag s2;
	_ =	strace s9  }
0x27: {  	s1 =	sld [smem:$0x3FA3]  }
0x28: {  	s2 =	sld [smem:$0x3FA4]  }
0x29: {  	s4 =	sld [smem:$0x3FA6]  }
0x2a: {  	p0 =	seq.s32 s5, $0x0;
	s5 =	sld [smem:$0x3FA7]  }
0x2b: {  	s6 =	sld [smem:$0x3FA8]  }
0x2c: {  	s7 =	sld [smem:$0x3FA9]  }
0x2d: {  	s3 =	simm.s32 $0x108;
	s8 =	sld [smem:$0x3FAA]  }
0x2e: {  	s3 =	simm.s32 @!p0 $0x1082;
	s9 =	sld [smem:$0x3FAB]  }
0x2f: {  	lr =	sadd.s32 s0, s3;
	s0 =	sld [smem:$0x3FA2]  }
0x30: {  	s3 =	sld [smem:$0x3FA5]  }
0x31: {  	[smem:$0x3FAE] =	sst s10  }
0x32: {  	s10 =	sld [smem:$0x3FAC];
	_ =	sdelay $0x3  }
0x33: {  	p0 =	seq.s32 s10, $0x1;
	s10 =	sld [smem:$0x3FAE];
	_ =	sdelay $0x3  }
0x34: {  	[smem:$0x3FAE] =	sst s10  }
0x35: {  	s10 =	sld [smem:$0x3FAD];
	_ =	sdelay $0x3  }
0x36: {  	p1 =	seq.s32 s10, $0x1;
	s10 =	sld [smem:$0x3FAE];
	_ =	sdelay $0x3  }
0x37: {  	[smem:$0x3FAE] =	sst s10  }
0x38: {  	s10 =	sld [smem:$0x3FAF]  }
0x39: {  	_ = 	snop;
	(pc) =	sbr.ind lr, $3  }
0x3a: {  	_ = 	snop  }
0x3b: {  	_ = 	snop  }
0x3c: {  	p2 =	seq.s32 s10, $0x1;
	s10 =	sld [smem:$0x3FAE]  }
0x3d: {  	_ =	shalt  }
0x3e: {  	_ =	shalt  }
0x3f: {  	_ =	shalt  }
0x40: {  	_ =	shalt  }
0x41: {  	_ =	shalt  }
0x42: {  	_ =	shalt  }
0x43: {  	_ =	shalt  }
0x44: {  	_ =	shalt  }
0x45: {  	_ =	shalt  }
0x46: {  	_ =	shalt  }
0x47: {  	_ =	shalt  }
0x48: {  	_ =	shalt  }
0x49: {  	_ =	shalt  }
0x4a: {  	_ =	shalt  }
0x4b: {  	_ =	shalt  }
0x4c: {  	_ =	shalt  }
0x4d: {  	_ =	shalt  }
0x4e: {  	_ =	shalt  }
0x4f: {  	_ =	shalt  }
0x50: {  	_ =	shalt  }
0x51: {  	_ =	shalt  }
0x52: {  	_ =	shalt  }
0x53: {  	_ =	shalt  }
0x54: {  	_ =	shalt  }
0x55: {  	_ =	shalt  }
0x56: {  	_ =	shalt  }
0x57: {  	_ =	shalt  }
0x58: {  	_ =	shalt  }
0x59: {  	_ =	shalt  }
0x5a: {  	_ =	shalt  }
0x5b: {  	_ =	shalt  }
0x5c: {  	_ =	shalt  }
0x5d: {  	_ =	shalt  }
0x5e: {  	_ =	shalt  }
0x5f: {  	_ =	shalt  }
0x60: {  	_ =	shalt  }
0x61: {  	_ =	shalt  }
0x62: {  	_ =	shalt  }
0x63: {  	_ =	shalt  }
0x64: {  	_ =	shalt  }
0x65: {  	_ =	shalt  }
0x66: {  	_ =	shalt  }
0x67: {  	_ =	shalt  }
0x68: {  	_ =	shalt  }
0x69: {  	_ =	shalt  }
0x6a: {  	_ =	shalt  }
0x6b: {  	_ =	shalt  }
0x6c: {  	_ =	shalt  }
0x6d: {  	_ =	shalt  }
0x6e: {  	_ =	shalt  }
0x6f: {  	_ =	shalt  }
0x70: {  	_ =	shalt  }
0x71: {  	_ =	shalt  }
0x72: {  	_ =	shalt  }
0x73: {  	_ =	shalt  }
0x74: {  	_ =	shalt  }
0x75: {  	_ =	shalt  }
0x76: {  	_ =	shalt  }
0x77: {  	_ =	shalt  }
0x78: {  	_ =	shalt  }
0x79: {  	_ =	shalt  }
0x7a: {  	_ =	shalt  }
0x7b: {  	_ =	shalt  }
0x7c: {  	_ =	shalt  }
0x7d: {  	_ =	shalt  }
0x7e: {  	_ =	shalt  }
0x7f: {  	_ =	shalt  }
0x80: {  	_ =	shalt  }
0x81: {  	_ =	shalt  }
0x82: {  	_ =	shalt  }
0x83: {  	_ =	shalt  }
0x84: {  	_ =	shalt  }
0x85: {  	_ =	shalt  }
0x86: {  	_ =	shalt  }
0x87: {  	_ =	shalt  }
.Lfunc_end0:
.L_simem_size_0:
called_computation.1_lowered:
.L_overlay_start_0:
0x88: {  	s2 =	sld [smem:$0x3FD9]  }
0x89: {  	s3 =	sld [smem:$0x3FFE];
	_ =	sdelay $0x1  }
0x8a: {  	s1 =	srdreg.scid  }
0x8b: {  	s0 =	sand.u32 $0x1, s1  }
0x8c: {  	s16 =	sshll.u32 s0, $0xA;
	s2 =	sadd.s32 s3, s2  }
0x8d: {  	s2 =	sadd.s32 s2, s16  }
0x8e: {  	[smem:$0x3FBA] =	sst s2  }
0x8f: {  	_ = 	snop  }
0x90: {  	(tm) =	ssettm $0x1  }
0x91: {  	s17 =	sld [smem:$0x3FFB];
	_ =	sdelay $0x3  }
0x92: {  	_ =	strace s17  }
0x93: {  	s2 =	sld [smem:$0x3FFC];
	_ =	sdelay $0x3  }
0x94: {  	_ =	strace s2  }
0x95: {  	s2 =	sld [smem:$0x3FFD];
	_ =	sdelay $0x3  }
0x96: {  	_ =	strace s2  }
0x97: {  	_ =	strace $0x8FFFFFFF  }
0x98: {  	s18 =	sld [smem:$0x3FDB];
	_ =	sdelay $0x1  }
0x99: {  	s19 =	simm.s32 $_scs_section_size  }
0x9a: {  	s4 =	simm.s32 $_size__tile_overlayer_lowered;
	s5 =	simm.s32 $_tile_overlayer_lowered  }
0x9b: {  	s22 =	simm.s32 $0x1BFF;
	s21 =	sshll.u32 s5, $0x1;
	s2 =	sadd.s32 s19, s18  }
0x9c: {  	s6 =	simm.s32 $0x0;
	s20 =	sshll.u32 s4, $0x1;
	s4 =	sadd.s32 s21, s2  }
0x9d: {  	[timem:s6], [sflag:s22] =	dma.local [hbm:s4], s20  }
0x9e: {  	_ =	swait.ge [sflag:s22], s20  }
0x9f: {  	s3 =	ssub.s32 $0x0, s20;
	[sflag:s22] =	ssyncset.done $0x0  }
0xa0: {  	[sflag:s22] =	ssyncadd.s32 s3;
	_ =	sdelay $0x1  }
0xa1: {  	s23 =	simm.s32 $0x1B8B  }
0xa2: {  	_ =	swait.ge [sflag:s23], $0x1  }
0xa3: {  	[sflag:s23] =	ssyncset.done $0x0  }
0xa4: {  	s25 =	simm.s32 $0x1B8E;
	s24 =	sld [smem:$0x3FFE];
	[sflag:s23] =	ssyncadd.s32 $0xFFFFFFFF  }
0xa5: {  	s26 =	simm.s32 $execute0_lowered;
	[smem:$0x3FD2] =	sst s25  }
0xa6: {  	s4 =	sshll.u32 s26, $0x1;
	_ =	strace $0x80000049;
	[dreg:$0x1] =	wrdreg $0xFFFFFFFF  }
0xa7: {  	s28 =	simm.s32 $_size_execute0_lowered;
	s2 =	sadd.s32 s2, s4;
	[dreg:$0x0] =	wrdreg $0x0  }
0xa8: {  	s4 =	sshll.u32 s28, $0x1;
	[dreg:$0x2] =	wrdreg s2  }
0xa9: {  	[dreg:$0x3] =	wrdreg s4  }
0xaa: {  	[dreg:$0x4] =	wrdreg $0xC0  }
0xab: {  	_ =	task [dreg:s6], $0x5FFFF  }
0xac: {  	[dreg:$0x1] =	wrdreg $0xFFFFFFFF  }
0xad: {  	[dreg:$0x0] =	wrdreg $0x60  }
0xae: {  	[dreg:$0x2] =	wrdreg s24  }
0xaf: {  	[dreg:$0x3] =	wrdreg $0xB8000  }
0xb0: {  	[dreg:$0x4] =	wrdreg $0x9  }
0xb1: {  	_ =	task.clear_ibuf [dreg:s6], $0x5FFFF;
	_ =	strace $0x90000049  }
0xb2: {  	s29 =	simm.s32 $0x9;
	_ =	strace $0x8000004B  }
0xb3: {  	_ =	swait.ge [sflag:s29], $0x1  }
0xb4: {  	[sflag:s29] =	ssyncadd.s32 $0xFFFFFFFF  }
0xb5: {  	_ =	strace $0x9000004B  }
0xb6: {  	_ =	sfence  }
0xb7: {  	s30 =	sld [smem:$0x0];
	_ =	sdelay $0x2  }
0xb8: {  	s31 =	sshll.u32 s1, $0xD;
	s1 =	sshrl.u32 s1, $0x2  }
0xb9: {  	s3 =	sand.u32 $0x4000, s31;
	s1 =	sadd.s32 s1, s30  }
0xba: {  	s0 =	sor.u32 s3, s0;
	s1 =	sshll.u32 s1, $0x11  }
0xbb: {  	s0 =	sor.u32 s1, s0  }
0xbc: {  	s0 =	sadd.s32 $0x8F2B, s0  }
0xbd: {  	[sflag:s0] =	ssyncadd.remote.s32 $0x1  }
0xbe: {  	_ =	sfence.sel $0xFFFF  }
0xbf: {  	[dreg:$0x0] =	wrdreg $0xFFFFFFFF;
	(pc) =	sbr.abs _section_cstart, $3  }
0xc0: {  	[dreg:$0x1] =	wrdreg $0xFFFFFFFF  }
0xc1: {  	_ =	task.clear_ibuf [dreg:s6], $0x2FFFF;
	_ =	strace $0x9FFFFFFF  }
0xc2: {  	(tm) =	ssettm $0x7FFFFFFF  }
0xc3: {  	_ =	shalt  }
tec
execute0_lowered:
.L_overlay_start_1:
0x0: {  	(tag) =	ssettag $0x1  }
0x1: {  	s0 =	rddreg [dreg:$0x0]  }
0x2: {  	s1 =	srdreg.scid;
	s10 =	stileid.u32  }
0x3: {  	s2 =	rddreg [dreg:$0x1];
	s4 =	smul.u32 $0x1F400, s10  }
0x4: {  	s5 =	simm.s32 $0x0;
	s1 =	sand.u32 $0x1, s1;
	s22 =	smul.u32 $0x4E200, s10  }
0x5: {  	[smem:$0x7FF] =	sst s5;
	s6 =	sadd.s32 $0x2A00, s0;
	s7 =	sadd.s32 $0xCA00, s0  }
0x6: {  	s9 =	sshll.u32 s10, $0x1;
	s21 =	smul.u32 $0x7D000, s10;
	s5 =	sshrl.u32 s22, $0x2  }
0x7: {  	p0 =	sgt.u32 s10, $0x9;
	s3 =	smul.u32 $0x138800, s1;
	s5 =	sadd.s32 s5, s2  }
0x8: {  	s10 =	simm.s32 $0x3;
	_ =	strace $0x8000004A;
	s24 =	sadd.s32 $0xC80, s5  }
0x9: {  	s23 =	ssub.s32 $0x2, s1;
	s25 =	sadd.s32 $0x1900, s5;
	[dreg:$0x3] =	wrdreg s24  }
0xa: {  	s1 =	sor.u32 s1, s9;
	s26 =	sadd.s32 $0x2580, s5;
	[dreg:$0x4] =	wrdreg s25  }
0xb: {  	s8 =	sshrl.u32 s23, $0x1;
	s9 =	sadd.s32 $0x3200, s5;
	[dreg:$0x5] =	wrdreg s26  }
0xc: {  	s15 =	smul.u32 $0x2800, s1;
	s11 =	sadd.s32 $0x3E80, s5;
	[dreg:$0x6] =	wrdreg s9  }
0xd: {  	s1 =	smul.u32 $0x500, s1;
	s12 =	sadd.s32 $0x4B00, s5;
	[dreg:$0x7] =	wrdreg s11  }
0xe: {  	s3 =	sadd.s32 s4, s3;
	s13 =	sadd.s32 $0x5780, s5;
	[dreg:$0x8] =	wrdreg s12  }
0xf: {  	s4 =	sadd.s32 $0x16A00, s0;
	s14 =	sadd.s32 $0x6400, s5;
	[dreg:$0x9] =	wrdreg s13  }
0x10: {  	s3 =	sshrl.u32 s3, $0x3;
	s16 =	sadd.s32 $0x7080, s5;
	[dreg:$0xa] =	wrdreg s14  }
0x11: {  	s17 =	sadd.s32 $0x7D00, s5;
	s18 =	sadd.s32 $0x8980, s5;
	[dreg:$0xb] =	wrdreg s16  }
0x12: {  	s19 =	sadd.s32 $0x9600, s5;
	s20 =	sadd.s32 s6, s1;
	[dreg:$0xc] =	wrdreg s17  }
0x13: {  	s1 =	sadd.s32 s7, s1;
	s28 =	sadd.s32 $0xBB80, s5;
	[dreg:$0xd] =	wrdreg s18  }
0x14: {  	s29 =	sadd.s32 $0xC800, s5;
	s30 =	sadd.s32 $0xD480, s5;
	[dreg:$0xe] =	wrdreg s19  }
0x15: {  	s31 =	sadd.s32 $0xE100, s5;
	s0 =	sadd.s32 s3, s0;
	[dreg:$0xf] =	wrdreg s20  }
0x16: {  	s3 =	ssub.s32 s23, s8;
	s8 =	sshrl.u32 s15, $0x3;
	[dreg:$0x10] =	wrdreg s1  }
0x17: {  	s24 =	sadd.s32 $0xA280, s5;
	s25 =	sshrl.u32 s21, $0x2;
	s1 =	sadd.s32 $0xFA00, s5  }
0x18: {  	s9 =	simm.s32 $0xA800;
	s11 =	simm.s32 $0x1400;
	s12 =	simm.s32 $0x7D  }
0x19: {  	s13 =	simm.s32 $0x2800;
	s14 =	simm.s32 $0x6800;
	s15 =	simm.s32 $0x1  }
0x1a: {  	s16 =	simm.s32 $0x2;
	s17 =	simm.s32 $0x1380;
	s18 =	simm.s32 $0x2700  }
0x1b: {  	s19 =	simm.s32 $0x2780;
	s20 =	simm.s32 $0x0;
	s8 =	sadd.s32 $0x280, s8  }
0x1c: {  	[dreg:$0x13] =	wrdreg s24;
	s0 =	sadd.s32 $0x3DC00, s0;
	s26 =	smax.u32 s3, $0x1  }
0x1d: {  	s3 =	sadd.s32 $0x10680, s5;
	s22 =	sadd.s32 s6, s8;
	[dreg:$0x14] =	wrdreg s0  }
0x1e: {  	s23 =	sadd.s32 s7, s8;
	s0 =	sadd.s32 s25, s2;
	[dreg:$0x15] =	wrdreg s26  }
0x1f: {  	s26 =	sadd.s32 $0xAF00, s5;
	s6 =	sadd.s32 $0x11300, s5;
	[dreg:$0x11] =	wrdreg s22  }
0x20: {  	s7 =	sadd.s32 $0x11F80, s5;
	[dreg:$0x12] =	wrdreg s23;
	s0 =	sshrl.u32 @!p0 s0, $0x3  }
0x21: {  	v0 =	vimm.f32 $0.0e+00;
	s8 =	sadd.s32 $0x12C00, s5;
	[dreg:$0x16] =	wrdreg s0;
	s0 =	sadd.s32 $0xED80, s5  }
.LBB2_1:
0x22: {  	s22 =	simm.s32 $0x0  }
0x23: {  	s21 =	sand.u32 $0x3E00, s22  }
0x24: {  	s22 =	sand.u32 $0x70, s22;
	s23 =	sshrl.u32 s21, $0x2  }
0x25: {  	s21 =	simm.s32 $0x40;
	s23 =	sor.u32 s22, s23;
	s22 =	simm.s32 $0x0  }
.LBB2_2:
0x26: {  	p1 =	sne.s32 s21, $0x31C0  }
0x27: {  	[tilespmem:s23+$0xA800] =	vst v0;
	s22 =	sadd.s32 $0x10, s22;
	s23 =	smov.u32 s21;
	s21 =	sadd.s32 $0x40, s21  }
.Ltmp0:
0x28: {  	(pc) =	sbr.rel @p1 .LBB2_2-.Ltmp0, $4  }
0x29: {  	_ = 	snop  }
0x2a: {  	s23 =	sand.u32 $0x3E00, s23  }
0x2b: {  	s24 =	sand.u32 $0x70, s22;
	s23 =	sshrl.u32 s23, $0x2  }
0x2c: {  	s23 =	sor.u32 s24, s23  }
0x2d: {  	[tilespmem:s23+$0xA800] =	vst v0  }
0x2e: {  	[spmem:s5] =	stream.linear.scatter [tilespmem:s9], [sflag:$0x3], $0xC80, $0x38;
	[tilespmem:$0x1F080] =	vst v63  }
0x2f: {  	_ =	swait.ge [sflag:s10], $0xC80  }
0x30: {  	[sflag:s10] =	ssyncset.done $0x0  }
0x31: {  	s21 =	rddreg [dreg:$0x3];
	[sflag:s10] =	ssyncadd.s32 $0xFFFFF380  }
0x32: {  	[spmem:s21] =	stream.linear.scatter [tilespmem:s9], [sflag:$0x3], $0xC80, $0x38;
	[tilespmem:$0x1F080] =	vst v63  }
0x33: {  	_ =	swait.ge [sflag:s10], $0xC80  }
0x34: {  	[sflag:s10] =	ssyncset.done $0x0  }
0x35: {  	s24 =	rddreg [dreg:$0x4];
	[sflag:s10] =	ssyncadd.s32 $0xFFFFF380  }
0x36: {  	[spmem:s24] =	stream.linear.scatter [tilespmem:s9], [sflag:$0x3], $0xC80, $0x38;
	[tilespmem:$0x1F080] =	vst v63  }
0x37: {  	_ =	swait.ge [sflag:s10], $0xC80  }
0x38: {  	[sflag:s10] =	ssyncset.done $0x0  }
0x39: {  	s25 =	rddreg [dreg:$0x5];
	[sflag:s10] =	ssyncadd.s32 $0xFFFFF380  }
0x3a: {  	[spmem:s25] =	stream.linear.scatter [tilespmem:s9], [sflag:$0x3], $0xC80, $0x38;
	[tilespmem:$0x1F080] =	vst v63  }
0x3b: {  	_ =	swait.ge [sflag:s10], $0xC80  }
0x3c: {  	[sflag:s10] =	ssyncset.done $0x0  }
0x3d: {  	s22 =	rddreg [dreg:$0x6];
	[sflag:s10] =	ssyncadd.s32 $0xFFFFF380  }
0x3e: {  	[spmem:s22] =	stream.linear.scatter [tilespmem:s9], [sflag:$0x3], $0xC80, $0x38;
	[tilespmem:$0x1F080] =	vst v63  }
0x3f: {  	_ =	swait.ge [sflag:s10], $0xC80  }
0x40: {  	[sflag:s10] =	ssyncset.done $0x0  }
0x41: {  	s23 =	rddreg [dreg:$0x7];
	[sflag:s10] =	ssyncadd.s32 $0xFFFFF380  }
0x42: {  	[spmem:s23] =	stream.linear.scatter [tilespmem:s9], [sflag:$0x3], $0xC80, $0x38;
	[tilespmem:$0x1F080] =	vst v63  }
0x43: {  	_ =	swait.ge [sflag:s10], $0xC80  }
0x44: {  	[sflag:s10] =	ssyncset.done $0x0  }
0x45: {  	s24 =	rddreg [dreg:$0x8];
	[sflag:s10] =	ssyncadd.s32 $0xFFFFF380  }
0x46: {  	[spmem:s24] =	stream.linear.scatter [tilespmem:s9], [sflag:$0x3], $0xC80, $0x38;
	[tilespmem:$0x1F080] =	vst v63  }
0x47: {  	_ =	swait.ge [sflag:s10], $0xC80  }
0x48: {  	[sflag:s10] =	ssyncset.done $0x0  }
0x49: {  	s25 =	rddreg [dreg:$0x9];
	[sflag:s10] =	ssyncadd.s32 $0xFFFFF380  }
0x4a: {  	[spmem:s25] =	stream.linear.scatter [tilespmem:s9], [sflag:$0x3], $0xC80, $0x38;
	[tilespmem:$0x1F080] =	vst v63  }
0x4b: {  	_ =	swait.ge [sflag:s10], $0xC80  }
0x4c: {  	[sflag:s10] =	ssyncset.done $0x0  }
0x4d: {  	s22 =	rddreg [dreg:$0xa];
	[sflag:s10] =	ssyncadd.s32 $0xFFFFF380  }
0x4e: {  	[spmem:s22] =	stream.linear.scatter [tilespmem:s9], [sflag:$0x3], $0xC80, $0x38;
	[tilespmem:$0x1F080] =	vst v63  }
0x4f: {  	_ =	swait.ge [sflag:s10], $0xC80  }
0x50: {  	[sflag:s10] =	ssyncset.done $0x0  }
0x51: {  	s23 =	rddreg [dreg:$0xb];
	[sflag:s10] =	ssyncadd.s32 $0xFFFFF380  }
0x52: {  	[spmem:s23] =	stream.linear.scatter [tilespmem:s9], [sflag:$0x3], $0xC80, $0x38;
	[tilespmem:$0x1F080] =	vst v63  }
0x53: {  	_ =	swait.ge [sflag:s10], $0xC80  }
0x54: {  	[sflag:s10] =	ssyncset.done $0x0  }
0x55: {  	s24 =	rddreg [dreg:$0xc];
	[sflag:s10] =	ssyncadd.s32 $0xFFFFF380  }
0x56: {  	[spmem:s24] =	stream.linear.scatter [tilespmem:s9], [sflag:$0x3], $0xC80, $0x38;
	[tilespmem:$0x1F080] =	vst v63  }
0x57: {  	_ =	swait.ge [sflag:s10], $0xC80  }
0x58: {  	[sflag:s10] =	ssyncset.done $0x0  }
0x59: {  	s25 =	rddreg [dreg:$0xd];
	[sflag:s10] =	ssyncadd.s32 $0xFFFFF380  }
0x5a: {  	[spmem:s25] =	stream.linear.scatter [tilespmem:s9], [sflag:$0x3], $0xC80, $0x38;
	[tilespmem:$0x1F080] =	vst v63  }
0x5b: {  	_ =	swait.ge [sflag:s10], $0xC80  }
0x5c: {  	[sflag:s10] =	ssyncset.done $0x0  }
0x5d: {  	s22 =	rddreg [dreg:$0xe];
	[sflag:s10] =	ssyncadd.s32 $0xFFFFF380  }
0x5e: {  	[spmem:s22] =	stream.linear.scatter [tilespmem:s9], [sflag:$0x3], $0xC80, $0x38;
	[tilespmem:$0x1F080] =	vst v63  }
0x5f: {  	_ =	swait.ge [sflag:s10], $0xC80  }
0x60: {  	[sflag:s10] =	ssyncset.done $0x0  }
0x61: {  	s23 =	rddreg [dreg:$0x13];
	[sflag:s10] =	ssyncadd.s32 $0xFFFFF380  }
0x62: {  	[spmem:s23] =	stream.linear.scatter [tilespmem:s9], [sflag:$0x3], $0xC80, $0x38;
	[tilespmem:$0x1F080] =	vst v63  }
0x63: {  	_ =	swait.ge [sflag:s10], $0xC80  }
0x64: {  	[sflag:s10] =	ssyncset.done $0x0  }
0x65: {  	[sflag:s10] =	ssyncadd.s32 $0xFFFFF380  }
0x66: {  	[spmem:s26] =	stream.linear.scatter [tilespmem:s9], [sflag:$0x3], $0xC80, $0x38;
	[tilespmem:$0x1F080] =	vst v63  }
0x67: {  	_ =	swait.ge [sflag:s10], $0xC80  }
0x68: {  	[sflag:s10] =	ssyncset.done $0x0  }
0x69: {  	[sflag:s10] =	ssyncadd.s32 $0xFFFFF380  }
0x6a: {  	[spmem:s28] =	stream.linear.scatter [tilespmem:s9], [sflag:$0x3], $0xC80, $0x38;
	[tilespmem:$0x1F080] =	vst v63  }
0x6b: {  	_ =	swait.ge [sflag:s10], $0xC80  }
0x6c: {  	[sflag:s10] =	ssyncset.done $0x0  }
0x6d: {  	[sflag:s10] =	ssyncadd.s32 $0xFFFFF380  }
0x6e: {  	[spmem:s29] =	stream.linear.scatter [tilespmem:s9], [sflag:$0x3], $0xC80, $0x38;
	[tilespmem:$0x1F080] =	vst v63  }
0x6f: {  	_ =	swait.ge [sflag:s10], $0xC80  }
0x70: {  	[sflag:s10] =	ssyncset.done $0x0  }
0x71: {  	[sflag:s10] =	ssyncadd.s32 $0xFFFFF380  }
0x72: {  	[spmem:s30] =	stream.linear.scatter [tilespmem:s9], [sflag:$0x3], $0xC80, $0x38;
	[tilespmem:$0x1F080] =	vst v63  }
0x73: {  	_ =	swait.ge [sflag:s10], $0xC80  }
0x74: {  	[sflag:s10] =	ssyncset.done $0x0  }
0x75: {  	[sflag:s10] =	ssyncadd.s32 $0xFFFFF380  }
0x76: {  	[spmem:s31] =	stream.linear.scatter [tilespmem:s9], [sflag:$0x3], $0xC80, $0x38;
	[tilespmem:$0x1F080] =	vst v63  }
0x77: {  	_ =	swait.ge [sflag:s10], $0xC80  }
0x78: {  	[sflag:s10] =	ssyncset.done $0x0  }
0x79: {  	[sflag:s10] =	ssyncadd.s32 $0xFFFFF380  }
0x7a: {  	[spmem:s0] =	stream.linear.scatter [tilespmem:s9], [sflag:$0x3], $0xC80, $0x38;
	[tilespmem:$0x1F080] =	vst v63  }
0x7b: {  	_ =	swait.ge [sflag:s10], $0xC80  }
0x7c: {  	[sflag:s10] =	ssyncset.done $0x0  }
0x7d: {  	[sflag:s10] =	ssyncadd.s32 $0xFFFFF380  }
0x7e: {  	[spmem:s1] =	stream.linear.scatter [tilespmem:s9], [sflag:$0x3], $0xC80, $0x38;
	[tilespmem:$0x1F080] =	vst v63  }
0x7f: {  	_ =	swait.ge [sflag:s10], $0xC80  }
0x80: {  	[sflag:s10] =	ssyncset.done $0x0  }
0x81: {  	[sflag:s10] =	ssyncadd.s32 $0xFFFFF380  }
0x82: {  	[spmem:s3] =	stream.linear.scatter [tilespmem:s9], [sflag:$0x3], $0xC80, $0x38;
	[tilespmem:$0x1F080] =	vst v63  }
0x83: {  	_ =	swait.ge [sflag:s10], $0xC80  }
0x84: {  	[sflag:s10] =	ssyncset.done $0x0  }
0x85: {  	[sflag:s10] =	ssyncadd.s32 $0xFFFFF380  }
0x86: {  	[spmem:s6] =	stream.linear.scatter [tilespmem:s9], [sflag:$0x3], $0xC80, $0x38;
	[tilespmem:$0x1F080] =	vst v63  }
0x87: {  	_ =	swait.ge [sflag:s10], $0xC80  }
0x88: {  	[sflag:s10] =	ssyncset.done $0x0  }
0x89: {  	[sflag:s10] =	ssyncadd.s32 $0xFFFFF380  }
0x8a: {  	[spmem:s7] =	stream.linear.scatter [tilespmem:s9], [sflag:$0x3], $0xC80, $0x38;
	[tilespmem:$0x1F080] =	vst v63  }
0x8b: {  	_ =	swait.ge [sflag:s10], $0xC80  }
0x8c: {  	[sflag:s10] =	ssyncset.done $0x0  }
0x8d: {  	[sflag:s10] =	ssyncadd.s32 $0xFFFFF380  }
0x8e: {  	[spmem:s8] =	stream.linear.scatter [tilespmem:s9], [sflag:$0x3], $0xC80, $0x38;
	[tilespmem:$0x1F080] =	vst v63  }
0x8f: {  	_ =	swait.ge [sflag:s10], $0xC80  }
0x90: {  	[sflag:s10] =	ssyncset.done $0x0  }
0x91: {  	[sflag:s10] =	ssyncadd.s32 $0xFFFFF380  }
0x92: {  	[bflag:$0x0] =	sbarrier.arrive $0xFFFF  }
0x93: {  	s24 =	simm.s32 $0x0;
	s22 =	rddreg [dreg:$0xf]  }
0x94: {  	[tilespmem:s24], [sflag:$0x3] =	stream.linear.gather [hbm4b:s22+s24], $0x1400, $0x38;
	[tilespmem:$0x1F080] =	vst v63  }
0x95: {  	_ =	swait.ge [sflag:s10], $0x1400  }
0x96: {  	[sflag:s10] =	ssyncset.done $0x0  }
0x97: {  	s25 =	rddreg [dreg:$0x10];
	[sflag:s10] =	ssyncadd.s32 $0xFFFFEC00  }
0x98: {  	[tilespmem:s11], [sflag:$0x3] =	stream.linear.gather [hbm4b:s25+s24], $0x1400, $0x38;
	[tilespmem:$0x1F080] =	vst v63  }
0x99: {  	_ =	swait.ge [sflag:s10], $0x1400  }
0x9a: {  	[sflag:s10] =	ssyncset.done $0x0  }
0x9b: {  	[sflag:s10] =	ssyncadd.s32 $0xFFFFEC00  }
0x9c: {  	[tilespmem:s13], [sflag:$0x1] =	stream.indirect.gather [hbm4b:s4+s12], $0x80, s24, s12, $0xb8;
	[tilespmem:$0x1F080] =	vst v63  }
0x9d: {  	s22 =	simm.s32 $0x80  }
0x9e: {  	[tilespmem:s14], [sflag:$0x2] =	stream.indirect.gather [hbm4b:s4+s12], $0x80, s22, s12, $0xb8;
	[tilespmem:$0x1F080] =	vst v63  }
0x9f: {  	_ =	swait.ge [sflag:s15], $0x3E80  }
0xa0: {  	[sflag:s15] =	ssyncset.done $0x0  }
0xa1: {  	s23 =	simm.s32 $0x1400;
	[sflag:s15] =	ssyncadd.s32 $0xFFFFC180  }
0xa2: {  	[spmem:s2] =	stream.indirect.scatter.add.f32 [tilespmem:s13], [sflag:$0x3], $0x80, s23, s12, $0xb8;
	[tilespmem:$0x1F080] =	vst v63  }
0xa3: {  	_ =	swait.ge [sflag:s10], $0x3E80  }
0xa4: {  	[sflag:s10] =	ssyncset.done $0x0  }
0xa5: {  	s24 =	simm.s32 $0x100;
	[sflag:s10] =	ssyncadd.s32 $0xFFFFC180  }
0xa6: {  	[tilespmem:s13], [sflag:$0x1] =	stream.indirect.gather [hbm4b:s4+s12], $0x80, s24, s12, $0xb8;
	[tilespmem:$0x1F080] =	vst v63  }
0xa7: {  	_ =	swait.ge [sflag:s16], $0x3E80  }
0xa8: {  	[sflag:s16] =	ssyncset.done $0x0  }
0xa9: {  	s25 =	simm.s32 $0x1480;
	[sflag:s16] =	ssyncadd.s32 $0xFFFFC180  }
0xaa: {  	[spmem:s2] =	stream.indirect.scatter.add.f32 [tilespmem:s14], [sflag:$0x3], $0x80, s25, s12, $0xb8;
	[tilespmem:$0x1F080] =	vst v63  }
0xab: {  	_ =	swait.ge [sflag:s10], $0x3E80  }
0xac: {  	s21 =	simm.s32 $0x100;
	s22 =	simm.s32 $0x800;
	[sflag:s10] =	ssyncset.done $0x0  }
.LBB2_4:
0xad: {  	s23 =	sadd.s32 $0x80, s21  }
0xae: {  	[sflag:s10] =	ssyncadd.s32 $0xFFFFC180;
	s24 =	smov.u32 s22;
	s25 =	sadd.s32 $0x400, s22  }
0xaf: {  	[tilespmem:s14], [sflag:$0x2] =	stream.indirect.gather [hbm4b:s4+s12], $0x80, s23, s12, $0xb8;
	[tilespmem:$0x1F080] =	vst v63  }
0xb0: {  	p1 =	sne.s32 s22, $0x4800;
	_ =	swait.ge [sflag:s15], $0x3E80  }
0xb1: {  	[sflag:s15] =	ssyncset.done $0x0  }
0xb2: {  	s22 =	sadd.s32 $0x1400, s21;
	[sflag:s15] =	ssyncadd.s32 $0xFFFFC180  }
0xb3: {  	[spmem:s2] =	stream.indirect.scatter.add.f32 [tilespmem:s13], [sflag:$0x3], $0x80, s22, s12, $0xb8;
	[tilespmem:$0x1F080] =	vst v63  }
0xb4: {  	_ =	swait.ge [sflag:s10], $0x3E80  }
0xb5: {  	[sflag:s10] =	ssyncset.done $0x0  }
0xb6: {  	s22 =	sadd.s32 $0x100, s21;
	[sflag:s10] =	ssyncadd.s32 $0xFFFFC180  }
0xb7: {  	[tilespmem:s13], [sflag:$0x1] =	stream.indirect.gather [hbm4b:s4+s12], $0x80, s22, s12, $0xb8;
	[tilespmem:$0x1F080] =	vst v63  }
0xb8: {  	_ =	swait.ge [sflag:s16], $0x3E80  }
.Ltmp1:
0xb9: {  	[sflag:s16] =	ssyncset.done $0x0;
	(pc) =	sbr.rel @p1 .LBB2_4-.Ltmp1, $4  }
0xba: {  	s21 =	sadd.s32 $0x1480, s21;
	[sflag:s16] =	ssyncadd.s32 $0xFFFFC180  }
0xbb: {  	[spmem:s2] =	stream.indirect.scatter.add.f32 [tilespmem:s14], [sflag:$0x3], $0x80, s21, s12, $0xb8;
	[tilespmem:$0x1F080] =	vst v63  }
0xbc: {  	_ =	swait.ge [sflag:s10], $0x3E80  }
0xbd: {  	s22 =	smov.u32 s25;
	s21 =	sshra.s32 s24, $0x2;
	[sflag:s10] =	ssyncset.done $0x0  }
0xbe: {  	s22 =	sadd.s32 $0x80, s21;
	[sflag:s10] =	ssyncadd.s32 $0xFFFFC180  }
0xbf: {  	[tilespmem:s14], [sflag:$0x2] =	stream.indirect.gather [hbm4b:s4+s12], $0x80, s22, s12, $0xb8;
	[tilespmem:$0x1F080] =	vst v63  }
0xc0: {  	_ =	swait.ge [sflag:s15], $0x3E80  }
0xc1: {  	[sflag:s15] =	ssyncset.done $0x0  }
0xc2: {  	s24 =	sadd.s32 $0x1400, s21;
	[sflag:s15] =	ssyncadd.s32 $0xFFFFC180  }
0xc3: {  	[spmem:s2] =	stream.indirect.scatter.add.f32 [tilespmem:s13], [sflag:$0x3], $0x80, s24, s12, $0xb8;
	[tilespmem:$0x1F080] =	vst v63  }
0xc4: {  	_ =	swait.ge [sflag:s10], $0x3E80  }
0xc5: {  	[sflag:s10] =	ssyncset.done $0x0  }
0xc6: {  	s25 =	sadd.s32 $0x100, s21;
	[sflag:s10] =	ssyncadd.s32 $0xFFFFC180  }
0xc7: {  	[tilespmem:s13], [sflag:$0x1] =	stream.indirect.gather [hbm4b:s4+s12], $0x80, s25, s12, $0xb8;
	[tilespmem:$0x1F080] =	vst v63  }
0xc8: {  	_ =	swait.ge [sflag:s16], $0x3E80  }
0xc9: {  	[sflag:s16] =	ssyncset.done $0x0  }
0xca: {  	s22 =	sadd.s32 $0x1480, s21;
	[sflag:s16] =	ssyncadd.s32 $0xFFFFC180  }
0xcb: {  	[spmem:s2] =	stream.indirect.scatter.add.f32 [tilespmem:s14], [sflag:$0x3], $0x80, s22, s12, $0xb8;
	[tilespmem:$0x1F080] =	vst v63  }
0xcc: {  	_ =	swait.ge [sflag:s10], $0x3E80  }
0xcd: {  	[sflag:s10] =	ssyncset.done $0x0  }
0xce: {  	[sflag:s10] =	ssyncadd.s32 $0xFFFFC180  }
0xcf: {  	[tilespmem:s14], [sflag:$0x2] =	stream.indirect.gather [hbm4b:s4+s12], $0x80, s17, s12, $0xb8;
	[tilespmem:$0x1F080] =	vst v63  }
0xd0: {  	_ =	swait.ge [sflag:s15], $0x3E80  }
0xd1: {  	[sflag:s15] =	ssyncset.done $0x0  }
0xd2: {  	[sflag:s15] =	ssyncadd.s32 $0xFFFFC180  }
0xd3: {  	[spmem:s2] =	stream.indirect.scatter.add.f32 [tilespmem:s13], [sflag:$0x3], $0x80, s18, s12, $0xb8;
	[tilespmem:$0x1F080] =	vst v63  }
0xd4: {  	_ =	swait.ge [sflag:s10], $0x3E80  }
0xd5: {  	[sflag:s10] =	ssyncset.done $0x0  }
0xd6: {  	[sflag:s10] =	ssyncadd.s32 $0xFFFFC180  }
0xd7: {  	_ =	swait.ge [sflag:s16], $0x3E80  }
0xd8: {  	[sflag:s16] =	ssyncset.done $0x0  }
0xd9: {  	[sflag:s16] =	ssyncadd.s32 $0xFFFFC180  }
0xda: {  	[spmem:s2] =	stream.indirect.scatter.add.f32 [tilespmem:s14], [sflag:$0x3], $0x80, s19, s12, $0xb8;
	[tilespmem:$0x1F080] =	vst v63  }
0xdb: {  	_ =	swait.ge [sflag:s10], $0x3E80  }
0xdc: {  	[sflag:s10] =	ssyncset.done $0x0  }
0xdd: {  	s23 =	simm.s32 $0x0;
	s24 =	rddreg [dreg:$0x11];
	[sflag:s10] =	ssyncadd.s32 $0xFFFFC180  }
0xde: {  	[tilespmem:s23], [sflag:$0x3] =	stream.linear.gather [hbm4b:s24+s23], $0x1400, $0x38;
	[tilespmem:$0x1F080] =	vst v63  }
0xdf: {  	_ =	swait.ge [sflag:s10], $0x1400  }
0xe0: {  	[sflag:s10] =	ssyncset.done $0x0  }
0xe1: {  	s25 =	rddreg [dreg:$0x12];
	[sflag:s10] =	ssyncadd.s32 $0xFFFFEC00  }
0xe2: {  	[tilespmem:s11], [sflag:$0x3] =	stream.linear.gather [hbm4b:s25+s23], $0x1400, $0x38;
	[tilespmem:$0x1F080] =	vst v63  }
0xe3: {  	_ =	swait.ge [sflag:s10], $0x1400  }
0xe4: {  	[sflag:s10] =	ssyncset.done $0x0  }
0xe5: {  	[sflag:s10] =	ssyncadd.s32 $0xFFFFEC00  }
0xe6: {  	[tilespmem:s13], [sflag:$0x1] =	stream.indirect.gather [hbm4b:s4+s12], $0x80, s23, s12, $0xb8;
	[tilespmem:$0x1F080] =	vst v63  }
0xe7: {  	s22 =	simm.s32 $0x80  }
0xe8: {  	[tilespmem:s14], [sflag:$0x2] =	stream.indirect.gather [hbm4b:s4+s12], $0x80, s22, s12, $0xb8;
	[tilespmem:$0x1F080] =	vst v63  }
0xe9: {  	_ =	swait.ge [sflag:s15], $0x3E80  }
0xea: {  	[sflag:s15] =	ssyncset.done $0x0  }
0xeb: {  	s23 =	simm.s32 $0x1400;
	[sflag:s15] =	ssyncadd.s32 $0xFFFFC180  }
0xec: {  	[spmem:s2] =	stream.indirect.scatter.add.f32 [tilespmem:s13], [sflag:$0x3], $0x80, s23, s12, $0xb8;
	[tilespmem:$0x1F080] =	vst v63  }
0xed: {  	_ =	swait.ge [sflag:s10], $0x3E80  }
0xee: {  	[sflag:s10] =	ssyncset.done $0x0  }
0xef: {  	s24 =	simm.s32 $0x100;
	[sflag:s10] =	ssyncadd.s32 $0xFFFFC180  }
0xf0: {  	[tilespmem:s13], [sflag:$0x1] =	stream.indirect.gather [hbm4b:s4+s12], $0x80, s24, s12, $0xb8;
	[tilespmem:$0x1F080] =	vst v63  }
0xf1: {  	_ =	swait.ge [sflag:s16], $0x3E80  }
0xf2: {  	[sflag:s16] =	ssyncset.done $0x0  }
0xf3: {  	s25 =	simm.s32 $0x1480;
	[sflag:s16] =	ssyncadd.s32 $0xFFFFC180  }
0xf4: {  	[spmem:s2] =	stream.indirect.scatter.add.f32 [tilespmem:s14], [sflag:$0x3], $0x80, s25, s12, $0xb8;
	[tilespmem:$0x1F080] =	vst v63  }
0xf5: {  	_ =	swait.ge [sflag:s10], $0x3E80  }
0xf6: {  	s21 =	simm.s32 $0x100;
	s22 =	simm.s32 $0x800;
	[sflag:s10] =	ssyncset.done $0x0  }
.LBB2_6:
0xf7: {  	s23 =	sadd.s32 $0x80, s21  }
0xf8: {  	[sflag:s10] =	ssyncadd.s32 $0xFFFFC180;
	s24 =	smov.u32 s22;
	s25 =	sadd.s32 $0x400, s22  }
0xf9: {  	[tilespmem:s14], [sflag:$0x2] =	stream.indirect.gather [hbm4b:s4+s12], $0x80, s23, s12, $0xb8;
	[tilespmem:$0x1F080] =	vst v63  }
0xfa: {  	p1 =	sne.s32 s22, $0x4800;
	_ =	swait.ge [sflag:s15], $0x3E80  }
0xfb: {  	[sflag:s15] =	ssyncset.done $0x0  }
0xfc: {  	s22 =	sadd.s32 $0x1400, s21;
	[sflag:s15] =	ssyncadd.s32 $0xFFFFC180  }
0xfd: {  	[spmem:s2] =	stream.indirect.scatter.add.f32 [tilespmem:s13], [sflag:$0x3], $0x80, s22, s12, $0xb8;
	[tilespmem:$0x1F080] =	vst v63  }
0xfe: {  	_ =	swait.ge [sflag:s10], $0x3E80  }
0xff: {  	[sflag:s10] =	ssyncset.done $0x0  }
0x100: {  	s22 =	sadd.s32 $0x100, s21;
	[sflag:s10] =	ssyncadd.s32 $0xFFFFC180  }
0x101: {  	[tilespmem:s13], [sflag:$0x1] =	stream.indirect.gather [hbm4b:s4+s12], $0x80, s22, s12, $0xb8;
	[tilespmem:$0x1F080] =	vst v63  }
0x102: {  	_ =	swait.ge [sflag:s16], $0x3E80  }
.Ltmp2:
0x103: {  	[sflag:s16] =	ssyncset.done $0x0;
	(pc) =	sbr.rel @p1 .LBB2_6-.Ltmp2, $4  }
0x104: {  	s21 =	sadd.s32 $0x1480, s21;
	[sflag:s16] =	ssyncadd.s32 $0xFFFFC180  }
0x105: {  	[spmem:s2] =	stream.indirect.scatter.add.f32 [tilespmem:s14], [sflag:$0x3], $0x80, s21, s12, $0xb8;
	[tilespmem:$0x1F080] =	vst v63  }
0x106: {  	_ =	swait.ge [sflag:s10], $0x3E80  }
0x107: {  	s22 =	smov.u32 s25;
	s21 =	sshra.s32 s24, $0x2;
	[sflag:s10] =	ssyncset.done $0x0  }
0x108: {  	s22 =	sadd.s32 $0x80, s21;
	[sflag:s10] =	ssyncadd.s32 $0xFFFFC180  }
0x109: {  	[tilespmem:s14], [sflag:$0x2] =	stream.indirect.gather [hbm4b:s4+s12], $0x80, s22, s12, $0xb8;
	[tilespmem:$0x1F080] =	vst v63  }
0x10a: {  	_ =	swait.ge [sflag:s15], $0x3E80  }
0x10b: {  	[sflag:s15] =	ssyncset.done $0x0  }
0x10c: {  	s25 =	sadd.s32 $0x1400, s21;
	[sflag:s15] =	ssyncadd.s32 $0xFFFFC180  }
0x10d: {  	[spmem:s2] =	stream.indirect.scatter.add.f32 [tilespmem:s13], [sflag:$0x3], $0x80, s25, s12, $0xb8;
	[tilespmem:$0x1F080] =	vst v63  }
0x10e: {  	_ =	swait.ge [sflag:s10], $0x3E80  }
0x10f: {  	[sflag:s10] =	ssyncset.done $0x0  }
0x110: {  	s23 =	sadd.s32 $0x100, s21;
	[sflag:s10] =	ssyncadd.s32 $0xFFFFC180  }
0x111: {  	[tilespmem:s13], [sflag:$0x1] =	stream.indirect.gather [hbm4b:s4+s12], $0x80, s23, s12, $0xb8;
	[tilespmem:$0x1F080] =	vst v63  }
0x112: {  	_ =	swait.ge [sflag:s16], $0x3E80  }
0x113: {  	[sflag:s16] =	ssyncset.done $0x0  }
0x114: {  	s24 =	sadd.s32 $0x1480, s21;
	[sflag:s16] =	ssyncadd.s32 $0xFFFFC180  }
0x115: {  	[spmem:s2] =	stream.indirect.scatter.add.f32 [tilespmem:s14], [sflag:$0x3], $0x80, s24, s12, $0xb8;
	[tilespmem:$0x1F080] =	vst v63  }
0x116: {  	_ =	swait.ge [sflag:s10], $0x3E80  }
0x117: {  	[sflag:s10] =	ssyncset.done $0x0  }
0x118: {  	[sflag:s10] =	ssyncadd.s32 $0xFFFFC180  }
0x119: {  	[tilespmem:s14], [sflag:$0x2] =	stream.indirect.gather [hbm4b:s4+s12], $0x80, s17, s12, $0xb8;
	[tilespmem:$0x1F080] =	vst v63  }
0x11a: {  	_ =	swait.ge [sflag:s15], $0x3E80  }
0x11b: {  	[sflag:s15] =	ssyncset.done $0x0  }
0x11c: {  	[sflag:s15] =	ssyncadd.s32 $0xFFFFC180  }
0x11d: {  	[spmem:s2] =	stream.indirect.scatter.add.f32 [tilespmem:s13], [sflag:$0x3], $0x80, s18, s12, $0xb8;
	[tilespmem:$0x1F080] =	vst v63  }
0x11e: {  	_ =	swait.ge [sflag:s10], $0x3E80  }
0x11f: {  	[sflag:s10] =	ssyncset.done $0x0  }
0x120: {  	[sflag:s10] =	ssyncadd.s32 $0xFFFFC180  }
0x121: {  	_ =	swait.ge [sflag:s16], $0x3E80  }
0x122: {  	[sflag:s16] =	ssyncset.done $0x0  }
0x123: {  	[sflag:s16] =	ssyncadd.s32 $0xFFFFC180  }
0x124: {  	[spmem:s2] =	stream.indirect.scatter.add.f32 [tilespmem:s14], [sflag:$0x3], $0x80, s19, s12, $0xb8;
	[tilespmem:$0x1F080] =	vst v63  }
0x125: {  	_ =	swait.ge [sflag:s10], $0x3E80  }
0x126: {  	[sflag:s10] =	ssyncset.done $0x0  }
0x127: {  	[sflag:s10] =	ssyncadd.s32 $0xFFFFC180  }
0x128: {  	s21 =	stileid.u32;
	[bflag:$0x0] =	sbarrier.arrive $0xFFFF  }
0x129: {  	s21 =	sshll.u32 @!p0 s21, $0x6;
	s22 =	rddreg [dreg:$0x14]  }
0x12a: {  	s21 =	sor.u32 @!p0 $0x1C03, s21;
	s23 =	rddreg [dreg:$0x16]  }
0x12b: {  	[hbm:s22], [sflag:s21] =	dma.local @!p0 [spmem:s23], $0x3E80  }
0x12c: {  	s21 =	simm.s32 @!p0 $0x3  }
0x12d: {  	_ =	swait.ge @!p0 [sflag:s21], $0x3E80  }
0x12e: {  	s20 =	sadd.s32 $0x1, s20;
	s25 =	rddreg [dreg:$0x15]  }
0x12f: {  	p1 =	sne.s32 s20, s25  }
.Ltmp3:
0x130: {  	_ = 	snop;
	(pc) =	sbr.rel @p1 .LBB2_1-.Ltmp3, $3  }
0x131: {  	_ =	sdelay $0x1  }
0x132: {  	[sflag:s21] =	ssyncset.done @!p0 $0x0  }
0x133: {  	[sflag:s21] =	ssyncadd.s32 @!p0 $0xFFFFC180  }
0x134: {  	_ =	sfence.sel $0x180000  }
0x135: {  	[bflag:$0x0] =	sbarrier.arrive $0xFFFF  }
0x136: {  	_ =	strace $0x9000004A  }
0x137: {  	s0 =	stileid.u32;
	[bflag:$0x2] =	sbarrier.arrive $0xFFFF  }
0x138: {  	p0 =	sne.s32 s0, $0x0;
	s0 =	rddreg [dreg:$0x2]  }
0x139: {  	s0 =	sadd.s32 @!p0 $0x100000, s0  }
0x13a: {  	[sflag:s0] =	ssyncadd.tile.s32 @!p0 $0x1;
	_ =	shalt  }
.Lfunc_end2:
_tile_overlayer_lowered:
.L_overlay_start_2:
0x13b: {  	(tag) =	ssettag $0x2  }
0x13c: {  	s0 =	rddreg [dreg:$0x0];
	s2 =	stileid.u32  }
0x13d: {  	s1 =	rddreg [dreg:$0x1];
	p0 =	sne.s32 s2, $0x0  }
0x13e: {  	s3 =	rddreg [dreg:$0x2];
	[bflag:$0x3] =	sbarrier.arrive $0xFFFF;
	s2 =	simm.s32 @!p0 $0x1C03  }
0x13f: {  	[timem:s3], [sflag:s2] =	dma.local @!p0 [hbm:s0], s1  }
0x140: {  	s0 =	simm.s32 @!p0 $0x3  }
0x141: {  	_ =	swait.ge @!p0 [sflag:s0], s1  }
0x142: {  	s1 =	ssub.s32 @!p0 $0x0, s1;
	[sflag:s0] =	ssyncset.done @!p0 $0x0  }
0x143: {  	[sflag:s0] =	ssyncadd.s32 @!p0 s1  }
0x144: {  	[bflag:$0x3] =	sbarrier.arrive $0xFFFF  }
0x145: {  	_ =	shalt  }

// kernel: kernel.15.cloned.1.call-start
scs
__scs_entry_jumppad:
0x0: {  	(pc) =	sbr.rel $0x88, $3  }
0x1: {  	(tag) =	ssettag $0x0;
	lr =	simm.s32 $0x1  }
0x2: {  	[smem:$0x3F93] =	sst lr;
	_ =	strace $0xD0000000  }
0x3: {  	_ = 	snop  }
0x4: {  	_ = 	snop  }
0x5: {  	_ = 	snop  }
0x6: {  	_ = 	snop  }
0x7: {  	_ = 	snop  }
__scs_overlays_trampoline_lowered:
0x8: {  	[smem:$0x3FA2] =	sst s0  }
0x9: {  	[smem:$0x3FA3] =	sst s1  }
0xa: {  	[smem:$0x3FA4] =	sst s2  }
0xb: {  	[smem:$0x3FA5] =	sst s3  }
0xc: {  	[smem:$0x3FA6] =	sst s4  }
0xd: {  	[smem:$0x3FA7] =	sst s5  }
0xe: {  	[smem:$0x3FA8] =	sst s6  }
0xf: {  	[smem:$0x3FA9] =	sst s7  }
0x10: {  	[smem:$0x3FAA] =	sst s8  }
0x11: {  	[smem:$0x3FAB] =	sst s9;
	s0 =	simm.s32 @!p0 $0x0  }
0x12: {  	s1 =	sld [smem:$0x3F91];
	s0 =	simm.s32 @p0 $0x1  }
0x13: {  	[smem:$0x3FAC] =	sst s0;
	s0 =	simm.s32 @!p1 $0x0  }
0x14: {  	s2 =	sld [smem:$0x3F90];
	s0 =	simm.s32 @p1 $0x1  }
0x15: {  	[smem:$0x3FAD] =	sst s0;
	s0 =	simm.s32 @!p2 $0x0  }
0x16: {  	s3 =	sld [smem:$0x3FDB];
	s0 =	simm.s32 @p2 $0x1  }
0x17: {  	s4 =	simm.s32 $0x1BF5;
	[smem:$0x3FAF] =	sst s0  }
0x18: {  	s0 =	sld [smem:$0x3F92];
	_ =	swait.ge [sflag:s4], $0x0  }
0x19: {  	s7 =	sld [smem:$0x3F93]  }
0x1a: {  	s8 =	sadd.s32 $0xFFFFE003, lr  }
0x1b: {  	s9 =	sadd.s32 $0xFFFFFEF7, lr;
	s5 =	simm.s32 $0xFFFFFFFF;
	p2 =	slt.u32 s8, $0xFFFFF086  }
0x1c: {  	p1 =	slt.u32 s9, $0xF7A;
	s5 =	simm.s32 @!p2 $0x0  }
0x1d: {  	s5 =	simm.s32 @p1 $0x1;
	p0 =	seq.s32 s7, s2  }
0x1e: {  	s7 =	smul.u32 @!p0 $0xF7A, s2;
	p2 =	seq.s32 @!p0 s5, $0x0  }
0x1f: {  	s9 =	smul.u32 $0xF7A, s1;
	s8 =	simm.s32 @!p0 $0x1BF5;
	p2 =	por !p2, p0  }
0x20: {  	[sflag:s8] =	ssyncset.s32 @!p0 $0xFFFFF086;
	s6 =	sadd.s32 @!p0 s3, s7;
	s7 =	simm.s32 @!p0 $0x108  }
0x21: {  	s3 =	sadd.s32 s3, s9;
	s6 =	sadd.s32 @!p0 $0x88, s6;
	s7 =	simm.s32 @p2 $0x1082  }
0x22: {  	[simem:s7], [sflag:s8] =	dma.local @!p0 [hbm:s6], $0xF7A  }
0x23: {  	s9 =	sor.u32 $0xD0000000, s2;
	s6 =	simm.s32 $0x108;
	_ =	swait.ge @!p0 [sflag:s8], $0x0  }
0x24: {  	s3 =	sadd.s32 $0x88, s3;
	s6 =	simm.s32 @!p1 $0x1082;
	[sflag:s4] =	ssyncset.s32 $0xFFFFF086  }
0x25: {  	[simem:s6], [sflag:s4] =	dma.local [hbm:s3], $0xF7A  }
0x26: {  	[smem:$0x3F93] =	sst s1;
	(tag) =	ssettag s2;
	_ =	strace s9  }
0x27: {  	s1 =	sld [smem:$0x3FA3]  }
0x28: {  	s2 =	sld [smem:$0x3FA4]  }
0x29: {  	s4 =	sld [smem:$0x3FA6]  }
0x2a: {  	p0 =	seq.s32 s5, $0x0;
	s5 =	sld [smem:$0x3FA7]  }
0x2b: {  	s6 =	sld [smem:$0x3FA8]  }
0x2c: {  	s7 =	sld [smem:$0x3FA9]  }
0x2d: {  	s3 =	simm.s32 $0x108;
	s8 =	sld [smem:$0x3FAA]  }
0x2e: {  	s3 =	simm.s32 @!p0 $0x1082;
	s9 =	sld [smem:$0x3FAB]  }
0x2f: {  	lr =	sadd.s32 s0, s3;
	s0 =	sld [smem:$0x3FA2]  }
0x30: {  	s3 =	sld [smem:$0x3FA5]  }
0x31: {  	[smem:$0x3FAE] =	sst s10  }
0x32: {  	s10 =	sld [smem:$0x3FAC];
	_ =	sdelay $0x3  }
0x33: {  	p0 =	seq.s32 s10, $0x1;
	s10 =	sld [smem:$0x3FAE];
	_ =	sdelay $0x3  }
0x34: {  	[smem:$0x3FAE] =	sst s10  }
0x35: {  	s10 =	sld [smem:$0x3FAD];
	_ =	sdelay $0x3  }
0x36: {  	p1 =	seq.s32 s10, $0x1;
	s10 =	sld [smem:$0x3FAE];
	_ =	sdelay $0x3  }
0x37: {  	[smem:$0x3FAE] =	sst s10  }
0x38: {  	s10 =	sld [smem:$0x3FAF]  }
0x39: {  	_ = 	snop;
	(pc) =	sbr.ind lr, $3  }
0x3a: {  	_ = 	snop  }
0x3b: {  	_ = 	snop  }
0x3c: {  	p2 =	seq.s32 s10, $0x1;
	s10 =	sld [smem:$0x3FAE]  }
0x3d: {  	_ =	shalt  }
0x3e: {  	_ =	shalt  }
0x3f: {  	_ =	shalt  }
0x40: {  	_ =	shalt  }
0x41: {  	_ =	shalt  }
0x42: {  	_ =	shalt  }
0x43: {  	_ =	shalt  }
0x44: {  	_ =	shalt  }
0x45: {  	_ =	shalt  }
0x46: {  	_ =	shalt  }
0x47: {  	_ =	shalt  }
0x48: {  	_ =	shalt  }
0x49: {  	_ =	shalt  }
0x4a: {  	_ =	shalt  }
0x4b: {  	_ =	shalt  }
0x4c: {  	_ =	shalt  }
0x4d: {  	_ =	shalt  }
0x4e: {  	_ =	shalt  }
0x4f: {  	_ =	shalt  }
0x50: {  	_ =	shalt  }
0x51: {  	_ =	shalt  }
0x52: {  	_ =	shalt  }
0x53: {  	_ =	shalt  }
0x54: {  	_ =	shalt  }
0x55: {  	_ =	shalt  }
0x56: {  	_ =	shalt  }
0x57: {  	_ =	shalt  }
0x58: {  	_ =	shalt  }
0x59: {  	_ =	shalt  }
0x5a: {  	_ =	shalt  }
0x5b: {  	_ =	shalt  }
0x5c: {  	_ =	shalt  }
0x5d: {  	_ =	shalt  }
0x5e: {  	_ =	shalt  }
0x5f: {  	_ =	shalt  }
0x60: {  	_ =	shalt  }
0x61: {  	_ =	shalt  }
0x62: {  	_ =	shalt  }
0x63: {  	_ =	shalt  }
0x64: {  	_ =	shalt  }
0x65: {  	_ =	shalt  }
0x66: {  	_ =	shalt  }
0x67: {  	_ =	shalt  }
0x68: {  	_ =	shalt  }
0x69: {  	_ =	shalt  }
0x6a: {  	_ =	shalt  }
0x6b: {  	_ =	shalt  }
0x6c: {  	_ =	shalt  }
0x6d: {  	_ =	shalt  }
0x6e: {  	_ =	shalt  }
0x6f: {  	_ =	shalt  }
0x70: {  	_ =	shalt  }
0x71: {  	_ =	shalt  }
0x72: {  	_ =	shalt  }
0x73: {  	_ =	shalt  }
0x74: {  	_ =	shalt  }
0x75: {  	_ =	shalt  }
0x76: {  	_ =	shalt  }
0x77: {  	_ =	shalt  }
0x78: {  	_ =	shalt  }
0x79: {  	_ =	shalt  }
0x7a: {  	_ =	shalt  }
0x7b: {  	_ =	shalt  }
0x7c: {  	_ =	shalt  }
0x7d: {  	_ =	shalt  }
0x7e: {  	_ =	shalt  }
0x7f: {  	_ =	shalt  }
0x80: {  	_ =	shalt  }
0x81: {  	_ =	shalt  }
0x82: {  	_ =	shalt  }
0x83: {  	_ =	shalt  }
0x84: {  	_ =	shalt  }
0x85: {  	_ =	shalt  }
0x86: {  	_ =	shalt  }
0x87: {  	_ =	shalt  }
.Lfunc_end0:
.L_simem_size_0:
called_computation.2_lowered:
.L_overlay_start_0:
0x88: {  	s2 =	sld [smem:$0x3FD9]  }
0x89: {  	s3 =	sld [smem:$0x3FFE];
	_ =	sdelay $0x1  }
0x8a: {  	s1 =	srdreg.scid  }
0x8b: {  	s0 =	sand.u32 $0x1, s1  }
0x8c: {  	s16 =	sshll.u32 s0, $0xA;
	s2 =	sadd.s32 s3, s2  }
0x8d: {  	s2 =	sadd.s32 s2, s16  }
0x8e: {  	[smem:$0x3FBA] =	sst s2  }
0x8f: {  	_ = 	snop  }
0x90: {  	(tm) =	ssettm $0x1  }
0x91: {  	s17 =	sld [smem:$0x3FFB];
	_ =	sdelay $0x3  }
0x92: {  	_ =	strace s17  }
0x93: {  	s2 =	sld [smem:$0x3FFC];
	_ =	sdelay $0x3  }
0x94: {  	_ =	strace s2  }
0x95: {  	s2 =	sld [smem:$0x3FFD];
	_ =	sdelay $0x3  }
0x96: {  	_ =	strace s2  }
0x97: {  	_ =	strace $0x8FFFFFFF  }
0x98: {  	s18 =	sld [smem:$0x3FDB];
	_ =	sdelay $0x1  }
0x99: {  	s19 =	simm.s32 $_scs_section_size  }
0x9a: {  	s4 =	simm.s32 $_size__tile_overlayer_lowered;
	s5 =	simm.s32 $_tile_overlayer_lowered  }
0x9b: {  	s22 =	simm.s32 $0x1BFF;
	s21 =	sshll.u32 s5, $0x1;
	s2 =	sadd.s32 s19, s18  }
0x9c: {  	s6 =	simm.s32 $0x0;
	s20 =	sshll.u32 s4, $0x1;
	s4 =	sadd.s32 s21, s2  }
0x9d: {  	[timem:s6], [sflag:s22] =	dma.local [hbm:s4], s20  }
0x9e: {  	_ =	swait.ge [sflag:s22], s20  }
0x9f: {  	s3 =	ssub.s32 $0x0, s20;
	[sflag:s22] =	ssyncset.done $0x0  }
0xa0: {  	[sflag:s22] =	ssyncadd.s32 s3;
	_ =	sdelay $0x1  }
0xa1: {  	s23 =	simm.s32 $0x1B8B  }
0xa2: {  	_ =	swait.ge [sflag:s23], $0x1  }
0xa3: {  	[sflag:s23] =	ssyncset.done $0x0  }
0xa4: {  	s25 =	simm.s32 $0x1B8E;
	s24 =	sld [smem:$0x3FFE];
	[sflag:s23] =	ssyncadd.s32 $0xFFFFFFFF  }
0xa5: {  	s26 =	simm.s32 $execute0_lowered;
	[smem:$0x3FD2] =	sst s25  }
0xa6: {  	s4 =	sshll.u32 s26, $0x1;
	_ =	strace $0x8000004C;
	[dreg:$0x1] =	wrdreg $0xFFFFFFFF  }
0xa7: {  	s28 =	simm.s32 $_size_execute0_lowered;
	s2 =	sadd.s32 s2, s4;
	[dreg:$0x0] =	wrdreg $0x0  }
0xa8: {  	s4 =	sshll.u32 s28, $0x1;
	[dreg:$0x2] =	wrdreg s2  }
0xa9: {  	[dreg:$0x3] =	wrdreg s4  }
0xaa: {  	[dreg:$0x4] =	wrdreg $0xC0  }
0xab: {  	_ =	task [dreg:s6], $0x5FFFF  }
0xac: {  	[dreg:$0x1] =	wrdreg $0xFFFFFFFF  }
0xad: {  	[dreg:$0x0] =	wrdreg $0x60  }
0xae: {  	[dreg:$0x2] =	wrdreg s24  }
0xaf: {  	[dreg:$0x3] =	wrdreg $0xB8000  }
0xb0: {  	[dreg:$0x4] =	wrdreg $0x9  }
0xb1: {  	_ =	task.clear_ibuf [dreg:s6], $0x5FFFF;
	_ =	strace $0x9000004C  }
0xb2: {  	s29 =	simm.s32 $0x9;
	_ =	strace $0x8000004E  }
0xb3: {  	_ =	swait.ge [sflag:s29], $0x1  }
0xb4: {  	[sflag:s29] =	ssyncadd.s32 $0xFFFFFFFF  }
0xb5: {  	_ =	strace $0x9000004E  }
0xb6: {  	_ =	sfence  }
0xb7: {  	s30 =	sld [smem:$0x0];
	_ =	sdelay $0x2  }
0xb8: {  	s31 =	sshll.u32 s1, $0xD;
	s1 =	sshrl.u32 s1, $0x2  }
0xb9: {  	s3 =	sand.u32 $0x4000, s31;
	s1 =	sadd.s32 s1, s30  }
0xba: {  	s0 =	sor.u32 s3, s0;
	s1 =	sshll.u32 s1, $0x11  }
0xbb: {  	s0 =	sor.u32 s1, s0  }
0xbc: {  	s0 =	sadd.s32 $0x8F2B, s0  }
0xbd: {  	[sflag:s0] =	ssyncadd.remote.s32 $0x1  }
0xbe: {  	_ =	sfence.sel $0xFFFF  }
0xbf: {  	[dreg:$0x0] =	wrdreg $0xFFFFFFFF;
	(pc) =	sbr.abs _section_cstart, $3  }
0xc0: {  	[dreg:$0x1] =	wrdreg $0xFFFFFFFF  }
0xc1: {  	_ =	task.clear_ibuf [dreg:s6], $0x2FFFF;
	_ =	strace $0x9FFFFFFF  }
0xc2: {  	(tm) =	ssettm $0x7FFFFFFF  }
0xc3: {  	_ =	shalt  }
tec
execute0_lowered:
.L_overlay_start_1:
0x0: {  	(tag) =	ssettag $0x1  }
0x1: {  	s0 =	rddreg [dreg:$0x0]  }
0x2: {  	s1 =	srdreg.scid;
	s10 =	stileid.u32  }
0x3: {  	s2 =	rddreg [dreg:$0x1];
	s4 =	smul.u32 $0x1F400, s10  }
0x4: {  	s5 =	simm.s32 $0x0;
	s1 =	sand.u32 $0x1, s1;
	s22 =	smul.u32 $0x4E200, s10  }
0x5: {  	[smem:$0x7FF] =	sst s5;
	s6 =	sadd.s32 $0x2A00, s0;
	s7 =	sadd.s32 $0xCA00, s0  }
0x6: {  	s9 =	sshll.u32 s10, $0x1;
	s21 =	smul.u32 $0x7D000, s10;
	s5 =	sshrl.u32 s22, $0x2  }
0x7: {  	p0 =	sgt.u32 s10, $0x9;
	s3 =	smul.u32 $0x138800, s1;
	s5 =	sadd.s32 s5, s2  }
0x8: {  	s10 =	simm.s32 $0x3;
	_ =	strace $0x8000004D;
	s24 =	sadd.s32 $0xC80, s5  }
0x9: {  	s23 =	ssub.s32 $0x2, s1;
	s25 =	sadd.s32 $0x1900, s5;
	[dreg:$0x3] =	wrdreg s24  }
0xa: {  	s1 =	sor.u32 s1, s9;
	s26 =	sadd.s32 $0x2580, s5;
	[dreg:$0x4] =	wrdreg s25  }
0xb: {  	s8 =	sshrl.u32 s23, $0x1;
	s9 =	sadd.s32 $0x3200, s5;
	[dreg:$0x5] =	wrdreg s26  }
0xc: {  	s15 =	smul.u32 $0x2800, s1;
	s11 =	sadd.s32 $0x3E80, s5;
	[dreg:$0x6] =	wrdreg s9  }
0xd: {  	s1 =	smul.u32 $0x500, s1;
	s12 =	sadd.s32 $0x4B00, s5;
	[dreg:$0x7] =	wrdreg s11  }
0xe: {  	s3 =	sadd.s32 s4, s3;
	s13 =	sadd.s32 $0x5780, s5;
	[dreg:$0x8] =	wrdreg s12  }
0xf: {  	s4 =	sadd.s32 $0x16A00, s0;
	s14 =	sadd.s32 $0x6400, s5;
	[dreg:$0x9] =	wrdreg s13  }
0x10: {  	s3 =	sshrl.u32 s3, $0x3;
	s16 =	sadd.s32 $0x7080, s5;
	[dreg:$0xa] =	wrdreg s14  }
0x11: {  	s17 =	sadd.s32 $0x7D00, s5;
	s18 =	sadd.s32 $0x8980, s5;
	[dreg:$0xb] =	wrdreg s16  }
0x12: {  	s19 =	sadd.s32 $0x9600, s5;
	s20 =	sadd.s32 s6, s1;
	[dreg:$0xc] =	wrdreg s17  }
0x13: {  	s1 =	sadd.s32 s7, s1;
	s28 =	sadd.s32 $0xBB80, s5;
	[dreg:$0xd] =	wrdreg s18  }
0x14: {  	s29 =	sadd.s32 $0xC800, s5;
	s30 =	sadd.s32 $0xD480, s5;
	[dreg:$0xe] =	wrdreg s19  }
0x15: {  	s31 =	sadd.s32 $0xE100, s5;
	s0 =	sadd.s32 s3, s0;
	[dreg:$0xf] =	wrdreg s20  }
0x16: {  	s3 =	ssub.s32 s23, s8;
	s8 =	sshrl.u32 s15, $0x3;
	[dreg:$0x10] =	wrdreg s1  }
0x17: {  	s24 =	sadd.s32 $0xA280, s5;
	s25 =	sshrl.u32 s21, $0x2;
	s1 =	sadd.s32 $0xFA00, s5  }
0x18: {  	s9 =	simm.s32 $0xA800;
	s11 =	simm.s32 $0x1400;
	s12 =	simm.s32 $0x7D  }
0x19: {  	s13 =	simm.s32 $0x2800;
	s14 =	simm.s32 $0x6800;
	s15 =	simm.s32 $0x1  }
0x1a: {  	s16 =	simm.s32 $0x2;
	s17 =	simm.s32 $0x1380;
	s18 =	simm.s32 $0x2700  }
0x1b: {  	s19 =	simm.s32 $0x2780;
	s20 =	simm.s32 $0x0;
	s8 =	sadd.s32 $0x280, s8  }
0x1c: {  	[dreg:$0x13] =	wrdreg s24;
	s0 =	sadd.s32 $0x3DC00, s0;
	s26 =	smax.u32 s3, $0x1  }
0x1d: {  	s3 =	sadd.s32 $0x10680, s5;
	s22 =	sadd.s32 s6, s8;
	[dreg:$0x14] =	wrdreg s0  }
0x1e: {  	s23 =	sadd.s32 s7, s8;
	s0 =	sadd.s32 s25, s2;
	[dreg:$0x15] =	wrdreg s26  }
0x1f: {  	s26 =	sadd.s32 $0xAF00, s5;
	s6 =	sadd.s32 $0x11300, s5;
	[dreg:$0x11] =	wrdreg s22  }
0x20: {  	s7 =	sadd.s32 $0x11F80, s5;
	[dreg:$0x12] =	wrdreg s23;
	s0 =	sshrl.u32 @!p0 s0, $0x3  }
0x21: {  	v0 =	vimm.f32 $0.0e+00;
	s8 =	sadd.s32 $0x12C00, s5;
	[dreg:$0x16] =	wrdreg s0;
	s0 =	sadd.s32 $0xED80, s5  }
.LBB2_1:
0x22: {  	s22 =	simm.s32 $0x0  }
0x23: {  	s21 =	sand.u32 $0x3E00, s22  }
0x24: {  	s22 =	sand.u32 $0x70, s22;
	s23 =	sshrl.u32 s21, $0x2  }
0x25: {  	s21 =	simm.s32 $0x40;
	s23 =	sor.u32 s22, s23;
	s22 =	simm.s32 $0x0  }
.LBB2_2:
0x26: {  	p1 =	sne.s32 s21, $0x31C0  }
0x27: {  	[tilespmem:s23+$0xA800] =	vst v0;
	s22 =	sadd.s32 $0x10, s22;
	s23 =	smov.u32 s21;
	s21 =	sadd.s32 $0x40, s21  }
.Ltmp0:
0x28: {  	(pc) =	sbr.rel @p1 .LBB2_2-.Ltmp0, $4  }
0x29: {  	_ = 	snop  }
0x2a: {  	s23 =	sand.u32 $0x3E00, s23  }
0x2b: {  	s24 =	sand.u32 $0x70, s22;
	s23 =	sshrl.u32 s23, $0x2  }
0x2c: {  	s23 =	sor.u32 s24, s23  }
0x2d: {  	[tilespmem:s23+$0xA800] =	vst v0  }
0x2e: {  	[spmem:s5] =	stream.linear.scatter [tilespmem:s9], [sflag:$0x3], $0xC80, $0x38;
	[tilespmem:$0x1F080] =	vst v63  }
0x2f: {  	_ =	swait.ge [sflag:s10], $0xC80  }
0x30: {  	[sflag:s10] =	ssyncset.done $0x0  }
0x31: {  	s21 =	rddreg [dreg:$0x3];
	[sflag:s10] =	ssyncadd.s32 $0xFFFFF380  }
0x32: {  	[spmem:s21] =	stream.linear.scatter [tilespmem:s9], [sflag:$0x3], $0xC80, $0x38;
	[tilespmem:$0x1F080] =	vst v63  }
0x33: {  	_ =	swait.ge [sflag:s10], $0xC80  }
0x34: {  	[sflag:s10] =	ssyncset.done $0x0  }
0x35: {  	s24 =	rddreg [dreg:$0x4];
	[sflag:s10] =	ssyncadd.s32 $0xFFFFF380  }
0x36: {  	[spmem:s24] =	stream.linear.scatter [tilespmem:s9], [sflag:$0x3], $0xC80, $0x38;
	[tilespmem:$0x1F080] =	vst v63  }
0x37: {  	_ =	swait.ge [sflag:s10], $0xC80  }
0x38: {  	[sflag:s10] =	ssyncset.done $0x0  }
0x39: {  	s25 =	rddreg [dreg:$0x5];
	[sflag:s10] =	ssyncadd.s32 $0xFFFFF380  }
0x3a: {  	[spmem:s25] =	stream.linear.scatter [tilespmem:s9], [sflag:$0x3], $0xC80, $0x38;
	[tilespmem:$0x1F080] =	vst v63  }
0x3b: {  	_ =	swait.ge [sflag:s10], $0xC80  }
0x3c: {  	[sflag:s10] =	ssyncset.done $0x0  }
0x3d: {  	s22 =	rddreg [dreg:$0x6];
	[sflag:s10] =	ssyncadd.s32 $0xFFFFF380  }
0x3e: {  	[spmem:s22] =	stream.linear.scatter [tilespmem:s9], [sflag:$0x3], $0xC80, $0x38;
	[tilespmem:$0x1F080] =	vst v63  }
0x3f: {  	_ =	swait.ge [sflag:s10], $0xC80  }
0x40: {  	[sflag:s10] =	ssyncset.done $0x0  }
0x41: {  	s23 =	rddreg [dreg:$0x7];
	[sflag:s10] =	ssyncadd.s32 $0xFFFFF380  }
0x42: {  	[spmem:s23] =	stream.linear.scatter [tilespmem:s9], [sflag:$0x3], $0xC80, $0x38;
	[tilespmem:$0x1F080] =	vst v63  }
0x43: {  	_ =	swait.ge [sflag:s10], $0xC80  }
0x44: {  	[sflag:s10] =	ssyncset.done $0x0  }
0x45: {  	s24 =	rddreg [dreg:$0x8];
	[sflag:s10] =	ssyncadd.s32 $0xFFFFF380  }
0x46: {  	[spmem:s24] =	stream.linear.scatter [tilespmem:s9], [sflag:$0x3], $0xC80, $0x38;
	[tilespmem:$0x1F080] =	vst v63  }
0x47: {  	_ =	swait.ge [sflag:s10], $0xC80  }
0x48: {  	[sflag:s10] =	ssyncset.done $0x0  }
0x49: {  	s25 =	rddreg [dreg:$0x9];
	[sflag:s10] =	ssyncadd.s32 $0xFFFFF380  }
0x4a: {  	[spmem:s25] =	stream.linear.scatter [tilespmem:s9], [sflag:$0x3], $0xC80, $0x38;
	[tilespmem:$0x1F080] =	vst v63  }
0x4b: {  	_ =	swait.ge [sflag:s10], $0xC80  }
0x4c: {  	[sflag:s10] =	ssyncset.done $0x0  }
0x4d: {  	s22 =	rddreg [dreg:$0xa];
	[sflag:s10] =	ssyncadd.s32 $0xFFFFF380  }
0x4e: {  	[spmem:s22] =	stream.linear.scatter [tilespmem:s9], [sflag:$0x3], $0xC80, $0x38;
	[tilespmem:$0x1F080] =	vst v63  }
0x4f: {  	_ =	swait.ge [sflag:s10], $0xC80  }
0x50: {  	[sflag:s10] =	ssyncset.done $0x0  }
0x51: {  	s23 =	rddreg [dreg:$0xb];
	[sflag:s10] =	ssyncadd.s32 $0xFFFFF380  }
0x52: {  	[spmem:s23] =	stream.linear.scatter [tilespmem:s9], [sflag:$0x3], $0xC80, $0x38;
	[tilespmem:$0x1F080] =	vst v63  }
0x53: {  	_ =	swait.ge [sflag:s10], $0xC80  }
0x54: {  	[sflag:s10] =	ssyncset.done $0x0  }
0x55: {  	s24 =	rddreg [dreg:$0xc];
	[sflag:s10] =	ssyncadd.s32 $0xFFFFF380  }
0x56: {  	[spmem:s24] =	stream.linear.scatter [tilespmem:s9], [sflag:$0x3], $0xC80, $0x38;
	[tilespmem:$0x1F080] =	vst v63  }
0x57: {  	_ =	swait.ge [sflag:s10], $0xC80  }
0x58: {  	[sflag:s10] =	ssyncset.done $0x0  }
0x59: {  	s25 =	rddreg [dreg:$0xd];
	[sflag:s10] =	ssyncadd.s32 $0xFFFFF380  }
0x5a: {  	[spmem:s25] =	stream.linear.scatter [tilespmem:s9], [sflag:$0x3], $0xC80, $0x38;
	[tilespmem:$0x1F080] =	vst v63  }
0x5b: {  	_ =	swait.ge [sflag:s10], $0xC80  }
0x5c: {  	[sflag:s10] =	ssyncset.done $0x0  }
0x5d: {  	s22 =	rddreg [dreg:$0xe];
	[sflag:s10] =	ssyncadd.s32 $0xFFFFF380  }
0x5e: {  	[spmem:s22] =	stream.linear.scatter [tilespmem:s9], [sflag:$0x3], $0xC80, $0x38;
	[tilespmem:$0x1F080] =	vst v63  }
0x5f: {  	_ =	swait.ge [sflag:s10], $0xC80  }
0x60: {  	[sflag:s10] =	ssyncset.done $0x0  }
0x61: {  	s23 =	rddreg [dreg:$0x13];
	[sflag:s10] =	ssyncadd.s32 $0xFFFFF380  }
0x62: {  	[spmem:s23] =	stream.linear.scatter [tilespmem:s9], [sflag:$0x3], $0xC80, $0x38;
	[tilespmem:$0x1F080] =	vst v63  }
0x63: {  	_ =	swait.ge [sflag:s10], $0xC80  }
0x64: {  	[sflag:s10] =	ssyncset.done $0x0  }
0x65: {  	[sflag:s10] =	ssyncadd.s32 $0xFFFFF380  }
0x66: {  	[spmem:s26] =	stream.linear.scatter [tilespmem:s9], [sflag:$0x3], $0xC80, $0x38;
	[tilespmem:$0x1F080] =	vst v63  }
0x67: {  	_ =	swait.ge [sflag:s10], $0xC80  }
0x68: {  	[sflag:s10] =	ssyncset.done $0x0  }
0x69: {  	[sflag:s10] =	ssyncadd.s32 $0xFFFFF380  }
0x6a: {  	[spmem:s28] =	stream.linear.scatter [tilespmem:s9], [sflag:$0x3], $0xC80, $0x38;
	[tilespmem:$0x1F080] =	vst v63  }
0x6b: {  	_ =	swait.ge [sflag:s10], $0xC80  }
0x6c: {  	[sflag:s10] =	ssyncset.done $0x0  }
0x6d: {  	[sflag:s10] =	ssyncadd.s32 $0xFFFFF380  }
0x6e: {  	[spmem:s29] =	stream.linear.scatter [tilespmem:s9], [sflag:$0x3], $0xC80, $0x38;
	[tilespmem:$0x1F080] =	vst v63  }
0x6f: {  	_ =	swait.ge [sflag:s10], $0xC80  }
0x70: {  	[sflag:s10] =	ssyncset.done $0x0  }
0x71: {  	[sflag:s10] =	ssyncadd.s32 $0xFFFFF380  }
0x72: {  	[spmem:s30] =	stream.linear.scatter [tilespmem:s9], [sflag:$0x3], $0xC80, $0x38;
	[tilespmem:$0x1F080] =	vst v63  }
0x73: {  	_ =	swait.ge [sflag:s10], $0xC80  }
0x74: {  	[sflag:s10] =	ssyncset.done $0x0  }
0x75: {  	[sflag:s10] =	ssyncadd.s32 $0xFFFFF380  }
0x76: {  	[spmem:s31] =	stream.linear.scatter [tilespmem:s9], [sflag:$0x3], $0xC80, $0x38;
	[tilespmem:$0x1F080] =	vst v63  }
0x77: {  	_ =	swait.ge [sflag:s10], $0xC80  }
0x78: {  	[sflag:s10] =	ssyncset.done $0x0  }
0x79: {  	[sflag:s10] =	ssyncadd.s32 $0xFFFFF380  }
0x7a: {  	[spmem:s0] =	stream.linear.scatter [tilespmem:s9], [sflag:$0x3], $0xC80, $0x38;
	[tilespmem:$0x1F080] =	vst v63  }
0x7b: {  	_ =	swait.ge [sflag:s10], $0xC80  }
0x7c: {  	[sflag:s10] =	ssyncset.done $0x0  }
0x7d: {  	[sflag:s10] =	ssyncadd.s32 $0xFFFFF380  }
0x7e: {  	[spmem:s1] =	stream.linear.scatter [tilespmem:s9], [sflag:$0x3], $0xC80, $0x38;
	[tilespmem:$0x1F080] =	vst v63  }
0x7f: {  	_ =	swait.ge [sflag:s10], $0xC80  }
0x80: {  	[sflag:s10] =	ssyncset.done $0x0  }
0x81: {  	[sflag:s10] =	ssyncadd.s32 $0xFFFFF380  }
0x82: {  	[spmem:s3] =	stream.linear.scatter [tilespmem:s9], [sflag:$0x3], $0xC80, $0x38;
	[tilespmem:$0x1F080] =	vst v63  }
0x83: {  	_ =	swait.ge [sflag:s10], $0xC80  }
0x84: {  	[sflag:s10] =	ssyncset.done $0x0  }
0x85: {  	[sflag:s10] =	ssyncadd.s32 $0xFFFFF380  }
0x86: {  	[spmem:s6] =	stream.linear.scatter [tilespmem:s9], [sflag:$0x3], $0xC80, $0x38;
	[tilespmem:$0x1F080] =	vst v63  }
0x87: {  	_ =	swait.ge [sflag:s10], $0xC80  }
0x88: {  	[sflag:s10] =	ssyncset.done $0x0  }
0x89: {  	[sflag:s10] =	ssyncadd.s32 $0xFFFFF380  }
0x8a: {  	[spmem:s7] =	stream.linear.scatter [tilespmem:s9], [sflag:$0x3], $0xC80, $0x38;
	[tilespmem:$0x1F080] =	vst v63  }
0x8b: {  	_ =	swait.ge [sflag:s10], $0xC80  }
0x8c: {  	[sflag:s10] =	ssyncset.done $0x0  }
0x8d: {  	[sflag:s10] =	ssyncadd.s32 $0xFFFFF380  }
0x8e: {  	[spmem:s8] =	stream.linear.scatter [tilespmem:s9], [sflag:$0x3], $0xC80, $0x38;
	[tilespmem:$0x1F080] =	vst v63  }
0x8f: {  	_ =	swait.ge [sflag:s10], $0xC80  }
0x90: {  	[sflag:s10] =	ssyncset.done $0x0  }
0x91: {  	[sflag:s10] =	ssyncadd.s32 $0xFFFFF380  }
0x92: {  	[bflag:$0x0] =	sbarrier.arrive $0xFFFF  }
0x93: {  	s24 =	simm.s32 $0x0;
	s22 =	rddreg [dreg:$0xf]  }
0x94: {  	[tilespmem:s24], [sflag:$0x3] =	stream.linear.gather [hbm4b:s22+s24], $0x1400, $0x38;
	[tilespmem:$0x1F080] =	vst v63  }
0x95: {  	_ =	swait.ge [sflag:s10], $0x1400  }
0x96: {  	[sflag:s10] =	ssyncset.done $0x0  }
0x97: {  	s25 =	rddreg [dreg:$0x10];
	[sflag:s10] =	ssyncadd.s32 $0xFFFFEC00  }
0x98: {  	[tilespmem:s11], [sflag:$0x3] =	stream.linear.gather [hbm4b:s25+s24], $0x1400, $0x38;
	[tilespmem:$0x1F080] =	vst v63  }
0x99: {  	_ =	swait.ge [sflag:s10], $0x1400  }
0x9a: {  	[sflag:s10] =	ssyncset.done $0x0  }
0x9b: {  	[sflag:s10] =	ssyncadd.s32 $0xFFFFEC00  }
0x9c: {  	[tilespmem:s13], [sflag:$0x1] =	stream.indirect.gather [hbm4b:s4+s12], $0x80, s24, s12, $0xb8;
	[tilespmem:$0x1F080] =	vst v63  }
0x9d: {  	s22 =	simm.s32 $0x80  }
0x9e: {  	[tilespmem:s14], [sflag:$0x2] =	stream.indirect.gather [hbm4b:s4+s12], $0x80, s22, s12, $0xb8;
	[tilespmem:$0x1F080] =	vst v63  }
0x9f: {  	_ =	swait.ge [sflag:s15], $0x3E80  }
0xa0: {  	[sflag:s15] =	ssyncset.done $0x0  }
0xa1: {  	s23 =	simm.s32 $0x1400;
	[sflag:s15] =	ssyncadd.s32 $0xFFFFC180  }
0xa2: {  	[spmem:s2] =	stream.indirect.scatter.add.f32 [tilespmem:s13], [sflag:$0x3], $0x80, s23, s12, $0xb8;
	[tilespmem:$0x1F080] =	vst v63  }
0xa3: {  	_ =	swait.ge [sflag:s10], $0x3E80  }
0xa4: {  	[sflag:s10] =	ssyncset.done $0x0  }
0xa5: {  	s24 =	simm.s32 $0x100;
	[sflag:s10] =	ssyncadd.s32 $0xFFFFC180  }
0xa6: {  	[tilespmem:s13], [sflag:$0x1] =	stream.indirect.gather [hbm4b:s4+s12], $0x80, s24, s12, $0xb8;
	[tilespmem:$0x1F080] =	vst v63  }
0xa7: {  	_ =	swait.ge [sflag:s16], $0x3E80  }
0xa8: {  	[sflag:s16] =	ssyncset.done $0x0  }
0xa9: {  	s25 =	simm.s32 $0x1480;
	[sflag:s16] =	ssyncadd.s32 $0xFFFFC180  }
0xaa: {  	[spmem:s2] =	stream.indirect.scatter.add.f32 [tilespmem:s14], [sflag:$0x3], $0x80, s25, s12, $0xb8;
	[tilespmem:$0x1F080] =	vst v63  }
0xab: {  	_ =	swait.ge [sflag:s10], $0x3E80  }
0xac: {  	s21 =	simm.s32 $0x100;
	s22 =	simm.s32 $0x800;
	[sflag:s10] =	ssyncset.done $0x0  }
.LBB2_4:
0xad: {  	s23 =	sadd.s32 $0x80, s21  }
0xae: {  	[sflag:s10] =	ssyncadd.s32 $0xFFFFC180;
	s24 =	smov.u32 s22;
	s25 =	sadd.s32 $0x400, s22  }
0xaf: {  	[tilespmem:s14], [sflag:$0x2] =	stream.indirect.gather [hbm4b:s4+s12], $0x80, s23, s12, $0xb8;
	[tilespmem:$0x1F080] =	vst v63  }
0xb0: {  	p1 =	sne.s32 s22, $0x4800;
	_ =	swait.ge [sflag:s15], $0x3E80  }
0xb1: {  	[sflag:s15] =	ssyncset.done $0x0  }
0xb2: {  	s22 =	sadd.s32 $0x1400, s21;
	[sflag:s15] =	ssyncadd.s32 $0xFFFFC180  }
0xb3: {  	[spmem:s2] =	stream.indirect.scatter.add.f32 [tilespmem:s13], [sflag:$0x3], $0x80, s22, s12, $0xb8;
	[tilespmem:$0x1F080] =	vst v63  }
0xb4: {  	_ =	swait.ge [sflag:s10], $0x3E80  }
0xb5: {  	[sflag:s10] =	ssyncset.done $0x0  }
0xb6: {  	s22 =	sadd.s32 $0x100, s21;
	[sflag:s10] =	ssyncadd.s32 $0xFFFFC180  }
0xb7: {  	[tilespmem:s13], [sflag:$0x1] =	stream.indirect.gather [hbm4b:s4+s12], $0x80, s22, s12, $0xb8;
	[tilespmem:$0x1F080] =	vst v63  }
0xb8: {  	_ =	swait.ge [sflag:s16], $0x3E80  }
.Ltmp1:
0xb9: {  	[sflag:s16] =	ssyncset.done $0x0;
	(pc) =	sbr.rel @p1 .LBB2_4-.Ltmp1, $4  }
0xba: {  	s21 =	sadd.s32 $0x1480, s21;
	[sflag:s16] =	ssyncadd.s32 $0xFFFFC180  }
0xbb: {  	[spmem:s2] =	stream.indirect.scatter.add.f32 [tilespmem:s14], [sflag:$0x3], $0x80, s21, s12, $0xb8;
	[tilespmem:$0x1F080] =	vst v63  }
0xbc: {  	_ =	swait.ge [sflag:s10], $0x3E80  }
0xbd: {  	s22 =	smov.u32 s25;
	s21 =	sshra.s32 s24, $0x2;
	[sflag:s10] =	ssyncset.done $0x0  }
0xbe: {  	s22 =	sadd.s32 $0x80, s21;
	[sflag:s10] =	ssyncadd.s32 $0xFFFFC180  }
0xbf: {  	[tilespmem:s14], [sflag:$0x2] =	stream.indirect.gather [hbm4b:s4+s12], $0x80, s22, s12, $0xb8;
	[tilespmem:$0x1F080] =	vst v63  }
0xc0: {  	_ =	swait.ge [sflag:s15], $0x3E80  }
0xc1: {  	[sflag:s15] =	ssyncset.done $0x0  }
0xc2: {  	s24 =	sadd.s32 $0x1400, s21;
	[sflag:s15] =	ssyncadd.s32 $0xFFFFC180  }
0xc3: {  	[spmem:s2] =	stream.indirect.scatter.add.f32 [tilespmem:s13], [sflag:$0x3], $0x80, s24, s12, $0xb8;
	[tilespmem:$0x1F080] =	vst v63  }
0xc4: {  	_ =	swait.ge [sflag:s10], $0x3E80  }
0xc5: {  	[sflag:s10] =	ssyncset.done $0x0  }
0xc6: {  	s25 =	sadd.s32 $0x100, s21;
	[sflag:s10] =	ssyncadd.s32 $0xFFFFC180  }
0xc7: {  	[tilespmem:s13], [sflag:$0x1] =	stream.indirect.gather [hbm4b:s4+s12], $0x80, s25, s12, $0xb8;
	[tilespmem:$0x1F080] =	vst v63  }
0xc8: {  	_ =	swait.ge [sflag:s16], $0x3E80  }
0xc9: {  	[sflag:s16] =	ssyncset.done $0x0  }
0xca: {  	s22 =	sadd.s32 $0x1480, s21;
	[sflag:s16] =	ssyncadd.s32 $0xFFFFC180  }
0xcb: {  	[spmem:s2] =	stream.indirect.scatter.add.f32 [tilespmem:s14], [sflag:$0x3], $0x80, s22, s12, $0xb8;
	[tilespmem:$0x1F080] =	vst v63  }
0xcc: {  	_ =	swait.ge [sflag:s10], $0x3E80  }
0xcd: {  	[sflag:s10] =	ssyncset.done $0x0  }
0xce: {  	[sflag:s10] =	ssyncadd.s32 $0xFFFFC180  }
0xcf: {  	[tilespmem:s14], [sflag:$0x2] =	stream.indirect.gather [hbm4b:s4+s12], $0x80, s17, s12, $0xb8;
	[tilespmem:$0x1F080] =	vst v63  }
0xd0: {  	_ =	swait.ge [sflag:s15], $0x3E80  }
0xd1: {  	[sflag:s15] =	ssyncset.done $0x0  }
0xd2: {  	[sflag:s15] =	ssyncadd.s32 $0xFFFFC180  }
0xd3: {  	[spmem:s2] =	stream.indirect.scatter.add.f32 [tilespmem:s13], [sflag:$0x3], $0x80, s18, s12, $0xb8;
	[tilespmem:$0x1F080] =	vst v63  }
0xd4: {  	_ =	swait.ge [sflag:s10], $0x3E80  }
0xd5: {  	[sflag:s10] =	ssyncset.done $0x0  }
0xd6: {  	[sflag:s10] =	ssyncadd.s32 $0xFFFFC180  }
0xd7: {  	_ =	swait.ge [sflag:s16], $0x3E80  }
0xd8: {  	[sflag:s16] =	ssyncset.done $0x0  }
0xd9: {  	[sflag:s16] =	ssyncadd.s32 $0xFFFFC180  }
0xda: {  	[spmem:s2] =	stream.indirect.scatter.add.f32 [tilespmem:s14], [sflag:$0x3], $0x80, s19, s12, $0xb8;
	[tilespmem:$0x1F080] =	vst v63  }
0xdb: {  	_ =	swait.ge [sflag:s10], $0x3E80  }
0xdc: {  	[sflag:s10] =	ssyncset.done $0x0  }
0xdd: {  	s23 =	simm.s32 $0x0;
	s24 =	rddreg [dreg:$0x11];
	[sflag:s10] =	ssyncadd.s32 $0xFFFFC180  }
0xde: {  	[tilespmem:s23], [sflag:$0x3] =	stream.linear.gather [hbm4b:s24+s23], $0x1400, $0x38;
	[tilespmem:$0x1F080] =	vst v63  }
0xdf: {  	_ =	swait.ge [sflag:s10], $0x1400  }
0xe0: {  	[sflag:s10] =	ssyncset.done $0x0  }
0xe1: {  	s25 =	rddreg [dreg:$0x12];
	[sflag:s10] =	ssyncadd.s32 $0xFFFFEC00  }
0xe2: {  	[tilespmem:s11], [sflag:$0x3] =	stream.linear.gather [hbm4b:s25+s23], $0x1400, $0x38;
	[tilespmem:$0x1F080] =	vst v63  }
0xe3: {  	_ =	swait.ge [sflag:s10], $0x1400  }
0xe4: {  	[sflag:s10] =	ssyncset.done $0x0  }
0xe5: {  	[sflag:s10] =	ssyncadd.s32 $0xFFFFEC00  }
0xe6: {  	[tilespmem:s13], [sflag:$0x1] =	stream.indirect.gather [hbm4b:s4+s12], $0x80, s23, s12, $0xb8;
	[tilespmem:$0x1F080] =	vst v63  }
0xe7: {  	s22 =	simm.s32 $0x80  }
0xe8: {  	[tilespmem:s14], [sflag:$0x2] =	stream.indirect.gather [hbm4b:s4+s12], $0x80, s22, s12, $0xb8;
	[tilespmem:$0x1F080] =	vst v63  }
0xe9: {  	_ =	swait.ge [sflag:s15], $0x3E80  }
0xea: {  	[sflag:s15] =	ssyncset.done $0x0  }
0xeb: {  	s23 =	simm.s32 $0x1400;
	[sflag:s15] =	ssyncadd.s32 $0xFFFFC180  }
0xec: {  	[spmem:s2] =	stream.indirect.scatter.add.f32 [tilespmem:s13], [sflag:$0x3], $0x80, s23, s12, $0xb8;
	[tilespmem:$0x1F080] =	vst v63  }
0xed: {  	_ =	swait.ge [sflag:s10], $0x3E80  }
0xee: {  	[sflag:s10] =	ssyncset.done $0x0  }
0xef: {  	s24 =	simm.s32 $0x100;
	[sflag:s10] =	ssyncadd.s32 $0xFFFFC180  }
0xf0: {  	[tilespmem:s13], [sflag:$0x1] =	stream.indirect.gather [hbm4b:s4+s12], $0x80, s24, s12, $0xb8;
	[tilespmem:$0x1F080] =	vst v63  }
0xf1: {  	_ =	swait.ge [sflag:s16], $0x3E80  }
0xf2: {  	[sflag:s16] =	ssyncset.done $0x0  }
0xf3: {  	s25 =	simm.s32 $0x1480;
	[sflag:s16] =	ssyncadd.s32 $0xFFFFC180  }
0xf4: {  	[spmem:s2] =	stream.indirect.scatter.add.f32 [tilespmem:s14], [sflag:$0x3], $0x80, s25, s12, $0xb8;
	[tilespmem:$0x1F080] =	vst v63  }
0xf5: {  	_ =	swait.ge [sflag:s10], $0x3E80  }
0xf6: {  	s21 =	simm.s32 $0x100;
	s22 =	simm.s32 $0x800;
	[sflag:s10] =	ssyncset.done $0x0  }
.LBB2_6:
0xf7: {  	s23 =	sadd.s32 $0x80, s21  }
0xf8: {  	[sflag:s10] =	ssyncadd.s32 $0xFFFFC180;
	s24 =	smov.u32 s22;
	s25 =	sadd.s32 $0x400, s22  }
0xf9: {  	[tilespmem:s14], [sflag:$0x2] =	stream.indirect.gather [hbm4b:s4+s12], $0x80, s23, s12, $0xb8;
	[tilespmem:$0x1F080] =	vst v63  }
0xfa: {  	p1 =	sne.s32 s22, $0x4800;
	_ =	swait.ge [sflag:s15], $0x3E80  }
0xfb: {  	[sflag:s15] =	ssyncset.done $0x0  }
0xfc: {  	s22 =	sadd.s32 $0x1400, s21;
	[sflag:s15] =	ssyncadd.s32 $0xFFFFC180  }
0xfd: {  	[spmem:s2] =	stream.indirect.scatter.add.f32 [tilespmem:s13], [sflag:$0x3], $0x80, s22, s12, $0xb8;
	[tilespmem:$0x1F080] =	vst v63  }
0xfe: {  	_ =	swait.ge [sflag:s10], $0x3E80  }
0xff: {  	[sflag:s10] =	ssyncset.done $0x0  }
0x100: {  	s22 =	sadd.s32 $0x100, s21;
	[sflag:s10] =	ssyncadd.s32 $0xFFFFC180  }
0x101: {  	[tilespmem:s13], [sflag:$0x1] =	stream.indirect.gather [hbm4b:s4+s12], $0x80, s22, s12, $0xb8;
	[tilespmem:$0x1F080] =	vst v63  }
0x102: {  	_ =	swait.ge [sflag:s16], $0x3E80  }
.Ltmp2:
0x103: {  	[sflag:s16] =	ssyncset.done $0x0;
	(pc) =	sbr.rel @p1 .LBB2_6-.Ltmp2, $4  }
0x104: {  	s21 =	sadd.s32 $0x1480, s21;
	[sflag:s16] =	ssyncadd.s32 $0xFFFFC180  }
0x105: {  	[spmem:s2] =	stream.indirect.scatter.add.f32 [tilespmem:s14], [sflag:$0x3], $0x80, s21, s12, $0xb8;
	[tilespmem:$0x1F080] =	vst v63  }
0x106: {  	_ =	swait.ge [sflag:s10], $0x3E80  }
0x107: {  	s22 =	smov.u32 s25;
	s21 =	sshra.s32 s24, $0x2;
	[sflag:s10] =	ssyncset.done $0x0  }
0x108: {  	s22 =	sadd.s32 $0x80, s21;
	[sflag:s10] =	ssyncadd.s32 $0xFFFFC180  }
0x109: {  	[tilespmem:s14], [sflag:$0x2] =	stream.indirect.gather [hbm4b:s4+s12], $0x80, s22, s12, $0xb8;
	[tilespmem:$0x1F080] =	vst v63  }
0x10a: {  	_ =	swait.ge [sflag:s15], $0x3E80  }
0x10b: {  	[sflag:s15] =	ssyncset.done $0x0  }
0x10c: {  	s25 =	sadd.s32 $0x1400, s21;
	[sflag:s15] =	ssyncadd.s32 $0xFFFFC180  }
0x10d: {  	[spmem:s2] =	stream.indirect.scatter.add.f32 [tilespmem:s13], [sflag:$0x3], $0x80, s25, s12, $0xb8;
	[tilespmem:$0x1F080] =	vst v63  }
0x10e: {  	_ =	swait.ge [sflag:s10], $0x3E80  }
0x10f: {  	[sflag:s10] =	ssyncset.done $0x0  }
0x110: {  	s23 =	sadd.s32 $0x100, s21;
	[sflag:s10] =	ssyncadd.s32 $0xFFFFC180  }
0x111: {  	[tilespmem:s13], [sflag:$0x1] =	stream.indirect.gather [hbm4b:s4+s12], $0x80, s23, s12, $0xb8;
	[tilespmem:$0x1F080] =	vst v63  }
0x112: {  	_ =	swait.ge [sflag:s16], $0x3E80  }
0x113: {  	[sflag:s16] =	ssyncset.done $0x0  }
0x114: {  	s24 =	sadd.s32 $0x1480, s21;
	[sflag:s16] =	ssyncadd.s32 $0xFFFFC180  }
0x115: {  	[spmem:s2] =	stream.indirect.scatter.add.f32 [tilespmem:s14], [sflag:$0x3], $0x80, s24, s12, $0xb8;
	[tilespmem:$0x1F080] =	vst v63  }
0x116: {  	_ =	swait.ge [sflag:s10], $0x3E80  }
0x117: {  	[sflag:s10] =	ssyncset.done $0x0  }
0x118: {  	[sflag:s10] =	ssyncadd.s32 $0xFFFFC180  }
0x119: {  	[tilespmem:s14], [sflag:$0x2] =	stream.indirect.gather [hbm4b:s4+s12], $0x80, s17, s12, $0xb8;
	[tilespmem:$0x1F080] =	vst v63  }
0x11a: {  	_ =	swait.ge [sflag:s15], $0x3E80  }
0x11b: {  	[sflag:s15] =	ssyncset.done $0x0  }
0x11c: {  	[sflag:s15] =	ssyncadd.s32 $0xFFFFC180  }
0x11d: {  	[spmem:s2] =	stream.indirect.scatter.add.f32 [tilespmem:s13], [sflag:$0x3], $0x80, s18, s12, $0xb8;
	[tilespmem:$0x1F080] =	vst v63  }
0x11e: {  	_ =	swait.ge [sflag:s10], $0x3E80  }
0x11f: {  	[sflag:s10] =	ssyncset.done $0x0  }
0x120: {  	[sflag:s10] =	ssyncadd.s32 $0xFFFFC180  }
0x121: {  	_ =	swait.ge [sflag:s16], $0x3E80  }
0x122: {  	[sflag:s16] =	ssyncset.done $0x0  }
0x123: {  	[sflag:s16] =	ssyncadd.s32 $0xFFFFC180  }
0x124: {  	[spmem:s2] =	stream.indirect.scatter.add.f32 [tilespmem:s14], [sflag:$0x3], $0x80, s19, s12, $0xb8;
	[tilespmem:$0x1F080] =	vst v63  }
0x125: {  	_ =	swait.ge [sflag:s10], $0x3E80  }
0x126: {  	[sflag:s10] =	ssyncset.done $0x0  }
0x127: {  	[sflag:s10] =	ssyncadd.s32 $0xFFFFC180  }
0x128: {  	s21 =	stileid.u32;
	[bflag:$0x0] =	sbarrier.arrive $0xFFFF  }
0x129: {  	s21 =	sshll.u32 @!p0 s21, $0x6;
	s22 =	rddreg [dreg:$0x14]  }
0x12a: {  	s21 =	sor.u32 @!p0 $0x1C03, s21;
	s23 =	rddreg [dreg:$0x16]  }
0x12b: {  	[hbm:s22], [sflag:s21] =	dma.local @!p0 [spmem:s23], $0x3E80  }
0x12c: {  	s21 =	simm.s32 @!p0 $0x3  }
0x12d: {  	_ =	swait.ge @!p0 [sflag:s21], $0x3E80  }
0x12e: {  	s20 =	sadd.s32 $0x1, s20;
	s25 =	rddreg [dreg:$0x15]  }
0x12f: {  	p1 =	sne.s32 s20, s25  }
.Ltmp3:
0x130: {  	_ = 	snop;
	(pc) =	sbr.rel @p1 .LBB2_1-.Ltmp3, $3  }
0x131: {  	_ =	sdelay $0x1  }
0x132: {  	[sflag:s21] =	ssyncset.done @!p0 $0x0  }
0x133: {  	[sflag:s21] =	ssyncadd.s32 @!p0 $0xFFFFC180  }
0x134: {  	_ =	sfence.sel $0x180000  }
0x135: {  	[bflag:$0x0] =	sbarrier.arrive $0xFFFF  }
0x136: {  	_ =	strace $0x9000004D  }
0x137: {  	s0 =	stileid.u32;
	[bflag:$0x2] =	sbarrier.arrive $0xFFFF  }
0x138: {  	p0 =	sne.s32 s0, $0x0;
	s0 =	rddreg [dreg:$0x2]  }
0x139: {  	s0 =	sadd.s32 @!p0 $0x100000, s0  }
0x13a: {  	[sflag:s0] =	ssyncadd.tile.s32 @!p0 $0x1;
	_ =	shalt  }
.Lfunc_end2:
_tile_overlayer_lowered:
.L_overlay_start_2:
0x13b: {  	(tag) =	ssettag $0x2  }
0x13c: {  	s0 =	rddreg [dreg:$0x0];
	s2 =	stileid.u32  }
0x13d: {  	s1 =	rddreg [dreg:$0x1];
	p0 =	sne.s32 s2, $0x0  }
0x13e: {  	s3 =	rddreg [dreg:$0x2];
	[bflag:$0x3] =	sbarrier.arrive $0xFFFF;
	s2 =	simm.s32 @!p0 $0x1C03  }
0x13f: {  	[timem:s3], [sflag:s2] =	dma.local @!p0 [hbm:s0], s1  }
0x140: {  	s0 =	simm.s32 @!p0 $0x3  }
0x141: {  	_ =	swait.ge @!p0 [sflag:s0], s1  }
0x142: {  	s1 =	ssub.s32 @!p0 $0x0, s1;
	[sflag:s0] =	ssyncset.done @!p0 $0x0  }
0x143: {  	[sflag:s0] =	ssyncadd.s32 @!p0 s1  }
0x144: {  	[bflag:$0x3] =	sbarrier.arrive $0xFFFF  }
0x145: {  	_ =	shalt  }

// kernel: kernel.9.cloned.1.call-start
scs
__scs_entry_jumppad:
0x0: {  	(pc) =	sbr.rel $0x88, $3  }
0x1: {  	(tag) =	ssettag $0x0;
	lr =	simm.s32 $0x1  }
0x2: {  	[smem:$0x3F93] =	sst lr;
	_ =	strace $0xD0000000  }
0x3: {  	_ = 	snop  }
0x4: {  	_ = 	snop  }
0x5: {  	_ = 	snop  }
0x6: {  	_ = 	snop  }
0x7: {  	_ = 	snop  }
__scs_overlays_trampoline_lowered:
0x8: {  	[smem:$0x3FA2] =	sst s0  }
0x9: {  	[smem:$0x3FA3] =	sst s1  }
0xa: {  	[smem:$0x3FA4] =	sst s2  }
0xb: {  	[smem:$0x3FA5] =	sst s3  }
0xc: {  	[smem:$0x3FA6] =	sst s4  }
0xd: {  	[smem:$0x3FA7] =	sst s5  }
0xe: {  	[smem:$0x3FA8] =	sst s6  }
0xf: {  	[smem:$0x3FA9] =	sst s7  }
0x10: {  	[smem:$0x3FAA] =	sst s8  }
0x11: {  	[smem:$0x3FAB] =	sst s9;
	s0 =	simm.s32 @!p0 $0x0  }
0x12: {  	s1 =	sld [smem:$0x3F91];
	s0 =	simm.s32 @p0 $0x1  }
0x13: {  	[smem:$0x3FAC] =	sst s0;
	s0 =	simm.s32 @!p1 $0x0  }
0x14: {  	s2 =	sld [smem:$0x3F90];
	s0 =	simm.s32 @p1 $0x1  }
0x15: {  	[smem:$0x3FAD] =	sst s0;
	s0 =	simm.s32 @!p2 $0x0  }
0x16: {  	s3 =	sld [smem:$0x3FDB];
	s0 =	simm.s32 @p2 $0x1  }
0x17: {  	s4 =	simm.s32 $0x1BF5;
	[smem:$0x3FAF] =	sst s0  }
0x18: {  	s0 =	sld [smem:$0x3F92];
	_ =	swait.ge [sflag:s4], $0x0  }
0x19: {  	s7 =	sld [smem:$0x3F93]  }
0x1a: {  	s8 =	sadd.s32 $0xFFFFE003, lr  }
0x1b: {  	s9 =	sadd.s32 $0xFFFFFEF7, lr;
	s5 =	simm.s32 $0xFFFFFFFF;
	p2 =	slt.u32 s8, $0xFFFFF086  }
0x1c: {  	p1 =	slt.u32 s9, $0xF7A;
	s5 =	simm.s32 @!p2 $0x0  }
0x1d: {  	s5 =	simm.s32 @p1 $0x1;
	p0 =	seq.s32 s7, s2  }
0x1e: {  	s7 =	smul.u32 @!p0 $0xF7A, s2;
	p2 =	seq.s32 @!p0 s5, $0x0  }
0x1f: {  	s9 =	smul.u32 $0xF7A, s1;
	s8 =	simm.s32 @!p0 $0x1BF5;
	p2 =	por !p2, p0  }
0x20: {  	[sflag:s8] =	ssyncset.s32 @!p0 $0xFFFFF086;
	s6 =	sadd.s32 @!p0 s3, s7;
	s7 =	simm.s32 @!p0 $0x108  }
0x21: {  	s3 =	sadd.s32 s3, s9;
	s6 =	sadd.s32 @!p0 $0x88, s6;
	s7 =	simm.s32 @p2 $0x1082  }
0x22: {  	[simem:s7], [sflag:s8] =	dma.local @!p0 [hbm:s6], $0xF7A  }
0x23: {  	s9 =	sor.u32 $0xD0000000, s2;
	s6 =	simm.s32 $0x108;
	_ =	swait.ge @!p0 [sflag:s8], $0x0  }
0x24: {  	s3 =	sadd.s32 $0x88, s3;
	s6 =	simm.s32 @!p1 $0x1082;
	[sflag:s4] =	ssyncset.s32 $0xFFFFF086  }
0x25: {  	[simem:s6], [sflag:s4] =	dma.local [hbm:s3], $0xF7A  }
0x26: {  	[smem:$0x3F93] =	sst s1;
	(tag) =	ssettag s2;
	_ =	strace s9  }
0x27: {  	s1 =	sld [smem:$0x3FA3]  }
0x28: {  	s2 =	sld [smem:$0x3FA4]  }
0x29: {  	s4 =	sld [smem:$0x3FA6]  }
0x2a: {  	p0 =	seq.s32 s5, $0x0;
	s5 =	sld [smem:$0x3FA7]  }
0x2b: {  	s6 =	sld [smem:$0x3FA8]  }
0x2c: {  	s7 =	sld [smem:$0x3FA9]  }
0x2d: {  	s3 =	simm.s32 $0x108;
	s8 =	sld [smem:$0x3FAA]  }
0x2e: {  	s3 =	simm.s32 @!p0 $0x1082;
	s9 =	sld [smem:$0x3FAB]  }
0x2f: {  	lr =	sadd.s32 s0, s3;
	s0 =	sld [smem:$0x3FA2]  }
0x30: {  	s3 =	sld [smem:$0x3FA5]  }
0x31: {  	[smem:$0x3FAE] =	sst s10  }
0x32: {  	s10 =	sld [smem:$0x3FAC];
	_ =	sdelay $0x3  }
0x33: {  	p0 =	seq.s32 s10, $0x1;
	s10 =	sld [smem:$0x3FAE];
	_ =	sdelay $0x3  }
0x34: {  	[smem:$0x3FAE] =	sst s10  }
0x35: {  	s10 =	sld [smem:$0x3FAD];
	_ =	sdelay $0x3  }
0x36: {  	p1 =	seq.s32 s10, $0x1;
	s10 =	sld [smem:$0x3FAE];
	_ =	sdelay $0x3  }
0x37: {  	[smem:$0x3FAE] =	sst s10  }
0x38: {  	s10 =	sld [smem:$0x3FAF]  }
0x39: {  	_ = 	snop;
	(pc) =	sbr.ind lr, $3  }
0x3a: {  	_ = 	snop  }
0x3b: {  	_ = 	snop  }
0x3c: {  	p2 =	seq.s32 s10, $0x1;
	s10 =	sld [smem:$0x3FAE]  }
0x3d: {  	_ =	shalt  }
0x3e: {  	_ =	shalt  }
0x3f: {  	_ =	shalt  }
0x40: {  	_ =	shalt  }
0x41: {  	_ =	shalt  }
0x42: {  	_ =	shalt  }
0x43: {  	_ =	shalt  }
0x44: {  	_ =	shalt  }
0x45: {  	_ =	shalt  }
0x46: {  	_ =	shalt  }
0x47: {  	_ =	shalt  }
0x48: {  	_ =	shalt  }
0x49: {  	_ =	shalt  }
0x4a: {  	_ =	shalt  }
0x4b: {  	_ =	shalt  }
0x4c: {  	_ =	shalt  }
0x4d: {  	_ =	shalt  }
0x4e: {  	_ =	shalt  }
0x4f: {  	_ =	shalt  }
0x50: {  	_ =	shalt  }
0x51: {  	_ =	shalt  }
0x52: {  	_ =	shalt  }
0x53: {  	_ =	shalt  }
0x54: {  	_ =	shalt  }
0x55: {  	_ =	shalt  }
0x56: {  	_ =	shalt  }
0x57: {  	_ =	shalt  }
0x58: {  	_ =	shalt  }
0x59: {  	_ =	shalt  }
0x5a: {  	_ =	shalt  }
0x5b: {  	_ =	shalt  }
0x5c: {  	_ =	shalt  }
0x5d: {  	_ =	shalt  }
0x5e: {  	_ =	shalt  }
0x5f: {  	_ =	shalt  }
0x60: {  	_ =	shalt  }
0x61: {  	_ =	shalt  }
0x62: {  	_ =	shalt  }
0x63: {  	_ =	shalt  }
0x64: {  	_ =	shalt  }
0x65: {  	_ =	shalt  }
0x66: {  	_ =	shalt  }
0x67: {  	_ =	shalt  }
0x68: {  	_ =	shalt  }
0x69: {  	_ =	shalt  }
0x6a: {  	_ =	shalt  }
0x6b: {  	_ =	shalt  }
0x6c: {  	_ =	shalt  }
0x6d: {  	_ =	shalt  }
0x6e: {  	_ =	shalt  }
0x6f: {  	_ =	shalt  }
0x70: {  	_ =	shalt  }
0x71: {  	_ =	shalt  }
0x72: {  	_ =	shalt  }
0x73: {  	_ =	shalt  }
0x74: {  	_ =	shalt  }
0x75: {  	_ =	shalt  }
0x76: {  	_ =	shalt  }
0x77: {  	_ =	shalt  }
0x78: {  	_ =	shalt  }
0x79: {  	_ =	shalt  }
0x7a: {  	_ =	shalt  }
0x7b: {  	_ =	shalt  }
0x7c: {  	_ =	shalt  }
0x7d: {  	_ =	shalt  }
0x7e: {  	_ =	shalt  }
0x7f: {  	_ =	shalt  }
0x80: {  	_ =	shalt  }
0x81: {  	_ =	shalt  }
0x82: {  	_ =	shalt  }
0x83: {  	_ =	shalt  }
0x84: {  	_ =	shalt  }
0x85: {  	_ =	shalt  }
0x86: {  	_ =	shalt  }
0x87: {  	_ =	shalt  }
.Lfunc_end0:
.L_simem_size_0:
called_computation_lowered:
.L_overlay_start_0:
0x88: {  	s2 =	sld [smem:$0x3FD9]  }
0x89: {  	s3 =	sld [smem:$0x3FFE];
	_ =	sdelay $0x1  }
0x8a: {  	s1 =	srdreg.scid  }
0x8b: {  	s0 =	sand.u32 $0x1, s1  }
0x8c: {  	s16 =	sshll.u32 s0, $0xA;
	s2 =	sadd.s32 s3, s2  }
0x8d: {  	s2 =	sadd.s32 s2, s16  }
0x8e: {  	[smem:$0x3FBA] =	sst s2  }
0x8f: {  	_ = 	snop  }
0x90: {  	(tm) =	ssettm $0x1  }
0x91: {  	s17 =	sld [smem:$0x3FFB];
	_ =	sdelay $0x3  }
0x92: {  	_ =	strace s17  }
0x93: {  	s2 =	sld [smem:$0x3FFC];
	_ =	sdelay $0x3  }
0x94: {  	_ =	strace s2  }
0x95: {  	s2 =	sld [smem:$0x3FFD];
	_ =	sdelay $0x3  }
0x96: {  	_ =	strace s2  }
0x97: {  	_ =	strace $0x8FFFFFFF  }
0x98: {  	s18 =	sld [smem:$0x3FDB];
	_ =	sdelay $0x1  }
0x99: {  	s19 =	simm.s32 $_scs_section_size  }
0x9a: {  	s4 =	simm.s32 $_size__tile_overlayer_lowered;
	s5 =	simm.s32 $_tile_overlayer_lowered  }
0x9b: {  	s22 =	simm.s32 $0x1BFF;
	s21 =	sshll.u32 s5, $0x1;
	s2 =	sadd.s32 s19, s18  }
0x9c: {  	s6 =	simm.s32 $0x0;
	s20 =	sshll.u32 s4, $0x1;
	s4 =	sadd.s32 s21, s2  }
0x9d: {  	[timem:s6], [sflag:s22] =	dma.local [hbm:s4], s20  }
0x9e: {  	_ =	swait.ge [sflag:s22], s20  }
0x9f: {  	s3 =	ssub.s32 $0x0, s20;
	[sflag:s22] =	ssyncset.done $0x0  }
0xa0: {  	[sflag:s22] =	ssyncadd.s32 s3;
	_ =	sdelay $0x1  }
0xa1: {  	s23 =	simm.s32 $0x1B8B  }
0xa2: {  	_ =	swait.ge [sflag:s23], $0x1  }
0xa3: {  	[sflag:s23] =	ssyncset.done $0x0  }
0xa4: {  	s25 =	simm.s32 $0x1B8E;
	s24 =	sld [smem:$0x3FFE];
	[sflag:s23] =	ssyncadd.s32 $0xFFFFFFFF  }
0xa5: {  	s26 =	simm.s32 $execute0_lowered;
	[smem:$0x3FD2] =	sst s25  }
0xa6: {  	s4 =	sshll.u32 s26, $0x1;
	_ =	strace $0x80000046;
	[dreg:$0x1] =	wrdreg $0xFFFFFFFF  }
0xa7: {  	s28 =	simm.s32 $_size_execute0_lowered;
	s2 =	sadd.s32 s2, s4;
	[dreg:$0x0] =	wrdreg $0x0  }
0xa8: {  	s4 =	sshll.u32 s28, $0x1;
	[dreg:$0x2] =	wrdreg s2  }
0xa9: {  	[dreg:$0x3] =	wrdreg s4  }
0xaa: {  	[dreg:$0x4] =	wrdreg $0xC0  }
0xab: {  	_ =	task [dreg:s6], $0x5FFFF  }
0xac: {  	[dreg:$0x1] =	wrdreg $0xFFFFFFFF  }
0xad: {  	[dreg:$0x0] =	wrdreg $0x60  }
0xae: {  	[dreg:$0x2] =	wrdreg s24  }
0xaf: {  	[dreg:$0x3] =	wrdreg $0xB8000  }
0xb0: {  	[dreg:$0x4] =	wrdreg $0x9  }
0xb1: {  	_ =	task.clear_ibuf [dreg:s6], $0x5FFFF;
	_ =	strace $0x90000046  }
0xb2: {  	s29 =	simm.s32 $0x9;
	_ =	strace $0x80000048  }
0xb3: {  	_ =	swait.ge [sflag:s29], $0x1  }
0xb4: {  	[sflag:s29] =	ssyncadd.s32 $0xFFFFFFFF  }
0xb5: {  	_ =	strace $0x90000048  }
0xb6: {  	_ =	sfence  }
0xb7: {  	s30 =	sld [smem:$0x0];
	_ =	sdelay $0x2  }
0xb8: {  	s31 =	sshll.u32 s1, $0xD;
	s1 =	sshrl.u32 s1, $0x2  }
0xb9: {  	s3 =	sand.u32 $0x4000, s31;
	s1 =	sadd.s32 s1, s30  }
0xba: {  	s0 =	sor.u32 s3, s0;
	s1 =	sshll.u32 s1, $0x11  }
0xbb: {  	s0 =	sor.u32 s1, s0  }
0xbc: {  	s0 =	sadd.s32 $0x8F2B, s0  }
0xbd: {  	[sflag:s0] =	ssyncadd.remote.s32 $0x1  }
0xbe: {  	_ =	sfence.sel $0xFFFF  }
0xbf: {  	[dreg:$0x0] =	wrdreg $0xFFFFFFFF;
	(pc) =	sbr.abs _section_cstart, $3  }
0xc0: {  	[dreg:$0x1] =	wrdreg $0xFFFFFFFF  }
0xc1: {  	_ =	task.clear_ibuf [dreg:s6], $0x2FFFF;
	_ =	strace $0x9FFFFFFF  }
0xc2: {  	(tm) =	ssettm $0x7FFFFFFF  }
0xc3: {  	_ =	shalt  }
tec
execute0_lowered:
.L_overlay_start_1:
0x0: {  	(tag) =	ssettag $0x1  }
0x1: {  	s0 =	rddreg [dreg:$0x0]  }
0x2: {  	s1 =	srdreg.scid;
	s10 =	stileid.u32  }
0x3: {  	s2 =	rddreg [dreg:$0x1];
	s4 =	smul.u32 $0x1F400, s10  }
0x4: {  	s5 =	simm.s32 $0x0;
	s1 =	sand.u32 $0x1, s1;
	s22 =	smul.u32 $0x4E200, s10  }
0x5: {  	[smem:$0x7FF] =	sst s5;
	s6 =	sadd.s32 $0x2A00, s0;
	s7 =	sadd.s32 $0xCA00, s0  }
0x6: {  	s9 =	sshll.u32 s10, $0x1;
	s21 =	smul.u32 $0x7D000, s10;
	s5 =	sshrl.u32 s22, $0x2  }
0x7: {  	p0 =	sgt.u32 s10, $0x9;
	s3 =	smul.u32 $0x138800, s1;
	s5 =	sadd.s32 s5, s2  }
0x8: {  	s10 =	simm.s32 $0x3;
	_ =	strace $0x80000047;
	s24 =	sadd.s32 $0xC80, s5  }
0x9: {  	s23 =	ssub.s32 $0x2, s1;
	s25 =	sadd.s32 $0x1900, s5;
	[dreg:$0x3] =	wrdreg s24  }
0xa: {  	s1 =	sor.u32 s1, s9;
	s26 =	sadd.s32 $0x2580, s5;
	[dreg:$0x4] =	wrdreg s25  }
0xb: {  	s8 =	sshrl.u32 s23, $0x1;
	s9 =	sadd.s32 $0x3200, s5;
	[dreg:$0x5] =	wrdreg s26  }
0xc: {  	s15 =	smul.u32 $0x2800, s1;
	s11 =	sadd.s32 $0x3E80, s5;
	[dreg:$0x6] =	wrdreg s9  }
0xd: {  	s1 =	smul.u32 $0x500, s1;
	s12 =	sadd.s32 $0x4B00, s5;
	[dreg:$0x7] =	wrdreg s11  }
0xe: {  	s3 =	sadd.s32 s4, s3;
	s13 =	sadd.s32 $0x5780, s5;
	[dreg:$0x8] =	wrdreg s12  }
0xf: {  	s4 =	sadd.s32 $0x16A00, s0;
	s14 =	sadd.s32 $0x6400, s5;
	[dreg:$0x9] =	wrdreg s13  }
0x10: {  	s3 =	sshrl.u32 s3, $0x3;
	s16 =	sadd.s32 $0x7080, s5;
	[dreg:$0xa] =	wrdreg s14  }
0x11: {  	s17 =	sadd.s32 $0x7D00, s5;
	s18 =	sadd.s32 $0x8980, s5;
	[dreg:$0xb] =	wrdreg s16  }
0x12: {  	s19 =	sadd.s32 $0x9600, s5;
	s20 =	sadd.s32 s6, s1;
	[dreg:$0xc] =	wrdreg s17  }
0x13: {  	s1 =	sadd.s32 s7, s1;
	s28 =	sadd.s32 $0xBB80, s5;
	[dreg:$0xd] =	wrdreg s18  }
0x14: {  	s29 =	sadd.s32 $0xC800, s5;
	s30 =	sadd.s32 $0xD480, s5;
	[dreg:$0xe] =	wrdreg s19  }
0x15: {  	s31 =	sadd.s32 $0xE100, s5;
	s0 =	sadd.s32 s3, s0;
	[dreg:$0xf] =	wrdreg s20  }
0x16: {  	s3 =	ssub.s32 s23, s8;
	s8 =	sshrl.u32 s15, $0x3;
	[dreg:$0x10] =	wrdreg s1  }
0x17: {  	s24 =	sadd.s32 $0xA280, s5;
	s25 =	sshrl.u32 s21, $0x2;
	s1 =	sadd.s32 $0xFA00, s5  }
0x18: {  	s9 =	simm.s32 $0xA800;
	s11 =	simm.s32 $0x1400;
	s12 =	simm.s32 $0x7D  }
0x19: {  	s13 =	simm.s32 $0x2800;
	s14 =	simm.s32 $0x6800;
	s15 =	simm.s32 $0x1  }
0x1a: {  	s16 =	simm.s32 $0x2;
	s17 =	simm.s32 $0x1380;
	s18 =	simm.s32 $0x2700  }
0x1b: {  	s19 =	simm.s32 $0x2780;
	s20 =	simm.s32 $0x0;
	s8 =	sadd.s32 $0x280, s8  }
0x1c: {  	[dreg:$0x13] =	wrdreg s24;
	s0 =	sadd.s32 $0x3DC00, s0;
	s26 =	smax.u32 s3, $0x1  }
0x1d: {  	s3 =	sadd.s32 $0x10680, s5;
	s22 =	sadd.s32 s6, s8;
	[dreg:$0x14] =	wrdreg s0  }
0x1e: {  	s23 =	sadd.s32 s7, s8;
	s0 =	sadd.s32 s25, s2;
	[dreg:$0x15] =	wrdreg s26  }
0x1f: {  	s26 =	sadd.s32 $0xAF00, s5;
	s6 =	sadd.s32 $0x11300, s5;
	[dreg:$0x11] =	wrdreg s22  }
0x20: {  	s7 =	sadd.s32 $0x11F80, s5;
	[dreg:$0x12] =	wrdreg s23;
	s0 =	sshrl.u32 @!p0 s0, $0x3  }
0x21: {  	v0 =	vimm.f32 $0.0e+00;
	s8 =	sadd.s32 $0x12C00, s5;
	[dreg:$0x16] =	wrdreg s0;
	s0 =	sadd.s32 $0xED80, s5  }
.LBB2_1:
0x22: {  	s22 =	simm.s32 $0x0  }
0x23: {  	s21 =	sand.u32 $0x3E00, s22  }
0x24: {  	s22 =	sand.u32 $0x70, s22;
	s23 =	sshrl.u32 s21, $0x2  }
0x25: {  	s21 =	simm.s32 $0x40;
	s23 =	sor.u32 s22, s23;
	s22 =	simm.s32 $0x0  }
.LBB2_2:
0x26: {  	p1 =	sne.s32 s21, $0x31C0  }
0x27: {  	[tilespmem:s23+$0xA800] =	vst v0;
	s22 =	sadd.s32 $0x10, s22;
	s23 =	smov.u32 s21;
	s21 =	sadd.s32 $0x40, s21  }
.Ltmp0:
0x28: {  	(pc) =	sbr.rel @p1 .LBB2_2-.Ltmp0, $4  }
0x29: {  	_ = 	snop  }
0x2a: {  	s23 =	sand.u32 $0x3E00, s23  }
0x2b: {  	s24 =	sand.u32 $0x70, s22;
	s23 =	sshrl.u32 s23, $0x2  }
0x2c: {  	s23 =	sor.u32 s24, s23  }
0x2d: {  	[tilespmem:s23+$0xA800] =	vst v0  }
0x2e: {  	[spmem:s5] =	stream.linear.scatter [tilespmem:s9], [sflag:$0x3], $0xC80, $0x38;
	[tilespmem:$0x1F080] =	vst v63  }
0x2f: {  	_ =	swait.ge [sflag:s10], $0xC80  }
0x30: {  	[sflag:s10] =	ssyncset.done $0x0  }
0x31: {  	s21 =	rddreg [dreg:$0x3];
	[sflag:s10] =	ssyncadd.s32 $0xFFFFF380  }
0x32: {  	[spmem:s21] =	stream.linear.scatter [tilespmem:s9], [sflag:$0x3], $0xC80, $0x38;
	[tilespmem:$0x1F080] =	vst v63  }
0x33: {  	_ =	swait.ge [sflag:s10], $0xC80  }
0x34: {  	[sflag:s10] =	ssyncset.done $0x0  }
0x35: {  	s24 =	rddreg [dreg:$0x4];
	[sflag:s10] =	ssyncadd.s32 $0xFFFFF380  }
0x36: {  	[spmem:s24] =	stream.linear.scatter [tilespmem:s9], [sflag:$0x3], $0xC80, $0x38;
	[tilespmem:$0x1F080] =	vst v63  }
0x37: {  	_ =	swait.ge [sflag:s10], $0xC80  }
0x38: {  	[sflag:s10] =	ssyncset.done $0x0  }
0x39: {  	s25 =	rddreg [dreg:$0x5];
	[sflag:s10] =	ssyncadd.s32 $0xFFFFF380  }
0x3a: {  	[spmem:s25] =	stream.linear.scatter [tilespmem:s9], [sflag:$0x3], $0xC80, $0x38;
	[tilespmem:$0x1F080] =	vst v63  }
0x3b: {  	_ =	swait.ge [sflag:s10], $0xC80  }
0x3c: {  	[sflag:s10] =	ssyncset.done $0x0  }
0x3d: {  	s22 =	rddreg [dreg:$0x6];
	[sflag:s10] =	ssyncadd.s32 $0xFFFFF380  }
0x3e: {  	[spmem:s22] =	stream.linear.scatter [tilespmem:s9], [sflag:$0x3], $0xC80, $0x38;
	[tilespmem:$0x1F080] =	vst v63  }
0x3f: {  	_ =	swait.ge [sflag:s10], $0xC80  }
0x40: {  	[sflag:s10] =	ssyncset.done $0x0  }
0x41: {  	s23 =	rddreg [dreg:$0x7];
	[sflag:s10] =	ssyncadd.s32 $0xFFFFF380  }
0x42: {  	[spmem:s23] =	stream.linear.scatter [tilespmem:s9], [sflag:$0x3], $0xC80, $0x38;
	[tilespmem:$0x1F080] =	vst v63  }
0x43: {  	_ =	swait.ge [sflag:s10], $0xC80  }
0x44: {  	[sflag:s10] =	ssyncset.done $0x0  }
0x45: {  	s24 =	rddreg [dreg:$0x8];
	[sflag:s10] =	ssyncadd.s32 $0xFFFFF380  }
0x46: {  	[spmem:s24] =	stream.linear.scatter [tilespmem:s9], [sflag:$0x3], $0xC80, $0x38;
	[tilespmem:$0x1F080] =	vst v63  }
0x47: {  	_ =	swait.ge [sflag:s10], $0xC80  }
0x48: {  	[sflag:s10] =	ssyncset.done $0x0  }
0x49: {  	s25 =	rddreg [dreg:$0x9];
	[sflag:s10] =	ssyncadd.s32 $0xFFFFF380  }
0x4a: {  	[spmem:s25] =	stream.linear.scatter [tilespmem:s9], [sflag:$0x3], $0xC80, $0x38;
	[tilespmem:$0x1F080] =	vst v63  }
0x4b: {  	_ =	swait.ge [sflag:s10], $0xC80  }
0x4c: {  	[sflag:s10] =	ssyncset.done $0x0  }
0x4d: {  	s22 =	rddreg [dreg:$0xa];
	[sflag:s10] =	ssyncadd.s32 $0xFFFFF380  }
0x4e: {  	[spmem:s22] =	stream.linear.scatter [tilespmem:s9], [sflag:$0x3], $0xC80, $0x38;
	[tilespmem:$0x1F080] =	vst v63  }
0x4f: {  	_ =	swait.ge [sflag:s10], $0xC80  }
0x50: {  	[sflag:s10] =	ssyncset.done $0x0  }
0x51: {  	s23 =	rddreg [dreg:$0xb];
	[sflag:s10] =	ssyncadd.s32 $0xFFFFF380  }
0x52: {  	[spmem:s23] =	stream.linear.scatter [tilespmem:s9], [sflag:$0x3], $0xC80, $0x38;
	[tilespmem:$0x1F080] =	vst v63  }
0x53: {  	_ =	swait.ge [sflag:s10], $0xC80  }
0x54: {  	[sflag:s10] =	ssyncset.done $0x0  }
0x55: {  	s24 =	rddreg [dreg:$0xc];
	[sflag:s10] =	ssyncadd.s32 $0xFFFFF380  }
0x56: {  	[spmem:s24] =	stream.linear.scatter [tilespmem:s9], [sflag:$0x3], $0xC80, $0x38;
	[tilespmem:$0x1F080] =	vst v63  }
0x57: {  	_ =	swait.ge [sflag:s10], $0xC80  }
0x58: {  	[sflag:s10] =	ssyncset.done $0x0  }
0x59: {  	s25 =	rddreg [dreg:$0xd];
	[sflag:s10] =	ssyncadd.s32 $0xFFFFF380  }
0x5a: {  	[spmem:s25] =	stream.linear.scatter [tilespmem:s9], [sflag:$0x3], $0xC80, $0x38;
	[tilespmem:$0x1F080] =	vst v63  }
0x5b: {  	_ =	swait.ge [sflag:s10], $0xC80  }
0x5c: {  	[sflag:s10] =	ssyncset.done $0x0  }
0x5d: {  	s22 =	rddreg [dreg:$0xe];
	[sflag:s10] =	ssyncadd.s32 $0xFFFFF380  }
0x5e: {  	[spmem:s22] =	stream.linear.scatter [tilespmem:s9], [sflag:$0x3], $0xC80, $0x38;
	[tilespmem:$0x1F080] =	vst v63  }
0x5f: {  	_ =	swait.ge [sflag:s10], $0xC80  }
0x60: {  	[sflag:s10] =	ssyncset.done $0x0  }
0x61: {  	s23 =	rddreg [dreg:$0x13];
	[sflag:s10] =	ssyncadd.s32 $0xFFFFF380  }
0x62: {  	[spmem:s23] =	stream.linear.scatter [tilespmem:s9], [sflag:$0x3], $0xC80, $0x38;
	[tilespmem:$0x1F080] =	vst v63  }
0x63: {  	_ =	swait.ge [sflag:s10], $0xC80  }
0x64: {  	[sflag:s10] =	ssyncset.done $0x0  }
0x65: {  	[sflag:s10] =	ssyncadd.s32 $0xFFFFF380  }
0x66: {  	[spmem:s26] =	stream.linear.scatter [tilespmem:s9], [sflag:$0x3], $0xC80, $0x38;
	[tilespmem:$0x1F080] =	vst v63  }
0x67: {  	_ =	swait.ge [sflag:s10], $0xC80  }
0x68: {  	[sflag:s10] =	ssyncset.done $0x0  }
0x69: {  	[sflag:s10] =	ssyncadd.s32 $0xFFFFF380  }
0x6a: {  	[spmem:s28] =	stream.linear.scatter [tilespmem:s9], [sflag:$0x3], $0xC80, $0x38;
	[tilespmem:$0x1F080] =	vst v63  }
0x6b: {  	_ =	swait.ge [sflag:s10], $0xC80  }
0x6c: {  	[sflag:s10] =	ssyncset.done $0x0  }
0x6d: {  	[sflag:s10] =	ssyncadd.s32 $0xFFFFF380  }
0x6e: {  	[spmem:s29] =	stream.linear.scatter [tilespmem:s9], [sflag:$0x3], $0xC80, $0x38;
	[tilespmem:$0x1F080] =	vst v63  }
0x6f: {  	_ =	swait.ge [sflag:s10], $0xC80  }
0x70: {  	[sflag:s10] =	ssyncset.done $0x0  }
0x71: {  	[sflag:s10] =	ssyncadd.s32 $0xFFFFF380  }
0x72: {  	[spmem:s30] =	stream.linear.scatter [tilespmem:s9], [sflag:$0x3], $0xC80, $0x38;
	[tilespmem:$0x1F080] =	vst v63  }
0x73: {  	_ =	swait.ge [sflag:s10], $0xC80  }
0x74: {  	[sflag:s10] =	ssyncset.done $0x0  }
0x75: {  	[sflag:s10] =	ssyncadd.s32 $0xFFFFF380  }
0x76: {  	[spmem:s31] =	stream.linear.scatter [tilespmem:s9], [sflag:$0x3], $0xC80, $0x38;
	[tilespmem:$0x1F080] =	vst v63  }
0x77: {  	_ =	swait.ge [sflag:s10], $0xC80  }
0x78: {  	[sflag:s10] =	ssyncset.done $0x0  }
0x79: {  	[sflag:s10] =	ssyncadd.s32 $0xFFFFF380  }
0x7a: {  	[spmem:s0] =	stream.linear.scatter [tilespmem:s9], [sflag:$0x3], $0xC80, $0x38;
	[tilespmem:$0x1F080] =	vst v63  }
0x7b: {  	_ =	swait.ge [sflag:s10], $0xC80  }
0x7c: {  	[sflag:s10] =	ssyncset.done $0x0  }
0x7d: {  	[sflag:s10] =	ssyncadd.s32 $0xFFFFF380  }
0x7e: {  	[spmem:s1] =	stream.linear.scatter [tilespmem:s9], [sflag:$0x3], $0xC80, $0x38;
	[tilespmem:$0x1F080] =	vst v63  }
0x7f: {  	_ =	swait.ge [sflag:s10], $0xC80  }
0x80: {  	[sflag:s10] =	ssyncset.done $0x0  }
0x81: {  	[sflag:s10] =	ssyncadd.s32 $0xFFFFF380  }
0x82: {  	[spmem:s3] =	stream.linear.scatter [tilespmem:s9], [sflag:$0x3], $0xC80, $0x38;
	[tilespmem:$0x1F080] =	vst v63  }
0x83: {  	_ =	swait.ge [sflag:s10], $0xC80  }
0x84: {  	[sflag:s10] =	ssyncset.done $0x0  }
0x85: {  	[sflag:s10] =	ssyncadd.s32 $0xFFFFF380  }
0x86: {  	[spmem:s6] =	stream.linear.scatter [tilespmem:s9], [sflag:$0x3], $0xC80, $0x38;
	[tilespmem:$0x1F080] =	vst v63  }
0x87: {  	_ =	swait.ge [sflag:s10], $0xC80  }
0x88: {  	[sflag:s10] =	ssyncset.done $0x0  }
0x89: {  	[sflag:s10] =	ssyncadd.s32 $0xFFFFF380  }
0x8a: {  	[spmem:s7] =	stream.linear.scatter [tilespmem:s9], [sflag:$0x3], $0xC80, $0x38;
	[tilespmem:$0x1F080] =	vst v63  }
0x8b: {  	_ =	swait.ge [sflag:s10], $0xC80  }
0x8c: {  	[sflag:s10] =	ssyncset.done $0x0  }
0x8d: {  	[sflag:s10] =	ssyncadd.s32 $0xFFFFF380  }
0x8e: {  	[spmem:s8] =	stream.linear.scatter [tilespmem:s9], [sflag:$0x3], $0xC80, $0x38;
	[tilespmem:$0x1F080] =	vst v63  }
0x8f: {  	_ =	swait.ge [sflag:s10], $0xC80  }
0x90: {  	[sflag:s10] =	ssyncset.done $0x0  }
0x91: {  	[sflag:s10] =	ssyncadd.s32 $0xFFFFF380  }
0x92: {  	[bflag:$0x0] =	sbarrier.arrive $0xFFFF  }
0x93: {  	s24 =	simm.s32 $0x0;
	s22 =	rddreg [dreg:$0xf]  }
0x94: {  	[tilespmem:s24], [sflag:$0x3] =	stream.linear.gather [hbm4b:s22+s24], $0x1400, $0x38;
	[tilespmem:$0x1F080] =	vst v63  }
0x95: {  	_ =	swait.ge [sflag:s10], $0x1400  }
0x96: {  	[sflag:s10] =	ssyncset.done $0x0  }
0x97: {  	s25 =	rddreg [dreg:$0x10];
	[sflag:s10] =	ssyncadd.s32 $0xFFFFEC00  }
0x98: {  	[tilespmem:s11], [sflag:$0x3] =	stream.linear.gather [hbm4b:s25+s24], $0x1400, $0x38;
	[tilespmem:$0x1F080] =	vst v63  }
0x99: {  	_ =	swait.ge [sflag:s10], $0x1400  }
0x9a: {  	[sflag:s10] =	ssyncset.done $0x0  }
0x9b: {  	[sflag:s10] =	ssyncadd.s32 $0xFFFFEC00  }
0x9c: {  	[tilespmem:s13], [sflag:$0x1] =	stream.indirect.gather [hbm4b:s4+s12], $0x80, s24, s12, $0xb8;
	[tilespmem:$0x1F080] =	vst v63  }
0x9d: {  	s22 =	simm.s32 $0x80  }
0x9e: {  	[tilespmem:s14], [sflag:$0x2] =	stream.indirect.gather [hbm4b:s4+s12], $0x80, s22, s12, $0xb8;
	[tilespmem:$0x1F080] =	vst v63  }
0x9f: {  	_ =	swait.ge [sflag:s15], $0x3E80  }
0xa0: {  	[sflag:s15] =	ssyncset.done $0x0  }
0xa1: {  	s23 =	simm.s32 $0x1400;
	[sflag:s15] =	ssyncadd.s32 $0xFFFFC180  }
0xa2: {  	[spmem:s2] =	stream.indirect.scatter.add.f32 [tilespmem:s13], [sflag:$0x3], $0x80, s23, s12, $0xb8;
	[tilespmem:$0x1F080] =	vst v63  }
0xa3: {  	_ =	swait.ge [sflag:s10], $0x3E80  }
0xa4: {  	[sflag:s10] =	ssyncset.done $0x0  }
0xa5: {  	s24 =	simm.s32 $0x100;
	[sflag:s10] =	ssyncadd.s32 $0xFFFFC180  }
0xa6: {  	[tilespmem:s13], [sflag:$0x1] =	stream.indirect.gather [hbm4b:s4+s12], $0x80, s24, s12, $0xb8;
	[tilespmem:$0x1F080] =	vst v63  }
0xa7: {  	_ =	swait.ge [sflag:s16], $0x3E80  }
0xa8: {  	[sflag:s16] =	ssyncset.done $0x0  }
0xa9: {  	s25 =	simm.s32 $0x1480;
	[sflag:s16] =	ssyncadd.s32 $0xFFFFC180  }
0xaa: {  	[spmem:s2] =	stream.indirect.scatter.add.f32 [tilespmem:s14], [sflag:$0x3], $0x80, s25, s12, $0xb8;
	[tilespmem:$0x1F080] =	vst v63  }
0xab: {  	_ =	swait.ge [sflag:s10], $0x3E80  }
0xac: {  	s21 =	simm.s32 $0x100;
	s22 =	simm.s32 $0x800;
	[sflag:s10] =	ssyncset.done $0x0  }
.LBB2_4:
0xad: {  	s23 =	sadd.s32 $0x80, s21  }
0xae: {  	[sflag:s10] =	ssyncadd.s32 $0xFFFFC180;
	s24 =	smov.u32 s22;
	s25 =	sadd.s32 $0x400, s22  }
0xaf: {  	[tilespmem:s14], [sflag:$0x2] =	stream.indirect.gather [hbm4b:s4+s12], $0x80, s23, s12, $0xb8;
	[tilespmem:$0x1F080] =	vst v63  }
0xb0: {  	p1 =	sne.s32 s22, $0x4800;
	_ =	swait.ge [sflag:s15], $0x3E80  }
0xb1: {  	[sflag:s15] =	ssyncset.done $0x0  }
0xb2: {  	s22 =	sadd.s32 $0x1400, s21;
	[sflag:s15] =	ssyncadd.s32 $0xFFFFC180  }
0xb3: {  	[spmem:s2] =	stream.indirect.scatter.add.f32 [tilespmem:s13], [sflag:$0x3], $0x80, s22, s12, $0xb8;
	[tilespmem:$0x1F080] =	vst v63  }
0xb4: {  	_ =	swait.ge [sflag:s10], $0x3E80  }
0xb5: {  	[sflag:s10] =	ssyncset.done $0x0  }
0xb6: {  	s22 =	sadd.s32 $0x100, s21;
	[sflag:s10] =	ssyncadd.s32 $0xFFFFC180  }
0xb7: {  	[tilespmem:s13], [sflag:$0x1] =	stream.indirect.gather [hbm4b:s4+s12], $0x80, s22, s12, $0xb8;
	[tilespmem:$0x1F080] =	vst v63  }
0xb8: {  	_ =	swait.ge [sflag:s16], $0x3E80  }
.Ltmp1:
0xb9: {  	[sflag:s16] =	ssyncset.done $0x0;
	(pc) =	sbr.rel @p1 .LBB2_4-.Ltmp1, $4  }
0xba: {  	s21 =	sadd.s32 $0x1480, s21;
	[sflag:s16] =	ssyncadd.s32 $0xFFFFC180  }
0xbb: {  	[spmem:s2] =	stream.indirect.scatter.add.f32 [tilespmem:s14], [sflag:$0x3], $0x80, s21, s12, $0xb8;
	[tilespmem:$0x1F080] =	vst v63  }
0xbc: {  	_ =	swait.ge [sflag:s10], $0x3E80  }
0xbd: {  	s22 =	smov.u32 s25;
	s21 =	sshra.s32 s24, $0x2;
	[sflag:s10] =	ssyncset.done $0x0  }
0xbe: {  	s22 =	sadd.s32 $0x80, s21;
	[sflag:s10] =	ssyncadd.s32 $0xFFFFC180  }
0xbf: {  	[tilespmem:s14], [sflag:$0x2] =	stream.indirect.gather [hbm4b:s4+s12], $0x80, s22, s12, $0xb8;
	[tilespmem:$0x1F080] =	vst v63  }
0xc0: {  	_ =	swait.ge [sflag:s15], $0x3E80  }
0xc1: {  	[sflag:s15] =	ssyncset.done $0x0  }
0xc2: {  	s24 =	sadd.s32 $0x1400, s21;
	[sflag:s15] =	ssyncadd.s32 $0xFFFFC180  }
0xc3: {  	[spmem:s2] =	stream.indirect.scatter.add.f32 [tilespmem:s13], [sflag:$0x3], $0x80, s24, s12, $0xb8;
	[tilespmem:$0x1F080] =	vst v63  }
0xc4: {  	_ =	swait.ge [sflag:s10], $0x3E80  }
0xc5: {  	[sflag:s10] =	ssyncset.done $0x0  }
0xc6: {  	s25 =	sadd.s32 $0x100, s21;
	[sflag:s10] =	ssyncadd.s32 $0xFFFFC180  }
0xc7: {  	[tilespmem:s13], [sflag:$0x1] =	stream.indirect.gather [hbm4b:s4+s12], $0x80, s25, s12, $0xb8;
	[tilespmem:$0x1F080] =	vst v63  }
0xc8: {  	_ =	swait.ge [sflag:s16], $0x3E80  }
0xc9: {  	[sflag:s16] =	ssyncset.done $0x0  }
0xca: {  	s22 =	sadd.s32 $0x1480, s21;
	[sflag:s16] =	ssyncadd.s32 $0xFFFFC180  }
0xcb: {  	[spmem:s2] =	stream.indirect.scatter.add.f32 [tilespmem:s14], [sflag:$0x3], $0x80, s22, s12, $0xb8;
	[tilespmem:$0x1F080] =	vst v63  }
0xcc: {  	_ =	swait.ge [sflag:s10], $0x3E80  }
0xcd: {  	[sflag:s10] =	ssyncset.done $0x0  }
0xce: {  	[sflag:s10] =	ssyncadd.s32 $0xFFFFC180  }
0xcf: {  	[tilespmem:s14], [sflag:$0x2] =	stream.indirect.gather [hbm4b:s4+s12], $0x80, s17, s12, $0xb8;
	[tilespmem:$0x1F080] =	vst v63  }
0xd0: {  	_ =	swait.ge [sflag:s15], $0x3E80  }
0xd1: {  	[sflag:s15] =	ssyncset.done $0x0  }
0xd2: {  	[sflag:s15] =	ssyncadd.s32 $0xFFFFC180  }
0xd3: {  	[spmem:s2] =	stream.indirect.scatter.add.f32 [tilespmem:s13], [sflag:$0x3], $0x80, s18, s12, $0xb8;
	[tilespmem:$0x1F080] =	vst v63  }
0xd4: {  	_ =	swait.ge [sflag:s10], $0x3E80  }
0xd5: {  	[sflag:s10] =	ssyncset.done $0x0  }
0xd6: {  	[sflag:s10] =	ssyncadd.s32 $0xFFFFC180  }
0xd7: {  	_ =	swait.ge [sflag:s16], $0x3E80  }
0xd8: {  	[sflag:s16] =	ssyncset.done $0x0  }
0xd9: {  	[sflag:s16] =	ssyncadd.s32 $0xFFFFC180  }
0xda: {  	[spmem:s2] =	stream.indirect.scatter.add.f32 [tilespmem:s14], [sflag:$0x3], $0x80, s19, s12, $0xb8;
	[tilespmem:$0x1F080] =	vst v63  }
0xdb: {  	_ =	swait.ge [sflag:s10], $0x3E80  }
0xdc: {  	[sflag:s10] =	ssyncset.done $0x0  }
0xdd: {  	s23 =	simm.s32 $0x0;
	s24 =	rddreg [dreg:$0x11];
	[sflag:s10] =	ssyncadd.s32 $0xFFFFC180  }
0xde: {  	[tilespmem:s23], [sflag:$0x3] =	stream.linear.gather [hbm4b:s24+s23], $0x1400, $0x38;
	[tilespmem:$0x1F080] =	vst v63  }
0xdf: {  	_ =	swait.ge [sflag:s10], $0x1400  }
0xe0: {  	[sflag:s10] =	ssyncset.done $0x0  }
0xe1: {  	s25 =	rddreg [dreg:$0x12];
	[sflag:s10] =	ssyncadd.s32 $0xFFFFEC00  }
0xe2: {  	[tilespmem:s11], [sflag:$0x3] =	stream.linear.gather [hbm4b:s25+s23], $0x1400, $0x38;
	[tilespmem:$0x1F080] =	vst v63  }
0xe3: {  	_ =	swait.ge [sflag:s10], $0x1400  }
0xe4: {  	[sflag:s10] =	ssyncset.done $0x0  }
0xe5: {  	[sflag:s10] =	ssyncadd.s32 $0xFFFFEC00  }
0xe6: {  	[tilespmem:s13], [sflag:$0x1] =	stream.indirect.gather [hbm4b:s4+s12], $0x80, s23, s12, $0xb8;
	[tilespmem:$0x1F080] =	vst v63  }
0xe7: {  	s22 =	simm.s32 $0x80  }
0xe8: {  	[tilespmem:s14], [sflag:$0x2] =	stream.indirect.gather [hbm4b:s4+s12], $0x80, s22, s12, $0xb8;
	[tilespmem:$0x1F080] =	vst v63  }
0xe9: {  	_ =	swait.ge [sflag:s15], $0x3E80  }
0xea: {  	[sflag:s15] =	ssyncset.done $0x0  }
0xeb: {  	s23 =	simm.s32 $0x1400;
	[sflag:s15] =	ssyncadd.s32 $0xFFFFC180  }
0xec: {  	[spmem:s2] =	stream.indirect.scatter.add.f32 [tilespmem:s13], [sflag:$0x3], $0x80, s23, s12, $0xb8;
	[tilespmem:$0x1F080] =	vst v63  }
0xed: {  	_ =	swait.ge [sflag:s10], $0x3E80  }
0xee: {  	[sflag:s10] =	ssyncset.done $0x0  }
0xef: {  	s24 =	simm.s32 $0x100;
	[sflag:s10] =	ssyncadd.s32 $0xFFFFC180  }
0xf0: {  	[tilespmem:s13], [sflag:$0x1] =	stream.indirect.gather [hbm4b:s4+s12], $0x80, s24, s12, $0xb8;
	[tilespmem:$0x1F080] =	vst v63  }
0xf1: {  	_ =	swait.ge [sflag:s16], $0x3E80  }
0xf2: {  	[sflag:s16] =	ssyncset.done $0x0  }
0xf3: {  	s25 =	simm.s32 $0x1480;
	[sflag:s16] =	ssyncadd.s32 $0xFFFFC180  }
0xf4: {  	[spmem:s2] =	stream.indirect.scatter.add.f32 [tilespmem:s14], [sflag:$0x3], $0x80, s25, s12, $0xb8;
	[tilespmem:$0x1F080] =	vst v63  }
0xf5: {  	_ =	swait.ge [sflag:s10], $0x3E80  }
0xf6: {  	s21 =	simm.s32 $0x100;
	s22 =	simm.s32 $0x800;
	[sflag:s10] =	ssyncset.done $0x0  }
.LBB2_6:
0xf7: {  	s23 =	sadd.s32 $0x80, s21  }
0xf8: {  	[sflag:s10] =	ssyncadd.s32 $0xFFFFC180;
	s24 =	smov.u32 s22;
	s25 =	sadd.s32 $0x400, s22  }
0xf9: {  	[tilespmem:s14], [sflag:$0x2] =	stream.indirect.gather [hbm4b:s4+s12], $0x80, s23, s12, $0xb8;
	[tilespmem:$0x1F080] =	vst v63  }
0xfa: {  	p1 =	sne.s32 s22, $0x4800;
	_ =	swait.ge [sflag:s15], $0x3E80  }
0xfb: {  	[sflag:s15] =	ssyncset.done $0x0  }
0xfc: {  	s22 =	sadd.s32 $0x1400, s21;
	[sflag:s15] =	ssyncadd.s32 $0xFFFFC180  }
0xfd: {  	[spmem:s2] =	stream.indirect.scatter.add.f32 [tilespmem:s13], [sflag:$0x3], $0x80, s22, s12, $0xb8;
	[tilespmem:$0x1F080] =	vst v63  }
0xfe: {  	_ =	swait.ge [sflag:s10], $0x3E80  }
0xff: {  	[sflag:s10] =	ssyncset.done $0x0  }
0x100: {  	s22 =	sadd.s32 $0x100, s21;
	[sflag:s10] =	ssyncadd.s32 $0xFFFFC180  }
0x101: {  	[tilespmem:s13], [sflag:$0x1] =	stream.indirect.gather [hbm4b:s4+s12], $0x80, s22, s12, $0xb8;
	[tilespmem:$0x1F080] =	vst v63  }
0x102: {  	_ =	swait.ge [sflag:s16], $0x3E80  }
.Ltmp2:
0x103: {  	[sflag:s16] =	ssyncset.done $0x0;
	(pc) =	sbr.rel @p1 .LBB2_6-.Ltmp2, $4  }
0x104: {  	s21 =	sadd.s32 $0x1480, s21;
	[sflag:s16] =	ssyncadd.s32 $0xFFFFC180  }
0x105: {  	[spmem:s2] =	stream.indirect.scatter.add.f32 [tilespmem:s14], [sflag:$0x3], $0x80, s21, s12, $0xb8;
	[tilespmem:$0x1F080] =	vst v63  }
0x106: {  	_ =	swait.ge [sflag:s10], $0x3E80  }
0x107: {  	s22 =	smov.u32 s25;
	s21 =	sshra.s32 s24, $0x2;
	[sflag:s10] =	ssyncset.done $0x0  }
0x108: {  	s22 =	sadd.s32 $0x80, s21;
	[sflag:s10] =	ssyncadd.s32 $0xFFFFC180  }
0x109: {  	[tilespmem:s14], [sflag:$0x2] =	stream.indirect.gather [hbm4b:s4+s12], $0x80, s22, s12, $0xb8;
	[tilespmem:$0x1F080] =	vst v63  }
0x10a: {  	_ =	swait.ge [sflag:s15], $0x3E80  }
0x10b: {  	[sflag:s15] =	ssyncset.done $0x0  }
0x10c: {  	s25 =	sadd.s32 $0x1400, s21;
	[sflag:s15] =	ssyncadd.s32 $0xFFFFC180  }
0x10d: {  	[spmem:s2] =	stream.indirect.scatter.add.f32 [tilespmem:s13], [sflag:$0x3], $0x80, s25, s12, $0xb8;
	[tilespmem:$0x1F080] =	vst v63  }
0x10e: {  	_ =	swait.ge [sflag:s10], $0x3E80  }
0x10f: {  	[sflag:s10] =	ssyncset.done $0x0  }
0x110: {  	s23 =	sadd.s32 $0x100, s21;
	[sflag:s10] =	ssyncadd.s32 $0xFFFFC180  }
0x111: {  	[tilespmem:s13], [sflag:$0x1] =	stream.indirect.gather [hbm4b:s4+s12], $0x80, s23, s12, $0xb8;
	[tilespmem:$0x1F080] =	vst v63  }
0x112: {  	_ =	swait.ge [sflag:s16], $0x3E80  }
0x113: {  	[sflag:s16] =	ssyncset.done $0x0  }
0x114: {  	s24 =	sadd.s32 $0x1480, s21;
	[sflag:s16] =	ssyncadd.s32 $0xFFFFC180  }
0x115: {  	[spmem:s2] =	stream.indirect.scatter.add.f32 [tilespmem:s14], [sflag:$0x3], $0x80, s24, s12, $0xb8;
	[tilespmem:$0x1F080] =	vst v63  }
0x116: {  	_ =	swait.ge [sflag:s10], $0x3E80  }
0x117: {  	[sflag:s10] =	ssyncset.done $0x0  }
0x118: {  	[sflag:s10] =	ssyncadd.s32 $0xFFFFC180  }
0x119: {  	[tilespmem:s14], [sflag:$0x2] =	stream.indirect.gather [hbm4b:s4+s12], $0x80, s17, s12, $0xb8;
	[tilespmem:$0x1F080] =	vst v63  }
0x11a: {  	_ =	swait.ge [sflag:s15], $0x3E80  }
0x11b: {  	[sflag:s15] =	ssyncset.done $0x0  }
0x11c: {  	[sflag:s15] =	ssyncadd.s32 $0xFFFFC180  }
0x11d: {  	[spmem:s2] =	stream.indirect.scatter.add.f32 [tilespmem:s13], [sflag:$0x3], $0x80, s18, s12, $0xb8;
	[tilespmem:$0x1F080] =	vst v63  }
0x11e: {  	_ =	swait.ge [sflag:s10], $0x3E80  }
0x11f: {  	[sflag:s10] =	ssyncset.done $0x0  }
0x120: {  	[sflag:s10] =	ssyncadd.s32 $0xFFFFC180  }
0x121: {  	_ =	swait.ge [sflag:s16], $0x3E80  }
0x122: {  	[sflag:s16] =	ssyncset.done $0x0  }
0x123: {  	[sflag:s16] =	ssyncadd.s32 $0xFFFFC180  }
0x124: {  	[spmem:s2] =	stream.indirect.scatter.add.f32 [tilespmem:s14], [sflag:$0x3], $0x80, s19, s12, $0xb8;
	[tilespmem:$0x1F080] =	vst v63  }
0x125: {  	_ =	swait.ge [sflag:s10], $0x3E80  }
0x126: {  	[sflag:s10] =	ssyncset.done $0x0  }
0x127: {  	[sflag:s10] =	ssyncadd.s32 $0xFFFFC180  }
0x128: {  	s21 =	stileid.u32;
	[bflag:$0x0] =	sbarrier.arrive $0xFFFF  }
0x129: {  	s21 =	sshll.u32 @!p0 s21, $0x6;
	s22 =	rddreg [dreg:$0x14]  }
0x12a: {  	s21 =	sor.u32 @!p0 $0x1C03, s21;
	s23 =	rddreg [dreg:$0x16]  }
0x12b: {  	[hbm:s22], [sflag:s21] =	dma.local @!p0 [spmem:s23], $0x3E80  }
0x12c: {  	s21 =	simm.s32 @!p0 $0x3  }
0x12d: {  	_ =	swait.ge @!p0 [sflag:s21], $0x3E80  }
0x12e: {  	s20 =	sadd.s32 $0x1, s20;
	s25 =	rddreg [dreg:$0x15]  }
0x12f: {  	p1 =	sne.s32 s20, s25  }
.Ltmp3:
0x130: {  	_ = 	snop;
	(pc) =	sbr.rel @p1 .LBB2_1-.Ltmp3, $3  }
0x131: {  	_ =	sdelay $0x1  }
0x132: {  	[sflag:s21] =	ssyncset.done @!p0 $0x0  }
0x133: {  	[sflag:s21] =	ssyncadd.s32 @!p0 $0xFFFFC180  }
0x134: {  	_ =	sfence.sel $0x180000  }
0x135: {  	[bflag:$0x0] =	sbarrier.arrive $0xFFFF  }
0x136: {  	_ =	strace $0x90000047  }
0x137: {  	s0 =	stileid.u32;
	[bflag:$0x2] =	sbarrier.arrive $0xFFFF  }
0x138: {  	p0 =	sne.s32 s0, $0x0;
	s0 =	rddreg [dreg:$0x2]  }
0x139: {  	s0 =	sadd.s32 @!p0 $0x100000, s0  }
0x13a: {  	[sflag:s0] =	ssyncadd.tile.s32 @!p0 $0x1;
	_ =	shalt  }
.Lfunc_end2:
_tile_overlayer_lowered:
.L_overlay_start_2:
0x13b: {  	(tag) =	ssettag $0x2  }
0x13c: {  	s0 =	rddreg [dreg:$0x0];
	s2 =	stileid.u32  }
0x13d: {  	s1 =	rddreg [dreg:$0x1];
	p0 =	sne.s32 s2, $0x0  }
0x13e: {  	s3 =	rddreg [dreg:$0x2];
	[bflag:$0x3] =	sbarrier.arrive $0xFFFF;
	s2 =	simm.s32 @!p0 $0x1C03  }
0x13f: {  	[timem:s3], [sflag:s2] =	dma.local @!p0 [hbm:s0], s1  }
0x140: {  	s0 =	simm.s32 @!p0 $0x3  }
0x141: {  	_ =	swait.ge @!p0 [sflag:s0], s1  }
0x142: {  	s1 =	ssub.s32 @!p0 $0x0, s1;
	[sflag:s0] =	ssyncset.done @!p0 $0x0  }
0x143: {  	[sflag:s0] =	ssyncadd.s32 @!p0 s1  }
0x144: {  	[bflag:$0x3] =	sbarrier.arrive $0xFFFF  }
0x145: {  	_ =	shalt  }

</sc_bundles>
